<compile_context>
chip_gen: v7x
topology: tpu7x:2x2x1
jax: 0.10.2.dev20260603
libtpu: 0.0.44.dev20260713+nightly
codegen_flags: <defaults>
</compile_context>

<pallas_src>
import jax
import jax.numpy as jnp
from jax import lax
from jax.experimental import pallas as pl
from jax.experimental.pallas import tpu as pltpu
from jax.experimental.pallas import tpu_sc as plsc

N_NODES = 100000
N_EDGES = 3200000
OUT_DIM = 16
CUTOFF = 5.0

NC = 2
NS = 16
NW = NC * NS
TILES = N_EDGES // 128
TPW = TILES // NW
EXTRA = TILES % NW
CHUNK = 1280
CT = CHUNK // 128
NMAIN = TPW // CT
TAILC = 128
GSUB = 128
NG = CHUNK // GSUB

WIDTH = CUTOFF / (OUT_DIM - 1)
NEG_S = -1.0 / (2.0 * WIDTH * WIDTH)
CENTERS = [k * WIDTH for k in range(OUT_DIM)]


def _rsqrt_nr(d2):
    d2c = jnp.maximum(d2, 1e-30)
    i = plsc.bitcast(d2c, jnp.int32)
    i = 0x5F3759DF - lax.shift_right_logical(i, 1)
    y = plsc.bitcast(i, jnp.float32)
    nh = d2c * -0.5
    for _ in range(3):
        y = y * (1.5 + nh * y * y)
    return y


def _sc_body(px_hbm, py_hbm, pz_hbm, src_hbm, dst_hbm, out_hbm,
             sidx0, sidx1, didx0, didx1,
             sx0, sx1, sy0, sy1, sz0, sz1, tx0, tx1, ty0, ty1, tz0, tz1,
             outv0, outv1, px_sh, py_sh, pz_sh,
             gsem0, gsem1, osem0, osem1):
    sidx = (sidx0, sidx1)
    didx = (didx0, didx1)
    sx = (sx0, sx1)
    sy = (sy0, sy1)
    sz = (sz0, sz1)
    tx = (tx0, tx1)
    ty = (ty0, ty1)
    tz = (tz0, tz1)
    outv = (outv0, outv1)
    gsem = (gsem0, gsem1)
    osem = (osem0, osem1)

    wid = lax.axis_index("s") * NC + lax.axis_index("c")
    sid = lax.axis_index("s")
    tb = wid * TPW + jnp.minimum(wid, EXTRA)
    ebase0 = tb * 128

    @pl.when(sid == 0)
    def _stage_pos():
        pltpu.sync_copy(px_hbm, px_sh)
        pltpu.sync_copy(py_hbm, py_sh)
        pltpu.sync_copy(pz_hbm, pz_sh)

    plsc.subcore_barrier()

    def stage_and_fire(b, base, n, ng):
        pltpu.sync_copy(src_hbm.at[pl.ds(base, n)], sidx[b].at[pl.ds(0, n)])
        pltpu.sync_copy(dst_hbm.at[pl.ds(base, n)], didx[b].at[pl.ds(0, n)])
        for j in range(ng):
            sl = pl.ds(j * GSUB, GSUB)
            pltpu.async_copy(px_sh.at[sidx[b].at[sl]], sx[b].at[sl], gsem[b])
            pltpu.async_copy(py_sh.at[sidx[b].at[sl]], sy[b].at[sl], gsem[b])
            pltpu.async_copy(pz_sh.at[sidx[b].at[sl]], sz[b].at[sl], gsem[b])
            pltpu.async_copy(px_sh.at[didx[b].at[sl]], tx[b].at[sl], gsem[b])
            pltpu.async_copy(py_sh.at[didx[b].at[sl]], ty[b].at[sl], gsem[b])
            pltpu.async_copy(pz_sh.at[didx[b].at[sl]], tz[b].at[sl], gsem[b])

    def drain_gathers(b, n):
        dsl = pl.ds(0, n)
        for buf in (sx, sy, sz, tx, ty, tz):
            pltpu.make_async_copy(px_hbm.at[pl.ds(0, n)],
                                  buf[b].at[dsl], gsem[b]).wait()

    def compute(b, ngrp):
        def grp_body(g, _):
            gsl = pl.ds(g * 16, 16)
            dx = sx[b][gsl] - tx[b][gsl]
            dy = sy[b][gsl] - ty[b][gsl]
            dz = sz[b][gsl] - tz[b][gsl]
            d2 = dx * dx + dy * dy + dz * dz
            norm = d2 * _rsqrt_nr(d2)
            for k in range(OUT_DIM):
                t = norm - CENTERS[k]
                outv[b][k, gsl] = jnp.exp(t * (t * NEG_S))
            return 0

        lax.fori_loop(0, ngrp, grp_body, 0)

    stage_and_fire(0, ebase0, CHUNK, NG)

    def main_body(i2, _):
        for b in (0, 1):
            i = i2 * 2 + b

            @pl.when(i < NMAIN - 1)
            def _fire_next():
                stage_and_fire(1 - b, ebase0 + (i + 1) * CHUNK, CHUNK, NG)

            drain_gathers(b, CHUNK)

            @pl.when(i >= 2)
            def _drain_store():
                pltpu.make_async_copy(out_hbm.at[:, pl.ds(0, CHUNK)],
                                      outv[b], osem[b]).wait()

            compute(b, CHUNK // 16)
            pltpu.async_copy(outv[b], out_hbm.at[:, pl.ds(ebase0 + i * CHUNK,
                                                          CHUNK)], osem[b])
        return 0

    lax.fori_loop(0, NMAIN // 2, main_body, 0)
    for b in (0, 1):
        pltpu.make_async_copy(out_hbm.at[:, pl.ds(0, CHUNK)],
                              outv[b], osem[b]).wait()

    ntail = (TPW - NMAIN * CT) + jnp.where(wid < EXTRA, 1, 0)
    tail0 = ebase0 + NMAIN * CHUNK

    def tail_body(t, _):
        base = tail0 + t * TAILC
        stage_and_fire(0, base, TAILC, 1)
        drain_gathers(0, TAILC)
        compute(0, TAILC // 16)
        pltpu.sync_copy(outv[0].at[:, pl.ds(0, TAILC)],
                        out_hbm.at[:, pl.ds(base, TAILC)])
        return 0

    lax.fori_loop(0, ntail, tail_body, 0)


@jax.jit
def _sc_rbf(px, py, pz, src, dst):
    mesh = plsc.VectorSubcoreMesh(core_axis_name="c", subcore_axis_name="s")
    idx_t = pltpu.VMEM((CHUNK,), jnp.int32)
    f_t = pltpu.VMEM((CHUNK,), jnp.float32)
    o_t = pltpu.VMEM((OUT_DIM, CHUNK), jnp.float32)
    return pl.kernel(
        _sc_body,
        out_type=jax.ShapeDtypeStruct((OUT_DIM, N_EDGES), jnp.float32),
        mesh=mesh,
        compiler_params=pltpu.CompilerParams(needs_layout_passes=False),
        scratch_types=[
            idx_t, idx_t, idx_t, idx_t,
            f_t, f_t, f_t, f_t, f_t, f_t, f_t, f_t, f_t, f_t, f_t, f_t,
            o_t, o_t,
            pltpu.VMEM_SHARED((N_NODES,), jnp.float32),
            pltpu.VMEM_SHARED((N_NODES,), jnp.float32),
            pltpu.VMEM_SHARED((N_NODES,), jnp.float32),
            pltpu.SemaphoreType.DMA, pltpu.SemaphoreType.DMA,
            pltpu.SemaphoreType.DMA, pltpu.SemaphoreType.DMA,
        ],
    )(px, py, pz, src, dst)


def kernel(pos, edge_index):
    out_t = _sc_rbf(pos[:, 0], pos[:, 1], pos[:, 2],
                    edge_index[0], edge_index[1])
    return out_t.T

# --- scband reference (transcript-rebuilt; emitter-appended) ---
"""Pipeline reference for scband-radial-embedding-1675037245794 (READ-ONLY COPY).

The authoritative reference and input builder live on the scoring server;
editing this copy changes nothing except your own understanding.
"""

import jax, jax.numpy as jnp
import numpy as np

N_NODES = 100000
N_EDGES = 3200000
OUT_DIM = 16
CUTOFF = 5.0


def setup_inputs(seed: int = 0) -> dict:
    key = jax.random.key(seed)
    k1, k2 = jax.random.split(key)
    pos = jax.random.normal(k1, (N_NODES, 3), dtype=jnp.float32)
    # int32 used in jax for portability (values < N_NODES); torch harness uses int64
    edge_index = jax.random.randint(k2, (2, N_EDGES), 0, N_NODES, dtype=jnp.int32)
    return {"pos": pos, "edge_index": edge_index}


def reference(pos, edge_index):
    # compute_edge_vec with lframes=None: edge_vec = pos_j - pos_i
    src = edge_index[0]
    dst = edge_index[1]
    pos_j = jnp.take(pos, src, axis=0)
    pos_i = jnp.take(pos, dst, axis=0)
    edge_vec = pos_j - pos_i
    norm = jnp.linalg.norm(edge_vec, axis=-1, keepdims=True)  # [E, 1]
    # Concrete compute_embedding: Gaussian radial basis over OUT_DIM centers
    centers = jnp.linspace(0.0, CUTOFF, OUT_DIM, dtype=jnp.float32)  # [OUT_DIM]
    width = CUTOFF / (OUT_DIM - 1)
    emb = jnp.exp(-((norm - centers) ** 2) / (2.0 * width * width))  # [E, OUT_DIM]
    return emb

if __name__ == "__main__":
    import jax
    _d = setup_inputs()
    print(jax.jit(kernel)(*tuple(_d.values())))

</pallas_src>

<mosaic_0001>
#map = affine_map<(d0, d1) -> (0)>
#map1 = affine_map<(d0, d1) -> (0, 0)>
module attributes {stable_mosaic.version = 14 : i64} {
  func.func @_sc_body(%arg0: i32, %arg1: i32, %arg2: memref<100000xf32, #tpu.memory_space<hbm>>, %arg3: memref<100000xf32, #tpu.memory_space<hbm>>, %arg4: memref<100000xf32, #tpu.memory_space<hbm>>, %arg5: memref<3200000xi32, #tpu.memory_space<hbm>>, %arg6: memref<3200000xi32, #tpu.memory_space<hbm>>, %arg7: memref<16x3200000xf32, #tpu.memory_space<hbm>>, %arg8: memref<1280xi32, #tpu.memory_space<vmem>>, %arg9: memref<1280xi32, #tpu.memory_space<vmem>>, %arg10: memref<1280xi32, #tpu.memory_space<vmem>>, %arg11: memref<1280xi32, #tpu.memory_space<vmem>>, %arg12: memref<1280xf32, #tpu.memory_space<vmem>>, %arg13: memref<1280xf32, #tpu.memory_space<vmem>>, %arg14: memref<1280xf32, #tpu.memory_space<vmem>>, %arg15: memref<1280xf32, #tpu.memory_space<vmem>>, %arg16: memref<1280xf32, #tpu.memory_space<vmem>>, %arg17: memref<1280xf32, #tpu.memory_space<vmem>>, %arg18: memref<1280xf32, #tpu.memory_space<vmem>>, %arg19: memref<1280xf32, #tpu.memory_space<vmem>>, %arg20: memref<1280xf32, #tpu.memory_space<vmem>>, %arg21: memref<1280xf32, #tpu.memory_space<vmem>>, %arg22: memref<1280xf32, #tpu.memory_space<vmem>>, %arg23: memref<1280xf32, #tpu.memory_space<vmem>>, %arg24: memref<16x1280xf32, #tpu.memory_space<vmem>>, %arg25: memref<16x1280xf32, #tpu.memory_space<vmem>>, %arg26: memref<100000xf32, #tpu.memory_space<vmem_shared>>, %arg27: memref<100000xf32, #tpu.memory_space<vmem_shared>>, %arg28: memref<100000xf32, #tpu.memory_space<vmem_shared>>, %arg29: memref<!tpu.dma_semaphore, #tpu.memory_space<semaphore_mem>>, %arg30: memref<!tpu.dma_semaphore, #tpu.memory_space<semaphore_mem>>, %arg31: memref<!tpu.dma_semaphore, #tpu.memory_space<semaphore_mem>>, %arg32: memref<!tpu.dma_semaphore, #tpu.memory_space<semaphore_mem>>) attributes {dimension_semantics = [#tpu.dimension_semantics<core_parallel>, #tpu.dimension_semantics<subcore_parallel>], iteration_bounds = array<i64: 2, 16>, scalar_prefetch = 0 : i64, scratch_operands = 25 : i64, tpu.core_type = #tpu.core_type<sc_vector_subcore>, window_params = [{transform_indices = #map}, {transform_indices = #map}, {transform_indices = #map}, {transform_indices = #map}, {transform_indices = #map}, {transform_indices = #map1}]} {
    %mul3A = arith.constant 2 : i32
    %mul3A_0 = arith.muli %arg1, %mul3A : i32
    %add3A = arith.addi %mul3A_0, %arg0 : i32
    %mul3A_1 = arith.constant 781 : i32
    %mul3A_2 = arith.muli %add3A, %mul3A_1 : i32
    %min3A = arith.constant 8 : i32
    %min3A_3 = arith.minsi %add3A, %min3A : i32
    %add3A_4 = arith.addi %mul3A_2, %min3A_3 : i32
    %mul3A_5 = arith.constant 128 : i32
    %mul3A_6 = arith.muli %add3A_4, %mul3A_5 : i32
    %eq3A = arith.constant 0 : i32
    %eq3A_7 = arith.cmpi eq, %arg1, %eq3A : i32
    %convert_element_type3A = arith.extui %eq3A_7 : i1 to i32
    %cond3A = arith.constant 0 : i32
    %cond3A_8 = arith.cmpi ne, %convert_element_type3A, %cond3A : i32
    scf.if %cond3A_8 {
      "tpu.region"() ({
        %run_scoped3A = tpu.sem_alloc : memref<!tpu.dma_semaphore, #tpu.memory_space<semaphore_mem>>
        tpu.enqueue_dma source(%arg2 : memref<100000xf32, #tpu.memory_space<hbm>>) target(%arg26 : memref<100000xf32, #tpu.memory_space<vmem_shared>>) target_semaphore(%run_scoped3A : memref<!tpu.dma_semaphore, #tpu.memory_space<semaphore_mem>>)
        tpu.wait_dma2 semaphore(%run_scoped3A : memref<!tpu.dma_semaphore, #tpu.memory_space<semaphore_mem>>) src(%arg2 : memref<100000xf32, #tpu.memory_space<hbm>>) dst(%arg26 : memref<100000xf32, #tpu.memory_space<vmem_shared>>)
        tpu.yield
      }) : () -> ()
      "tpu.region"() ({
        %run_scoped3A = tpu.sem_alloc : memref<!tpu.dma_semaphore, #tpu.memory_space<semaphore_mem>>
        tpu.enqueue_dma source(%arg3 : memref<100000xf32, #tpu.memory_space<hbm>>) target(%arg27 : memref<100000xf32, #tpu.memory_space<vmem_shared>>) target_semaphore(%run_scoped3A : memref<!tpu.dma_semaphore, #tpu.memory_space<semaphore_mem>>)
        tpu.wait_dma2 semaphore(%run_scoped3A : memref<!tpu.dma_semaphore, #tpu.memory_space<semaphore_mem>>) src(%arg3 : memref<100000xf32, #tpu.memory_space<hbm>>) dst(%arg27 : memref<100000xf32, #tpu.memory_space<vmem_shared>>)
        tpu.yield
      }) : () -> ()
      "tpu.region"() ({
        %run_scoped3A = tpu.sem_alloc : memref<!tpu.dma_semaphore, #tpu.memory_space<semaphore_mem>>
        tpu.enqueue_dma source(%arg4 : memref<100000xf32, #tpu.memory_space<hbm>>) target(%arg28 : memref<100000xf32, #tpu.memory_space<vmem_shared>>) target_semaphore(%run_scoped3A : memref<!tpu.dma_semaphore, #tpu.memory_space<semaphore_mem>>)
        tpu.wait_dma2 semaphore(%run_scoped3A : memref<!tpu.dma_semaphore, #tpu.memory_space<semaphore_mem>>) src(%arg4 : memref<100000xf32, #tpu.memory_space<hbm>>) dst(%arg28 : memref<100000xf32, #tpu.memory_space<vmem_shared>>)
        tpu.yield
      }) : () -> ()
    } else {
    }
    %barrier3A = arith.constant 0 : index
    tpu.barrier barrier_id(%barrier3A)
    "tpu.region"() ({
      %run_scoped3A = tpu.sem_alloc : memref<!tpu.dma_semaphore, #tpu.memory_space<semaphore_mem>>
      %dma_start3A_402 = arith.constant 0 : i32
      %dma_start3A_403 = tpu.memref_slice %arg8[%dma_start3A_402] : memref<1280xi32, #tpu.memory_space<vmem>> -> memref<1280xi32, #tpu.memory_space<vmem>>
      %dma_start3A_404 = tpu.memref_slice %arg5[%mul3A_6] : memref<3200000xi32, #tpu.memory_space<hbm>> -> memref<1280xi32, #tpu.memory_space<hbm>>
      %dma_start3A_405 = arith.constant 0 : i32
      %dma_start3A_406 = tpu.memref_slice %arg8[%dma_start3A_405] : memref<1280xi32, #tpu.memory_space<vmem>> -> memref<1280xi32, #tpu.memory_space<vmem>>
      %dma_start3A_407 = tpu.memref_slice %arg5[%mul3A_6] : memref<3200000xi32, #tpu.memory_space<hbm>> -> memref<1280xi32, #tpu.memory_space<hbm>>
      tpu.enqueue_dma source(%dma_start3A_407 : memref<1280xi32, #tpu.memory_space<hbm>>) target(%dma_start3A_406 : memref<1280xi32, #tpu.memory_space<vmem>>) target_semaphore(%run_scoped3A : memref<!tpu.dma_semaphore, #tpu.memory_space<semaphore_mem>>)
      %dma_wait3A_408 = arith.constant 0 : i32
      %dma_wait3A_409 = tpu.memref_slice %arg8[%dma_wait3A_408] : memref<1280xi32, #tpu.memory_space<vmem>> -> memref<1280xi32, #tpu.memory_space<vmem>>
      %dma_wait3A_410 = tpu.memref_slice %arg5[%mul3A_6] : memref<3200000xi32, #tpu.memory_space<hbm>> -> memref<1280xi32, #tpu.memory_space<hbm>>
      %dma_wait3A_411 = arith.constant 0 : i32
      %dma_wait3A_412 = tpu.memref_slice %arg8[%dma_wait3A_411] : memref<1280xi32, #tpu.memory_space<vmem>> -> memref<1280xi32, #tpu.memory_space<vmem>>
      %dma_wait3A_413 = tpu.memref_slice %arg5[%mul3A_6] : memref<3200000xi32, #tpu.memory_space<hbm>> -> memref<1280xi32, #tpu.memory_space<hbm>>
      tpu.wait_dma2 semaphore(%run_scoped3A : memref<!tpu.dma_semaphore, #tpu.memory_space<semaphore_mem>>) src(%dma_wait3A_413 : memref<1280xi32, #tpu.memory_space<hbm>>) dst(%dma_wait3A_412 : memref<1280xi32, #tpu.memory_space<vmem>>)
      tpu.yield
    }) : () -> ()
    "tpu.region"() ({
      %run_scoped3A = tpu.sem_alloc : memref<!tpu.dma_semaphore, #tpu.memory_space<semaphore_mem>>
      %dma_start3A_402 = arith.constant 0 : i32
      %dma_start3A_403 = tpu.memref_slice %arg10[%dma_start3A_402] : memref<1280xi32, #tpu.memory_space<vmem>> -> memref<1280xi32, #tpu.memory_space<vmem>>
      %dma_start3A_404 = tpu.memref_slice %arg6[%mul3A_6] : memref<3200000xi32, #tpu.memory_space<hbm>> -> memref<1280xi32, #tpu.memory_space<hbm>>
      %dma_start3A_405 = arith.constant 0 : i32
      %dma_start3A_406 = tpu.memref_slice %arg10[%dma_start3A_405] : memref<1280xi32, #tpu.memory_space<vmem>> -> memref<1280xi32, #tpu.memory_space<vmem>>
      %dma_start3A_407 = tpu.memref_slice %arg6[%mul3A_6] : memref<3200000xi32, #tpu.memory_space<hbm>> -> memref<1280xi32, #tpu.memory_space<hbm>>
      tpu.enqueue_dma source(%dma_start3A_407 : memref<1280xi32, #tpu.memory_space<hbm>>) target(%dma_start3A_406 : memref<1280xi32, #tpu.memory_space<vmem>>) target_semaphore(%run_scoped3A : memref<!tpu.dma_semaphore, #tpu.memory_space<semaphore_mem>>)
      %dma_wait3A_408 = arith.constant 0 : i32
      %dma_wait3A_409 = tpu.memref_slice %arg10[%dma_wait3A_408] : memref<1280xi32, #tpu.memory_space<vmem>> -> memref<1280xi32, #tpu.memory_space<vmem>>
      %dma_wait3A_410 = tpu.memref_slice %arg6[%mul3A_6] : memref<3200000xi32, #tpu.memory_space<hbm>> -> memref<1280xi32, #tpu.memory_space<hbm>>
      %dma_wait3A_411 = arith.constant 0 : i32
      %dma_wait3A_412 = tpu.memref_slice %arg10[%dma_wait3A_411] : memref<1280xi32, #tpu.memory_space<vmem>> -> memref<1280xi32, #tpu.memory_space<vmem>>
      %dma_wait3A_413 = tpu.memref_slice %arg6[%mul3A_6] : memref<3200000xi32, #tpu.memory_space<hbm>> -> memref<1280xi32, #tpu.memory_space<hbm>>
      tpu.wait_dma2 semaphore(%run_scoped3A : memref<!tpu.dma_semaphore, #tpu.memory_space<semaphore_mem>>) src(%dma_wait3A_413 : memref<1280xi32, #tpu.memory_space<hbm>>) dst(%dma_wait3A_412 : memref<1280xi32, #tpu.memory_space<vmem>>)
      tpu.yield
    }) : () -> ()
    %dma_start3A = arith.constant 0 : i32
    %dma_start3A_9 = tpu.memref_slice %arg12[%dma_start3A] : memref<1280xf32, #tpu.memory_space<vmem>> -> memref<128xf32, #tpu.memory_space<vmem>>
    %dma_start3A_10 = arith.constant 0 : i32
    %dma_start3A_11 = tpu.memref_slice %arg8[%dma_start3A_10] : memref<1280xi32, #tpu.memory_space<vmem>> -> memref<128xi32, #tpu.memory_space<vmem>>
    %dma_start3A_12 = arith.constant 0 : i32
    %dma_start3A_13 = tpu.memref_slice %arg26[%dma_start3A_12] : memref<100000xf32, #tpu.memory_space<vmem_shared>> -> memref<100000xf32, #tpu.memory_space<vmem_shared>>
    tpu.enqueue_indirect_dma source(%dma_start3A_13 : memref<100000xf32, #tpu.memory_space<vmem_shared>>) target(%dma_start3A_9 : memref<128xf32, #tpu.memory_space<vmem>>) offsets(%dma_start3A_11 : memref<128xi32, #tpu.memory_space<vmem>>) semaphore(%arg29 : memref<!tpu.dma_semaphore, #tpu.memory_space<semaphore_mem>>)
    %dma_start3A_14 = arith.constant 0 : i32
    %dma_start3A_15 = tpu.memref_slice %arg14[%dma_start3A_14] : memref<1280xf32, #tpu.memory_space<vmem>> -> memref<128xf32, #tpu.memory_space<vmem>>
    %dma_start3A_16 = arith.constant 0 : i32
    %dma_start3A_17 = tpu.memref_slice %arg8[%dma_start3A_16] : memref<1280xi32, #tpu.memory_space<vmem>> -> memref<128xi32, #tpu.memory_space<vmem>>
    %dma_start3A_18 = arith.constant 0 : i32
    %dma_start3A_19 = tpu.memref_slice %arg27[%dma_start3A_18] : memref<100000xf32, #tpu.memory_space<vmem_shared>> -> memref<100000xf32, #tpu.memory_space<vmem_shared>>
    tpu.enqueue_indirect_dma source(%dma_start3A_19 : memref<100000xf32, #tpu.memory_space<vmem_shared>>) target(%dma_start3A_15 : memref<128xf32, #tpu.memory_space<vmem>>) offsets(%dma_start3A_17 : memref<128xi32, #tpu.memory_space<vmem>>) semaphore(%arg29 : memref<!tpu.dma_semaphore, #tpu.memory_space<semaphore_mem>>)
    %dma_start3A_20 = arith.constant 0 : i32
    %dma_start3A_21 = tpu.memref_slice %arg16[%dma_start3A_20] : memref<1280xf32, #tpu.memory_space<vmem>> -> memref<128xf32, #tpu.memory_space<vmem>>
    %dma_start3A_22 = arith.constant 0 : i32
    %dma_start3A_23 = tpu.memref_slice %arg8[%dma_start3A_22] : memref<1280xi32, #tpu.memory_space<vmem>> -> memref<128xi32, #tpu.memory_space<vmem>>
    %dma_start3A_24 = arith.constant 0 : i32
    %dma_start3A_25 = tpu.memref_slice %arg28[%dma_start3A_24] : memref<100000xf32, #tpu.memory_space<vmem_shared>> -> memref<100000xf32, #tpu.memory_space<vmem_shared>>
    tpu.enqueue_indirect_dma source(%dma_start3A_25 : memref<100000xf32, #tpu.memory_space<vmem_shared>>) target(%dma_start3A_21 : memref<128xf32, #tpu.memory_space<vmem>>) offsets(%dma_start3A_23 : memref<128xi32, #tpu.memory_space<vmem>>) semaphore(%arg29 : memref<!tpu.dma_semaphore, #tpu.memory_space<semaphore_mem>>)
    %dma_start3A_26 = arith.constant 0 : i32
    %dma_start3A_27 = tpu.memref_slice %arg18[%dma_start3A_26] : memref<1280xf32, #tpu.memory_space<vmem>> -> memref<128xf32, #tpu.memory_space<vmem>>
    %dma_start3A_28 = arith.constant 0 : i32
    %dma_start3A_29 = tpu.memref_slice %arg10[%dma_start3A_28] : memref<1280xi32, #tpu.memory_space<vmem>> -> memref<128xi32, #tpu.memory_space<vmem>>
    %dma_start3A_30 = arith.constant 0 : i32
    %dma_start3A_31 = tpu.memref_slice %arg26[%dma_start3A_30] : memref<100000xf32, #tpu.memory_space<vmem_shared>> -> memref<100000xf32, #tpu.memory_space<vmem_shared>>
    tpu.enqueue_indirect_dma source(%dma_start3A_31 : memref<100000xf32, #tpu.memory_space<vmem_shared>>) target(%dma_start3A_27 : memref<128xf32, #tpu.memory_space<vmem>>) offsets(%dma_start3A_29 : memref<128xi32, #tpu.memory_space<vmem>>) semaphore(%arg29 : memref<!tpu.dma_semaphore, #tpu.memory_space<semaphore_mem>>)
    %dma_start3A_32 = arith.constant 0 : i32
    %dma_start3A_33 = tpu.memref_slice %arg20[%dma_start3A_32] : memref<1280xf32, #tpu.memory_space<vmem>> -> memref<128xf32, #tpu.memory_space<vmem>>
    %dma_start3A_34 = arith.constant 0 : i32
    %dma_start3A_35 = tpu.memref_slice %arg10[%dma_start3A_34] : memref<1280xi32, #tpu.memory_space<vmem>> -> memref<128xi32, #tpu.memory_space<vmem>>
    %dma_start3A_36 = arith.constant 0 : i32
    %dma_start3A_37 = tpu.memref_slice %arg27[%dma_start3A_36] : memref<100000xf32, #tpu.memory_space<vmem_shared>> -> memref<100000xf32, #tpu.memory_space<vmem_shared>>
    tpu.enqueue_indirect_dma source(%dma_start3A_37 : memref<100000xf32, #tpu.memory_space<vmem_shared>>) target(%dma_start3A_33 : memref<128xf32, #tpu.memory_space<vmem>>) offsets(%dma_start3A_35 : memref<128xi32, #tpu.memory_space<vmem>>) semaphore(%arg29 : memref<!tpu.dma_semaphore, #tpu.memory_space<semaphore_mem>>)
    %dma_start3A_38 = arith.constant 0 : i32
    %dma_start3A_39 = tpu.memref_slice %arg22[%dma_start3A_38] : memref<1280xf32, #tpu.memory_space<vmem>> -> memref<128xf32, #tpu.memory_space<vmem>>
    %dma_start3A_40 = arith.constant 0 : i32
    %dma_start3A_41 = tpu.memref_slice %arg10[%dma_start3A_40] : memref<1280xi32, #tpu.memory_space<vmem>> -> memref<128xi32, #tpu.memory_space<vmem>>
    %dma_start3A_42 = arith.constant 0 : i32
    %dma_start3A_43 = tpu.memref_slice %arg28[%dma_start3A_42] : memref<100000xf32, #tpu.memory_space<vmem_shared>> -> memref<100000xf32, #tpu.memory_space<vmem_shared>>
    tpu.enqueue_indirect_dma source(%dma_start3A_43 : memref<100000xf32, #tpu.memory_space<vmem_shared>>) target(%dma_start3A_39 : memref<128xf32, #tpu.memory_space<vmem>>) offsets(%dma_start3A_41 : memref<128xi32, #tpu.memory_space<vmem>>) semaphore(%arg29 : memref<!tpu.dma_semaphore, #tpu.memory_space<semaphore_mem>>)
    %dma_start3A_44 = arith.constant 128 : i32
    %dma_start3A_45 = tpu.memref_slice %arg12[%dma_start3A_44] : memref<1280xf32, #tpu.memory_space<vmem>> -> memref<128xf32, #tpu.memory_space<vmem>>
    %dma_start3A_46 = arith.constant 128 : i32
    %dma_start3A_47 = tpu.memref_slice %arg8[%dma_start3A_46] : memref<1280xi32, #tpu.memory_space<vmem>> -> memref<128xi32, #tpu.memory_space<vmem>>
    %dma_start3A_48 = arith.constant 0 : i32
    %dma_start3A_49 = tpu.memref_slice %arg26[%dma_start3A_48] : memref<100000xf32, #tpu.memory_space<vmem_shared>> -> memref<100000xf32, #tpu.memory_space<vmem_shared>>
    tpu.enqueue_indirect_dma source(%dma_start3A_49 : memref<100000xf32, #tpu.memory_space<vmem_shared>>) target(%dma_start3A_45 : memref<128xf32, #tpu.memory_space<vmem>>) offsets(%dma_start3A_47 : memref<128xi32, #tpu.memory_space<vmem>>) semaphore(%arg29 : memref<!tpu.dma_semaphore, #tpu.memory_space<semaphore_mem>>)
    %dma_start3A_50 = arith.constant 128 : i32
    %dma_start3A_51 = tpu.memref_slice %arg14[%dma_start3A_50] : memref<1280xf32, #tpu.memory_space<vmem>> -> memref<128xf32, #tpu.memory_space<vmem>>
    %dma_start3A_52 = arith.constant 128 : i32
    %dma_start3A_53 = tpu.memref_slice %arg8[%dma_start3A_52] : memref<1280xi32, #tpu.memory_space<vmem>> -> memref<128xi32, #tpu.memory_space<vmem>>
    %dma_start3A_54 = arith.constant 0 : i32
    %dma_start3A_55 = tpu.memref_slice %arg27[%dma_start3A_54] : memref<100000xf32, #tpu.memory_space<vmem_shared>> -> memref<100000xf32, #tpu.memory_space<vmem_shared>>
    tpu.enqueue_indirect_dma source(%dma_start3A_55 : memref<100000xf32, #tpu.memory_space<vmem_shared>>) target(%dma_start3A_51 : memref<128xf32, #tpu.memory_space<vmem>>) offsets(%dma_start3A_53 : memref<128xi32, #tpu.memory_space<vmem>>) semaphore(%arg29 : memref<!tpu.dma_semaphore, #tpu.memory_space<semaphore_mem>>)
    %dma_start3A_56 = arith.constant 128 : i32
    %dma_start3A_57 = tpu.memref_slice %arg16[%dma_start3A_56] : memref<1280xf32, #tpu.memory_space<vmem>> -> memref<128xf32, #tpu.memory_space<vmem>>
    %dma_start3A_58 = arith.constant 128 : i32
    %dma_start3A_59 = tpu.memref_slice %arg8[%dma_start3A_58] : memref<1280xi32, #tpu.memory_space<vmem>> -> memref<128xi32, #tpu.memory_space<vmem>>
    %dma_start3A_60 = arith.constant 0 : i32
    %dma_start3A_61 = tpu.memref_slice %arg28[%dma_start3A_60] : memref<100000xf32, #tpu.memory_space<vmem_shared>> -> memref<100000xf32, #tpu.memory_space<vmem_shared>>
    tpu.enqueue_indirect_dma source(%dma_start3A_61 : memref<100000xf32, #tpu.memory_space<vmem_shared>>) target(%dma_start3A_57 : memref<128xf32, #tpu.memory_space<vmem>>) offsets(%dma_start3A_59 : memref<128xi32, #tpu.memory_space<vmem>>) semaphore(%arg29 : memref<!tpu.dma_semaphore, #tpu.memory_space<semaphore_mem>>)
    %dma_start3A_62 = arith.constant 128 : i32
    %dma_start3A_63 = tpu.memref_slice %arg18[%dma_start3A_62] : memref<1280xf32, #tpu.memory_space<vmem>> -> memref<128xf32, #tpu.memory_space<vmem>>
    %dma_start3A_64 = arith.constant 128 : i32
    %dma_start3A_65 = tpu.memref_slice %arg10[%dma_start3A_64] : memref<1280xi32, #tpu.memory_space<vmem>> -> memref<128xi32, #tpu.memory_space<vmem>>
    %dma_start3A_66 = arith.constant 0 : i32
    %dma_start3A_67 = tpu.memref_slice %arg26[%dma_start3A_66] : memref<100000xf32, #tpu.memory_space<vmem_shared>> -> memref<100000xf32, #tpu.memory_space<vmem_shared>>
    tpu.enqueue_indirect_dma source(%dma_start3A_67 : memref<100000xf32, #tpu.memory_space<vmem_shared>>) target(%dma_start3A_63 : memref<128xf32, #tpu.memory_space<vmem>>) offsets(%dma_start3A_65 : memref<128xi32, #tpu.memory_space<vmem>>) semaphore(%arg29 : memref<!tpu.dma_semaphore, #tpu.memory_space<semaphore_mem>>)
    %dma_start3A_68 = arith.constant 128 : i32
    %dma_start3A_69 = tpu.memref_slice %arg20[%dma_start3A_68] : memref<1280xf32, #tpu.memory_space<vmem>> -> memref<128xf32, #tpu.memory_space<vmem>>
    %dma_start3A_70 = arith.constant 128 : i32
    %dma_start3A_71 = tpu.memref_slice %arg10[%dma_start3A_70] : memref<1280xi32, #tpu.memory_space<vmem>> -> memref<128xi32, #tpu.memory_space<vmem>>
    %dma_start3A_72 = arith.constant 0 : i32
    %dma_start3A_73 = tpu.memref_slice %arg27[%dma_start3A_72] : memref<100000xf32, #tpu.memory_space<vmem_shared>> -> memref<100000xf32, #tpu.memory_space<vmem_shared>>
    tpu.enqueue_indirect_dma source(%dma_start3A_73 : memref<100000xf32, #tpu.memory_space<vmem_shared>>) target(%dma_start3A_69 : memref<128xf32, #tpu.memory_space<vmem>>) offsets(%dma_start3A_71 : memref<128xi32, #tpu.memory_space<vmem>>) semaphore(%arg29 : memref<!tpu.dma_semaphore, #tpu.memory_space<semaphore_mem>>)
    %dma_start3A_74 = arith.constant 128 : i32
    %dma_start3A_75 = tpu.memref_slice %arg22[%dma_start3A_74] : memref<1280xf32, #tpu.memory_space<vmem>> -> memref<128xf32, #tpu.memory_space<vmem>>
    %dma_start3A_76 = arith.constant 128 : i32
    %dma_start3A_77 = tpu.memref_slice %arg10[%dma_start3A_76] : memref<1280xi32, #tpu.memory_space<vmem>> -> memref<128xi32, #tpu.memory_space<vmem>>
    %dma_start3A_78 = arith.constant 0 : i32
    %dma_start3A_79 = tpu.memref_slice %arg28[%dma_start3A_78] : memref<100000xf32, #tpu.memory_space<vmem_shared>> -> memref<100000xf32, #tpu.memory_space<vmem_shared>>
    tpu.enqueue_indirect_dma source(%dma_start3A_79 : memref<100000xf32, #tpu.memory_space<vmem_shared>>) target(%dma_start3A_75 : memref<128xf32, #tpu.memory_space<vmem>>) offsets(%dma_start3A_77 : memref<128xi32, #tpu.memory_space<vmem>>) semaphore(%arg29 : memref<!tpu.dma_semaphore, #tpu.memory_space<semaphore_mem>>)
    %dma_start3A_80 = arith.constant 256 : i32
    %dma_start3A_81 = tpu.memref_slice %arg12[%dma_start3A_80] : memref<1280xf32, #tpu.memory_space<vmem>> -> memref<128xf32, #tpu.memory_space<vmem>>
    %dma_start3A_82 = arith.constant 256 : i32
    %dma_start3A_83 = tpu.memref_slice %arg8[%dma_start3A_82] : memref<1280xi32, #tpu.memory_space<vmem>> -> memref<128xi32, #tpu.memory_space<vmem>>
    %dma_start3A_84 = arith.constant 0 : i32
    %dma_start3A_85 = tpu.memref_slice %arg26[%dma_start3A_84] : memref<100000xf32, #tpu.memory_space<vmem_shared>> -> memref<100000xf32, #tpu.memory_space<vmem_shared>>
    tpu.enqueue_indirect_dma source(%dma_start3A_85 : memref<100000xf32, #tpu.memory_space<vmem_shared>>) target(%dma_start3A_81 : memref<128xf32, #tpu.memory_space<vmem>>) offsets(%dma_start3A_83 : memref<128xi32, #tpu.memory_space<vmem>>) semaphore(%arg29 : memref<!tpu.dma_semaphore, #tpu.memory_space<semaphore_mem>>)
    %dma_start3A_86 = arith.constant 256 : i32
    %dma_start3A_87 = tpu.memref_slice %arg14[%dma_start3A_86] : memref<1280xf32, #tpu.memory_space<vmem>> -> memref<128xf32, #tpu.memory_space<vmem>>
    %dma_start3A_88 = arith.constant 256 : i32
    %dma_start3A_89 = tpu.memref_slice %arg8[%dma_start3A_88] : memref<1280xi32, #tpu.memory_space<vmem>> -> memref<128xi32, #tpu.memory_space<vmem>>
    %dma_start3A_90 = arith.constant 0 : i32
    %dma_start3A_91 = tpu.memref_slice %arg27[%dma_start3A_90] : memref<100000xf32, #tpu.memory_space<vmem_shared>> -> memref<100000xf32, #tpu.memory_space<vmem_shared>>
    tpu.enqueue_indirect_dma source(%dma_start3A_91 : memref<100000xf32, #tpu.memory_space<vmem_shared>>) target(%dma_start3A_87 : memref<128xf32, #tpu.memory_space<vmem>>) offsets(%dma_start3A_89 : memref<128xi32, #tpu.memory_space<vmem>>) semaphore(%arg29 : memref<!tpu.dma_semaphore, #tpu.memory_space<semaphore_mem>>)
    %dma_start3A_92 = arith.constant 256 : i32
    %dma_start3A_93 = tpu.memref_slice %arg16[%dma_start3A_92] : memref<1280xf32, #tpu.memory_space<vmem>> -> memref<128xf32, #tpu.memory_space<vmem>>
    %dma_start3A_94 = arith.constant 256 : i32
    %dma_start3A_95 = tpu.memref_slice %arg8[%dma_start3A_94] : memref<1280xi32, #tpu.memory_space<vmem>> -> memref<128xi32, #tpu.memory_space<vmem>>
    %dma_start3A_96 = arith.constant 0 : i32
    %dma_start3A_97 = tpu.memref_slice %arg28[%dma_start3A_96] : memref<100000xf32, #tpu.memory_space<vmem_shared>> -> memref<100000xf32, #tpu.memory_space<vmem_shared>>
    tpu.enqueue_indirect_dma source(%dma_start3A_97 : memref<100000xf32, #tpu.memory_space<vmem_shared>>) target(%dma_start3A_93 : memref<128xf32, #tpu.memory_space<vmem>>) offsets(%dma_start3A_95 : memref<128xi32, #tpu.memory_space<vmem>>) semaphore(%arg29 : memref<!tpu.dma_semaphore, #tpu.memory_space<semaphore_mem>>)
    %dma_start3A_98 = arith.constant 256 : i32
    %dma_start3A_99 = tpu.memref_slice %arg18[%dma_start3A_98] : memref<1280xf32, #tpu.memory_space<vmem>> -> memref<128xf32, #tpu.memory_space<vmem>>
    %dma_start3A_100 = arith.constant 256 : i32
    %dma_start3A_101 = tpu.memref_slice %arg10[%dma_start3A_100] : memref<1280xi32, #tpu.memory_space<vmem>> -> memref<128xi32, #tpu.memory_space<vmem>>
    %dma_start3A_102 = arith.constant 0 : i32
    %dma_start3A_103 = tpu.memref_slice %arg26[%dma_start3A_102] : memref<100000xf32, #tpu.memory_space<vmem_shared>> -> memref<100000xf32, #tpu.memory_space<vmem_shared>>
    tpu.enqueue_indirect_dma source(%dma_start3A_103 : memref<100000xf32, #tpu.memory_space<vmem_shared>>) target(%dma_start3A_99 : memref<128xf32, #tpu.memory_space<vmem>>) offsets(%dma_start3A_101 : memref<128xi32, #tpu.memory_space<vmem>>) semaphore(%arg29 : memref<!tpu.dma_semaphore, #tpu.memory_space<semaphore_mem>>)
    %dma_start3A_104 = arith.constant 256 : i32
    %dma_start3A_105 = tpu.memref_slice %arg20[%dma_start3A_104] : memref<1280xf32, #tpu.memory_space<vmem>> -> memref<128xf32, #tpu.memory_space<vmem>>
    %dma_start3A_106 = arith.constant 256 : i32
    %dma_start3A_107 = tpu.memref_slice %arg10[%dma_start3A_106] : memref<1280xi32, #tpu.memory_space<vmem>> -> memref<128xi32, #tpu.memory_space<vmem>>
    %dma_start3A_108 = arith.constant 0 : i32
    %dma_start3A_109 = tpu.memref_slice %arg27[%dma_start3A_108] : memref<100000xf32, #tpu.memory_space<vmem_shared>> -> memref<100000xf32, #tpu.memory_space<vmem_shared>>
    tpu.enqueue_indirect_dma source(%dma_start3A_109 : memref<100000xf32, #tpu.memory_space<vmem_shared>>) target(%dma_start3A_105 : memref<128xf32, #tpu.memory_space<vmem>>) offsets(%dma_start3A_107 : memref<128xi32, #tpu.memory_space<vmem>>) semaphore(%arg29 : memref<!tpu.dma_semaphore, #tpu.memory_space<semaphore_mem>>)
    %dma_start3A_110 = arith.constant 256 : i32
    %dma_start3A_111 = tpu.memref_slice %arg22[%dma_start3A_110] : memref<1280xf32, #tpu.memory_space<vmem>> -> memref<128xf32, #tpu.memory_space<vmem>>
    %dma_start3A_112 = arith.constant 256 : i32
    %dma_start3A_113 = tpu.memref_slice %arg10[%dma_start3A_112] : memref<1280xi32, #tpu.memory_space<vmem>> -> memref<128xi32, #tpu.memory_space<vmem>>
    %dma_start3A_114 = arith.constant 0 : i32
    %dma_start3A_115 = tpu.memref_slice %arg28[%dma_start3A_114] : memref<100000xf32, #tpu.memory_space<vmem_shared>> -> memref<100000xf32, #tpu.memory_space<vmem_shared>>
    tpu.enqueue_indirect_dma source(%dma_start3A_115 : memref<100000xf32, #tpu.memory_space<vmem_shared>>) target(%dma_start3A_111 : memref<128xf32, #tpu.memory_space<vmem>>) offsets(%dma_start3A_113 : memref<128xi32, #tpu.memory_space<vmem>>) semaphore(%arg29 : memref<!tpu.dma_semaphore, #tpu.memory_space<semaphore_mem>>)
    %dma_start3A_116 = arith.constant 384 : i32
    %dma_start3A_117 = tpu.memref_slice %arg12[%dma_start3A_116] : memref<1280xf32, #tpu.memory_space<vmem>> -> memref<128xf32, #tpu.memory_space<vmem>>
    %dma_start3A_118 = arith.constant 384 : i32
    %dma_start3A_119 = tpu.memref_slice %arg8[%dma_start3A_118] : memref<1280xi32, #tpu.memory_space<vmem>> -> memref<128xi32, #tpu.memory_space<vmem>>
    %dma_start3A_120 = arith.constant 0 : i32
    %dma_start3A_121 = tpu.memref_slice %arg26[%dma_start3A_120] : memref<100000xf32, #tpu.memory_space<vmem_shared>> -> memref<100000xf32, #tpu.memory_space<vmem_shared>>
    tpu.enqueue_indirect_dma source(%dma_start3A_121 : memref<100000xf32, #tpu.memory_space<vmem_shared>>) target(%dma_start3A_117 : memref<128xf32, #tpu.memory_space<vmem>>) offsets(%dma_start3A_119 : memref<128xi32, #tpu.memory_space<vmem>>) semaphore(%arg29 : memref<!tpu.dma_semaphore, #tpu.memory_space<semaphore_mem>>)
    %dma_start3A_122 = arith.constant 384 : i32
    %dma_start3A_123 = tpu.memref_slice %arg14[%dma_start3A_122] : memref<1280xf32, #tpu.memory_space<vmem>> -> memref<128xf32, #tpu.memory_space<vmem>>
    %dma_start3A_124 = arith.constant 384 : i32
    %dma_start3A_125 = tpu.memref_slice %arg8[%dma_start3A_124] : memref<1280xi32, #tpu.memory_space<vmem>> -> memref<128xi32, #tpu.memory_space<vmem>>
    %dma_start3A_126 = arith.constant 0 : i32
    %dma_start3A_127 = tpu.memref_slice %arg27[%dma_start3A_126] : memref<100000xf32, #tpu.memory_space<vmem_shared>> -> memref<100000xf32, #tpu.memory_space<vmem_shared>>
    tpu.enqueue_indirect_dma source(%dma_start3A_127 : memref<100000xf32, #tpu.memory_space<vmem_shared>>) target(%dma_start3A_123 : memref<128xf32, #tpu.memory_space<vmem>>) offsets(%dma_start3A_125 : memref<128xi32, #tpu.memory_space<vmem>>) semaphore(%arg29 : memref<!tpu.dma_semaphore, #tpu.memory_space<semaphore_mem>>)
    %dma_start3A_128 = arith.constant 384 : i32
    %dma_start3A_129 = tpu.memref_slice %arg16[%dma_start3A_128] : memref<1280xf32, #tpu.memory_space<vmem>> -> memref<128xf32, #tpu.memory_space<vmem>>
    %dma_start3A_130 = arith.constant 384 : i32
    %dma_start3A_131 = tpu.memref_slice %arg8[%dma_start3A_130] : memref<1280xi32, #tpu.memory_space<vmem>> -> memref<128xi32, #tpu.memory_space<vmem>>
    %dma_start3A_132 = arith.constant 0 : i32
    %dma_start3A_133 = tpu.memref_slice %arg28[%dma_start3A_132] : memref<100000xf32, #tpu.memory_space<vmem_shared>> -> memref<100000xf32, #tpu.memory_space<vmem_shared>>
    tpu.enqueue_indirect_dma source(%dma_start3A_133 : memref<100000xf32, #tpu.memory_space<vmem_shared>>) target(%dma_start3A_129 : memref<128xf32, #tpu.memory_space<vmem>>) offsets(%dma_start3A_131 : memref<128xi32, #tpu.memory_space<vmem>>) semaphore(%arg29 : memref<!tpu.dma_semaphore, #tpu.memory_space<semaphore_mem>>)
    %dma_start3A_134 = arith.constant 384 : i32
    %dma_start3A_135 = tpu.memref_slice %arg18[%dma_start3A_134] : memref<1280xf32, #tpu.memory_space<vmem>> -> memref<128xf32, #tpu.memory_space<vmem>>
    %dma_start3A_136 = arith.constant 384 : i32
    %dma_start3A_137 = tpu.memref_slice %arg10[%dma_start3A_136] : memref<1280xi32, #tpu.memory_space<vmem>> -> memref<128xi32, #tpu.memory_space<vmem>>
    %dma_start3A_138 = arith.constant 0 : i32
    %dma_start3A_139 = tpu.memref_slice %arg26[%dma_start3A_138] : memref<100000xf32, #tpu.memory_space<vmem_shared>> -> memref<100000xf32, #tpu.memory_space<vmem_shared>>
    tpu.enqueue_indirect_dma source(%dma_start3A_139 : memref<100000xf32, #tpu.memory_space<vmem_shared>>) target(%dma_start3A_135 : memref<128xf32, #tpu.memory_space<vmem>>) offsets(%dma_start3A_137 : memref<128xi32, #tpu.memory_space<vmem>>) semaphore(%arg29 : memref<!tpu.dma_semaphore, #tpu.memory_space<semaphore_mem>>)
    %dma_start3A_140 = arith.constant 384 : i32
    %dma_start3A_141 = tpu.memref_slice %arg20[%dma_start3A_140] : memref<1280xf32, #tpu.memory_space<vmem>> -> memref<128xf32, #tpu.memory_space<vmem>>
    %dma_start3A_142 = arith.constant 384 : i32
    %dma_start3A_143 = tpu.memref_slice %arg10[%dma_start3A_142] : memref<1280xi32, #tpu.memory_space<vmem>> -> memref<128xi32, #tpu.memory_space<vmem>>
    %dma_start3A_144 = arith.constant 0 : i32
    %dma_start3A_145 = tpu.memref_slice %arg27[%dma_start3A_144] : memref<100000xf32, #tpu.memory_space<vmem_shared>> -> memref<100000xf32, #tpu.memory_space<vmem_shared>>
    tpu.enqueue_indirect_dma source(%dma_start3A_145 : memref<100000xf32, #tpu.memory_space<vmem_shared>>) target(%dma_start3A_141 : memref<128xf32, #tpu.memory_space<vmem>>) offsets(%dma_start3A_143 : memref<128xi32, #tpu.memory_space<vmem>>) semaphore(%arg29 : memref<!tpu.dma_semaphore, #tpu.memory_space<semaphore_mem>>)
    %dma_start3A_146 = arith.constant 384 : i32
    %dma_start3A_147 = tpu.memref_slice %arg22[%dma_start3A_146] : memref<1280xf32, #tpu.memory_space<vmem>> -> memref<128xf32, #tpu.memory_space<vmem>>
    %dma_start3A_148 = arith.constant 384 : i32
    %dma_start3A_149 = tpu.memref_slice %arg10[%dma_start3A_148] : memref<1280xi32, #tpu.memory_space<vmem>> -> memref<128xi32, #tpu.memory_space<vmem>>
    %dma_start3A_150 = arith.constant 0 : i32
    %dma_start3A_151 = tpu.memref_slice %arg28[%dma_start3A_150] : memref<100000xf32, #tpu.memory_space<vmem_shared>> -> memref<100000xf32, #tpu.memory_space<vmem_shared>>
    tpu.enqueue_indirect_dma source(%dma_start3A_151 : memref<100000xf32, #tpu.memory_space<vmem_shared>>) target(%dma_start3A_147 : memref<128xf32, #tpu.memory_space<vmem>>) offsets(%dma_start3A_149 : memref<128xi32, #tpu.memory_space<vmem>>) semaphore(%arg29 : memref<!tpu.dma_semaphore, #tpu.memory_space<semaphore_mem>>)
    %dma_start3A_152 = arith.constant 512 : i32
    %dma_start3A_153 = tpu.memref_slice %arg12[%dma_start3A_152] : memref<1280xf32, #tpu.memory_space<vmem>> -> memref<128xf32, #tpu.memory_space<vmem>>
    %dma_start3A_154 = arith.constant 512 : i32
    %dma_start3A_155 = tpu.memref_slice %arg8[%dma_start3A_154] : memref<1280xi32, #tpu.memory_space<vmem>> -> memref<128xi32, #tpu.memory_space<vmem>>
    %dma_start3A_156 = arith.constant 0 : i32
    %dma_start3A_157 = tpu.memref_slice %arg26[%dma_start3A_156] : memref<100000xf32, #tpu.memory_space<vmem_shared>> -> memref<100000xf32, #tpu.memory_space<vmem_shared>>
    tpu.enqueue_indirect_dma source(%dma_start3A_157 : memref<100000xf32, #tpu.memory_space<vmem_shared>>) target(%dma_start3A_153 : memref<128xf32, #tpu.memory_space<vmem>>) offsets(%dma_start3A_155 : memref<128xi32, #tpu.memory_space<vmem>>) semaphore(%arg29 : memref<!tpu.dma_semaphore, #tpu.memory_space<semaphore_mem>>)
    %dma_start3A_158 = arith.constant 512 : i32
    %dma_start3A_159 = tpu.memref_slice %arg14[%dma_start3A_158] : memref<1280xf32, #tpu.memory_space<vmem>> -> memref<128xf32, #tpu.memory_space<vmem>>
    %dma_start3A_160 = arith.constant 512 : i32
    %dma_start3A_161 = tpu.memref_slice %arg8[%dma_start3A_160] : memref<1280xi32, #tpu.memory_space<vmem>> -> memref<128xi32, #tpu.memory_space<vmem>>
    %dma_start3A_162 = arith.constant 0 : i32
    %dma_start3A_163 = tpu.memref_slice %arg27[%dma_start3A_162] : memref<100000xf32, #tpu.memory_space<vmem_shared>> -> memref<100000xf32, #tpu.memory_space<vmem_shared>>
    tpu.enqueue_indirect_dma source(%dma_start3A_163 : memref<100000xf32, #tpu.memory_space<vmem_shared>>) target(%dma_start3A_159 : memref<128xf32, #tpu.memory_space<vmem>>) offsets(%dma_start3A_161 : memref<128xi32, #tpu.memory_space<vmem>>) semaphore(%arg29 : memref<!tpu.dma_semaphore, #tpu.memory_space<semaphore_mem>>)
    %dma_start3A_164 = arith.constant 512 : i32
    %dma_start3A_165 = tpu.memref_slice %arg16[%dma_start3A_164] : memref<1280xf32, #tpu.memory_space<vmem>> -> memref<128xf32, #tpu.memory_space<vmem>>
    %dma_start3A_166 = arith.constant 512 : i32
    %dma_start3A_167 = tpu.memref_slice %arg8[%dma_start3A_166] : memref<1280xi32, #tpu.memory_space<vmem>> -> memref<128xi32, #tpu.memory_space<vmem>>
    %dma_start3A_168 = arith.constant 0 : i32
    %dma_start3A_169 = tpu.memref_slice %arg28[%dma_start3A_168] : memref<100000xf32, #tpu.memory_space<vmem_shared>> -> memref<100000xf32, #tpu.memory_space<vmem_shared>>
    tpu.enqueue_indirect_dma source(%dma_start3A_169 : memref<100000xf32, #tpu.memory_space<vmem_shared>>) target(%dma_start3A_165 : memref<128xf32, #tpu.memory_space<vmem>>) offsets(%dma_start3A_167 : memref<128xi32, #tpu.memory_space<vmem>>) semaphore(%arg29 : memref<!tpu.dma_semaphore, #tpu.memory_space<semaphore_mem>>)
    %dma_start3A_170 = arith.constant 512 : i32
    %dma_start3A_171 = tpu.memref_slice %arg18[%dma_start3A_170] : memref<1280xf32, #tpu.memory_space<vmem>> -> memref<128xf32, #tpu.memory_space<vmem>>
    %dma_start3A_172 = arith.constant 512 : i32
    %dma_start3A_173 = tpu.memref_slice %arg10[%dma_start3A_172] : memref<1280xi32, #tpu.memory_space<vmem>> -> memref<128xi32, #tpu.memory_space<vmem>>
    %dma_start3A_174 = arith.constant 0 : i32
    %dma_start3A_175 = tpu.memref_slice %arg26[%dma_start3A_174] : memref<100000xf32, #tpu.memory_space<vmem_shared>> -> memref<100000xf32, #tpu.memory_space<vmem_shared>>
    tpu.enqueue_indirect_dma source(%dma_start3A_175 : memref<100000xf32, #tpu.memory_space<vmem_shared>>) target(%dma_start3A_171 : memref<128xf32, #tpu.memory_space<vmem>>) offsets(%dma_start3A_173 : memref<128xi32, #tpu.memory_space<vmem>>) semaphore(%arg29 : memref<!tpu.dma_semaphore, #tpu.memory_space<semaphore_mem>>)
    %dma_start3A_176 = arith.constant 512 : i32
    %dma_start3A_177 = tpu.memref_slice %arg20[%dma_start3A_176] : memref<1280xf32, #tpu.memory_space<vmem>> -> memref<128xf32, #tpu.memory_space<vmem>>
    %dma_start3A_178 = arith.constant 512 : i32
    %dma_start3A_179 = tpu.memref_slice %arg10[%dma_start3A_178] : memref<1280xi32, #tpu.memory_space<vmem>> -> memref<128xi32, #tpu.memory_space<vmem>>
    %dma_start3A_180 = arith.constant 0 : i32
    %dma_start3A_181 = tpu.memref_slice %arg27[%dma_start3A_180] : memref<100000xf32, #tpu.memory_space<vmem_shared>> -> memref<100000xf32, #tpu.memory_space<vmem_shared>>
    tpu.enqueue_indirect_dma source(%dma_start3A_181 : memref<100000xf32, #tpu.memory_space<vmem_shared>>) target(%dma_start3A_177 : memref<128xf32, #tpu.memory_space<vmem>>) offsets(%dma_start3A_179 : memref<128xi32, #tpu.memory_space<vmem>>) semaphore(%arg29 : memref<!tpu.dma_semaphore, #tpu.memory_space<semaphore_mem>>)
    %dma_start3A_182 = arith.constant 512 : i32
    %dma_start3A_183 = tpu.memref_slice %arg22[%dma_start3A_182] : memref<1280xf32, #tpu.memory_space<vmem>> -> memref<128xf32, #tpu.memory_space<vmem>>
    %dma_start3A_184 = arith.constant 512 : i32
    %dma_start3A_185 = tpu.memref_slice %arg10[%dma_start3A_184] : memref<1280xi32, #tpu.memory_space<vmem>> -> memref<128xi32, #tpu.memory_space<vmem>>
    %dma_start3A_186 = arith.constant 0 : i32
    %dma_start3A_187 = tpu.memref_slice %arg28[%dma_start3A_186] : memref<100000xf32, #tpu.memory_space<vmem_shared>> -> memref<100000xf32, #tpu.memory_space<vmem_shared>>
    tpu.enqueue_indirect_dma source(%dma_start3A_187 : memref<100000xf32, #tpu.memory_space<vmem_shared>>) target(%dma_start3A_183 : memref<128xf32, #tpu.memory_space<vmem>>) offsets(%dma_start3A_185 : memref<128xi32, #tpu.memory_space<vmem>>) semaphore(%arg29 : memref<!tpu.dma_semaphore, #tpu.memory_space<semaphore_mem>>)
    %dma_start3A_188 = arith.constant 640 : i32
    %dma_start3A_189 = tpu.memref_slice %arg12[%dma_start3A_188] : memref<1280xf32, #tpu.memory_space<vmem>> -> memref<128xf32, #tpu.memory_space<vmem>>
    %dma_start3A_190 = arith.constant 640 : i32
    %dma_start3A_191 = tpu.memref_slice %arg8[%dma_start3A_190] : memref<1280xi32, #tpu.memory_space<vmem>> -> memref<128xi32, #tpu.memory_space<vmem>>
    %dma_start3A_192 = arith.constant 0 : i32
    %dma_start3A_193 = tpu.memref_slice %arg26[%dma_start3A_192] : memref<100000xf32, #tpu.memory_space<vmem_shared>> -> memref<100000xf32, #tpu.memory_space<vmem_shared>>
    tpu.enqueue_indirect_dma source(%dma_start3A_193 : memref<100000xf32, #tpu.memory_space<vmem_shared>>) target(%dma_start3A_189 : memref<128xf32, #tpu.memory_space<vmem>>) offsets(%dma_start3A_191 : memref<128xi32, #tpu.memory_space<vmem>>) semaphore(%arg29 : memref<!tpu.dma_semaphore, #tpu.memory_space<semaphore_mem>>)
    %dma_start3A_194 = arith.constant 640 : i32
    %dma_start3A_195 = tpu.memref_slice %arg14[%dma_start3A_194] : memref<1280xf32, #tpu.memory_space<vmem>> -> memref<128xf32, #tpu.memory_space<vmem>>
    %dma_start3A_196 = arith.constant 640 : i32
    %dma_start3A_197 = tpu.memref_slice %arg8[%dma_start3A_196] : memref<1280xi32, #tpu.memory_space<vmem>> -> memref<128xi32, #tpu.memory_space<vmem>>
    %dma_start3A_198 = arith.constant 0 : i32
    %dma_start3A_199 = tpu.memref_slice %arg27[%dma_start3A_198] : memref<100000xf32, #tpu.memory_space<vmem_shared>> -> memref<100000xf32, #tpu.memory_space<vmem_shared>>
    tpu.enqueue_indirect_dma source(%dma_start3A_199 : memref<100000xf32, #tpu.memory_space<vmem_shared>>) target(%dma_start3A_195 : memref<128xf32, #tpu.memory_space<vmem>>) offsets(%dma_start3A_197 : memref<128xi32, #tpu.memory_space<vmem>>) semaphore(%arg29 : memref<!tpu.dma_semaphore, #tpu.memory_space<semaphore_mem>>)
    %dma_start3A_200 = arith.constant 640 : i32
    %dma_start3A_201 = tpu.memref_slice %arg16[%dma_start3A_200] : memref<1280xf32, #tpu.memory_space<vmem>> -> memref<128xf32, #tpu.memory_space<vmem>>
    %dma_start3A_202 = arith.constant 640 : i32
    %dma_start3A_203 = tpu.memref_slice %arg8[%dma_start3A_202] : memref<1280xi32, #tpu.memory_space<vmem>> -> memref<128xi32, #tpu.memory_space<vmem>>
    %dma_start3A_204 = arith.constant 0 : i32
    %dma_start3A_205 = tpu.memref_slice %arg28[%dma_start3A_204] : memref<100000xf32, #tpu.memory_space<vmem_shared>> -> memref<100000xf32, #tpu.memory_space<vmem_shared>>
    tpu.enqueue_indirect_dma source(%dma_start3A_205 : memref<100000xf32, #tpu.memory_space<vmem_shared>>) target(%dma_start3A_201 : memref<128xf32, #tpu.memory_space<vmem>>) offsets(%dma_start3A_203 : memref<128xi32, #tpu.memory_space<vmem>>) semaphore(%arg29 : memref<!tpu.dma_semaphore, #tpu.memory_space<semaphore_mem>>)
    %dma_start3A_206 = arith.constant 640 : i32
    %dma_start3A_207 = tpu.memref_slice %arg18[%dma_start3A_206] : memref<1280xf32, #tpu.memory_space<vmem>> -> memref<128xf32, #tpu.memory_space<vmem>>
    %dma_start3A_208 = arith.constant 640 : i32
    %dma_start3A_209 = tpu.memref_slice %arg10[%dma_start3A_208] : memref<1280xi32, #tpu.memory_space<vmem>> -> memref<128xi32, #tpu.memory_space<vmem>>
    %dma_start3A_210 = arith.constant 0 : i32
    %dma_start3A_211 = tpu.memref_slice %arg26[%dma_start3A_210] : memref<100000xf32, #tpu.memory_space<vmem_shared>> -> memref<100000xf32, #tpu.memory_space<vmem_shared>>
    tpu.enqueue_indirect_dma source(%dma_start3A_211 : memref<100000xf32, #tpu.memory_space<vmem_shared>>) target(%dma_start3A_207 : memref<128xf32, #tpu.memory_space<vmem>>) offsets(%dma_start3A_209 : memref<128xi32, #tpu.memory_space<vmem>>) semaphore(%arg29 : memref<!tpu.dma_semaphore, #tpu.memory_space<semaphore_mem>>)
    %dma_start3A_212 = arith.constant 640 : i32
    %dma_start3A_213 = tpu.memref_slice %arg20[%dma_start3A_212] : memref<1280xf32, #tpu.memory_space<vmem>> -> memref<128xf32, #tpu.memory_space<vmem>>
    %dma_start3A_214 = arith.constant 640 : i32
    %dma_start3A_215 = tpu.memref_slice %arg10[%dma_start3A_214] : memref<1280xi32, #tpu.memory_space<vmem>> -> memref<128xi32, #tpu.memory_space<vmem>>
    %dma_start3A_216 = arith.constant 0 : i32
    %dma_start3A_217 = tpu.memref_slice %arg27[%dma_start3A_216] : memref<100000xf32, #tpu.memory_space<vmem_shared>> -> memref<100000xf32, #tpu.memory_space<vmem_shared>>
    tpu.enqueue_indirect_dma source(%dma_start3A_217 : memref<100000xf32, #tpu.memory_space<vmem_shared>>) target(%dma_start3A_213 : memref<128xf32, #tpu.memory_space<vmem>>) offsets(%dma_start3A_215 : memref<128xi32, #tpu.memory_space<vmem>>) semaphore(%arg29 : memref<!tpu.dma_semaphore, #tpu.memory_space<semaphore_mem>>)
    %dma_start3A_218 = arith.constant 640 : i32
    %dma_start3A_219 = tpu.memref_slice %arg22[%dma_start3A_218] : memref<1280xf32, #tpu.memory_space<vmem>> -> memref<128xf32, #tpu.memory_space<vmem>>
    %dma_start3A_220 = arith.constant 640 : i32
    %dma_start3A_221 = tpu.memref_slice %arg10[%dma_start3A_220] : memref<1280xi32, #tpu.memory_space<vmem>> -> memref<128xi32, #tpu.memory_space<vmem>>
    %dma_start3A_222 = arith.constant 0 : i32
    %dma_start3A_223 = tpu.memref_slice %arg28[%dma_start3A_222] : memref<100000xf32, #tpu.memory_space<vmem_shared>> -> memref<100000xf32, #tpu.memory_space<vmem_shared>>
    tpu.enqueue_indirect_dma source(%dma_start3A_223 : memref<100000xf32, #tpu.memory_space<vmem_shared>>) target(%dma_start3A_219 : memref<128xf32, #tpu.memory_space<vmem>>) offsets(%dma_start3A_221 : memref<128xi32, #tpu.memory_space<vmem>>) semaphore(%arg29 : memref<!tpu.dma_semaphore, #tpu.memory_space<semaphore_mem>>)
    %dma_start3A_224 = arith.constant 768 : i32
    %dma_start3A_225 = tpu.memref_slice %arg12[%dma_start3A_224] : memref<1280xf32, #tpu.memory_space<vmem>> -> memref<128xf32, #tpu.memory_space<vmem>>
    %dma_start3A_226 = arith.constant 768 : i32
    %dma_start3A_227 = tpu.memref_slice %arg8[%dma_start3A_226] : memref<1280xi32, #tpu.memory_space<vmem>> -> memref<128xi32, #tpu.memory_space<vmem>>
    %dma_start3A_228 = arith.constant 0 : i32
    %dma_start3A_229 = tpu.memref_slice %arg26[%dma_start3A_228] : memref<100000xf32, #tpu.memory_space<vmem_shared>> -> memref<100000xf32, #tpu.memory_space<vmem_shared>>
    tpu.enqueue_indirect_dma source(%dma_start3A_229 : memref<100000xf32, #tpu.memory_space<vmem_shared>>) target(%dma_start3A_225 : memref<128xf32, #tpu.memory_space<vmem>>) offsets(%dma_start3A_227 : memref<128xi32, #tpu.memory_space<vmem>>) semaphore(%arg29 : memref<!tpu.dma_semaphore, #tpu.memory_space<semaphore_mem>>)
    %dma_start3A_230 = arith.constant 768 : i32
    %dma_start3A_231 = tpu.memref_slice %arg14[%dma_start3A_230] : memref<1280xf32, #tpu.memory_space<vmem>> -> memref<128xf32, #tpu.memory_space<vmem>>
    %dma_start3A_232 = arith.constant 768 : i32
    %dma_start3A_233 = tpu.memref_slice %arg8[%dma_start3A_232] : memref<1280xi32, #tpu.memory_space<vmem>> -> memref<128xi32, #tpu.memory_space<vmem>>
    %dma_start3A_234 = arith.constant 0 : i32
    %dma_start3A_235 = tpu.memref_slice %arg27[%dma_start3A_234] : memref<100000xf32, #tpu.memory_space<vmem_shared>> -> memref<100000xf32, #tpu.memory_space<vmem_shared>>
    tpu.enqueue_indirect_dma source(%dma_start3A_235 : memref<100000xf32, #tpu.memory_space<vmem_shared>>) target(%dma_start3A_231 : memref<128xf32, #tpu.memory_space<vmem>>) offsets(%dma_start3A_233 : memref<128xi32, #tpu.memory_space<vmem>>) semaphore(%arg29 : memref<!tpu.dma_semaphore, #tpu.memory_space<semaphore_mem>>)
    %dma_start3A_236 = arith.constant 768 : i32
    %dma_start3A_237 = tpu.memref_slice %arg16[%dma_start3A_236] : memref<1280xf32, #tpu.memory_space<vmem>> -> memref<128xf32, #tpu.memory_space<vmem>>
    %dma_start3A_238 = arith.constant 768 : i32
    %dma_start3A_239 = tpu.memref_slice %arg8[%dma_start3A_238] : memref<1280xi32, #tpu.memory_space<vmem>> -> memref<128xi32, #tpu.memory_space<vmem>>
    %dma_start3A_240 = arith.constant 0 : i32
    %dma_start3A_241 = tpu.memref_slice %arg28[%dma_start3A_240] : memref<100000xf32, #tpu.memory_space<vmem_shared>> -> memref<100000xf32, #tpu.memory_space<vmem_shared>>
    tpu.enqueue_indirect_dma source(%dma_start3A_241 : memref<100000xf32, #tpu.memory_space<vmem_shared>>) target(%dma_start3A_237 : memref<128xf32, #tpu.memory_space<vmem>>) offsets(%dma_start3A_239 : memref<128xi32, #tpu.memory_space<vmem>>) semaphore(%arg29 : memref<!tpu.dma_semaphore, #tpu.memory_space<semaphore_mem>>)
    %dma_start3A_242 = arith.constant 768 : i32
    %dma_start3A_243 = tpu.memref_slice %arg18[%dma_start3A_242] : memref<1280xf32, #tpu.memory_space<vmem>> -> memref<128xf32, #tpu.memory_space<vmem>>
    %dma_start3A_244 = arith.constant 768 : i32
    %dma_start3A_245 = tpu.memref_slice %arg10[%dma_start3A_244] : memref<1280xi32, #tpu.memory_space<vmem>> -> memref<128xi32, #tpu.memory_space<vmem>>
    %dma_start3A_246 = arith.constant 0 : i32
    %dma_start3A_247 = tpu.memref_slice %arg26[%dma_start3A_246] : memref<100000xf32, #tpu.memory_space<vmem_shared>> -> memref<100000xf32, #tpu.memory_space<vmem_shared>>
    tpu.enqueue_indirect_dma source(%dma_start3A_247 : memref<100000xf32, #tpu.memory_space<vmem_shared>>) target(%dma_start3A_243 : memref<128xf32, #tpu.memory_space<vmem>>) offsets(%dma_start3A_245 : memref<128xi32, #tpu.memory_space<vmem>>) semaphore(%arg29 : memref<!tpu.dma_semaphore, #tpu.memory_space<semaphore_mem>>)
    %dma_start3A_248 = arith.constant 768 : i32
    %dma_start3A_249 = tpu.memref_slice %arg20[%dma_start3A_248] : memref<1280xf32, #tpu.memory_space<vmem>> -> memref<128xf32, #tpu.memory_space<vmem>>
    %dma_start3A_250 = arith.constant 768 : i32
    %dma_start3A_251 = tpu.memref_slice %arg10[%dma_start3A_250] : memref<1280xi32, #tpu.memory_space<vmem>> -> memref<128xi32, #tpu.memory_space<vmem>>
    %dma_start3A_252 = arith.constant 0 : i32
    %dma_start3A_253 = tpu.memref_slice %arg27[%dma_start3A_252] : memref<100000xf32, #tpu.memory_space<vmem_shared>> -> memref<100000xf32, #tpu.memory_space<vmem_shared>>
    tpu.enqueue_indirect_dma source(%dma_start3A_253 : memref<100000xf32, #tpu.memory_space<vmem_shared>>) target(%dma_start3A_249 : memref<128xf32, #tpu.memory_space<vmem>>) offsets(%dma_start3A_251 : memref<128xi32, #tpu.memory_space<vmem>>) semaphore(%arg29 : memref<!tpu.dma_semaphore, #tpu.memory_space<semaphore_mem>>)
    %dma_start3A_254 = arith.constant 768 : i32
    %dma_start3A_255 = tpu.memref_slice %arg22[%dma_start3A_254] : memref<1280xf32, #tpu.memory_space<vmem>> -> memref<128xf32, #tpu.memory_space<vmem>>
    %dma_start3A_256 = arith.constant 768 : i32
    %dma_start3A_257 = tpu.memref_slice %arg10[%dma_start3A_256] : memref<1280xi32, #tpu.memory_space<vmem>> -> memref<128xi32, #tpu.memory_space<vmem>>
    %dma_start3A_258 = arith.constant 0 : i32
    %dma_start3A_259 = tpu.memref_slice %arg28[%dma_start3A_258] : memref<100000xf32, #tpu.memory_space<vmem_shared>> -> memref<100000xf32, #tpu.memory_space<vmem_shared>>
    tpu.enqueue_indirect_dma source(%dma_start3A_259 : memref<100000xf32, #tpu.memory_space<vmem_shared>>) target(%dma_start3A_255 : memref<128xf32, #tpu.memory_space<vmem>>) offsets(%dma_start3A_257 : memref<128xi32, #tpu.memory_space<vmem>>) semaphore(%arg29 : memref<!tpu.dma_semaphore, #tpu.memory_space<semaphore_mem>>)
    %dma_start3A_260 = arith.constant 896 : i32
    %dma_start3A_261 = tpu.memref_slice %arg12[%dma_start3A_260] : memref<1280xf32, #tpu.memory_space<vmem>> -> memref<128xf32, #tpu.memory_space<vmem>>
    %dma_start3A_262 = arith.constant 896 : i32
    %dma_start3A_263 = tpu.memref_slice %arg8[%dma_start3A_262] : memref<1280xi32, #tpu.memory_space<vmem>> -> memref<128xi32, #tpu.memory_space<vmem>>
    %dma_start3A_264 = arith.constant 0 : i32
    %dma_start3A_265 = tpu.memref_slice %arg26[%dma_start3A_264] : memref<100000xf32, #tpu.memory_space<vmem_shared>> -> memref<100000xf32, #tpu.memory_space<vmem_shared>>
    tpu.enqueue_indirect_dma source(%dma_start3A_265 : memref<100000xf32, #tpu.memory_space<vmem_shared>>) target(%dma_start3A_261 : memref<128xf32, #tpu.memory_space<vmem>>) offsets(%dma_start3A_263 : memref<128xi32, #tpu.memory_space<vmem>>) semaphore(%arg29 : memref<!tpu.dma_semaphore, #tpu.memory_space<semaphore_mem>>)
    %dma_start3A_266 = arith.constant 896 : i32
    %dma_start3A_267 = tpu.memref_slice %arg14[%dma_start3A_266] : memref<1280xf32, #tpu.memory_space<vmem>> -> memref<128xf32, #tpu.memory_space<vmem>>
    %dma_start3A_268 = arith.constant 896 : i32
    %dma_start3A_269 = tpu.memref_slice %arg8[%dma_start3A_268] : memref<1280xi32, #tpu.memory_space<vmem>> -> memref<128xi32, #tpu.memory_space<vmem>>
    %dma_start3A_270 = arith.constant 0 : i32
    %dma_start3A_271 = tpu.memref_slice %arg27[%dma_start3A_270] : memref<100000xf32, #tpu.memory_space<vmem_shared>> -> memref<100000xf32, #tpu.memory_space<vmem_shared>>
    tpu.enqueue_indirect_dma source(%dma_start3A_271 : memref<100000xf32, #tpu.memory_space<vmem_shared>>) target(%dma_start3A_267 : memref<128xf32, #tpu.memory_space<vmem>>) offsets(%dma_start3A_269 : memref<128xi32, #tpu.memory_space<vmem>>) semaphore(%arg29 : memref<!tpu.dma_semaphore, #tpu.memory_space<semaphore_mem>>)
    %dma_start3A_272 = arith.constant 896 : i32
    %dma_start3A_273 = tpu.memref_slice %arg16[%dma_start3A_272] : memref<1280xf32, #tpu.memory_space<vmem>> -> memref<128xf32, #tpu.memory_space<vmem>>
    %dma_start3A_274 = arith.constant 896 : i32
    %dma_start3A_275 = tpu.memref_slice %arg8[%dma_start3A_274] : memref<1280xi32, #tpu.memory_space<vmem>> -> memref<128xi32, #tpu.memory_space<vmem>>
    %dma_start3A_276 = arith.constant 0 : i32
    %dma_start3A_277 = tpu.memref_slice %arg28[%dma_start3A_276] : memref<100000xf32, #tpu.memory_space<vmem_shared>> -> memref<100000xf32, #tpu.memory_space<vmem_shared>>
    tpu.enqueue_indirect_dma source(%dma_start3A_277 : memref<100000xf32, #tpu.memory_space<vmem_shared>>) target(%dma_start3A_273 : memref<128xf32, #tpu.memory_space<vmem>>) offsets(%dma_start3A_275 : memref<128xi32, #tpu.memory_space<vmem>>) semaphore(%arg29 : memref<!tpu.dma_semaphore, #tpu.memory_space<semaphore_mem>>)
    %dma_start3A_278 = arith.constant 896 : i32
    %dma_start3A_279 = tpu.memref_slice %arg18[%dma_start3A_278] : memref<1280xf32, #tpu.memory_space<vmem>> -> memref<128xf32, #tpu.memory_space<vmem>>
    %dma_start3A_280 = arith.constant 896 : i32
    %dma_start3A_281 = tpu.memref_slice %arg10[%dma_start3A_280] : memref<1280xi32, #tpu.memory_space<vmem>> -> memref<128xi32, #tpu.memory_space<vmem>>
    %dma_start3A_282 = arith.constant 0 : i32
    %dma_start3A_283 = tpu.memref_slice %arg26[%dma_start3A_282] : memref<100000xf32, #tpu.memory_space<vmem_shared>> -> memref<100000xf32, #tpu.memory_space<vmem_shared>>
    tpu.enqueue_indirect_dma source(%dma_start3A_283 : memref<100000xf32, #tpu.memory_space<vmem_shared>>) target(%dma_start3A_279 : memref<128xf32, #tpu.memory_space<vmem>>) offsets(%dma_start3A_281 : memref<128xi32, #tpu.memory_space<vmem>>) semaphore(%arg29 : memref<!tpu.dma_semaphore, #tpu.memory_space<semaphore_mem>>)
    %dma_start3A_284 = arith.constant 896 : i32
    %dma_start3A_285 = tpu.memref_slice %arg20[%dma_start3A_284] : memref<1280xf32, #tpu.memory_space<vmem>> -> memref<128xf32, #tpu.memory_space<vmem>>
    %dma_start3A_286 = arith.constant 896 : i32
    %dma_start3A_287 = tpu.memref_slice %arg10[%dma_start3A_286] : memref<1280xi32, #tpu.memory_space<vmem>> -> memref<128xi32, #tpu.memory_space<vmem>>
    %dma_start3A_288 = arith.constant 0 : i32
    %dma_start3A_289 = tpu.memref_slice %arg27[%dma_start3A_288] : memref<100000xf32, #tpu.memory_space<vmem_shared>> -> memref<100000xf32, #tpu.memory_space<vmem_shared>>
    tpu.enqueue_indirect_dma source(%dma_start3A_289 : memref<100000xf32, #tpu.memory_space<vmem_shared>>) target(%dma_start3A_285 : memref<128xf32, #tpu.memory_space<vmem>>) offsets(%dma_start3A_287 : memref<128xi32, #tpu.memory_space<vmem>>) semaphore(%arg29 : memref<!tpu.dma_semaphore, #tpu.memory_space<semaphore_mem>>)
    %dma_start3A_290 = arith.constant 896 : i32
    %dma_start3A_291 = tpu.memref_slice %arg22[%dma_start3A_290] : memref<1280xf32, #tpu.memory_space<vmem>> -> memref<128xf32, #tpu.memory_space<vmem>>
    %dma_start3A_292 = arith.constant 896 : i32
    %dma_start3A_293 = tpu.memref_slice %arg10[%dma_start3A_292] : memref<1280xi32, #tpu.memory_space<vmem>> -> memref<128xi32, #tpu.memory_space<vmem>>
    %dma_start3A_294 = arith.constant 0 : i32
    %dma_start3A_295 = tpu.memref_slice %arg28[%dma_start3A_294] : memref<100000xf32, #tpu.memory_space<vmem_shared>> -> memref<100000xf32, #tpu.memory_space<vmem_shared>>
    tpu.enqueue_indirect_dma source(%dma_start3A_295 : memref<100000xf32, #tpu.memory_space<vmem_shared>>) target(%dma_start3A_291 : memref<128xf32, #tpu.memory_space<vmem>>) offsets(%dma_start3A_293 : memref<128xi32, #tpu.memory_space<vmem>>) semaphore(%arg29 : memref<!tpu.dma_semaphore, #tpu.memory_space<semaphore_mem>>)
    %dma_start3A_296 = arith.constant 1024 : i32
    %dma_start3A_297 = tpu.memref_slice %arg12[%dma_start3A_296] : memref<1280xf32, #tpu.memory_space<vmem>> -> memref<128xf32, #tpu.memory_space<vmem>>
    %dma_start3A_298 = arith.constant 1024 : i32
    %dma_start3A_299 = tpu.memref_slice %arg8[%dma_start3A_298] : memref<1280xi32, #tpu.memory_space<vmem>> -> memref<128xi32, #tpu.memory_space<vmem>>
    %dma_start3A_300 = arith.constant 0 : i32
    %dma_start3A_301 = tpu.memref_slice %arg26[%dma_start3A_300] : memref<100000xf32, #tpu.memory_space<vmem_shared>> -> memref<100000xf32, #tpu.memory_space<vmem_shared>>
    tpu.enqueue_indirect_dma source(%dma_start3A_301 : memref<100000xf32, #tpu.memory_space<vmem_shared>>) target(%dma_start3A_297 : memref<128xf32, #tpu.memory_space<vmem>>) offsets(%dma_start3A_299 : memref<128xi32, #tpu.memory_space<vmem>>) semaphore(%arg29 : memref<!tpu.dma_semaphore, #tpu.memory_space<semaphore_mem>>)
    %dma_start3A_302 = arith.constant 1024 : i32
    %dma_start3A_303 = tpu.memref_slice %arg14[%dma_start3A_302] : memref<1280xf32, #tpu.memory_space<vmem>> -> memref<128xf32, #tpu.memory_space<vmem>>
    %dma_start3A_304 = arith.constant 1024 : i32
    %dma_start3A_305 = tpu.memref_slice %arg8[%dma_start3A_304] : memref<1280xi32, #tpu.memory_space<vmem>> -> memref<128xi32, #tpu.memory_space<vmem>>
    %dma_start3A_306 = arith.constant 0 : i32
    %dma_start3A_307 = tpu.memref_slice %arg27[%dma_start3A_306] : memref<100000xf32, #tpu.memory_space<vmem_shared>> -> memref<100000xf32, #tpu.memory_space<vmem_shared>>
    tpu.enqueue_indirect_dma source(%dma_start3A_307 : memref<100000xf32, #tpu.memory_space<vmem_shared>>) target(%dma_start3A_303 : memref<128xf32, #tpu.memory_space<vmem>>) offsets(%dma_start3A_305 : memref<128xi32, #tpu.memory_space<vmem>>) semaphore(%arg29 : memref<!tpu.dma_semaphore, #tpu.memory_space<semaphore_mem>>)
    %dma_start3A_308 = arith.constant 1024 : i32
    %dma_start3A_309 = tpu.memref_slice %arg16[%dma_start3A_308] : memref<1280xf32, #tpu.memory_space<vmem>> -> memref<128xf32, #tpu.memory_space<vmem>>
    %dma_start3A_310 = arith.constant 1024 : i32
    %dma_start3A_311 = tpu.memref_slice %arg8[%dma_start3A_310] : memref<1280xi32, #tpu.memory_space<vmem>> -> memref<128xi32, #tpu.memory_space<vmem>>
    %dma_start3A_312 = arith.constant 0 : i32
    %dma_start3A_313 = tpu.memref_slice %arg28[%dma_start3A_312] : memref<100000xf32, #tpu.memory_space<vmem_shared>> -> memref<100000xf32, #tpu.memory_space<vmem_shared>>
    tpu.enqueue_indirect_dma source(%dma_start3A_313 : memref<100000xf32, #tpu.memory_space<vmem_shared>>) target(%dma_start3A_309 : memref<128xf32, #tpu.memory_space<vmem>>) offsets(%dma_start3A_311 : memref<128xi32, #tpu.memory_space<vmem>>) semaphore(%arg29 : memref<!tpu.dma_semaphore, #tpu.memory_space<semaphore_mem>>)
    %dma_start3A_314 = arith.constant 1024 : i32
    %dma_start3A_315 = tpu.memref_slice %arg18[%dma_start3A_314] : memref<1280xf32, #tpu.memory_space<vmem>> -> memref<128xf32, #tpu.memory_space<vmem>>
    %dma_start3A_316 = arith.constant 1024 : i32
    %dma_start3A_317 = tpu.memref_slice %arg10[%dma_start3A_316] : memref<1280xi32, #tpu.memory_space<vmem>> -> memref<128xi32, #tpu.memory_space<vmem>>
    %dma_start3A_318 = arith.constant 0 : i32
    %dma_start3A_319 = tpu.memref_slice %arg26[%dma_start3A_318] : memref<100000xf32, #tpu.memory_space<vmem_shared>> -> memref<100000xf32, #tpu.memory_space<vmem_shared>>
    tpu.enqueue_indirect_dma source(%dma_start3A_319 : memref<100000xf32, #tpu.memory_space<vmem_shared>>) target(%dma_start3A_315 : memref<128xf32, #tpu.memory_space<vmem>>) offsets(%dma_start3A_317 : memref<128xi32, #tpu.memory_space<vmem>>) semaphore(%arg29 : memref<!tpu.dma_semaphore, #tpu.memory_space<semaphore_mem>>)
    %dma_start3A_320 = arith.constant 1024 : i32
    %dma_start3A_321 = tpu.memref_slice %arg20[%dma_start3A_320] : memref<1280xf32, #tpu.memory_space<vmem>> -> memref<128xf32, #tpu.memory_space<vmem>>
    %dma_start3A_322 = arith.constant 1024 : i32
    %dma_start3A_323 = tpu.memref_slice %arg10[%dma_start3A_322] : memref<1280xi32, #tpu.memory_space<vmem>> -> memref<128xi32, #tpu.memory_space<vmem>>
    %dma_start3A_324 = arith.constant 0 : i32
    %dma_start3A_325 = tpu.memref_slice %arg27[%dma_start3A_324] : memref<100000xf32, #tpu.memory_space<vmem_shared>> -> memref<100000xf32, #tpu.memory_space<vmem_shared>>
    tpu.enqueue_indirect_dma source(%dma_start3A_325 : memref<100000xf32, #tpu.memory_space<vmem_shared>>) target(%dma_start3A_321 : memref<128xf32, #tpu.memory_space<vmem>>) offsets(%dma_start3A_323 : memref<128xi32, #tpu.memory_space<vmem>>) semaphore(%arg29 : memref<!tpu.dma_semaphore, #tpu.memory_space<semaphore_mem>>)
    %dma_start3A_326 = arith.constant 1024 : i32
    %dma_start3A_327 = tpu.memref_slice %arg22[%dma_start3A_326] : memref<1280xf32, #tpu.memory_space<vmem>> -> memref<128xf32, #tpu.memory_space<vmem>>
    %dma_start3A_328 = arith.constant 1024 : i32
    %dma_start3A_329 = tpu.memref_slice %arg10[%dma_start3A_328] : memref<1280xi32, #tpu.memory_space<vmem>> -> memref<128xi32, #tpu.memory_space<vmem>>
    %dma_start3A_330 = arith.constant 0 : i32
    %dma_start3A_331 = tpu.memref_slice %arg28[%dma_start3A_330] : memref<100000xf32, #tpu.memory_space<vmem_shared>> -> memref<100000xf32, #tpu.memory_space<vmem_shared>>
    tpu.enqueue_indirect_dma source(%dma_start3A_331 : memref<100000xf32, #tpu.memory_space<vmem_shared>>) target(%dma_start3A_327 : memref<128xf32, #tpu.memory_space<vmem>>) offsets(%dma_start3A_329 : memref<128xi32, #tpu.memory_space<vmem>>) semaphore(%arg29 : memref<!tpu.dma_semaphore, #tpu.memory_space<semaphore_mem>>)
    %dma_start3A_332 = arith.constant 1152 : i32
    %dma_start3A_333 = tpu.memref_slice %arg12[%dma_start3A_332] : memref<1280xf32, #tpu.memory_space<vmem>> -> memref<128xf32, #tpu.memory_space<vmem>>
    %dma_start3A_334 = arith.constant 1152 : i32
    %dma_start3A_335 = tpu.memref_slice %arg8[%dma_start3A_334] : memref<1280xi32, #tpu.memory_space<vmem>> -> memref<128xi32, #tpu.memory_space<vmem>>
    %dma_start3A_336 = arith.constant 0 : i32
    %dma_start3A_337 = tpu.memref_slice %arg26[%dma_start3A_336] : memref<100000xf32, #tpu.memory_space<vmem_shared>> -> memref<100000xf32, #tpu.memory_space<vmem_shared>>
    tpu.enqueue_indirect_dma source(%dma_start3A_337 : memref<100000xf32, #tpu.memory_space<vmem_shared>>) target(%dma_start3A_333 : memref<128xf32, #tpu.memory_space<vmem>>) offsets(%dma_start3A_335 : memref<128xi32, #tpu.memory_space<vmem>>) semaphore(%arg29 : memref<!tpu.dma_semaphore, #tpu.memory_space<semaphore_mem>>)
    %dma_start3A_338 = arith.constant 1152 : i32
    %dma_start3A_339 = tpu.memref_slice %arg14[%dma_start3A_338] : memref<1280xf32, #tpu.memory_space<vmem>> -> memref<128xf32, #tpu.memory_space<vmem>>
    %dma_start3A_340 = arith.constant 1152 : i32
    %dma_start3A_341 = tpu.memref_slice %arg8[%dma_start3A_340] : memref<1280xi32, #tpu.memory_space<vmem>> -> memref<128xi32, #tpu.memory_space<vmem>>
    %dma_start3A_342 = arith.constant 0 : i32
    %dma_start3A_343 = tpu.memref_slice %arg27[%dma_start3A_342] : memref<100000xf32, #tpu.memory_space<vmem_shared>> -> memref<100000xf32, #tpu.memory_space<vmem_shared>>
    tpu.enqueue_indirect_dma source(%dma_start3A_343 : memref<100000xf32, #tpu.memory_space<vmem_shared>>) target(%dma_start3A_339 : memref<128xf32, #tpu.memory_space<vmem>>) offsets(%dma_start3A_341 : memref<128xi32, #tpu.memory_space<vmem>>) semaphore(%arg29 : memref<!tpu.dma_semaphore, #tpu.memory_space<semaphore_mem>>)
    %dma_start3A_344 = arith.constant 1152 : i32
    %dma_start3A_345 = tpu.memref_slice %arg16[%dma_start3A_344] : memref<1280xf32, #tpu.memory_space<vmem>> -> memref<128xf32, #tpu.memory_space<vmem>>
    %dma_start3A_346 = arith.constant 1152 : i32
    %dma_start3A_347 = tpu.memref_slice %arg8[%dma_start3A_346] : memref<1280xi32, #tpu.memory_space<vmem>> -> memref<128xi32, #tpu.memory_space<vmem>>
    %dma_start3A_348 = arith.constant 0 : i32
    %dma_start3A_349 = tpu.memref_slice %arg28[%dma_start3A_348] : memref<100000xf32, #tpu.memory_space<vmem_shared>> -> memref<100000xf32, #tpu.memory_space<vmem_shared>>
    tpu.enqueue_indirect_dma source(%dma_start3A_349 : memref<100000xf32, #tpu.memory_space<vmem_shared>>) target(%dma_start3A_345 : memref<128xf32, #tpu.memory_space<vmem>>) offsets(%dma_start3A_347 : memref<128xi32, #tpu.memory_space<vmem>>) semaphore(%arg29 : memref<!tpu.dma_semaphore, #tpu.memory_space<semaphore_mem>>)
    %dma_start3A_350 = arith.constant 1152 : i32
    %dma_start3A_351 = tpu.memref_slice %arg18[%dma_start3A_350] : memref<1280xf32, #tpu.memory_space<vmem>> -> memref<128xf32, #tpu.memory_space<vmem>>
    %dma_start3A_352 = arith.constant 1152 : i32
    %dma_start3A_353 = tpu.memref_slice %arg10[%dma_start3A_352] : memref<1280xi32, #tpu.memory_space<vmem>> -> memref<128xi32, #tpu.memory_space<vmem>>
    %dma_start3A_354 = arith.constant 0 : i32
    %dma_start3A_355 = tpu.memref_slice %arg26[%dma_start3A_354] : memref<100000xf32, #tpu.memory_space<vmem_shared>> -> memref<100000xf32, #tpu.memory_space<vmem_shared>>
    tpu.enqueue_indirect_dma source(%dma_start3A_355 : memref<100000xf32, #tpu.memory_space<vmem_shared>>) target(%dma_start3A_351 : memref<128xf32, #tpu.memory_space<vmem>>) offsets(%dma_start3A_353 : memref<128xi32, #tpu.memory_space<vmem>>) semaphore(%arg29 : memref<!tpu.dma_semaphore, #tpu.memory_space<semaphore_mem>>)
    %dma_start3A_356 = arith.constant 1152 : i32
    %dma_start3A_357 = tpu.memref_slice %arg20[%dma_start3A_356] : memref<1280xf32, #tpu.memory_space<vmem>> -> memref<128xf32, #tpu.memory_space<vmem>>
    %dma_start3A_358 = arith.constant 1152 : i32
    %dma_start3A_359 = tpu.memref_slice %arg10[%dma_start3A_358] : memref<1280xi32, #tpu.memory_space<vmem>> -> memref<128xi32, #tpu.memory_space<vmem>>
    %dma_start3A_360 = arith.constant 0 : i32
    %dma_start3A_361 = tpu.memref_slice %arg27[%dma_start3A_360] : memref<100000xf32, #tpu.memory_space<vmem_shared>> -> memref<100000xf32, #tpu.memory_space<vmem_shared>>
    tpu.enqueue_indirect_dma source(%dma_start3A_361 : memref<100000xf32, #tpu.memory_space<vmem_shared>>) target(%dma_start3A_357 : memref<128xf32, #tpu.memory_space<vmem>>) offsets(%dma_start3A_359 : memref<128xi32, #tpu.memory_space<vmem>>) semaphore(%arg29 : memref<!tpu.dma_semaphore, #tpu.memory_space<semaphore_mem>>)
    %dma_start3A_362 = arith.constant 1152 : i32
    %dma_start3A_363 = tpu.memref_slice %arg22[%dma_start3A_362] : memref<1280xf32, #tpu.memory_space<vmem>> -> memref<128xf32, #tpu.memory_space<vmem>>
    %dma_start3A_364 = arith.constant 1152 : i32
    %dma_start3A_365 = tpu.memref_slice %arg10[%dma_start3A_364] : memref<1280xi32, #tpu.memory_space<vmem>> -> memref<128xi32, #tpu.memory_space<vmem>>
    %dma_start3A_366 = arith.constant 0 : i32
    %dma_start3A_367 = tpu.memref_slice %arg28[%dma_start3A_366] : memref<100000xf32, #tpu.memory_space<vmem_shared>> -> memref<100000xf32, #tpu.memory_space<vmem_shared>>
    tpu.enqueue_indirect_dma source(%dma_start3A_367 : memref<100000xf32, #tpu.memory_space<vmem_shared>>) target(%dma_start3A_363 : memref<128xf32, #tpu.memory_space<vmem>>) offsets(%dma_start3A_365 : memref<128xi32, #tpu.memory_space<vmem>>) semaphore(%arg29 : memref<!tpu.dma_semaphore, #tpu.memory_space<semaphore_mem>>)
    %scan3A = arith.constant 0 : i32
    %scan3A_368 = arith.constant 0 : i32
    %scan3A_369 = arith.constant 39 : i32
    %scan3A_370 = arith.addi %scan3A_368, %scan3A_369 : i32
    %scan3A_371 = arith.constant 1 : i32
    %scan3A_372 = scf.for %scan3A_402 = %scan3A_368 to %scan3A_370 step %scan3A_371 iter_args(%scan3A_403 = %scan3A) -> (i32)  : i32 {
      %mul3A_404 = arith.constant 2 : i32
      %mul3A_405 = arith.muli %scan3A_402, %mul3A_404 : i32
      %add3A_406 = arith.constant 0 : i32
      %add3A_407 = arith.addi %mul3A_405, %add3A_406 : i32
      %lt3A_408 = arith.constant 77 : i32
      %lt3A_409 = arith.cmpi slt, %add3A_407, %lt3A_408 : i32
      %convert_element_type3A_410 = arith.extui %lt3A_409 : i1 to i32
      %cond3A_411 = arith.constant 0 : i32
      %cond3A_412 = arith.cmpi ne, %convert_element_type3A_410, %cond3A_411 : i32
      scf.if %cond3A_412 {
        %add3A_556 = arith.constant 1 : i32
        %add3A_557 = arith.addi %add3A_407, %add3A_556 : i32
        %mul3A_558 = arith.constant 1280 : i32
        %mul3A_559 = arith.muli %add3A_557, %mul3A_558 : i32
        %add3A_560 = arith.addi %mul3A_6, %mul3A_559 : i32
        "tpu.region"() ({
          %run_scoped3A = tpu.sem_alloc : memref<!tpu.dma_semaphore, #tpu.memory_space<semaphore_mem>>
          %dma_start3A_921 = arith.constant 0 : i32
          %dma_start3A_922 = tpu.memref_slice %arg9[%dma_start3A_921] : memref<1280xi32, #tpu.memory_space<vmem>> -> memref<1280xi32, #tpu.memory_space<vmem>>
          %dma_start3A_923 = tpu.memref_slice %arg5[%add3A_560] : memref<3200000xi32, #tpu.memory_space<hbm>> -> memref<1280xi32, #tpu.memory_space<hbm>>
          %dma_start3A_924 = arith.constant 0 : i32
          %dma_start3A_925 = tpu.memref_slice %arg9[%dma_start3A_924] : memref<1280xi32, #tpu.memory_space<vmem>> -> memref<1280xi32, #tpu.memory_space<vmem>>
          %dma_start3A_926 = tpu.memref_slice %arg5[%add3A_560] : memref<3200000xi32, #tpu.memory_space<hbm>> -> memref<1280xi32, #tpu.memory_space<hbm>>
          tpu.enqueue_dma source(%dma_start3A_926 : memref<1280xi32, #tpu.memory_space<hbm>>) target(%dma_start3A_925 : memref<1280xi32, #tpu.memory_space<vmem>>) target_semaphore(%run_scoped3A : memref<!tpu.dma_semaphore, #tpu.memory_space<semaphore_mem>>)
          %dma_wait3A_927 = arith.constant 0 : i32
          %dma_wait3A_928 = tpu.memref_slice %arg9[%dma_wait3A_927] : memref<1280xi32, #tpu.memory_space<vmem>> -> memref<1280xi32, #tpu.memory_space<vmem>>
          %dma_wait3A_929 = tpu.memref_slice %arg5[%add3A_560] : memref<3200000xi32, #tpu.memory_space<hbm>> -> memref<1280xi32, #tpu.memory_space<hbm>>
          %dma_wait3A_930 = arith.constant 0 : i32
          %dma_wait3A_931 = tpu.memref_slice %arg9[%dma_wait3A_930] : memref<1280xi32, #tpu.memory_space<vmem>> -> memref<1280xi32, #tpu.memory_space<vmem>>
          %dma_wait3A_932 = tpu.memref_slice %arg5[%add3A_560] : memref<3200000xi32, #tpu.memory_space<hbm>> -> memref<1280xi32, #tpu.memory_space<hbm>>
          tpu.wait_dma2 semaphore(%run_scoped3A : memref<!tpu.dma_semaphore, #tpu.memory_space<semaphore_mem>>) src(%dma_wait3A_932 : memref<1280xi32, #tpu.memory_space<hbm>>) dst(%dma_wait3A_931 : memref<1280xi32, #tpu.memory_space<vmem>>)
          tpu.yield
        }) : () -> ()
        "tpu.region"() ({
          %run_scoped3A = tpu.sem_alloc : memref<!tpu.dma_semaphore, #tpu.memory_space<semaphore_mem>>
          %dma_start3A_921 = arith.constant 0 : i32
          %dma_start3A_922 = tpu.memref_slice %arg11[%dma_start3A_921] : memref<1280xi32, #tpu.memory_space<vmem>> -> memref<1280xi32, #tpu.memory_space<vmem>>
          %dma_start3A_923 = tpu.memref_slice %arg6[%add3A_560] : memref<3200000xi32, #tpu.memory_space<hbm>> -> memref<1280xi32, #tpu.memory_space<hbm>>
          %dma_start3A_924 = arith.constant 0 : i32
          %dma_start3A_925 = tpu.memref_slice %arg11[%dma_start3A_924] : memref<1280xi32, #tpu.memory_space<vmem>> -> memref<1280xi32, #tpu.memory_space<vmem>>
          %dma_start3A_926 = tpu.memref_slice %arg6[%add3A_560] : memref<3200000xi32, #tpu.memory_space<hbm>> -> memref<1280xi32, #tpu.memory_space<hbm>>
          tpu.enqueue_dma source(%dma_start3A_926 : memref<1280xi32, #tpu.memory_space<hbm>>) target(%dma_start3A_925 : memref<1280xi32, #tpu.memory_space<vmem>>) target_semaphore(%run_scoped3A : memref<!tpu.dma_semaphore, #tpu.memory_space<semaphore_mem>>)
          %dma_wait3A_927 = arith.constant 0 : i32
          %dma_wait3A_928 = tpu.memref_slice %arg11[%dma_wait3A_927] : memref<1280xi32, #tpu.memory_space<vmem>> -> memref<1280xi32, #tpu.memory_space<vmem>>
          %dma_wait3A_929 = tpu.memref_slice %arg6[%add3A_560] : memref<3200000xi32, #tpu.memory_space<hbm>> -> memref<1280xi32, #tpu.memory_space<hbm>>
          %dma_wait3A_930 = arith.constant 0 : i32
          %dma_wait3A_931 = tpu.memref_slice %arg11[%dma_wait3A_930] : memref<1280xi32, #tpu.memory_space<vmem>> -> memref<1280xi32, #tpu.memory_space<vmem>>
          %dma_wait3A_932 = tpu.memref_slice %arg6[%add3A_560] : memref<3200000xi32, #tpu.memory_space<hbm>> -> memref<1280xi32, #tpu.memory_space<hbm>>
          tpu.wait_dma2 semaphore(%run_scoped3A : memref<!tpu.dma_semaphore, #tpu.memory_space<semaphore_mem>>) src(%dma_wait3A_932 : memref<1280xi32, #tpu.memory_space<hbm>>) dst(%dma_wait3A_931 : memref<1280xi32, #tpu.memory_space<vmem>>)
          tpu.yield
        }) : () -> ()
        %dma_start3A_561 = arith.constant 0 : i32
        %dma_start3A_562 = tpu.memref_slice %arg13[%dma_start3A_561] : memref<1280xf32, #tpu.memory_space<vmem>> -> memref<128xf32, #tpu.memory_space<vmem>>
        %dma_start3A_563 = arith.constant 0 : i32
        %dma_start3A_564 = tpu.memref_slice %arg9[%dma_start3A_563] : memref<1280xi32, #tpu.memory_space<vmem>> -> memref<128xi32, #tpu.memory_space<vmem>>
        %dma_start3A_565 = arith.constant 0 : i32
        %dma_start3A_566 = tpu.memref_slice %arg26[%dma_start3A_565] : memref<100000xf32, #tpu.memory_space<vmem_shared>> -> memref<100000xf32, #tpu.memory_space<vmem_shared>>
        tpu.enqueue_indirect_dma source(%dma_start3A_566 : memref<100000xf32, #tpu.memory_space<vmem_shared>>) target(%dma_start3A_562 : memref<128xf32, #tpu.memory_space<vmem>>) offsets(%dma_start3A_564 : memref<128xi32, #tpu.memory_space<vmem>>) semaphore(%arg30 : memref<!tpu.dma_semaphore, #tpu.memory_space<semaphore_mem>>)
        %dma_start3A_567 = arith.constant 0 : i32
        %dma_start3A_568 = tpu.memref_slice %arg15[%dma_start3A_567] : memref<1280xf32, #tpu.memory_space<vmem>> -> memref<128xf32, #tpu.memory_space<vmem>>
        %dma_start3A_569 = arith.constant 0 : i32
        %dma_start3A_570 = tpu.memref_slice %arg9[%dma_start3A_569] : memref<1280xi32, #tpu.memory_space<vmem>> -> memref<128xi32, #tpu.memory_space<vmem>>
        %dma_start3A_571 = arith.constant 0 : i32
        %dma_start3A_572 = tpu.memref_slice %arg27[%dma_start3A_571] : memref<100000xf32, #tpu.memory_space<vmem_shared>> -> memref<100000xf32, #tpu.memory_space<vmem_shared>>
        tpu.enqueue_indirect_dma source(%dma_start3A_572 : memref<100000xf32, #tpu.memory_space<vmem_shared>>) target(%dma_start3A_568 : memref<128xf32, #tpu.memory_space<vmem>>) offsets(%dma_start3A_570 : memref<128xi32, #tpu.memory_space<vmem>>) semaphore(%arg30 : memref<!tpu.dma_semaphore, #tpu.memory_space<semaphore_mem>>)
        %dma_start3A_573 = arith.constant 0 : i32
        %dma_start3A_574 = tpu.memref_slice %arg17[%dma_start3A_573] : memref<1280xf32, #tpu.memory_space<vmem>> -> memref<128xf32, #tpu.memory_space<vmem>>
        %dma_start3A_575 = arith.constant 0 : i32
        %dma_start3A_576 = tpu.memref_slice %arg9[%dma_start3A_575] : memref<1280xi32, #tpu.memory_space<vmem>> -> memref<128xi32, #tpu.memory_space<vmem>>
        %dma_start3A_577 = arith.constant 0 : i32
        %dma_start3A_578 = tpu.memref_slice %arg28[%dma_start3A_577] : memref<100000xf32, #tpu.memory_space<vmem_shared>> -> memref<100000xf32, #tpu.memory_space<vmem_shared>>
        tpu.enqueue_indirect_dma source(%dma_start3A_578 : memref<100000xf32, #tpu.memory_space<vmem_shared>>) target(%dma_start3A_574 : memref<128xf32, #tpu.memory_space<vmem>>) offsets(%dma_start3A_576 : memref<128xi32, #tpu.memory_space<vmem>>) semaphore(%arg30 : memref<!tpu.dma_semaphore, #tpu.memory_space<semaphore_mem>>)
        %dma_start3A_579 = arith.constant 0 : i32
        %dma_start3A_580 = tpu.memref_slice %arg19[%dma_start3A_579] : memref<1280xf32, #tpu.memory_space<vmem>> -> memref<128xf32, #tpu.memory_space<vmem>>
        %dma_start3A_581 = arith.constant 0 : i32
        %dma_start3A_582 = tpu.memref_slice %arg11[%dma_start3A_581] : memref<1280xi32, #tpu.memory_space<vmem>> -> memref<128xi32, #tpu.memory_space<vmem>>
        %dma_start3A_583 = arith.constant 0 : i32
        %dma_start3A_584 = tpu.memref_slice %arg26[%dma_start3A_583] : memref<100000xf32, #tpu.memory_space<vmem_shared>> -> memref<100000xf32, #tpu.memory_space<vmem_shared>>
        tpu.enqueue_indirect_dma source(%dma_start3A_584 : memref<100000xf32, #tpu.memory_space<vmem_shared>>) target(%dma_start3A_580 : memref<128xf32, #tpu.memory_space<vmem>>) offsets(%dma_start3A_582 : memref<128xi32, #tpu.memory_space<vmem>>) semaphore(%arg30 : memref<!tpu.dma_semaphore, #tpu.memory_space<semaphore_mem>>)
        %dma_start3A_585 = arith.constant 0 : i32
        %dma_start3A_586 = tpu.memref_slice %arg21[%dma_start3A_585] : memref<1280xf32, #tpu.memory_space<vmem>> -> memref<128xf32, #tpu.memory_space<vmem>>
        %dma_start3A_587 = arith.constant 0 : i32
        %dma_start3A_588 = tpu.memref_slice %arg11[%dma_start3A_587] : memref<1280xi32, #tpu.memory_space<vmem>> -> memref<128xi32, #tpu.memory_space<vmem>>
        %dma_start3A_589 = arith.constant 0 : i32
        %dma_start3A_590 = tpu.memref_slice %arg27[%dma_start3A_589] : memref<100000xf32, #tpu.memory_space<vmem_shared>> -> memref<100000xf32, #tpu.memory_space<vmem_shared>>
        tpu.enqueue_indirect_dma source(%dma_start3A_590 : memref<100000xf32, #tpu.memory_space<vmem_shared>>) target(%dma_start3A_586 : memref<128xf32, #tpu.memory_space<vmem>>) offsets(%dma_start3A_588 : memref<128xi32, #tpu.memory_space<vmem>>) semaphore(%arg30 : memref<!tpu.dma_semaphore, #tpu.memory_space<semaphore_mem>>)
        %dma_start3A_591 = arith.constant 0 : i32
        %dma_start3A_592 = tpu.memref_slice %arg23[%dma_start3A_591] : memref<1280xf32, #tpu.memory_space<vmem>> -> memref<128xf32, #tpu.memory_space<vmem>>
        %dma_start3A_593 = arith.constant 0 : i32
        %dma_start3A_594 = tpu.memref_slice %arg11[%dma_start3A_593] : memref<1280xi32, #tpu.memory_space<vmem>> -> memref<128xi32, #tpu.memory_space<vmem>>
        %dma_start3A_595 = arith.constant 0 : i32
        %dma_start3A_596 = tpu.memref_slice %arg28[%dma_start3A_595] : memref<100000xf32, #tpu.memory_space<vmem_shared>> -> memref<100000xf32, #tpu.memory_space<vmem_shared>>
        tpu.enqueue_indirect_dma source(%dma_start3A_596 : memref<100000xf32, #tpu.memory_space<vmem_shared>>) target(%dma_start3A_592 : memref<128xf32, #tpu.memory_space<vmem>>) offsets(%dma_start3A_594 : memref<128xi32, #tpu.memory_space<vmem>>) semaphore(%arg30 : memref<!tpu.dma_semaphore, #tpu.memory_space<semaphore_mem>>)
        %dma_start3A_597 = arith.constant 128 : i32
        %dma_start3A_598 = tpu.memref_slice %arg13[%dma_start3A_597] : memref<1280xf32, #tpu.memory_space<vmem>> -> memref<128xf32, #tpu.memory_space<vmem>>
        %dma_start3A_599 = arith.constant 128 : i32
        %dma_start3A_600 = tpu.memref_slice %arg9[%dma_start3A_599] : memref<1280xi32, #tpu.memory_space<vmem>> -> memref<128xi32, #tpu.memory_space<vmem>>
        %dma_start3A_601 = arith.constant 0 : i32
        %dma_start3A_602 = tpu.memref_slice %arg26[%dma_start3A_601] : memref<100000xf32, #tpu.memory_space<vmem_shared>> -> memref<100000xf32, #tpu.memory_space<vmem_shared>>
        tpu.enqueue_indirect_dma source(%dma_start3A_602 : memref<100000xf32, #tpu.memory_space<vmem_shared>>) target(%dma_start3A_598 : memref<128xf32, #tpu.memory_space<vmem>>) offsets(%dma_start3A_600 : memref<128xi32, #tpu.memory_space<vmem>>) semaphore(%arg30 : memref<!tpu.dma_semaphore, #tpu.memory_space<semaphore_mem>>)
        %dma_start3A_603 = arith.constant 128 : i32
        %dma_start3A_604 = tpu.memref_slice %arg15[%dma_start3A_603] : memref<1280xf32, #tpu.memory_space<vmem>> -> memref<128xf32, #tpu.memory_space<vmem>>
        %dma_start3A_605 = arith.constant 128 : i32
        %dma_start3A_606 = tpu.memref_slice %arg9[%dma_start3A_605] : memref<1280xi32, #tpu.memory_space<vmem>> -> memref<128xi32, #tpu.memory_space<vmem>>
        %dma_start3A_607 = arith.constant 0 : i32
        %dma_start3A_608 = tpu.memref_slice %arg27[%dma_start3A_607] : memref<100000xf32, #tpu.memory_space<vmem_shared>> -> memref<100000xf32, #tpu.memory_space<vmem_shared>>
        tpu.enqueue_indirect_dma source(%dma_start3A_608 : memref<100000xf32, #tpu.memory_space<vmem_shared>>) target(%dma_start3A_604 : memref<128xf32, #tpu.memory_space<vmem>>) offsets(%dma_start3A_606 : memref<128xi32, #tpu.memory_space<vmem>>) semaphore(%arg30 : memref<!tpu.dma_semaphore, #tpu.memory_space<semaphore_mem>>)
        %dma_start3A_609 = arith.constant 128 : i32
        %dma_start3A_610 = tpu.memref_slice %arg17[%dma_start3A_609] : memref<1280xf32, #tpu.memory_space<vmem>> -> memref<128xf32, #tpu.memory_space<vmem>>
        %dma_start3A_611 = arith.constant 128 : i32
        %dma_start3A_612 = tpu.memref_slice %arg9[%dma_start3A_611] : memref<1280xi32, #tpu.memory_space<vmem>> -> memref<128xi32, #tpu.memory_space<vmem>>
        %dma_start3A_613 = arith.constant 0 : i32
        %dma_start3A_614 = tpu.memref_slice %arg28[%dma_start3A_613] : memref<100000xf32, #tpu.memory_space<vmem_shared>> -> memref<100000xf32, #tpu.memory_space<vmem_shared>>
        tpu.enqueue_indirect_dma source(%dma_start3A_614 : memref<100000xf32, #tpu.memory_space<vmem_shared>>) target(%dma_start3A_610 : memref<128xf32, #tpu.memory_space<vmem>>) offsets(%dma_start3A_612 : memref<128xi32, #tpu.memory_space<vmem>>) semaphore(%arg30 : memref<!tpu.dma_semaphore, #tpu.memory_space<semaphore_mem>>)
        %dma_start3A_615 = arith.constant 128 : i32
        %dma_start3A_616 = tpu.memref_slice %arg19[%dma_start3A_615] : memref<1280xf32, #tpu.memory_space<vmem>> -> memref<128xf32, #tpu.memory_space<vmem>>
        %dma_start3A_617 = arith.constant 128 : i32
        %dma_start3A_618 = tpu.memref_slice %arg11[%dma_start3A_617] : memref<1280xi32, #tpu.memory_space<vmem>> -> memref<128xi32, #tpu.memory_space<vmem>>
        %dma_start3A_619 = arith.constant 0 : i32
        %dma_start3A_620 = tpu.memref_slice %arg26[%dma_start3A_619] : memref<100000xf32, #tpu.memory_space<vmem_shared>> -> memref<100000xf32, #tpu.memory_space<vmem_shared>>
        tpu.enqueue_indirect_dma source(%dma_start3A_620 : memref<100000xf32, #tpu.memory_space<vmem_shared>>) target(%dma_start3A_616 : memref<128xf32, #tpu.memory_space<vmem>>) offsets(%dma_start3A_618 : memref<128xi32, #tpu.memory_space<vmem>>) semaphore(%arg30 : memref<!tpu.dma_semaphore, #tpu.memory_space<semaphore_mem>>)
        %dma_start3A_621 = arith.constant 128 : i32
        %dma_start3A_622 = tpu.memref_slice %arg21[%dma_start3A_621] : memref<1280xf32, #tpu.memory_space<vmem>> -> memref<128xf32, #tpu.memory_space<vmem>>
        %dma_start3A_623 = arith.constant 128 : i32
        %dma_start3A_624 = tpu.memref_slice %arg11[%dma_start3A_623] : memref<1280xi32, #tpu.memory_space<vmem>> -> memref<128xi32, #tpu.memory_space<vmem>>
        %dma_start3A_625 = arith.constant 0 : i32
        %dma_start3A_626 = tpu.memref_slice %arg27[%dma_start3A_625] : memref<100000xf32, #tpu.memory_space<vmem_shared>> -> memref<100000xf32, #tpu.memory_space<vmem_shared>>
        tpu.enqueue_indirect_dma source(%dma_start3A_626 : memref<100000xf32, #tpu.memory_space<vmem_shared>>) target(%dma_start3A_622 : memref<128xf32, #tpu.memory_space<vmem>>) offsets(%dma_start3A_624 : memref<128xi32, #tpu.memory_space<vmem>>) semaphore(%arg30 : memref<!tpu.dma_semaphore, #tpu.memory_space<semaphore_mem>>)
        %dma_start3A_627 = arith.constant 128 : i32
        %dma_start3A_628 = tpu.memref_slice %arg23[%dma_start3A_627] : memref<1280xf32, #tpu.memory_space<vmem>> -> memref<128xf32, #tpu.memory_space<vmem>>
        %dma_start3A_629 = arith.constant 128 : i32
        %dma_start3A_630 = tpu.memref_slice %arg11[%dma_start3A_629] : memref<1280xi32, #tpu.memory_space<vmem>> -> memref<128xi32, #tpu.memory_space<vmem>>
        %dma_start3A_631 = arith.constant 0 : i32
        %dma_start3A_632 = tpu.memref_slice %arg28[%dma_start3A_631] : memref<100000xf32, #tpu.memory_space<vmem_shared>> -> memref<100000xf32, #tpu.memory_space<vmem_shared>>
        tpu.enqueue_indirect_dma source(%dma_start3A_632 : memref<100000xf32, #tpu.memory_space<vmem_shared>>) target(%dma_start3A_628 : memref<128xf32, #tpu.memory_space<vmem>>) offsets(%dma_start3A_630 : memref<128xi32, #tpu.memory_space<vmem>>) semaphore(%arg30 : memref<!tpu.dma_semaphore, #tpu.memory_space<semaphore_mem>>)
        %dma_start3A_633 = arith.constant 256 : i32
        %dma_start3A_634 = tpu.memref_slice %arg13[%dma_start3A_633] : memref<1280xf32, #tpu.memory_space<vmem>> -> memref<128xf32, #tpu.memory_space<vmem>>
        %dma_start3A_635 = arith.constant 256 : i32
        %dma_start3A_636 = tpu.memref_slice %arg9[%dma_start3A_635] : memref<1280xi32, #tpu.memory_space<vmem>> -> memref<128xi32, #tpu.memory_space<vmem>>
        %dma_start3A_637 = arith.constant 0 : i32
        %dma_start3A_638 = tpu.memref_slice %arg26[%dma_start3A_637] : memref<100000xf32, #tpu.memory_space<vmem_shared>> -> memref<100000xf32, #tpu.memory_space<vmem_shared>>
        tpu.enqueue_indirect_dma source(%dma_start3A_638 : memref<100000xf32, #tpu.memory_space<vmem_shared>>) target(%dma_start3A_634 : memref<128xf32, #tpu.memory_space<vmem>>) offsets(%dma_start3A_636 : memref<128xi32, #tpu.memory_space<vmem>>) semaphore(%arg30 : memref<!tpu.dma_semaphore, #tpu.memory_space<semaphore_mem>>)
        %dma_start3A_639 = arith.constant 256 : i32
        %dma_start3A_640 = tpu.memref_slice %arg15[%dma_start3A_639] : memref<1280xf32, #tpu.memory_space<vmem>> -> memref<128xf32, #tpu.memory_space<vmem>>
        %dma_start3A_641 = arith.constant 256 : i32
        %dma_start3A_642 = tpu.memref_slice %arg9[%dma_start3A_641] : memref<1280xi32, #tpu.memory_space<vmem>> -> memref<128xi32, #tpu.memory_space<vmem>>
        %dma_start3A_643 = arith.constant 0 : i32
        %dma_start3A_644 = tpu.memref_slice %arg27[%dma_start3A_643] : memref<100000xf32, #tpu.memory_space<vmem_shared>> -> memref<100000xf32, #tpu.memory_space<vmem_shared>>
        tpu.enqueue_indirect_dma source(%dma_start3A_644 : memref<100000xf32, #tpu.memory_space<vmem_shared>>) target(%dma_start3A_640 : memref<128xf32, #tpu.memory_space<vmem>>) offsets(%dma_start3A_642 : memref<128xi32, #tpu.memory_space<vmem>>) semaphore(%arg30 : memref<!tpu.dma_semaphore, #tpu.memory_space<semaphore_mem>>)
        %dma_start3A_645 = arith.constant 256 : i32
        %dma_start3A_646 = tpu.memref_slice %arg17[%dma_start3A_645] : memref<1280xf32, #tpu.memory_space<vmem>> -> memref<128xf32, #tpu.memory_space<vmem>>
        %dma_start3A_647 = arith.constant 256 : i32
        %dma_start3A_648 = tpu.memref_slice %arg9[%dma_start3A_647] : memref<1280xi32, #tpu.memory_space<vmem>> -> memref<128xi32, #tpu.memory_space<vmem>>
        %dma_start3A_649 = arith.constant 0 : i32
        %dma_start3A_650 = tpu.memref_slice %arg28[%dma_start3A_649] : memref<100000xf32, #tpu.memory_space<vmem_shared>> -> memref<100000xf32, #tpu.memory_space<vmem_shared>>
        tpu.enqueue_indirect_dma source(%dma_start3A_650 : memref<100000xf32, #tpu.memory_space<vmem_shared>>) target(%dma_start3A_646 : memref<128xf32, #tpu.memory_space<vmem>>) offsets(%dma_start3A_648 : memref<128xi32, #tpu.memory_space<vmem>>) semaphore(%arg30 : memref<!tpu.dma_semaphore, #tpu.memory_space<semaphore_mem>>)
        %dma_start3A_651 = arith.constant 256 : i32
        %dma_start3A_652 = tpu.memref_slice %arg19[%dma_start3A_651] : memref<1280xf32, #tpu.memory_space<vmem>> -> memref<128xf32, #tpu.memory_space<vmem>>
        %dma_start3A_653 = arith.constant 256 : i32
        %dma_start3A_654 = tpu.memref_slice %arg11[%dma_start3A_653] : memref<1280xi32, #tpu.memory_space<vmem>> -> memref<128xi32, #tpu.memory_space<vmem>>
        %dma_start3A_655 = arith.constant 0 : i32
        %dma_start3A_656 = tpu.memref_slice %arg26[%dma_start3A_655] : memref<100000xf32, #tpu.memory_space<vmem_shared>> -> memref<100000xf32, #tpu.memory_space<vmem_shared>>
        tpu.enqueue_indirect_dma source(%dma_start3A_656 : memref<100000xf32, #tpu.memory_space<vmem_shared>>) target(%dma_start3A_652 : memref<128xf32, #tpu.memory_space<vmem>>) offsets(%dma_start3A_654 : memref<128xi32, #tpu.memory_space<vmem>>) semaphore(%arg30 : memref<!tpu.dma_semaphore, #tpu.memory_space<semaphore_mem>>)
        %dma_start3A_657 = arith.constant 256 : i32
        %dma_start3A_658 = tpu.memref_slice %arg21[%dma_start3A_657] : memref<1280xf32, #tpu.memory_space<vmem>> -> memref<128xf32, #tpu.memory_space<vmem>>
        %dma_start3A_659 = arith.constant 256 : i32
        %dma_start3A_660 = tpu.memref_slice %arg11[%dma_start3A_659] : memref<1280xi32, #tpu.memory_space<vmem>> -> memref<128xi32, #tpu.memory_space<vmem>>
        %dma_start3A_661 = arith.constant 0 : i32
        %dma_start3A_662 = tpu.memref_slice %arg27[%dma_start3A_661] : memref<100000xf32, #tpu.memory_space<vmem_shared>> -> memref<100000xf32, #tpu.memory_space<vmem_shared>>
        tpu.enqueue_indirect_dma source(%dma_start3A_662 : memref<100000xf32, #tpu.memory_space<vmem_shared>>) target(%dma_start3A_658 : memref<128xf32, #tpu.memory_space<vmem>>) offsets(%dma_start3A_660 : memref<128xi32, #tpu.memory_space<vmem>>) semaphore(%arg30 : memref<!tpu.dma_semaphore, #tpu.memory_space<semaphore_mem>>)
        %dma_start3A_663 = arith.constant 256 : i32
        %dma_start3A_664 = tpu.memref_slice %arg23[%dma_start3A_663] : memref<1280xf32, #tpu.memory_space<vmem>> -> memref<128xf32, #tpu.memory_space<vmem>>
        %dma_start3A_665 = arith.constant 256 : i32
        %dma_start3A_666 = tpu.memref_slice %arg11[%dma_start3A_665] : memref<1280xi32, #tpu.memory_space<vmem>> -> memref<128xi32, #tpu.memory_space<vmem>>
        %dma_start3A_667 = arith.constant 0 : i32
        %dma_start3A_668 = tpu.memref_slice %arg28[%dma_start3A_667] : memref<100000xf32, #tpu.memory_space<vmem_shared>> -> memref<100000xf32, #tpu.memory_space<vmem_shared>>
        tpu.enqueue_indirect_dma source(%dma_start3A_668 : memref<100000xf32, #tpu.memory_space<vmem_shared>>) target(%dma_start3A_664 : memref<128xf32, #tpu.memory_space<vmem>>) offsets(%dma_start3A_666 : memref<128xi32, #tpu.memory_space<vmem>>) semaphore(%arg30 : memref<!tpu.dma_semaphore, #tpu.memory_space<semaphore_mem>>)
        %dma_start3A_669 = arith.constant 384 : i32
        %dma_start3A_670 = tpu.memref_slice %arg13[%dma_start3A_669] : memref<1280xf32, #tpu.memory_space<vmem>> -> memref<128xf32, #tpu.memory_space<vmem>>
        %dma_start3A_671 = arith.constant 384 : i32
        %dma_start3A_672 = tpu.memref_slice %arg9[%dma_start3A_671] : memref<1280xi32, #tpu.memory_space<vmem>> -> memref<128xi32, #tpu.memory_space<vmem>>
        %dma_start3A_673 = arith.constant 0 : i32
        %dma_start3A_674 = tpu.memref_slice %arg26[%dma_start3A_673] : memref<100000xf32, #tpu.memory_space<vmem_shared>> -> memref<100000xf32, #tpu.memory_space<vmem_shared>>
        tpu.enqueue_indirect_dma source(%dma_start3A_674 : memref<100000xf32, #tpu.memory_space<vmem_shared>>) target(%dma_start3A_670 : memref<128xf32, #tpu.memory_space<vmem>>) offsets(%dma_start3A_672 : memref<128xi32, #tpu.memory_space<vmem>>) semaphore(%arg30 : memref<!tpu.dma_semaphore, #tpu.memory_space<semaphore_mem>>)
        %dma_start3A_675 = arith.constant 384 : i32
        %dma_start3A_676 = tpu.memref_slice %arg15[%dma_start3A_675] : memref<1280xf32, #tpu.memory_space<vmem>> -> memref<128xf32, #tpu.memory_space<vmem>>
        %dma_start3A_677 = arith.constant 384 : i32
        %dma_start3A_678 = tpu.memref_slice %arg9[%dma_start3A_677] : memref<1280xi32, #tpu.memory_space<vmem>> -> memref<128xi32, #tpu.memory_space<vmem>>
        %dma_start3A_679 = arith.constant 0 : i32
        %dma_start3A_680 = tpu.memref_slice %arg27[%dma_start3A_679] : memref<100000xf32, #tpu.memory_space<vmem_shared>> -> memref<100000xf32, #tpu.memory_space<vmem_shared>>
        tpu.enqueue_indirect_dma source(%dma_start3A_680 : memref<100000xf32, #tpu.memory_space<vmem_shared>>) target(%dma_start3A_676 : memref<128xf32, #tpu.memory_space<vmem>>) offsets(%dma_start3A_678 : memref<128xi32, #tpu.memory_space<vmem>>) semaphore(%arg30 : memref<!tpu.dma_semaphore, #tpu.memory_space<semaphore_mem>>)
        %dma_start3A_681 = arith.constant 384 : i32
        %dma_start3A_682 = tpu.memref_slice %arg17[%dma_start3A_681] : memref<1280xf32, #tpu.memory_space<vmem>> -> memref<128xf32, #tpu.memory_space<vmem>>
        %dma_start3A_683 = arith.constant 384 : i32
        %dma_start3A_684 = tpu.memref_slice %arg9[%dma_start3A_683] : memref<1280xi32, #tpu.memory_space<vmem>> -> memref<128xi32, #tpu.memory_space<vmem>>
        %dma_start3A_685 = arith.constant 0 : i32
        %dma_start3A_686 = tpu.memref_slice %arg28[%dma_start3A_685] : memref<100000xf32, #tpu.memory_space<vmem_shared>> -> memref<100000xf32, #tpu.memory_space<vmem_shared>>
        tpu.enqueue_indirect_dma source(%dma_start3A_686 : memref<100000xf32, #tpu.memory_space<vmem_shared>>) target(%dma_start3A_682 : memref<128xf32, #tpu.memory_space<vmem>>) offsets(%dma_start3A_684 : memref<128xi32, #tpu.memory_space<vmem>>) semaphore(%arg30 : memref<!tpu.dma_semaphore, #tpu.memory_space<semaphore_mem>>)
        %dma_start3A_687 = arith.constant 384 : i32
        %dma_start3A_688 = tpu.memref_slice %arg19[%dma_start3A_687] : memref<1280xf32, #tpu.memory_space<vmem>> -> memref<128xf32, #tpu.memory_space<vmem>>
        %dma_start3A_689 = arith.constant 384 : i32
        %dma_start3A_690 = tpu.memref_slice %arg11[%dma_start3A_689] : memref<1280xi32, #tpu.memory_space<vmem>> -> memref<128xi32, #tpu.memory_space<vmem>>
        %dma_start3A_691 = arith.constant 0 : i32
        %dma_start3A_692 = tpu.memref_slice %arg26[%dma_start3A_691] : memref<100000xf32, #tpu.memory_space<vmem_shared>> -> memref<100000xf32, #tpu.memory_space<vmem_shared>>
        tpu.enqueue_indirect_dma source(%dma_start3A_692 : memref<100000xf32, #tpu.memory_space<vmem_shared>>) target(%dma_start3A_688 : memref<128xf32, #tpu.memory_space<vmem>>) offsets(%dma_start3A_690 : memref<128xi32, #tpu.memory_space<vmem>>) semaphore(%arg30 : memref<!tpu.dma_semaphore, #tpu.memory_space<semaphore_mem>>)
        %dma_start3A_693 = arith.constant 384 : i32
        %dma_start3A_694 = tpu.memref_slice %arg21[%dma_start3A_693] : memref<1280xf32, #tpu.memory_space<vmem>> -> memref<128xf32, #tpu.memory_space<vmem>>
        %dma_start3A_695 = arith.constant 384 : i32
        %dma_start3A_696 = tpu.memref_slice %arg11[%dma_start3A_695] : memref<1280xi32, #tpu.memory_space<vmem>> -> memref<128xi32, #tpu.memory_space<vmem>>
        %dma_start3A_697 = arith.constant 0 : i32
        %dma_start3A_698 = tpu.memref_slice %arg27[%dma_start3A_697] : memref<100000xf32, #tpu.memory_space<vmem_shared>> -> memref<100000xf32, #tpu.memory_space<vmem_shared>>
        tpu.enqueue_indirect_dma source(%dma_start3A_698 : memref<100000xf32, #tpu.memory_space<vmem_shared>>) target(%dma_start3A_694 : memref<128xf32, #tpu.memory_space<vmem>>) offsets(%dma_start3A_696 : memref<128xi32, #tpu.memory_space<vmem>>) semaphore(%arg30 : memref<!tpu.dma_semaphore, #tpu.memory_space<semaphore_mem>>)
        %dma_start3A_699 = arith.constant 384 : i32
        %dma_start3A_700 = tpu.memref_slice %arg23[%dma_start3A_699] : memref<1280xf32, #tpu.memory_space<vmem>> -> memref<128xf32, #tpu.memory_space<vmem>>
        %dma_start3A_701 = arith.constant 384 : i32
        %dma_start3A_702 = tpu.memref_slice %arg11[%dma_start3A_701] : memref<1280xi32, #tpu.memory_space<vmem>> -> memref<128xi32, #tpu.memory_space<vmem>>
        %dma_start3A_703 = arith.constant 0 : i32
        %dma_start3A_704 = tpu.memref_slice %arg28[%dma_start3A_703] : memref<100000xf32, #tpu.memory_space<vmem_shared>> -> memref<100000xf32, #tpu.memory_space<vmem_shared>>
        tpu.enqueue_indirect_dma source(%dma_start3A_704 : memref<100000xf32, #tpu.memory_space<vmem_shared>>) target(%dma_start3A_700 : memref<128xf32, #tpu.memory_space<vmem>>) offsets(%dma_start3A_702 : memref<128xi32, #tpu.memory_space<vmem>>) semaphore(%arg30 : memref<!tpu.dma_semaphore, #tpu.memory_space<semaphore_mem>>)
        %dma_start3A_705 = arith.constant 512 : i32
        %dma_start3A_706 = tpu.memref_slice %arg13[%dma_start3A_705] : memref<1280xf32, #tpu.memory_space<vmem>> -> memref<128xf32, #tpu.memory_space<vmem>>
        %dma_start3A_707 = arith.constant 512 : i32
        %dma_start3A_708 = tpu.memref_slice %arg9[%dma_start3A_707] : memref<1280xi32, #tpu.memory_space<vmem>> -> memref<128xi32, #tpu.memory_space<vmem>>
        %dma_start3A_709 = arith.constant 0 : i32
        %dma_start3A_710 = tpu.memref_slice %arg26[%dma_start3A_709] : memref<100000xf32, #tpu.memory_space<vmem_shared>> -> memref<100000xf32, #tpu.memory_space<vmem_shared>>
        tpu.enqueue_indirect_dma source(%dma_start3A_710 : memref<100000xf32, #tpu.memory_space<vmem_shared>>) target(%dma_start3A_706 : memref<128xf32, #tpu.memory_space<vmem>>) offsets(%dma_start3A_708 : memref<128xi32, #tpu.memory_space<vmem>>) semaphore(%arg30 : memref<!tpu.dma_semaphore, #tpu.memory_space<semaphore_mem>>)
        %dma_start3A_711 = arith.constant 512 : i32
        %dma_start3A_712 = tpu.memref_slice %arg15[%dma_start3A_711] : memref<1280xf32, #tpu.memory_space<vmem>> -> memref<128xf32, #tpu.memory_space<vmem>>
        %dma_start3A_713 = arith.constant 512 : i32
        %dma_start3A_714 = tpu.memref_slice %arg9[%dma_start3A_713] : memref<1280xi32, #tpu.memory_space<vmem>> -> memref<128xi32, #tpu.memory_space<vmem>>
        %dma_start3A_715 = arith.constant 0 : i32
        %dma_start3A_716 = tpu.memref_slice %arg27[%dma_start3A_715] : memref<100000xf32, #tpu.memory_space<vmem_shared>> -> memref<100000xf32, #tpu.memory_space<vmem_shared>>
        tpu.enqueue_indirect_dma source(%dma_start3A_716 : memref<100000xf32, #tpu.memory_space<vmem_shared>>) target(%dma_start3A_712 : memref<128xf32, #tpu.memory_space<vmem>>) offsets(%dma_start3A_714 : memref<128xi32, #tpu.memory_space<vmem>>) semaphore(%arg30 : memref<!tpu.dma_semaphore, #tpu.memory_space<semaphore_mem>>)
        %dma_start3A_717 = arith.constant 512 : i32
        %dma_start3A_718 = tpu.memref_slice %arg17[%dma_start3A_717] : memref<1280xf32, #tpu.memory_space<vmem>> -> memref<128xf32, #tpu.memory_space<vmem>>
        %dma_start3A_719 = arith.constant 512 : i32
        %dma_start3A_720 = tpu.memref_slice %arg9[%dma_start3A_719] : memref<1280xi32, #tpu.memory_space<vmem>> -> memref<128xi32, #tpu.memory_space<vmem>>
        %dma_start3A_721 = arith.constant 0 : i32
        %dma_start3A_722 = tpu.memref_slice %arg28[%dma_start3A_721] : memref<100000xf32, #tpu.memory_space<vmem_shared>> -> memref<100000xf32, #tpu.memory_space<vmem_shared>>
        tpu.enqueue_indirect_dma source(%dma_start3A_722 : memref<100000xf32, #tpu.memory_space<vmem_shared>>) target(%dma_start3A_718 : memref<128xf32, #tpu.memory_space<vmem>>) offsets(%dma_start3A_720 : memref<128xi32, #tpu.memory_space<vmem>>) semaphore(%arg30 : memref<!tpu.dma_semaphore, #tpu.memory_space<semaphore_mem>>)
        %dma_start3A_723 = arith.constant 512 : i32
        %dma_start3A_724 = tpu.memref_slice %arg19[%dma_start3A_723] : memref<1280xf32, #tpu.memory_space<vmem>> -> memref<128xf32, #tpu.memory_space<vmem>>
        %dma_start3A_725 = arith.constant 512 : i32
        %dma_start3A_726 = tpu.memref_slice %arg11[%dma_start3A_725] : memref<1280xi32, #tpu.memory_space<vmem>> -> memref<128xi32, #tpu.memory_space<vmem>>
        %dma_start3A_727 = arith.constant 0 : i32
        %dma_start3A_728 = tpu.memref_slice %arg26[%dma_start3A_727] : memref<100000xf32, #tpu.memory_space<vmem_shared>> -> memref<100000xf32, #tpu.memory_space<vmem_shared>>
        tpu.enqueue_indirect_dma source(%dma_start3A_728 : memref<100000xf32, #tpu.memory_space<vmem_shared>>) target(%dma_start3A_724 : memref<128xf32, #tpu.memory_space<vmem>>) offsets(%dma_start3A_726 : memref<128xi32, #tpu.memory_space<vmem>>) semaphore(%arg30 : memref<!tpu.dma_semaphore, #tpu.memory_space<semaphore_mem>>)
        %dma_start3A_729 = arith.constant 512 : i32
        %dma_start3A_730 = tpu.memref_slice %arg21[%dma_start3A_729] : memref<1280xf32, #tpu.memory_space<vmem>> -> memref<128xf32, #tpu.memory_space<vmem>>
        %dma_start3A_731 = arith.constant 512 : i32
        %dma_start3A_732 = tpu.memref_slice %arg11[%dma_start3A_731] : memref<1280xi32, #tpu.memory_space<vmem>> -> memref<128xi32, #tpu.memory_space<vmem>>
        %dma_start3A_733 = arith.constant 0 : i32
        %dma_start3A_734 = tpu.memref_slice %arg27[%dma_start3A_733] : memref<100000xf32, #tpu.memory_space<vmem_shared>> -> memref<100000xf32, #tpu.memory_space<vmem_shared>>
        tpu.enqueue_indirect_dma source(%dma_start3A_734 : memref<100000xf32, #tpu.memory_space<vmem_shared>>) target(%dma_start3A_730 : memref<128xf32, #tpu.memory_space<vmem>>) offsets(%dma_start3A_732 : memref<128xi32, #tpu.memory_space<vmem>>) semaphore(%arg30 : memref<!tpu.dma_semaphore, #tpu.memory_space<semaphore_mem>>)
        %dma_start3A_735 = arith.constant 512 : i32
        %dma_start3A_736 = tpu.memref_slice %arg23[%dma_start3A_735] : memref<1280xf32, #tpu.memory_space<vmem>> -> memref<128xf32, #tpu.memory_space<vmem>>
        %dma_start3A_737 = arith.constant 512 : i32
        %dma_start3A_738 = tpu.memref_slice %arg11[%dma_start3A_737] : memref<1280xi32, #tpu.memory_space<vmem>> -> memref<128xi32, #tpu.memory_space<vmem>>
        %dma_start3A_739 = arith.constant 0 : i32
        %dma_start3A_740 = tpu.memref_slice %arg28[%dma_start3A_739] : memref<100000xf32, #tpu.memory_space<vmem_shared>> -> memref<100000xf32, #tpu.memory_space<vmem_shared>>
        tpu.enqueue_indirect_dma source(%dma_start3A_740 : memref<100000xf32, #tpu.memory_space<vmem_shared>>) target(%dma_start3A_736 : memref<128xf32, #tpu.memory_space<vmem>>) offsets(%dma_start3A_738 : memref<128xi32, #tpu.memory_space<vmem>>) semaphore(%arg30 : memref<!tpu.dma_semaphore, #tpu.memory_space<semaphore_mem>>)
        %dma_start3A_741 = arith.constant 640 : i32
        %dma_start3A_742 = tpu.memref_slice %arg13[%dma_start3A_741] : memref<1280xf32, #tpu.memory_space<vmem>> -> memref<128xf32, #tpu.memory_space<vmem>>
        %dma_start3A_743 = arith.constant 640 : i32
        %dma_start3A_744 = tpu.memref_slice %arg9[%dma_start3A_743] : memref<1280xi32, #tpu.memory_space<vmem>> -> memref<128xi32, #tpu.memory_space<vmem>>
        %dma_start3A_745 = arith.constant 0 : i32
        %dma_start3A_746 = tpu.memref_slice %arg26[%dma_start3A_745] : memref<100000xf32, #tpu.memory_space<vmem_shared>> -> memref<100000xf32, #tpu.memory_space<vmem_shared>>
        tpu.enqueue_indirect_dma source(%dma_start3A_746 : memref<100000xf32, #tpu.memory_space<vmem_shared>>) target(%dma_start3A_742 : memref<128xf32, #tpu.memory_space<vmem>>) offsets(%dma_start3A_744 : memref<128xi32, #tpu.memory_space<vmem>>) semaphore(%arg30 : memref<!tpu.dma_semaphore, #tpu.memory_space<semaphore_mem>>)
        %dma_start3A_747 = arith.constant 640 : i32
        %dma_start3A_748 = tpu.memref_slice %arg15[%dma_start3A_747] : memref<1280xf32, #tpu.memory_space<vmem>> -> memref<128xf32, #tpu.memory_space<vmem>>
        %dma_start3A_749 = arith.constant 640 : i32
        %dma_start3A_750 = tpu.memref_slice %arg9[%dma_start3A_749] : memref<1280xi32, #tpu.memory_space<vmem>> -> memref<128xi32, #tpu.memory_space<vmem>>
        %dma_start3A_751 = arith.constant 0 : i32
        %dma_start3A_752 = tpu.memref_slice %arg27[%dma_start3A_751] : memref<100000xf32, #tpu.memory_space<vmem_shared>> -> memref<100000xf32, #tpu.memory_space<vmem_shared>>
        tpu.enqueue_indirect_dma source(%dma_start3A_752 : memref<100000xf32, #tpu.memory_space<vmem_shared>>) target(%dma_start3A_748 : memref<128xf32, #tpu.memory_space<vmem>>) offsets(%dma_start3A_750 : memref<128xi32, #tpu.memory_space<vmem>>) semaphore(%arg30 : memref<!tpu.dma_semaphore, #tpu.memory_space<semaphore_mem>>)
        %dma_start3A_753 = arith.constant 640 : i32
        %dma_start3A_754 = tpu.memref_slice %arg17[%dma_start3A_753] : memref<1280xf32, #tpu.memory_space<vmem>> -> memref<128xf32, #tpu.memory_space<vmem>>
        %dma_start3A_755 = arith.constant 640 : i32
        %dma_start3A_756 = tpu.memref_slice %arg9[%dma_start3A_755] : memref<1280xi32, #tpu.memory_space<vmem>> -> memref<128xi32, #tpu.memory_space<vmem>>
        %dma_start3A_757 = arith.constant 0 : i32
        %dma_start3A_758 = tpu.memref_slice %arg28[%dma_start3A_757] : memref<100000xf32, #tpu.memory_space<vmem_shared>> -> memref<100000xf32, #tpu.memory_space<vmem_shared>>
        tpu.enqueue_indirect_dma source(%dma_start3A_758 : memref<100000xf32, #tpu.memory_space<vmem_shared>>) target(%dma_start3A_754 : memref<128xf32, #tpu.memory_space<vmem>>) offsets(%dma_start3A_756 : memref<128xi32, #tpu.memory_space<vmem>>) semaphore(%arg30 : memref<!tpu.dma_semaphore, #tpu.memory_space<semaphore_mem>>)
        %dma_start3A_759 = arith.constant 640 : i32
        %dma_start3A_760 = tpu.memref_slice %arg19[%dma_start3A_759] : memref<1280xf32, #tpu.memory_space<vmem>> -> memref<128xf32, #tpu.memory_space<vmem>>
        %dma_start3A_761 = arith.constant 640 : i32
        %dma_start3A_762 = tpu.memref_slice %arg11[%dma_start3A_761] : memref<1280xi32, #tpu.memory_space<vmem>> -> memref<128xi32, #tpu.memory_space<vmem>>
        %dma_start3A_763 = arith.constant 0 : i32
        %dma_start3A_764 = tpu.memref_slice %arg26[%dma_start3A_763] : memref<100000xf32, #tpu.memory_space<vmem_shared>> -> memref<100000xf32, #tpu.memory_space<vmem_shared>>
        tpu.enqueue_indirect_dma source(%dma_start3A_764 : memref<100000xf32, #tpu.memory_space<vmem_shared>>) target(%dma_start3A_760 : memref<128xf32, #tpu.memory_space<vmem>>) offsets(%dma_start3A_762 : memref<128xi32, #tpu.memory_space<vmem>>) semaphore(%arg30 : memref<!tpu.dma_semaphore, #tpu.memory_space<semaphore_mem>>)
        %dma_start3A_765 = arith.constant 640 : i32
        %dma_start3A_766 = tpu.memref_slice %arg21[%dma_start3A_765] : memref<1280xf32, #tpu.memory_space<vmem>> -> memref<128xf32, #tpu.memory_space<vmem>>
        %dma_start3A_767 = arith.constant 640 : i32
        %dma_start3A_768 = tpu.memref_slice %arg11[%dma_start3A_767] : memref<1280xi32, #tpu.memory_space<vmem>> -> memref<128xi32, #tpu.memory_space<vmem>>
        %dma_start3A_769 = arith.constant 0 : i32
        %dma_start3A_770 = tpu.memref_slice %arg27[%dma_start3A_769] : memref<100000xf32, #tpu.memory_space<vmem_shared>> -> memref<100000xf32, #tpu.memory_space<vmem_shared>>
        tpu.enqueue_indirect_dma source(%dma_start3A_770 : memref<100000xf32, #tpu.memory_space<vmem_shared>>) target(%dma_start3A_766 : memref<128xf32, #tpu.memory_space<vmem>>) offsets(%dma_start3A_768 : memref<128xi32, #tpu.memory_space<vmem>>) semaphore(%arg30 : memref<!tpu.dma_semaphore, #tpu.memory_space<semaphore_mem>>)
        %dma_start3A_771 = arith.constant 640 : i32
        %dma_start3A_772 = tpu.memref_slice %arg23[%dma_start3A_771] : memref<1280xf32, #tpu.memory_space<vmem>> -> memref<128xf32, #tpu.memory_space<vmem>>
        %dma_start3A_773 = arith.constant 640 : i32
        %dma_start3A_774 = tpu.memref_slice %arg11[%dma_start3A_773] : memref<1280xi32, #tpu.memory_space<vmem>> -> memref<128xi32, #tpu.memory_space<vmem>>
        %dma_start3A_775 = arith.constant 0 : i32
        %dma_start3A_776 = tpu.memref_slice %arg28[%dma_start3A_775] : memref<100000xf32, #tpu.memory_space<vmem_shared>> -> memref<100000xf32, #tpu.memory_space<vmem_shared>>
        tpu.enqueue_indirect_dma source(%dma_start3A_776 : memref<100000xf32, #tpu.memory_space<vmem_shared>>) target(%dma_start3A_772 : memref<128xf32, #tpu.memory_space<vmem>>) offsets(%dma_start3A_774 : memref<128xi32, #tpu.memory_space<vmem>>) semaphore(%arg30 : memref<!tpu.dma_semaphore, #tpu.memory_space<semaphore_mem>>)
        %dma_start3A_777 = arith.constant 768 : i32
        %dma_start3A_778 = tpu.memref_slice %arg13[%dma_start3A_777] : memref<1280xf32, #tpu.memory_space<vmem>> -> memref<128xf32, #tpu.memory_space<vmem>>
        %dma_start3A_779 = arith.constant 768 : i32
        %dma_start3A_780 = tpu.memref_slice %arg9[%dma_start3A_779] : memref<1280xi32, #tpu.memory_space<vmem>> -> memref<128xi32, #tpu.memory_space<vmem>>
        %dma_start3A_781 = arith.constant 0 : i32
        %dma_start3A_782 = tpu.memref_slice %arg26[%dma_start3A_781] : memref<100000xf32, #tpu.memory_space<vmem_shared>> -> memref<100000xf32, #tpu.memory_space<vmem_shared>>
        tpu.enqueue_indirect_dma source(%dma_start3A_782 : memref<100000xf32, #tpu.memory_space<vmem_shared>>) target(%dma_start3A_778 : memref<128xf32, #tpu.memory_space<vmem>>) offsets(%dma_start3A_780 : memref<128xi32, #tpu.memory_space<vmem>>) semaphore(%arg30 : memref<!tpu.dma_semaphore, #tpu.memory_space<semaphore_mem>>)
        %dma_start3A_783 = arith.constant 768 : i32
        %dma_start3A_784 = tpu.memref_slice %arg15[%dma_start3A_783] : memref<1280xf32, #tpu.memory_space<vmem>> -> memref<128xf32, #tpu.memory_space<vmem>>
        %dma_start3A_785 = arith.constant 768 : i32
        %dma_start3A_786 = tpu.memref_slice %arg9[%dma_start3A_785] : memref<1280xi32, #tpu.memory_space<vmem>> -> memref<128xi32, #tpu.memory_space<vmem>>
        %dma_start3A_787 = arith.constant 0 : i32
        %dma_start3A_788 = tpu.memref_slice %arg27[%dma_start3A_787] : memref<100000xf32, #tpu.memory_space<vmem_shared>> -> memref<100000xf32, #tpu.memory_space<vmem_shared>>
        tpu.enqueue_indirect_dma source(%dma_start3A_788 : memref<100000xf32, #tpu.memory_space<vmem_shared>>) target(%dma_start3A_784 : memref<128xf32, #tpu.memory_space<vmem>>) offsets(%dma_start3A_786 : memref<128xi32, #tpu.memory_space<vmem>>) semaphore(%arg30 : memref<!tpu.dma_semaphore, #tpu.memory_space<semaphore_mem>>)
        %dma_start3A_789 = arith.constant 768 : i32
        %dma_start3A_790 = tpu.memref_slice %arg17[%dma_start3A_789] : memref<1280xf32, #tpu.memory_space<vmem>> -> memref<128xf32, #tpu.memory_space<vmem>>
        %dma_start3A_791 = arith.constant 768 : i32
        %dma_start3A_792 = tpu.memref_slice %arg9[%dma_start3A_791] : memref<1280xi32, #tpu.memory_space<vmem>> -> memref<128xi32, #tpu.memory_space<vmem>>
        %dma_start3A_793 = arith.constant 0 : i32
        %dma_start3A_794 = tpu.memref_slice %arg28[%dma_start3A_793] : memref<100000xf32, #tpu.memory_space<vmem_shared>> -> memref<100000xf32, #tpu.memory_space<vmem_shared>>
        tpu.enqueue_indirect_dma source(%dma_start3A_794 : memref<100000xf32, #tpu.memory_space<vmem_shared>>) target(%dma_start3A_790 : memref<128xf32, #tpu.memory_space<vmem>>) offsets(%dma_start3A_792 : memref<128xi32, #tpu.memory_space<vmem>>) semaphore(%arg30 : memref<!tpu.dma_semaphore, #tpu.memory_space<semaphore_mem>>)
        %dma_start3A_795 = arith.constant 768 : i32
        %dma_start3A_796 = tpu.memref_slice %arg19[%dma_start3A_795] : memref<1280xf32, #tpu.memory_space<vmem>> -> memref<128xf32, #tpu.memory_space<vmem>>
        %dma_start3A_797 = arith.constant 768 : i32
        %dma_start3A_798 = tpu.memref_slice %arg11[%dma_start3A_797] : memref<1280xi32, #tpu.memory_space<vmem>> -> memref<128xi32, #tpu.memory_space<vmem>>
        %dma_start3A_799 = arith.constant 0 : i32
        %dma_start3A_800 = tpu.memref_slice %arg26[%dma_start3A_799] : memref<100000xf32, #tpu.memory_space<vmem_shared>> -> memref<100000xf32, #tpu.memory_space<vmem_shared>>
        tpu.enqueue_indirect_dma source(%dma_start3A_800 : memref<100000xf32, #tpu.memory_space<vmem_shared>>) target(%dma_start3A_796 : memref<128xf32, #tpu.memory_space<vmem>>) offsets(%dma_start3A_798 : memref<128xi32, #tpu.memory_space<vmem>>) semaphore(%arg30 : memref<!tpu.dma_semaphore, #tpu.memory_space<semaphore_mem>>)
        %dma_start3A_801 = arith.constant 768 : i32
        %dma_start3A_802 = tpu.memref_slice %arg21[%dma_start3A_801] : memref<1280xf32, #tpu.memory_space<vmem>> -> memref<128xf32, #tpu.memory_space<vmem>>
        %dma_start3A_803 = arith.constant 768 : i32
        %dma_start3A_804 = tpu.memref_slice %arg11[%dma_start3A_803] : memref<1280xi32, #tpu.memory_space<vmem>> -> memref<128xi32, #tpu.memory_space<vmem>>
        %dma_start3A_805 = arith.constant 0 : i32
        %dma_start3A_806 = tpu.memref_slice %arg27[%dma_start3A_805] : memref<100000xf32, #tpu.memory_space<vmem_shared>> -> memref<100000xf32, #tpu.memory_space<vmem_shared>>
        tpu.enqueue_indirect_dma source(%dma_start3A_806 : memref<100000xf32, #tpu.memory_space<vmem_shared>>) target(%dma_start3A_802 : memref<128xf32, #tpu.memory_space<vmem>>) offsets(%dma_start3A_804 : memref<128xi32, #tpu.memory_space<vmem>>) semaphore(%arg30 : memref<!tpu.dma_semaphore, #tpu.memory_space<semaphore_mem>>)
        %dma_start3A_807 = arith.constant 768 : i32
        %dma_start3A_808 = tpu.memref_slice %arg23[%dma_start3A_807] : memref<1280xf32, #tpu.memory_space<vmem>> -> memref<128xf32, #tpu.memory_space<vmem>>
        %dma_start3A_809 = arith.constant 768 : i32
        %dma_start3A_810 = tpu.memref_slice %arg11[%dma_start3A_809] : memref<1280xi32, #tpu.memory_space<vmem>> -> memref<128xi32, #tpu.memory_space<vmem>>
        %dma_start3A_811 = arith.constant 0 : i32
        %dma_start3A_812 = tpu.memref_slice %arg28[%dma_start3A_811] : memref<100000xf32, #tpu.memory_space<vmem_shared>> -> memref<100000xf32, #tpu.memory_space<vmem_shared>>
        tpu.enqueue_indirect_dma source(%dma_start3A_812 : memref<100000xf32, #tpu.memory_space<vmem_shared>>) target(%dma_start3A_808 : memref<128xf32, #tpu.memory_space<vmem>>) offsets(%dma_start3A_810 : memref<128xi32, #tpu.memory_space<vmem>>) semaphore(%arg30 : memref<!tpu.dma_semaphore, #tpu.memory_space<semaphore_mem>>)
        %dma_start3A_813 = arith.constant 896 : i32
        %dma_start3A_814 = tpu.memref_slice %arg13[%dma_start3A_813] : memref<1280xf32, #tpu.memory_space<vmem>> -> memref<128xf32, #tpu.memory_space<vmem>>
        %dma_start3A_815 = arith.constant 896 : i32
        %dma_start3A_816 = tpu.memref_slice %arg9[%dma_start3A_815] : memref<1280xi32, #tpu.memory_space<vmem>> -> memref<128xi32, #tpu.memory_space<vmem>>
        %dma_start3A_817 = arith.constant 0 : i32
        %dma_start3A_818 = tpu.memref_slice %arg26[%dma_start3A_817] : memref<100000xf32, #tpu.memory_space<vmem_shared>> -> memref<100000xf32, #tpu.memory_space<vmem_shared>>
        tpu.enqueue_indirect_dma source(%dma_start3A_818 : memref<100000xf32, #tpu.memory_space<vmem_shared>>) target(%dma_start3A_814 : memref<128xf32, #tpu.memory_space<vmem>>) offsets(%dma_start3A_816 : memref<128xi32, #tpu.memory_space<vmem>>) semaphore(%arg30 : memref<!tpu.dma_semaphore, #tpu.memory_space<semaphore_mem>>)
        %dma_start3A_819 = arith.constant 896 : i32
        %dma_start3A_820 = tpu.memref_slice %arg15[%dma_start3A_819] : memref<1280xf32, #tpu.memory_space<vmem>> -> memref<128xf32, #tpu.memory_space<vmem>>
        %dma_start3A_821 = arith.constant 896 : i32
        %dma_start3A_822 = tpu.memref_slice %arg9[%dma_start3A_821] : memref<1280xi32, #tpu.memory_space<vmem>> -> memref<128xi32, #tpu.memory_space<vmem>>
        %dma_start3A_823 = arith.constant 0 : i32
        %dma_start3A_824 = tpu.memref_slice %arg27[%dma_start3A_823] : memref<100000xf32, #tpu.memory_space<vmem_shared>> -> memref<100000xf32, #tpu.memory_space<vmem_shared>>
        tpu.enqueue_indirect_dma source(%dma_start3A_824 : memref<100000xf32, #tpu.memory_space<vmem_shared>>) target(%dma_start3A_820 : memref<128xf32, #tpu.memory_space<vmem>>) offsets(%dma_start3A_822 : memref<128xi32, #tpu.memory_space<vmem>>) semaphore(%arg30 : memref<!tpu.dma_semaphore, #tpu.memory_space<semaphore_mem>>)
        %dma_start3A_825 = arith.constant 896 : i32
        %dma_start3A_826 = tpu.memref_slice %arg17[%dma_start3A_825] : memref<1280xf32, #tpu.memory_space<vmem>> -> memref<128xf32, #tpu.memory_space<vmem>>
        %dma_start3A_827 = arith.constant 896 : i32
        %dma_start3A_828 = tpu.memref_slice %arg9[%dma_start3A_827] : memref<1280xi32, #tpu.memory_space<vmem>> -> memref<128xi32, #tpu.memory_space<vmem>>
        %dma_start3A_829 = arith.constant 0 : i32
        %dma_start3A_830 = tpu.memref_slice %arg28[%dma_start3A_829] : memref<100000xf32, #tpu.memory_space<vmem_shared>> -> memref<100000xf32, #tpu.memory_space<vmem_shared>>
        tpu.enqueue_indirect_dma source(%dma_start3A_830 : memref<100000xf32, #tpu.memory_space<vmem_shared>>) target(%dma_start3A_826 : memref<128xf32, #tpu.memory_space<vmem>>) offsets(%dma_start3A_828 : memref<128xi32, #tpu.memory_space<vmem>>) semaphore(%arg30 : memref<!tpu.dma_semaphore, #tpu.memory_space<semaphore_mem>>)
        %dma_start3A_831 = arith.constant 896 : i32
        %dma_start3A_832 = tpu.memref_slice %arg19[%dma_start3A_831] : memref<1280xf32, #tpu.memory_space<vmem>> -> memref<128xf32, #tpu.memory_space<vmem>>
        %dma_start3A_833 = arith.constant 896 : i32
        %dma_start3A_834 = tpu.memref_slice %arg11[%dma_start3A_833] : memref<1280xi32, #tpu.memory_space<vmem>> -> memref<128xi32, #tpu.memory_space<vmem>>
        %dma_start3A_835 = arith.constant 0 : i32
        %dma_start3A_836 = tpu.memref_slice %arg26[%dma_start3A_835] : memref<100000xf32, #tpu.memory_space<vmem_shared>> -> memref<100000xf32, #tpu.memory_space<vmem_shared>>
        tpu.enqueue_indirect_dma source(%dma_start3A_836 : memref<100000xf32, #tpu.memory_space<vmem_shared>>) target(%dma_start3A_832 : memref<128xf32, #tpu.memory_space<vmem>>) offsets(%dma_start3A_834 : memref<128xi32, #tpu.memory_space<vmem>>) semaphore(%arg30 : memref<!tpu.dma_semaphore, #tpu.memory_space<semaphore_mem>>)
        %dma_start3A_837 = arith.constant 896 : i32
        %dma_start3A_838 = tpu.memref_slice %arg21[%dma_start3A_837] : memref<1280xf32, #tpu.memory_space<vmem>> -> memref<128xf32, #tpu.memory_space<vmem>>
        %dma_start3A_839 = arith.constant 896 : i32
        %dma_start3A_840 = tpu.memref_slice %arg11[%dma_start3A_839] : memref<1280xi32, #tpu.memory_space<vmem>> -> memref<128xi32, #tpu.memory_space<vmem>>
        %dma_start3A_841 = arith.constant 0 : i32
        %dma_start3A_842 = tpu.memref_slice %arg27[%dma_start3A_841] : memref<100000xf32, #tpu.memory_space<vmem_shared>> -> memref<100000xf32, #tpu.memory_space<vmem_shared>>
        tpu.enqueue_indirect_dma source(%dma_start3A_842 : memref<100000xf32, #tpu.memory_space<vmem_shared>>) target(%dma_start3A_838 : memref<128xf32, #tpu.memory_space<vmem>>) offsets(%dma_start3A_840 : memref<128xi32, #tpu.memory_space<vmem>>) semaphore(%arg30 : memref<!tpu.dma_semaphore, #tpu.memory_space<semaphore_mem>>)
        %dma_start3A_843 = arith.constant 896 : i32
        %dma_start3A_844 = tpu.memref_slice %arg23[%dma_start3A_843] : memref<1280xf32, #tpu.memory_space<vmem>> -> memref<128xf32, #tpu.memory_space<vmem>>
        %dma_start3A_845 = arith.constant 896 : i32
        %dma_start3A_846 = tpu.memref_slice %arg11[%dma_start3A_845] : memref<1280xi32, #tpu.memory_space<vmem>> -> memref<128xi32, #tpu.memory_space<vmem>>
        %dma_start3A_847 = arith.constant 0 : i32
        %dma_start3A_848 = tpu.memref_slice %arg28[%dma_start3A_847] : memref<100000xf32, #tpu.memory_space<vmem_shared>> -> memref<100000xf32, #tpu.memory_space<vmem_shared>>
        tpu.enqueue_indirect_dma source(%dma_start3A_848 : memref<100000xf32, #tpu.memory_space<vmem_shared>>) target(%dma_start3A_844 : memref<128xf32, #tpu.memory_space<vmem>>) offsets(%dma_start3A_846 : memref<128xi32, #tpu.memory_space<vmem>>) semaphore(%arg30 : memref<!tpu.dma_semaphore, #tpu.memory_space<semaphore_mem>>)
        %dma_start3A_849 = arith.constant 1024 : i32
        %dma_start3A_850 = tpu.memref_slice %arg13[%dma_start3A_849] : memref<1280xf32, #tpu.memory_space<vmem>> -> memref<128xf32, #tpu.memory_space<vmem>>
        %dma_start3A_851 = arith.constant 1024 : i32
        %dma_start3A_852 = tpu.memref_slice %arg9[%dma_start3A_851] : memref<1280xi32, #tpu.memory_space<vmem>> -> memref<128xi32, #tpu.memory_space<vmem>>
        %dma_start3A_853 = arith.constant 0 : i32
        %dma_start3A_854 = tpu.memref_slice %arg26[%dma_start3A_853] : memref<100000xf32, #tpu.memory_space<vmem_shared>> -> memref<100000xf32, #tpu.memory_space<vmem_shared>>
        tpu.enqueue_indirect_dma source(%dma_start3A_854 : memref<100000xf32, #tpu.memory_space<vmem_shared>>) target(%dma_start3A_850 : memref<128xf32, #tpu.memory_space<vmem>>) offsets(%dma_start3A_852 : memref<128xi32, #tpu.memory_space<vmem>>) semaphore(%arg30 : memref<!tpu.dma_semaphore, #tpu.memory_space<semaphore_mem>>)
        %dma_start3A_855 = arith.constant 1024 : i32
        %dma_start3A_856 = tpu.memref_slice %arg15[%dma_start3A_855] : memref<1280xf32, #tpu.memory_space<vmem>> -> memref<128xf32, #tpu.memory_space<vmem>>
        %dma_start3A_857 = arith.constant 1024 : i32
        %dma_start3A_858 = tpu.memref_slice %arg9[%dma_start3A_857] : memref<1280xi32, #tpu.memory_space<vmem>> -> memref<128xi32, #tpu.memory_space<vmem>>
        %dma_start3A_859 = arith.constant 0 : i32
        %dma_start3A_860 = tpu.memref_slice %arg27[%dma_start3A_859] : memref<100000xf32, #tpu.memory_space<vmem_shared>> -> memref<100000xf32, #tpu.memory_space<vmem_shared>>
        tpu.enqueue_indirect_dma source(%dma_start3A_860 : memref<100000xf32, #tpu.memory_space<vmem_shared>>) target(%dma_start3A_856 : memref<128xf32, #tpu.memory_space<vmem>>) offsets(%dma_start3A_858 : memref<128xi32, #tpu.memory_space<vmem>>) semaphore(%arg30 : memref<!tpu.dma_semaphore, #tpu.memory_space<semaphore_mem>>)
        %dma_start3A_861 = arith.constant 1024 : i32
        %dma_start3A_862 = tpu.memref_slice %arg17[%dma_start3A_861] : memref<1280xf32, #tpu.memory_space<vmem>> -> memref<128xf32, #tpu.memory_space<vmem>>
        %dma_start3A_863 = arith.constant 1024 : i32
        %dma_start3A_864 = tpu.memref_slice %arg9[%dma_start3A_863] : memref<1280xi32, #tpu.memory_space<vmem>> -> memref<128xi32, #tpu.memory_space<vmem>>
        %dma_start3A_865 = arith.constant 0 : i32
        %dma_start3A_866 = tpu.memref_slice %arg28[%dma_start3A_865] : memref<100000xf32, #tpu.memory_space<vmem_shared>> -> memref<100000xf32, #tpu.memory_space<vmem_shared>>
        tpu.enqueue_indirect_dma source(%dma_start3A_866 : memref<100000xf32, #tpu.memory_space<vmem_shared>>) target(%dma_start3A_862 : memref<128xf32, #tpu.memory_space<vmem>>) offsets(%dma_start3A_864 : memref<128xi32, #tpu.memory_space<vmem>>) semaphore(%arg30 : memref<!tpu.dma_semaphore, #tpu.memory_space<semaphore_mem>>)
        %dma_start3A_867 = arith.constant 1024 : i32
        %dma_start3A_868 = tpu.memref_slice %arg19[%dma_start3A_867] : memref<1280xf32, #tpu.memory_space<vmem>> -> memref<128xf32, #tpu.memory_space<vmem>>
        %dma_start3A_869 = arith.constant 1024 : i32
        %dma_start3A_870 = tpu.memref_slice %arg11[%dma_start3A_869] : memref<1280xi32, #tpu.memory_space<vmem>> -> memref<128xi32, #tpu.memory_space<vmem>>
        %dma_start3A_871 = arith.constant 0 : i32
        %dma_start3A_872 = tpu.memref_slice %arg26[%dma_start3A_871] : memref<100000xf32, #tpu.memory_space<vmem_shared>> -> memref<100000xf32, #tpu.memory_space<vmem_shared>>
        tpu.enqueue_indirect_dma source(%dma_start3A_872 : memref<100000xf32, #tpu.memory_space<vmem_shared>>) target(%dma_start3A_868 : memref<128xf32, #tpu.memory_space<vmem>>) offsets(%dma_start3A_870 : memref<128xi32, #tpu.memory_space<vmem>>) semaphore(%arg30 : memref<!tpu.dma_semaphore, #tpu.memory_space<semaphore_mem>>)
        %dma_start3A_873 = arith.constant 1024 : i32
        %dma_start3A_874 = tpu.memref_slice %arg21[%dma_start3A_873] : memref<1280xf32, #tpu.memory_space<vmem>> -> memref<128xf32, #tpu.memory_space<vmem>>
        %dma_start3A_875 = arith.constant 1024 : i32
        %dma_start3A_876 = tpu.memref_slice %arg11[%dma_start3A_875] : memref<1280xi32, #tpu.memory_space<vmem>> -> memref<128xi32, #tpu.memory_space<vmem>>
        %dma_start3A_877 = arith.constant 0 : i32
        %dma_start3A_878 = tpu.memref_slice %arg27[%dma_start3A_877] : memref<100000xf32, #tpu.memory_space<vmem_shared>> -> memref<100000xf32, #tpu.memory_space<vmem_shared>>
        tpu.enqueue_indirect_dma source(%dma_start3A_878 : memref<100000xf32, #tpu.memory_space<vmem_shared>>) target(%dma_start3A_874 : memref<128xf32, #tpu.memory_space<vmem>>) offsets(%dma_start3A_876 : memref<128xi32, #tpu.memory_space<vmem>>) semaphore(%arg30 : memref<!tpu.dma_semaphore, #tpu.memory_space<semaphore_mem>>)
        %dma_start3A_879 = arith.constant 1024 : i32
        %dma_start3A_880 = tpu.memref_slice %arg23[%dma_start3A_879] : memref<1280xf32, #tpu.memory_space<vmem>> -> memref<128xf32, #tpu.memory_space<vmem>>
        %dma_start3A_881 = arith.constant 1024 : i32
        %dma_start3A_882 = tpu.memref_slice %arg11[%dma_start3A_881] : memref<1280xi32, #tpu.memory_space<vmem>> -> memref<128xi32, #tpu.memory_space<vmem>>
        %dma_start3A_883 = arith.constant 0 : i32
        %dma_start3A_884 = tpu.memref_slice %arg28[%dma_start3A_883] : memref<100000xf32, #tpu.memory_space<vmem_shared>> -> memref<100000xf32, #tpu.memory_space<vmem_shared>>
        tpu.enqueue_indirect_dma source(%dma_start3A_884 : memref<100000xf32, #tpu.memory_space<vmem_shared>>) target(%dma_start3A_880 : memref<128xf32, #tpu.memory_space<vmem>>) offsets(%dma_start3A_882 : memref<128xi32, #tpu.memory_space<vmem>>) semaphore(%arg30 : memref<!tpu.dma_semaphore, #tpu.memory_space<semaphore_mem>>)
        %dma_start3A_885 = arith.constant 1152 : i32
        %dma_start3A_886 = tpu.memref_slice %arg13[%dma_start3A_885] : memref<1280xf32, #tpu.memory_space<vmem>> -> memref<128xf32, #tpu.memory_space<vmem>>
        %dma_start3A_887 = arith.constant 1152 : i32
        %dma_start3A_888 = tpu.memref_slice %arg9[%dma_start3A_887] : memref<1280xi32, #tpu.memory_space<vmem>> -> memref<128xi32, #tpu.memory_space<vmem>>
        %dma_start3A_889 = arith.constant 0 : i32
        %dma_start3A_890 = tpu.memref_slice %arg26[%dma_start3A_889] : memref<100000xf32, #tpu.memory_space<vmem_shared>> -> memref<100000xf32, #tpu.memory_space<vmem_shared>>
        tpu.enqueue_indirect_dma source(%dma_start3A_890 : memref<100000xf32, #tpu.memory_space<vmem_shared>>) target(%dma_start3A_886 : memref<128xf32, #tpu.memory_space<vmem>>) offsets(%dma_start3A_888 : memref<128xi32, #tpu.memory_space<vmem>>) semaphore(%arg30 : memref<!tpu.dma_semaphore, #tpu.memory_space<semaphore_mem>>)
        %dma_start3A_891 = arith.constant 1152 : i32
        %dma_start3A_892 = tpu.memref_slice %arg15[%dma_start3A_891] : memref<1280xf32, #tpu.memory_space<vmem>> -> memref<128xf32, #tpu.memory_space<vmem>>
        %dma_start3A_893 = arith.constant 1152 : i32
        %dma_start3A_894 = tpu.memref_slice %arg9[%dma_start3A_893] : memref<1280xi32, #tpu.memory_space<vmem>> -> memref<128xi32, #tpu.memory_space<vmem>>
        %dma_start3A_895 = arith.constant 0 : i32
        %dma_start3A_896 = tpu.memref_slice %arg27[%dma_start3A_895] : memref<100000xf32, #tpu.memory_space<vmem_shared>> -> memref<100000xf32, #tpu.memory_space<vmem_shared>>
        tpu.enqueue_indirect_dma source(%dma_start3A_896 : memref<100000xf32, #tpu.memory_space<vmem_shared>>) target(%dma_start3A_892 : memref<128xf32, #tpu.memory_space<vmem>>) offsets(%dma_start3A_894 : memref<128xi32, #tpu.memory_space<vmem>>) semaphore(%arg30 : memref<!tpu.dma_semaphore, #tpu.memory_space<semaphore_mem>>)
        %dma_start3A_897 = arith.constant 1152 : i32
        %dma_start3A_898 = tpu.memref_slice %arg17[%dma_start3A_897] : memref<1280xf32, #tpu.memory_space<vmem>> -> memref<128xf32, #tpu.memory_space<vmem>>
        %dma_start3A_899 = arith.constant 1152 : i32
        %dma_start3A_900 = tpu.memref_slice %arg9[%dma_start3A_899] : memref<1280xi32, #tpu.memory_space<vmem>> -> memref<128xi32, #tpu.memory_space<vmem>>
        %dma_start3A_901 = arith.constant 0 : i32
        %dma_start3A_902 = tpu.memref_slice %arg28[%dma_start3A_901] : memref<100000xf32, #tpu.memory_space<vmem_shared>> -> memref<100000xf32, #tpu.memory_space<vmem_shared>>
        tpu.enqueue_indirect_dma source(%dma_start3A_902 : memref<100000xf32, #tpu.memory_space<vmem_shared>>) target(%dma_start3A_898 : memref<128xf32, #tpu.memory_space<vmem>>) offsets(%dma_start3A_900 : memref<128xi32, #tpu.memory_space<vmem>>) semaphore(%arg30 : memref<!tpu.dma_semaphore, #tpu.memory_space<semaphore_mem>>)
        %dma_start3A_903 = arith.constant 1152 : i32
        %dma_start3A_904 = tpu.memref_slice %arg19[%dma_start3A_903] : memref<1280xf32, #tpu.memory_space<vmem>> -> memref<128xf32, #tpu.memory_space<vmem>>
        %dma_start3A_905 = arith.constant 1152 : i32
        %dma_start3A_906 = tpu.memref_slice %arg11[%dma_start3A_905] : memref<1280xi32, #tpu.memory_space<vmem>> -> memref<128xi32, #tpu.memory_space<vmem>>
        %dma_start3A_907 = arith.constant 0 : i32
        %dma_start3A_908 = tpu.memref_slice %arg26[%dma_start3A_907] : memref<100000xf32, #tpu.memory_space<vmem_shared>> -> memref<100000xf32, #tpu.memory_space<vmem_shared>>
        tpu.enqueue_indirect_dma source(%dma_start3A_908 : memref<100000xf32, #tpu.memory_space<vmem_shared>>) target(%dma_start3A_904 : memref<128xf32, #tpu.memory_space<vmem>>) offsets(%dma_start3A_906 : memref<128xi32, #tpu.memory_space<vmem>>) semaphore(%arg30 : memref<!tpu.dma_semaphore, #tpu.memory_space<semaphore_mem>>)
        %dma_start3A_909 = arith.constant 1152 : i32
        %dma_start3A_910 = tpu.memref_slice %arg21[%dma_start3A_909] : memref<1280xf32, #tpu.memory_space<vmem>> -> memref<128xf32, #tpu.memory_space<vmem>>
        %dma_start3A_911 = arith.constant 1152 : i32
        %dma_start3A_912 = tpu.memref_slice %arg11[%dma_start3A_911] : memref<1280xi32, #tpu.memory_space<vmem>> -> memref<128xi32, #tpu.memory_space<vmem>>
        %dma_start3A_913 = arith.constant 0 : i32
        %dma_start3A_914 = tpu.memref_slice %arg27[%dma_start3A_913] : memref<100000xf32, #tpu.memory_space<vmem_shared>> -> memref<100000xf32, #tpu.memory_space<vmem_shared>>
        tpu.enqueue_indirect_dma source(%dma_start3A_914 : memref<100000xf32, #tpu.memory_space<vmem_shared>>) target(%dma_start3A_910 : memref<128xf32, #tpu.memory_space<vmem>>) offsets(%dma_start3A_912 : memref<128xi32, #tpu.memory_space<vmem>>) semaphore(%arg30 : memref<!tpu.dma_semaphore, #tpu.memory_space<semaphore_mem>>)
        %dma_start3A_915 = arith.constant 1152 : i32
        %dma_start3A_916 = tpu.memref_slice %arg23[%dma_start3A_915] : memref<1280xf32, #tpu.memory_space<vmem>> -> memref<128xf32, #tpu.memory_space<vmem>>
        %dma_start3A_917 = arith.constant 1152 : i32
        %dma_start3A_918 = tpu.memref_slice %arg11[%dma_start3A_917] : memref<1280xi32, #tpu.memory_space<vmem>> -> memref<128xi32, #tpu.memory_space<vmem>>
        %dma_start3A_919 = arith.constant 0 : i32
        %dma_start3A_920 = tpu.memref_slice %arg28[%dma_start3A_919] : memref<100000xf32, #tpu.memory_space<vmem_shared>> -> memref<100000xf32, #tpu.memory_space<vmem_shared>>
        tpu.enqueue_indirect_dma source(%dma_start3A_920 : memref<100000xf32, #tpu.memory_space<vmem_shared>>) target(%dma_start3A_916 : memref<128xf32, #tpu.memory_space<vmem>>) offsets(%dma_start3A_918 : memref<128xi32, #tpu.memory_space<vmem>>) semaphore(%arg30 : memref<!tpu.dma_semaphore, #tpu.memory_space<semaphore_mem>>)
      } else {
      }
      %dma_wait3A_413 = arith.constant 0 : i32
      %dma_wait3A_414 = tpu.memref_slice %arg12[%dma_wait3A_413] : memref<1280xf32, #tpu.memory_space<vmem>> -> memref<1280xf32, #tpu.memory_space<vmem>>
      %dma_wait3A_415 = arith.constant 0 : i32
      %dma_wait3A_416 = tpu.memref_slice %arg2[%dma_wait3A_415] : memref<100000xf32, #tpu.memory_space<hbm>> -> memref<1280xf32, #tpu.memory_space<hbm>>
      %dma_wait3A_417 = arith.constant 0 : i32
      %dma_wait3A_418 = tpu.memref_slice %arg12[%dma_wait3A_417] : memref<1280xf32, #tpu.memory_space<vmem>> -> memref<1280xf32, #tpu.memory_space<vmem>>
      %dma_wait3A_419 = arith.constant 0 : i32
      %dma_wait3A_420 = tpu.memref_slice %arg2[%dma_wait3A_419] : memref<100000xf32, #tpu.memory_space<hbm>> -> memref<1280xf32, #tpu.memory_space<hbm>>
      tpu.wait_dma2 semaphore(%arg29 : memref<!tpu.dma_semaphore, #tpu.memory_space<semaphore_mem>>) src(%dma_wait3A_420 : memref<1280xf32, #tpu.memory_space<hbm>>) dst(%dma_wait3A_418 : memref<1280xf32, #tpu.memory_space<vmem>>)
      %dma_wait3A_421 = arith.constant 0 : i32
      %dma_wait3A_422 = tpu.memref_slice %arg14[%dma_wait3A_421] : memref<1280xf32, #tpu.memory_space<vmem>> -> memref<1280xf32, #tpu.memory_space<vmem>>
      %dma_wait3A_423 = arith.constant 0 : i32
      %dma_wait3A_424 = tpu.memref_slice %arg2[%dma_wait3A_423] : memref<100000xf32, #tpu.memory_space<hbm>> -> memref<1280xf32, #tpu.memory_space<hbm>>
      %dma_wait3A_425 = arith.constant 0 : i32
      %dma_wait3A_426 = tpu.memref_slice %arg14[%dma_wait3A_425] : memref<1280xf32, #tpu.memory_space<vmem>> -> memref<1280xf32, #tpu.memory_space<vmem>>
      %dma_wait3A_427 = arith.constant 0 : i32
      %dma_wait3A_428 = tpu.memref_slice %arg2[%dma_wait3A_427] : memref<100000xf32, #tpu.memory_space<hbm>> -> memref<1280xf32, #tpu.memory_space<hbm>>
      tpu.wait_dma2 semaphore(%arg29 : memref<!tpu.dma_semaphore, #tpu.memory_space<semaphore_mem>>) src(%dma_wait3A_428 : memref<1280xf32, #tpu.memory_space<hbm>>) dst(%dma_wait3A_426 : memref<1280xf32, #tpu.memory_space<vmem>>)
      %dma_wait3A_429 = arith.constant 0 : i32
      %dma_wait3A_430 = tpu.memref_slice %arg16[%dma_wait3A_429] : memref<1280xf32, #tpu.memory_space<vmem>> -> memref<1280xf32, #tpu.memory_space<vmem>>
      %dma_wait3A_431 = arith.constant 0 : i32
      %dma_wait3A_432 = tpu.memref_slice %arg2[%dma_wait3A_431] : memref<100000xf32, #tpu.memory_space<hbm>> -> memref<1280xf32, #tpu.memory_space<hbm>>
      %dma_wait3A_433 = arith.constant 0 : i32
      %dma_wait3A_434 = tpu.memref_slice %arg16[%dma_wait3A_433] : memref<1280xf32, #tpu.memory_space<vmem>> -> memref<1280xf32, #tpu.memory_space<vmem>>
      %dma_wait3A_435 = arith.constant 0 : i32
      %dma_wait3A_436 = tpu.memref_slice %arg2[%dma_wait3A_435] : memref<100000xf32, #tpu.memory_space<hbm>> -> memref<1280xf32, #tpu.memory_space<hbm>>
      tpu.wait_dma2 semaphore(%arg29 : memref<!tpu.dma_semaphore, #tpu.memory_space<semaphore_mem>>) src(%dma_wait3A_436 : memref<1280xf32, #tpu.memory_space<hbm>>) dst(%dma_wait3A_434 : memref<1280xf32, #tpu.memory_space<vmem>>)
      %dma_wait3A_437 = arith.constant 0 : i32
      %dma_wait3A_438 = tpu.memref_slice %arg18[%dma_wait3A_437] : memref<1280xf32, #tpu.memory_space<vmem>> -> memref<1280xf32, #tpu.memory_space<vmem>>
      %dma_wait3A_439 = arith.constant 0 : i32
      %dma_wait3A_440 = tpu.memref_slice %arg2[%dma_wait3A_439] : memref<100000xf32, #tpu.memory_space<hbm>> -> memref<1280xf32, #tpu.memory_space<hbm>>
      %dma_wait3A_441 = arith.constant 0 : i32
      %dma_wait3A_442 = tpu.memref_slice %arg18[%dma_wait3A_441] : memref<1280xf32, #tpu.memory_space<vmem>> -> memref<1280xf32, #tpu.memory_space<vmem>>
      %dma_wait3A_443 = arith.constant 0 : i32
      %dma_wait3A_444 = tpu.memref_slice %arg2[%dma_wait3A_443] : memref<100000xf32, #tpu.memory_space<hbm>> -> memref<1280xf32, #tpu.memory_space<hbm>>
      tpu.wait_dma2 semaphore(%arg29 : memref<!tpu.dma_semaphore, #tpu.memory_space<semaphore_mem>>) src(%dma_wait3A_444 : memref<1280xf32, #tpu.memory_space<hbm>>) dst(%dma_wait3A_442 : memref<1280xf32, #tpu.memory_space<vmem>>)
      %dma_wait3A_445 = arith.constant 0 : i32
      %dma_wait3A_446 = tpu.memref_slice %arg20[%dma_wait3A_445] : memref<1280xf32, #tpu.memory_space<vmem>> -> memref<1280xf32, #tpu.memory_space<vmem>>
      %dma_wait3A_447 = arith.constant 0 : i32
      %dma_wait3A_448 = tpu.memref_slice %arg2[%dma_wait3A_447] : memref<100000xf32, #tpu.memory_space<hbm>> -> memref<1280xf32, #tpu.memory_space<hbm>>
      %dma_wait3A_449 = arith.constant 0 : i32
      %dma_wait3A_450 = tpu.memref_slice %arg20[%dma_wait3A_449] : memref<1280xf32, #tpu.memory_space<vmem>> -> memref<1280xf32, #tpu.memory_space<vmem>>
      %dma_wait3A_451 = arith.constant 0 : i32
      %dma_wait3A_452 = tpu.memref_slice %arg2[%dma_wait3A_451] : memref<100000xf32, #tpu.memory_space<hbm>> -> memref<1280xf32, #tpu.memory_space<hbm>>
      tpu.wait_dma2 semaphore(%arg29 : memref<!tpu.dma_semaphore, #tpu.memory_space<semaphore_mem>>) src(%dma_wait3A_452 : memref<1280xf32, #tpu.memory_space<hbm>>) dst(%dma_wait3A_450 : memref<1280xf32, #tpu.memory_space<vmem>>)
      %dma_wait3A_453 = arith.constant 0 : i32
      %dma_wait3A_454 = tpu.memref_slice %arg22[%dma_wait3A_453] : memref<1280xf32, #tpu.memory_space<vmem>> -> memref<1280xf32, #tpu.memory_space<vmem>>
      %dma_wait3A_455 = arith.constant 0 : i32
      %dma_wait3A_456 = tpu.memref_slice %arg2[%dma_wait3A_455] : memref<100000xf32, #tpu.memory_space<hbm>> -> memref<1280xf32, #tpu.memory_space<hbm>>
      %dma_wait3A_457 = arith.constant 0 : i32
      %dma_wait3A_458 = tpu.memref_slice %arg22[%dma_wait3A_457] : memref<1280xf32, #tpu.memory_space<vmem>> -> memref<1280xf32, #tpu.memory_space<vmem>>
      %dma_wait3A_459 = arith.constant 0 : i32
      %dma_wait3A_460 = tpu.memref_slice %arg2[%dma_wait3A_459] : memref<100000xf32, #tpu.memory_space<hbm>> -> memref<1280xf32, #tpu.memory_space<hbm>>
      tpu.wait_dma2 semaphore(%arg29 : memref<!tpu.dma_semaphore, #tpu.memory_space<semaphore_mem>>) src(%dma_wait3A_460 : memref<1280xf32, #tpu.memory_space<hbm>>) dst(%dma_wait3A_458 : memref<1280xf32, #tpu.memory_space<vmem>>)
      %ge3A = arith.constant 2 : i32
      %ge3A_461 = arith.cmpi sge, %add3A_407, %ge3A : i32
      %convert_element_type3A_462 = arith.extui %ge3A_461 : i1 to i32
      %cond3A_463 = arith.constant 0 : i32
      %cond3A_464 = arith.cmpi ne, %convert_element_type3A_462, %cond3A_463 : i32
      scf.if %cond3A_464 {
        %dma_wait3A_556 = arith.constant 0 : i32
        %dma_wait3A_557 = arith.constant 0 : i32
        %dma_wait3A_558 = tpu.memref_slice %arg7[%dma_wait3A_556, %dma_wait3A_557] : memref<16x3200000xf32, #tpu.memory_space<hbm>> -> memref<16x1280xf32, #tpu.memory_space<hbm>>
        %dma_wait3A_559 = arith.constant 0 : i32
        %dma_wait3A_560 = arith.constant 0 : i32
        %dma_wait3A_561 = tpu.memref_slice %arg7[%dma_wait3A_559, %dma_wait3A_560] : memref<16x3200000xf32, #tpu.memory_space<hbm>> -> memref<16x1280xf32, #tpu.memory_space<hbm>>
        tpu.wait_dma2 semaphore(%arg31 : memref<!tpu.dma_semaphore, #tpu.memory_space<semaphore_mem>>) src(%dma_wait3A_561 : memref<16x1280xf32, #tpu.memory_space<hbm>>) dst(%arg24 : memref<16x1280xf32, #tpu.memory_space<vmem>>)
      } else {
      }
      %scan3A_465 = arith.constant 0 : i32
      %scan3A_466 = arith.constant 0 : i32
      %scan3A_467 = arith.constant 80 : i32
      %scan3A_468 = arith.addi %scan3A_466, %scan3A_467 : i32
      %scan3A_469 = arith.constant 1 : i32
      %scan3A_470 = scf.for %scan3A_556 = %scan3A_466 to %scan3A_468 step %scan3A_469 iter_args(%scan3A_557 = %scan3A_465) -> (i32)  : i32 {
        %mul3A_558 = arith.constant 16 : i32
        %mul3A_559 = arith.muli %scan3A_556, %mul3A_558 : i32
        %get3A = arith.index_cast %mul3A_559 : i32 to index
        %get3A_560 = tpu.vector_load %arg12[%get3A] {strides = array<i32>} : memref<1280xf32, #tpu.memory_space<vmem>>, vector<16xf32>,
        %get3A_561 = arith.index_cast %mul3A_559 : i32 to index
        %get3A_562 = tpu.vector_load %arg18[%get3A_561] {strides = array<i32>} : memref<1280xf32, #tpu.memory_space<vmem>>, vector<16xf32>,
        %sub3A = arith.subf %get3A_560, %get3A_562 : vector<16xf32>
        %get3A_563 = arith.index_cast %mul3A_559 : i32 to index
        %get3A_564 = tpu.vector_load %arg14[%get3A_563] {strides = array<i32>} : memref<1280xf32, #tpu.memory_space<vmem>>, vector<16xf32>,
        %get3A_565 = arith.index_cast %mul3A_559 : i32 to index
        %get3A_566 = tpu.vector_load %arg20[%get3A_565] {strides = array<i32>} : memref<1280xf32, #tpu.memory_space<vmem>>, vector<16xf32>,
        %sub3A_567 = arith.subf %get3A_564, %get3A_566 : vector<16xf32>
        %get3A_568 = arith.index_cast %mul3A_559 : i32 to index
        %get3A_569 = tpu.vector_load %arg16[%get3A_568] {strides = array<i32>} : memref<1280xf32, #tpu.memory_space<vmem>>, vector<16xf32>,
        %get3A_570 = arith.index_cast %mul3A_559 : i32 to index
        %get3A_571 = tpu.vector_load %arg22[%get3A_570] {strides = array<i32>} : memref<1280xf32, #tpu.memory_space<vmem>>, vector<16xf32>,
        %sub3A_572 = arith.subf %get3A_569, %get3A_571 : vector<16xf32>
        %mul3A_573 = arith.mulf %sub3A, %sub3A : vector<16xf32>
        %mul3A_574 = arith.mulf %sub3A_567, %sub3A_567 : vector<16xf32>
        %add3A_575 = arith.addf %mul3A_573, %mul3A_574 : vector<16xf32>
        %mul3A_576 = arith.mulf %sub3A_572, %sub3A_572 : vector<16xf32>
        %add3A_577 = arith.addf %add3A_575, %mul3A_576 : vector<16xf32>
        %max3A = arith.constant 1.000000e-30 : f32
        %max3A_578 = vector.broadcast %max3A : f32 to vector<16xf32>
        %max3A_579 = arith.maximumf %add3A_577, %max3A_578 : vector<16xf32>
        %bitcast3A = vector.bitcast %max3A_579 : vector<16xf32> to vector<16xi32>
        %shift_right_logical3A = arith.constant 1 : i32
        %shift_right_logical3A_580 = vector.broadcast %shift_right_logical3A : i32 to vector<16xi32>
        %shift_right_logical3A_581 = arith.shrui %bitcast3A, %shift_right_logical3A_580 : vector<16xi32>
        %sub3A_582 = arith.constant 1597463007 : i32
        %sub3A_583 = vector.broadcast %sub3A_582 : i32 to vector<16xi32>
        %sub3A_584 = arith.subi %sub3A_583, %shift_right_logical3A_581 : vector<16xi32>
        %bitcast3A_585 = vector.bitcast %sub3A_584 : vector<16xi32> to vector<16xf32>
        %mul3A_586 = arith.constant -5.000000e-01 : f32
        %mul3A_587 = vector.broadcast %mul3A_586 : f32 to vector<16xf32>
        %mul3A_588 = arith.mulf %max3A_579, %mul3A_587 : vector<16xf32>
        %mul3A_589 = arith.mulf %mul3A_588, %bitcast3A_585 : vector<16xf32>
        %mul3A_590 = arith.mulf %mul3A_589, %bitcast3A_585 : vector<16xf32>
        %add3A_591 = arith.constant 1.500000e+00 : f32
        %add3A_592 = vector.broadcast %add3A_591 : f32 to vector<16xf32>
        %add3A_593 = arith.addf %add3A_592, %mul3A_590 : vector<16xf32>
        %mul3A_594 = arith.mulf %bitcast3A_585, %add3A_593 : vector<16xf32>
        %mul3A_595 = arith.mulf %mul3A_588, %mul3A_594 : vector<16xf32>
        %mul3A_596 = arith.mulf %mul3A_595, %mul3A_594 : vector<16xf32>
        %add3A_597 = arith.constant 1.500000e+00 : f32
        %add3A_598 = vector.broadcast %add3A_597 : f32 to vector<16xf32>
        %add3A_599 = arith.addf %add3A_598, %mul3A_596 : vector<16xf32>
        %mul3A_600 = arith.mulf %mul3A_594, %add3A_599 : vector<16xf32>
        %mul3A_601 = arith.mulf %mul3A_588, %mul3A_600 : vector<16xf32>
        %mul3A_602 = arith.mulf %mul3A_601, %mul3A_600 : vector<16xf32>
        %add3A_603 = arith.constant 1.500000e+00 : f32
        %add3A_604 = vector.broadcast %add3A_603 : f32 to vector<16xf32>
        %add3A_605 = arith.addf %add3A_604, %mul3A_602 : vector<16xf32>
        %mul3A_606 = arith.mulf %mul3A_600, %add3A_605 : vector<16xf32>
        %mul3A_607 = arith.mulf %add3A_577, %mul3A_606 : vector<16xf32>
        %sub3A_608 = arith.constant 0.000000e+00 : f32
        %sub3A_609 = vector.broadcast %sub3A_608 : f32 to vector<16xf32>
        %sub3A_610 = arith.subf %mul3A_607, %sub3A_609 : vector<16xf32>
        %mul3A_611 = arith.constant -4.500000e+00 : f32
        %mul3A_612 = vector.broadcast %mul3A_611 : f32 to vector<16xf32>
        %mul3A_613 = arith.mulf %sub3A_610, %mul3A_612 : vector<16xf32>
        %mul3A_614 = arith.mulf %sub3A_610, %mul3A_613 : vector<16xf32>
        %exp3A = math.exp %mul3A_614 : vector<16xf32>
        %swap3A = arith.constant 0 : i32
        %swap3A_615 = arith.index_cast %swap3A : i32 to index
        %swap3A_616 = arith.index_cast %mul3A_559 : i32 to index
        %swap3A_617 = tpu.vector_load %arg24[%swap3A_615, %swap3A_616] {strides = array<i32>} : memref<16x1280xf32, #tpu.memory_space<vmem>>, vector<16xf32>,
        tpu.vector_store %arg24[%swap3A_615, %swap3A_616], %exp3A {strides = array<i32>} : memref<16x1280xf32, #tpu.memory_space<vmem>>, vector<16xf32>,
        %sub3A_618 = arith.constant 0.333333343 : f32
        %sub3A_619 = vector.broadcast %sub3A_618 : f32 to vector<16xf32>
        %sub3A_620 = arith.subf %mul3A_607, %sub3A_619 : vector<16xf32>
        %mul3A_621 = arith.constant -4.500000e+00 : f32
        %mul3A_622 = vector.broadcast %mul3A_621 : f32 to vector<16xf32>
        %mul3A_623 = arith.mulf %sub3A_620, %mul3A_622 : vector<16xf32>
        %mul3A_624 = arith.mulf %sub3A_620, %mul3A_623 : vector<16xf32>
        %exp3A_625 = math.exp %mul3A_624 : vector<16xf32>
        %swap3A_626 = arith.constant 1 : i32
        %swap3A_627 = arith.index_cast %swap3A_626 : i32 to index
        %swap3A_628 = arith.index_cast %mul3A_559 : i32 to index
        %swap3A_629 = tpu.vector_load %arg24[%swap3A_627, %swap3A_628] {strides = array<i32>} : memref<16x1280xf32, #tpu.memory_space<vmem>>, vector<16xf32>,
        tpu.vector_store %arg24[%swap3A_627, %swap3A_628], %exp3A_625 {strides = array<i32>} : memref<16x1280xf32, #tpu.memory_space<vmem>>, vector<16xf32>,
        %sub3A_630 = arith.constant 0.666666686 : f32
        %sub3A_631 = vector.broadcast %sub3A_630 : f32 to vector<16xf32>
        %sub3A_632 = arith.subf %mul3A_607, %sub3A_631 : vector<16xf32>
        %mul3A_633 = arith.constant -4.500000e+00 : f32
        %mul3A_634 = vector.broadcast %mul3A_633 : f32 to vector<16xf32>
        %mul3A_635 = arith.mulf %sub3A_632, %mul3A_634 : vector<16xf32>
        %mul3A_636 = arith.mulf %sub3A_632, %mul3A_635 : vector<16xf32>
        %exp3A_637 = math.exp %mul3A_636 : vector<16xf32>
        %swap3A_638 = arith.constant 2 : i32
        %swap3A_639 = arith.index_cast %swap3A_638 : i32 to index
        %swap3A_640 = arith.index_cast %mul3A_559 : i32 to index
        %swap3A_641 = tpu.vector_load %arg24[%swap3A_639, %swap3A_640] {strides = array<i32>} : memref<16x1280xf32, #tpu.memory_space<vmem>>, vector<16xf32>,
        tpu.vector_store %arg24[%swap3A_639, %swap3A_640], %exp3A_637 {strides = array<i32>} : memref<16x1280xf32, #tpu.memory_space<vmem>>, vector<16xf32>,
        %sub3A_642 = arith.constant 1.000000e+00 : f32
        %sub3A_643 = vector.broadcast %sub3A_642 : f32 to vector<16xf32>
        %sub3A_644 = arith.subf %mul3A_607, %sub3A_643 : vector<16xf32>
        %mul3A_645 = arith.constant -4.500000e+00 : f32
        %mul3A_646 = vector.broadcast %mul3A_645 : f32 to vector<16xf32>
        %mul3A_647 = arith.mulf %sub3A_644, %mul3A_646 : vector<16xf32>
        %mul3A_648 = arith.mulf %sub3A_644, %mul3A_647 : vector<16xf32>
        %exp3A_649 = math.exp %mul3A_648 : vector<16xf32>
        %swap3A_650 = arith.constant 3 : i32
        %swap3A_651 = arith.index_cast %swap3A_650 : i32 to index
        %swap3A_652 = arith.index_cast %mul3A_559 : i32 to index
        %swap3A_653 = tpu.vector_load %arg24[%swap3A_651, %swap3A_652] {strides = array<i32>} : memref<16x1280xf32, #tpu.memory_space<vmem>>, vector<16xf32>,
        tpu.vector_store %arg24[%swap3A_651, %swap3A_652], %exp3A_649 {strides = array<i32>} : memref<16x1280xf32, #tpu.memory_space<vmem>>, vector<16xf32>,
        %sub3A_654 = arith.constant 1.33333337 : f32
        %sub3A_655 = vector.broadcast %sub3A_654 : f32 to vector<16xf32>
        %sub3A_656 = arith.subf %mul3A_607, %sub3A_655 : vector<16xf32>
        %mul3A_657 = arith.constant -4.500000e+00 : f32
        %mul3A_658 = vector.broadcast %mul3A_657 : f32 to vector<16xf32>
        %mul3A_659 = arith.mulf %sub3A_656, %mul3A_658 : vector<16xf32>
        %mul3A_660 = arith.mulf %sub3A_656, %mul3A_659 : vector<16xf32>
        %exp3A_661 = math.exp %mul3A_660 : vector<16xf32>
        %swap3A_662 = arith.constant 4 : i32
        %swap3A_663 = arith.index_cast %swap3A_662 : i32 to index
        %swap3A_664 = arith.index_cast %mul3A_559 : i32 to index
        %swap3A_665 = tpu.vector_load %arg24[%swap3A_663, %swap3A_664] {strides = array<i32>} : memref<16x1280xf32, #tpu.memory_space<vmem>>, vector<16xf32>,
        tpu.vector_store %arg24[%swap3A_663, %swap3A_664], %exp3A_661 {strides = array<i32>} : memref<16x1280xf32, #tpu.memory_space<vmem>>, vector<16xf32>,
        %sub3A_666 = arith.constant 1.66666663 : f32
        %sub3A_667 = vector.broadcast %sub3A_666 : f32 to vector<16xf32>
        %sub3A_668 = arith.subf %mul3A_607, %sub3A_667 : vector<16xf32>
        %mul3A_669 = arith.constant -4.500000e+00 : f32
        %mul3A_670 = vector.broadcast %mul3A_669 : f32 to vector<16xf32>
        %mul3A_671 = arith.mulf %sub3A_668, %mul3A_670 : vector<16xf32>
        %mul3A_672 = arith.mulf %sub3A_668, %mul3A_671 : vector<16xf32>
        %exp3A_673 = math.exp %mul3A_672 : vector<16xf32>
        %swap3A_674 = arith.constant 5 : i32
        %swap3A_675 = arith.index_cast %swap3A_674 : i32 to index
        %swap3A_676 = arith.index_cast %mul3A_559 : i32 to index
        %swap3A_677 = tpu.vector_load %arg24[%swap3A_675, %swap3A_676] {strides = array<i32>} : memref<16x1280xf32, #tpu.memory_space<vmem>>, vector<16xf32>,
        tpu.vector_store %arg24[%swap3A_675, %swap3A_676], %exp3A_673 {strides = array<i32>} : memref<16x1280xf32, #tpu.memory_space<vmem>>, vector<16xf32>,
        %sub3A_678 = arith.constant 2.000000e+00 : f32
        %sub3A_679 = vector.broadcast %sub3A_678 : f32 to vector<16xf32>
        %sub3A_680 = arith.subf %mul3A_607, %sub3A_679 : vector<16xf32>
        %mul3A_681 = arith.constant -4.500000e+00 : f32
        %mul3A_682 = vector.broadcast %mul3A_681 : f32 to vector<16xf32>
        %mul3A_683 = arith.mulf %sub3A_680, %mul3A_682 : vector<16xf32>
        %mul3A_684 = arith.mulf %sub3A_680, %mul3A_683 : vector<16xf32>
        %exp3A_685 = math.exp %mul3A_684 : vector<16xf32>
        %swap3A_686 = arith.constant 6 : i32
        %swap3A_687 = arith.index_cast %swap3A_686 : i32 to index
        %swap3A_688 = arith.index_cast %mul3A_559 : i32 to index
        %swap3A_689 = tpu.vector_load %arg24[%swap3A_687, %swap3A_688] {strides = array<i32>} : memref<16x1280xf32, #tpu.memory_space<vmem>>, vector<16xf32>,
        tpu.vector_store %arg24[%swap3A_687, %swap3A_688], %exp3A_685 {strides = array<i32>} : memref<16x1280xf32, #tpu.memory_space<vmem>>, vector<16xf32>,
        %sub3A_690 = arith.constant 2.33333325 : f32
        %sub3A_691 = vector.broadcast %sub3A_690 : f32 to vector<16xf32>
        %sub3A_692 = arith.subf %mul3A_607, %sub3A_691 : vector<16xf32>
        %mul3A_693 = arith.constant -4.500000e+00 : f32
        %mul3A_694 = vector.broadcast %mul3A_693 : f32 to vector<16xf32>
        %mul3A_695 = arith.mulf %sub3A_692, %mul3A_694 : vector<16xf32>
        %mul3A_696 = arith.mulf %sub3A_692, %mul3A_695 : vector<16xf32>
        %exp3A_697 = math.exp %mul3A_696 : vector<16xf32>
        %swap3A_698 = arith.constant 7 : i32
        %swap3A_699 = arith.index_cast %swap3A_698 : i32 to index
        %swap3A_700 = arith.index_cast %mul3A_559 : i32 to index
        %swap3A_701 = tpu.vector_load %arg24[%swap3A_699, %swap3A_700] {strides = array<i32>} : memref<16x1280xf32, #tpu.memory_space<vmem>>, vector<16xf32>,
        tpu.vector_store %arg24[%swap3A_699, %swap3A_700], %exp3A_697 {strides = array<i32>} : memref<16x1280xf32, #tpu.memory_space<vmem>>, vector<16xf32>,
        %sub3A_702 = arith.constant 2.66666675 : f32
        %sub3A_703 = vector.broadcast %sub3A_702 : f32 to vector<16xf32>
        %sub3A_704 = arith.subf %mul3A_607, %sub3A_703 : vector<16xf32>
        %mul3A_705 = arith.constant -4.500000e+00 : f32
        %mul3A_706 = vector.broadcast %mul3A_705 : f32 to vector<16xf32>
        %mul3A_707 = arith.mulf %sub3A_704, %mul3A_706 : vector<16xf32>
        %mul3A_708 = arith.mulf %sub3A_704, %mul3A_707 : vector<16xf32>
        %exp3A_709 = math.exp %mul3A_708 : vector<16xf32>
        %swap3A_710 = arith.constant 8 : i32
        %swap3A_711 = arith.index_cast %swap3A_710 : i32 to index
        %swap3A_712 = arith.index_cast %mul3A_559 : i32 to index
        %swap3A_713 = tpu.vector_load %arg24[%swap3A_711, %swap3A_712] {strides = array<i32>} : memref<16x1280xf32, #tpu.memory_space<vmem>>, vector<16xf32>,
        tpu.vector_store %arg24[%swap3A_711, %swap3A_712], %exp3A_709 {strides = array<i32>} : memref<16x1280xf32, #tpu.memory_space<vmem>>, vector<16xf32>,
        %sub3A_714 = arith.constant 3.000000e+00 : f32
        %sub3A_715 = vector.broadcast %sub3A_714 : f32 to vector<16xf32>
        %sub3A_716 = arith.subf %mul3A_607, %sub3A_715 : vector<16xf32>
        %mul3A_717 = arith.constant -4.500000e+00 : f32
        %mul3A_718 = vector.broadcast %mul3A_717 : f32 to vector<16xf32>
        %mul3A_719 = arith.mulf %sub3A_716, %mul3A_718 : vector<16xf32>
        %mul3A_720 = arith.mulf %sub3A_716, %mul3A_719 : vector<16xf32>
        %exp3A_721 = math.exp %mul3A_720 : vector<16xf32>
        %swap3A_722 = arith.constant 9 : i32
        %swap3A_723 = arith.index_cast %swap3A_722 : i32 to index
        %swap3A_724 = arith.index_cast %mul3A_559 : i32 to index
        %swap3A_725 = tpu.vector_load %arg24[%swap3A_723, %swap3A_724] {strides = array<i32>} : memref<16x1280xf32, #tpu.memory_space<vmem>>, vector<16xf32>,
        tpu.vector_store %arg24[%swap3A_723, %swap3A_724], %exp3A_721 {strides = array<i32>} : memref<16x1280xf32, #tpu.memory_space<vmem>>, vector<16xf32>,
        %sub3A_726 = arith.constant 3.33333325 : f32
        %sub3A_727 = vector.broadcast %sub3A_726 : f32 to vector<16xf32>
        %sub3A_728 = arith.subf %mul3A_607, %sub3A_727 : vector<16xf32>
        %mul3A_729 = arith.constant -4.500000e+00 : f32
        %mul3A_730 = vector.broadcast %mul3A_729 : f32 to vector<16xf32>
        %mul3A_731 = arith.mulf %sub3A_728, %mul3A_730 : vector<16xf32>
        %mul3A_732 = arith.mulf %sub3A_728, %mul3A_731 : vector<16xf32>
        %exp3A_733 = math.exp %mul3A_732 : vector<16xf32>
        %swap3A_734 = arith.constant 10 : i32
        %swap3A_735 = arith.index_cast %swap3A_734 : i32 to index
        %swap3A_736 = arith.index_cast %mul3A_559 : i32 to index
        %swap3A_737 = tpu.vector_load %arg24[%swap3A_735, %swap3A_736] {strides = array<i32>} : memref<16x1280xf32, #tpu.memory_space<vmem>>, vector<16xf32>,
        tpu.vector_store %arg24[%swap3A_735, %swap3A_736], %exp3A_733 {strides = array<i32>} : memref<16x1280xf32, #tpu.memory_space<vmem>>, vector<16xf32>,
        %sub3A_738 = arith.constant 3.66666675 : f32
        %sub3A_739 = vector.broadcast %sub3A_738 : f32 to vector<16xf32>
        %sub3A_740 = arith.subf %mul3A_607, %sub3A_739 : vector<16xf32>
        %mul3A_741 = arith.constant -4.500000e+00 : f32
        %mul3A_742 = vector.broadcast %mul3A_741 : f32 to vector<16xf32>
        %mul3A_743 = arith.mulf %sub3A_740, %mul3A_742 : vector<16xf32>
        %mul3A_744 = arith.mulf %sub3A_740, %mul3A_743 : vector<16xf32>
        %exp3A_745 = math.exp %mul3A_744 : vector<16xf32>
        %swap3A_746 = arith.constant 11 : i32
        %swap3A_747 = arith.index_cast %swap3A_746 : i32 to index
        %swap3A_748 = arith.index_cast %mul3A_559 : i32 to index
        %swap3A_749 = tpu.vector_load %arg24[%swap3A_747, %swap3A_748] {strides = array<i32>} : memref<16x1280xf32, #tpu.memory_space<vmem>>, vector<16xf32>,
        tpu.vector_store %arg24[%swap3A_747, %swap3A_748], %exp3A_745 {strides = array<i32>} : memref<16x1280xf32, #tpu.memory_space<vmem>>, vector<16xf32>,
        %sub3A_750 = arith.constant 4.000000e+00 : f32
        %sub3A_751 = vector.broadcast %sub3A_750 : f32 to vector<16xf32>
        %sub3A_752 = arith.subf %mul3A_607, %sub3A_751 : vector<16xf32>
        %mul3A_753 = arith.constant -4.500000e+00 : f32
        %mul3A_754 = vector.broadcast %mul3A_753 : f32 to vector<16xf32>
        %mul3A_755 = arith.mulf %sub3A_752, %mul3A_754 : vector<16xf32>
        %mul3A_756 = arith.mulf %sub3A_752, %mul3A_755 : vector<16xf32>
        %exp3A_757 = math.exp %mul3A_756 : vector<16xf32>
        %swap3A_758 = arith.constant 12 : i32
        %swap3A_759 = arith.index_cast %swap3A_758 : i32 to index
        %swap3A_760 = arith.index_cast %mul3A_559 : i32 to index
        %swap3A_761 = tpu.vector_load %arg24[%swap3A_759, %swap3A_760] {strides = array<i32>} : memref<16x1280xf32, #tpu.memory_space<vmem>>, vector<16xf32>,
        tpu.vector_store %arg24[%swap3A_759, %swap3A_760], %exp3A_757 {strides = array<i32>} : memref<16x1280xf32, #tpu.memory_space<vmem>>, vector<16xf32>,
        %sub3A_762 = arith.constant 4.33333349 : f32
        %sub3A_763 = vector.broadcast %sub3A_762 : f32 to vector<16xf32>
        %sub3A_764 = arith.subf %mul3A_607, %sub3A_763 : vector<16xf32>
        %mul3A_765 = arith.constant -4.500000e+00 : f32
        %mul3A_766 = vector.broadcast %mul3A_765 : f32 to vector<16xf32>
        %mul3A_767 = arith.mulf %sub3A_764, %mul3A_766 : vector<16xf32>
        %mul3A_768 = arith.mulf %sub3A_764, %mul3A_767 : vector<16xf32>
        %exp3A_769 = math.exp %mul3A_768 : vector<16xf32>
        %swap3A_770 = arith.constant 13 : i32
        %swap3A_771 = arith.index_cast %swap3A_770 : i32 to index
        %swap3A_772 = arith.index_cast %mul3A_559 : i32 to index
        %swap3A_773 = tpu.vector_load %arg24[%swap3A_771, %swap3A_772] {strides = array<i32>} : memref<16x1280xf32, #tpu.memory_space<vmem>>, vector<16xf32>,
        tpu.vector_store %arg24[%swap3A_771, %swap3A_772], %exp3A_769 {strides = array<i32>} : memref<16x1280xf32, #tpu.memory_space<vmem>>, vector<16xf32>,
        %sub3A_774 = arith.constant 4.66666651 : f32
        %sub3A_775 = vector.broadcast %sub3A_774 : f32 to vector<16xf32>
        %sub3A_776 = arith.subf %mul3A_607, %sub3A_775 : vector<16xf32>
        %mul3A_777 = arith.constant -4.500000e+00 : f32
        %mul3A_778 = vector.broadcast %mul3A_777 : f32 to vector<16xf32>
        %mul3A_779 = arith.mulf %sub3A_776, %mul3A_778 : vector<16xf32>
        %mul3A_780 = arith.mulf %sub3A_776, %mul3A_779 : vector<16xf32>
        %exp3A_781 = math.exp %mul3A_780 : vector<16xf32>
        %swap3A_782 = arith.constant 14 : i32
        %swap3A_783 = arith.index_cast %swap3A_782 : i32 to index
        %swap3A_784 = arith.index_cast %mul3A_559 : i32 to index
        %swap3A_785 = tpu.vector_load %arg24[%swap3A_783, %swap3A_784] {strides = array<i32>} : memref<16x1280xf32, #tpu.memory_space<vmem>>, vector<16xf32>,
        tpu.vector_store %arg24[%swap3A_783, %swap3A_784], %exp3A_781 {strides = array<i32>} : memref<16x1280xf32, #tpu.memory_space<vmem>>, vector<16xf32>,
        %sub3A_786 = arith.constant 5.000000e+00 : f32
        %sub3A_787 = vector.broadcast %sub3A_786 : f32 to vector<16xf32>
        %sub3A_788 = arith.subf %mul3A_607, %sub3A_787 : vector<16xf32>
        %mul3A_789 = arith.constant -4.500000e+00 : f32
        %mul3A_790 = vector.broadcast %mul3A_789 : f32 to vector<16xf32>
        %mul3A_791 = arith.mulf %sub3A_788, %mul3A_790 : vector<16xf32>
        %mul3A_792 = arith.mulf %sub3A_788, %mul3A_791 : vector<16xf32>
        %exp3A_793 = math.exp %mul3A_792 : vector<16xf32>
        %swap3A_794 = arith.constant 15 : i32
        %swap3A_795 = arith.index_cast %swap3A_794 : i32 to index
        %swap3A_796 = arith.index_cast %mul3A_559 : i32 to index
        %swap3A_797 = tpu.vector_load %arg24[%swap3A_795, %swap3A_796] {strides = array<i32>} : memref<16x1280xf32, #tpu.memory_space<vmem>>, vector<16xf32>,
        tpu.vector_store %arg24[%swap3A_795, %swap3A_796], %exp3A_793 {strides = array<i32>} : memref<16x1280xf32, #tpu.memory_space<vmem>>, vector<16xf32>,
        %scan3A_798 = arith.constant 0 : i32
        scf.yield %scan3A_798 : i32
      }
      %scan3A_471 = arith.constant 80 : i32
      %mul3A_472 = arith.constant 1280 : i32
      %mul3A_473 = arith.muli %add3A_407, %mul3A_472 : i32
      %add3A_474 = arith.addi %mul3A_6, %mul3A_473 : i32
      %dma_start3A_475 = arith.constant 0 : i32
      %dma_start3A_476 = tpu.memref_slice %arg7[%dma_start3A_475, %add3A_474] : memref<16x3200000xf32, #tpu.memory_space<hbm>> -> memref<16x1280xf32, #tpu.memory_space<hbm>>
      %dma_start3A_477 = arith.constant 0 : i32
      %dma_start3A_478 = tpu.memref_slice %arg7[%dma_start3A_477, %add3A_474] : memref<16x3200000xf32, #tpu.memory_space<hbm>> -> memref<16x1280xf32, #tpu.memory_space<hbm>>
      tpu.enqueue_dma source(%arg24 : memref<16x1280xf32, #tpu.memory_space<vmem>>) target(%dma_start3A_478 : memref<16x1280xf32, #tpu.memory_space<hbm>>) target_semaphore(%arg31 : memref<!tpu.dma_semaphore, #tpu.memory_space<semaphore_mem>>)
      %mul3A_479 = arith.constant 2 : i32
      %mul3A_480 = arith.muli %scan3A_402, %mul3A_479 : i32
      %add3A_481 = arith.constant 1 : i32
      %add3A_482 = arith.addi %mul3A_480, %add3A_481 : i32
      %lt3A_483 = arith.constant 77 : i32
      %lt3A_484 = arith.cmpi slt, %add3A_482, %lt3A_483 : i32
      %convert_element_type3A_485 = arith.extui %lt3A_484 : i1 to i32
      %cond3A_486 = arith.constant 0 : i32
      %cond3A_487 = arith.cmpi ne, %convert_element_type3A_485, %cond3A_486 : i32
      scf.if %cond3A_487 {
        %add3A_556 = arith.constant 1 : i32
        %add3A_557 = arith.addi %add3A_482, %add3A_556 : i32
        %mul3A_558 = arith.constant 1280 : i32
        %mul3A_559 = arith.muli %add3A_557, %mul3A_558 : i32
        %add3A_560 = arith.addi %mul3A_6, %mul3A_559 : i32
        "tpu.region"() ({
          %run_scoped3A = tpu.sem_alloc : memref<!tpu.dma_semaphore, #tpu.memory_space<semaphore_mem>>
          %dma_start3A_921 = arith.constant 0 : i32
          %dma_start3A_922 = tpu.memref_slice %arg8[%dma_start3A_921] : memref<1280xi32, #tpu.memory_space<vmem>> -> memref<1280xi32, #tpu.memory_space<vmem>>
          %dma_start3A_923 = tpu.memref_slice %arg5[%add3A_560] : memref<3200000xi32, #tpu.memory_space<hbm>> -> memref<1280xi32, #tpu.memory_space<hbm>>
          %dma_start3A_924 = arith.constant 0 : i32
          %dma_start3A_925 = tpu.memref_slice %arg8[%dma_start3A_924] : memref<1280xi32, #tpu.memory_space<vmem>> -> memref<1280xi32, #tpu.memory_space<vmem>>
          %dma_start3A_926 = tpu.memref_slice %arg5[%add3A_560] : memref<3200000xi32, #tpu.memory_space<hbm>> -> memref<1280xi32, #tpu.memory_space<hbm>>
          tpu.enqueue_dma source(%dma_start3A_926 : memref<1280xi32, #tpu.memory_space<hbm>>) target(%dma_start3A_925 : memref<1280xi32, #tpu.memory_space<vmem>>) target_semaphore(%run_scoped3A : memref<!tpu.dma_semaphore, #tpu.memory_space<semaphore_mem>>)
          %dma_wait3A_927 = arith.constant 0 : i32
          %dma_wait3A_928 = tpu.memref_slice %arg8[%dma_wait3A_927] : memref<1280xi32, #tpu.memory_space<vmem>> -> memref<1280xi32, #tpu.memory_space<vmem>>
          %dma_wait3A_929 = tpu.memref_slice %arg5[%add3A_560] : memref<3200000xi32, #tpu.memory_space<hbm>> -> memref<1280xi32, #tpu.memory_space<hbm>>
          %dma_wait3A_930 = arith.constant 0 : i32
          %dma_wait3A_931 = tpu.memref_slice %arg8[%dma_wait3A_930] : memref<1280xi32, #tpu.memory_space<vmem>> -> memref<1280xi32, #tpu.memory_space<vmem>>
          %dma_wait3A_932 = tpu.memref_slice %arg5[%add3A_560] : memref<3200000xi32, #tpu.memory_space<hbm>> -> memref<1280xi32, #tpu.memory_space<hbm>>
          tpu.wait_dma2 semaphore(%run_scoped3A : memref<!tpu.dma_semaphore, #tpu.memory_space<semaphore_mem>>) src(%dma_wait3A_932 : memref<1280xi32, #tpu.memory_space<hbm>>) dst(%dma_wait3A_931 : memref<1280xi32, #tpu.memory_space<vmem>>)
          tpu.yield
        }) : () -> ()
        "tpu.region"() ({
          %run_scoped3A = tpu.sem_alloc : memref<!tpu.dma_semaphore, #tpu.memory_space<semaphore_mem>>
          %dma_start3A_921 = arith.constant 0 : i32
          %dma_start3A_922 = tpu.memref_slice %arg10[%dma_start3A_921] : memref<1280xi32, #tpu.memory_space<vmem>> -> memref<1280xi32, #tpu.memory_space<vmem>>
          %dma_start3A_923 = tpu.memref_slice %arg6[%add3A_560] : memref<3200000xi32, #tpu.memory_space<hbm>> -> memref<1280xi32, #tpu.memory_space<hbm>>
          %dma_start3A_924 = arith.constant 0 : i32
          %dma_start3A_925 = tpu.memref_slice %arg10[%dma_start3A_924] : memref<1280xi32, #tpu.memory_space<vmem>> -> memref<1280xi32, #tpu.memory_space<vmem>>
          %dma_start3A_926 = tpu.memref_slice %arg6[%add3A_560] : memref<3200000xi32, #tpu.memory_space<hbm>> -> memref<1280xi32, #tpu.memory_space<hbm>>
          tpu.enqueue_dma source(%dma_start3A_926 : memref<1280xi32, #tpu.memory_space<hbm>>) target(%dma_start3A_925 : memref<1280xi32, #tpu.memory_space<vmem>>) target_semaphore(%run_scoped3A : memref<!tpu.dma_semaphore, #tpu.memory_space<semaphore_mem>>)
          %dma_wait3A_927 = arith.constant 0 : i32
          %dma_wait3A_928 = tpu.memref_slice %arg10[%dma_wait3A_927] : memref<1280xi32, #tpu.memory_space<vmem>> -> memref<1280xi32, #tpu.memory_space<vmem>>
          %dma_wait3A_929 = tpu.memref_slice %arg6[%add3A_560] : memref<3200000xi32, #tpu.memory_space<hbm>> -> memref<1280xi32, #tpu.memory_space<hbm>>
          %dma_wait3A_930 = arith.constant 0 : i32
          %dma_wait3A_931 = tpu.memref_slice %arg10[%dma_wait3A_930] : memref<1280xi32, #tpu.memory_space<vmem>> -> memref<1280xi32, #tpu.memory_space<vmem>>
          %dma_wait3A_932 = tpu.memref_slice %arg6[%add3A_560] : memref<3200000xi32, #tpu.memory_space<hbm>> -> memref<1280xi32, #tpu.memory_space<hbm>>
          tpu.wait_dma2 semaphore(%run_scoped3A : memref<!tpu.dma_semaphore, #tpu.memory_space<semaphore_mem>>) src(%dma_wait3A_932 : memref<1280xi32, #tpu.memory_space<hbm>>) dst(%dma_wait3A_931 : memref<1280xi32, #tpu.memory_space<vmem>>)
          tpu.yield
        }) : () -> ()
        %dma_start3A_561 = arith.constant 0 : i32
        %dma_start3A_562 = tpu.memref_slice %arg12[%dma_start3A_561] : memref<1280xf32, #tpu.memory_space<vmem>> -> memref<128xf32, #tpu.memory_space<vmem>>
        %dma_start3A_563 = arith.constant 0 : i32
        %dma_start3A_564 = tpu.memref_slice %arg8[%dma_start3A_563] : memref<1280xi32, #tpu.memory_space<vmem>> -> memref<128xi32, #tpu.memory_space<vmem>>
        %dma_start3A_565 = arith.constant 0 : i32
        %dma_start3A_566 = tpu.memref_slice %arg26[%dma_start3A_565] : memref<100000xf32, #tpu.memory_space<vmem_shared>> -> memref<100000xf32, #tpu.memory_space<vmem_shared>>
        tpu.enqueue_indirect_dma source(%dma_start3A_566 : memref<100000xf32, #tpu.memory_space<vmem_shared>>) target(%dma_start3A_562 : memref<128xf32, #tpu.memory_space<vmem>>) offsets(%dma_start3A_564 : memref<128xi32, #tpu.memory_space<vmem>>) semaphore(%arg29 : memref<!tpu.dma_semaphore, #tpu.memory_space<semaphore_mem>>)
        %dma_start3A_567 = arith.constant 0 : i32
        %dma_start3A_568 = tpu.memref_slice %arg14[%dma_start3A_567] : memref<1280xf32, #tpu.memory_space<vmem>> -> memref<128xf32, #tpu.memory_space<vmem>>
        %dma_start3A_569 = arith.constant 0 : i32
        %dma_start3A_570 = tpu.memref_slice %arg8[%dma_start3A_569] : memref<1280xi32, #tpu.memory_space<vmem>> -> memref<128xi32, #tpu.memory_space<vmem>>
        %dma_start3A_571 = arith.constant 0 : i32
        %dma_start3A_572 = tpu.memref_slice %arg27[%dma_start3A_571] : memref<100000xf32, #tpu.memory_space<vmem_shared>> -> memref<100000xf32, #tpu.memory_space<vmem_shared>>
        tpu.enqueue_indirect_dma source(%dma_start3A_572 : memref<100000xf32, #tpu.memory_space<vmem_shared>>) target(%dma_start3A_568 : memref<128xf32, #tpu.memory_space<vmem>>) offsets(%dma_start3A_570 : memref<128xi32, #tpu.memory_space<vmem>>) semaphore(%arg29 : memref<!tpu.dma_semaphore, #tpu.memory_space<semaphore_mem>>)
        %dma_start3A_573 = arith.constant 0 : i32
        %dma_start3A_574 = tpu.memref_slice %arg16[%dma_start3A_573] : memref<1280xf32, #tpu.memory_space<vmem>> -> memref<128xf32, #tpu.memory_space<vmem>>
        %dma_start3A_575 = arith.constant 0 : i32
        %dma_start3A_576 = tpu.memref_slice %arg8[%dma_start3A_575] : memref<1280xi32, #tpu.memory_space<vmem>> -> memref<128xi32, #tpu.memory_space<vmem>>
        %dma_start3A_577 = arith.constant 0 : i32
        %dma_start3A_578 = tpu.memref_slice %arg28[%dma_start3A_577] : memref<100000xf32, #tpu.memory_space<vmem_shared>> -> memref<100000xf32, #tpu.memory_space<vmem_shared>>
        tpu.enqueue_indirect_dma source(%dma_start3A_578 : memref<100000xf32, #tpu.memory_space<vmem_shared>>) target(%dma_start3A_574 : memref<128xf32, #tpu.memory_space<vmem>>) offsets(%dma_start3A_576 : memref<128xi32, #tpu.memory_space<vmem>>) semaphore(%arg29 : memref<!tpu.dma_semaphore, #tpu.memory_space<semaphore_mem>>)
        %dma_start3A_579 = arith.constant 0 : i32
        %dma_start3A_580 = tpu.memref_slice %arg18[%dma_start3A_579] : memref<1280xf32, #tpu.memory_space<vmem>> -> memref<128xf32, #tpu.memory_space<vmem>>
        %dma_start3A_581 = arith.constant 0 : i32
        %dma_start3A_582 = tpu.memref_slice %arg10[%dma_start3A_581] : memref<1280xi32, #tpu.memory_space<vmem>> -> memref<128xi32, #tpu.memory_space<vmem>>
        %dma_start3A_583 = arith.constant 0 : i32
        %dma_start3A_584 = tpu.memref_slice %arg26[%dma_start3A_583] : memref<100000xf32, #tpu.memory_space<vmem_shared>> -> memref<100000xf32, #tpu.memory_space<vmem_shared>>
        tpu.enqueue_indirect_dma source(%dma_start3A_584 : memref<100000xf32, #tpu.memory_space<vmem_shared>>) target(%dma_start3A_580 : memref<128xf32, #tpu.memory_space<vmem>>) offsets(%dma_start3A_582 : memref<128xi32, #tpu.memory_space<vmem>>) semaphore(%arg29 : memref<!tpu.dma_semaphore, #tpu.memory_space<semaphore_mem>>)
        %dma_start3A_585 = arith.constant 0 : i32
        %dma_start3A_586 = tpu.memref_slice %arg20[%dma_start3A_585] : memref<1280xf32, #tpu.memory_space<vmem>> -> memref<128xf32, #tpu.memory_space<vmem>>
        %dma_start3A_587 = arith.constant 0 : i32
        %dma_start3A_588 = tpu.memref_slice %arg10[%dma_start3A_587] : memref<1280xi32, #tpu.memory_space<vmem>> -> memref<128xi32, #tpu.memory_space<vmem>>
        %dma_start3A_589 = arith.constant 0 : i32
        %dma_start3A_590 = tpu.memref_slice %arg27[%dma_start3A_589] : memref<100000xf32, #tpu.memory_space<vmem_shared>> -> memref<100000xf32, #tpu.memory_space<vmem_shared>>
        tpu.enqueue_indirect_dma source(%dma_start3A_590 : memref<100000xf32, #tpu.memory_space<vmem_shared>>) target(%dma_start3A_586 : memref<128xf32, #tpu.memory_space<vmem>>) offsets(%dma_start3A_588 : memref<128xi32, #tpu.memory_space<vmem>>) semaphore(%arg29 : memref<!tpu.dma_semaphore, #tpu.memory_space<semaphore_mem>>)
        %dma_start3A_591 = arith.constant 0 : i32
        %dma_start3A_592 = tpu.memref_slice %arg22[%dma_start3A_591] : memref<1280xf32, #tpu.memory_space<vmem>> -> memref<128xf32, #tpu.memory_space<vmem>>
        %dma_start3A_593 = arith.constant 0 : i32
        %dma_start3A_594 = tpu.memref_slice %arg10[%dma_start3A_593] : memref<1280xi32, #tpu.memory_space<vmem>> -> memref<128xi32, #tpu.memory_space<vmem>>
        %dma_start3A_595 = arith.constant 0 : i32
        %dma_start3A_596 = tpu.memref_slice %arg28[%dma_start3A_595] : memref<100000xf32, #tpu.memory_space<vmem_shared>> -> memref<100000xf32, #tpu.memory_space<vmem_shared>>
        tpu.enqueue_indirect_dma source(%dma_start3A_596 : memref<100000xf32, #tpu.memory_space<vmem_shared>>) target(%dma_start3A_592 : memref<128xf32, #tpu.memory_space<vmem>>) offsets(%dma_start3A_594 : memref<128xi32, #tpu.memory_space<vmem>>) semaphore(%arg29 : memref<!tpu.dma_semaphore, #tpu.memory_space<semaphore_mem>>)
        %dma_start3A_597 = arith.constant 128 : i32
        %dma_start3A_598 = tpu.memref_slice %arg12[%dma_start3A_597] : memref<1280xf32, #tpu.memory_space<vmem>> -> memref<128xf32, #tpu.memory_space<vmem>>
        %dma_start3A_599 = arith.constant 128 : i32
        %dma_start3A_600 = tpu.memref_slice %arg8[%dma_start3A_599] : memref<1280xi32, #tpu.memory_space<vmem>> -> memref<128xi32, #tpu.memory_space<vmem>>
        %dma_start3A_601 = arith.constant 0 : i32
        %dma_start3A_602 = tpu.memref_slice %arg26[%dma_start3A_601] : memref<100000xf32, #tpu.memory_space<vmem_shared>> -> memref<100000xf32, #tpu.memory_space<vmem_shared>>
        tpu.enqueue_indirect_dma source(%dma_start3A_602 : memref<100000xf32, #tpu.memory_space<vmem_shared>>) target(%dma_start3A_598 : memref<128xf32, #tpu.memory_space<vmem>>) offsets(%dma_start3A_600 : memref<128xi32, #tpu.memory_space<vmem>>) semaphore(%arg29 : memref<!tpu.dma_semaphore, #tpu.memory_space<semaphore_mem>>)
        %dma_start3A_603 = arith.constant 128 : i32
        %dma_start3A_604 = tpu.memref_slice %arg14[%dma_start3A_603] : memref<1280xf32, #tpu.memory_space<vmem>> -> memref<128xf32, #tpu.memory_space<vmem>>
        %dma_start3A_605 = arith.constant 128 : i32
        %dma_start3A_606 = tpu.memref_slice %arg8[%dma_start3A_605] : memref<1280xi32, #tpu.memory_space<vmem>> -> memref<128xi32, #tpu.memory_space<vmem>>
        %dma_start3A_607 = arith.constant 0 : i32
        %dma_start3A_608 = tpu.memref_slice %arg27[%dma_start3A_607] : memref<100000xf32, #tpu.memory_space<vmem_shared>> -> memref<100000xf32, #tpu.memory_space<vmem_shared>>
        tpu.enqueue_indirect_dma source(%dma_start3A_608 : memref<100000xf32, #tpu.memory_space<vmem_shared>>) target(%dma_start3A_604 : memref<128xf32, #tpu.memory_space<vmem>>) offsets(%dma_start3A_606 : memref<128xi32, #tpu.memory_space<vmem>>) semaphore(%arg29 : memref<!tpu.dma_semaphore, #tpu.memory_space<semaphore_mem>>)
        %dma_start3A_609 = arith.constant 128 : i32
        %dma_start3A_610 = tpu.memref_slice %arg16[%dma_start3A_609] : memref<1280xf32, #tpu.memory_space<vmem>> -> memref<128xf32, #tpu.memory_space<vmem>>
        %dma_start3A_611 = arith.constant 128 : i32
        %dma_start3A_612 = tpu.memref_slice %arg8[%dma_start3A_611] : memref<1280xi32, #tpu.memory_space<vmem>> -> memref<128xi32, #tpu.memory_space<vmem>>
        %dma_start3A_613 = arith.constant 0 : i32
        %dma_start3A_614 = tpu.memref_slice %arg28[%dma_start3A_613] : memref<100000xf32, #tpu.memory_space<vmem_shared>> -> memref<100000xf32, #tpu.memory_space<vmem_shared>>
        tpu.enqueue_indirect_dma source(%dma_start3A_614 : memref<100000xf32, #tpu.memory_space<vmem_shared>>) target(%dma_start3A_610 : memref<128xf32, #tpu.memory_space<vmem>>) offsets(%dma_start3A_612 : memref<128xi32, #tpu.memory_space<vmem>>) semaphore(%arg29 : memref<!tpu.dma_semaphore, #tpu.memory_space<semaphore_mem>>)
        %dma_start3A_615 = arith.constant 128 : i32
        %dma_start3A_616 = tpu.memref_slice %arg18[%dma_start3A_615] : memref<1280xf32, #tpu.memory_space<vmem>> -> memref<128xf32, #tpu.memory_space<vmem>>
        %dma_start3A_617 = arith.constant 128 : i32
        %dma_start3A_618 = tpu.memref_slice %arg10[%dma_start3A_617] : memref<1280xi32, #tpu.memory_space<vmem>> -> memref<128xi32, #tpu.memory_space<vmem>>
        %dma_start3A_619 = arith.constant 0 : i32
        %dma_start3A_620 = tpu.memref_slice %arg26[%dma_start3A_619] : memref<100000xf32, #tpu.memory_space<vmem_shared>> -> memref<100000xf32, #tpu.memory_space<vmem_shared>>
        tpu.enqueue_indirect_dma source(%dma_start3A_620 : memref<100000xf32, #tpu.memory_space<vmem_shared>>) target(%dma_start3A_616 : memref<128xf32, #tpu.memory_space<vmem>>) offsets(%dma_start3A_618 : memref<128xi32, #tpu.memory_space<vmem>>) semaphore(%arg29 : memref<!tpu.dma_semaphore, #tpu.memory_space<semaphore_mem>>)
        %dma_start3A_621 = arith.constant 128 : i32
        %dma_start3A_622 = tpu.memref_slice %arg20[%dma_start3A_621] : memref<1280xf32, #tpu.memory_space<vmem>> -> memref<128xf32, #tpu.memory_space<vmem>>
        %dma_start3A_623 = arith.constant 128 : i32
        %dma_start3A_624 = tpu.memref_slice %arg10[%dma_start3A_623] : memref<1280xi32, #tpu.memory_space<vmem>> -> memref<128xi32, #tpu.memory_space<vmem>>
        %dma_start3A_625 = arith.constant 0 : i32
        %dma_start3A_626 = tpu.memref_slice %arg27[%dma_start3A_625] : memref<100000xf32, #tpu.memory_space<vmem_shared>> -> memref<100000xf32, #tpu.memory_space<vmem_shared>>
        tpu.enqueue_indirect_dma source(%dma_start3A_626 : memref<100000xf32, #tpu.memory_space<vmem_shared>>) target(%dma_start3A_622 : memref<128xf32, #tpu.memory_space<vmem>>) offsets(%dma_start3A_624 : memref<128xi32, #tpu.memory_space<vmem>>) semaphore(%arg29 : memref<!tpu.dma_semaphore, #tpu.memory_space<semaphore_mem>>)
        %dma_start3A_627 = arith.constant 128 : i32
        %dma_start3A_628 = tpu.memref_slice %arg22[%dma_start3A_627] : memref<1280xf32, #tpu.memory_space<vmem>> -> memref<128xf32, #tpu.memory_space<vmem>>
        %dma_start3A_629 = arith.constant 128 : i32
        %dma_start3A_630 = tpu.memref_slice %arg10[%dma_start3A_629] : memref<1280xi32, #tpu.memory_space<vmem>> -> memref<128xi32, #tpu.memory_space<vmem>>
        %dma_start3A_631 = arith.constant 0 : i32
        %dma_start3A_632 = tpu.memref_slice %arg28[%dma_start3A_631] : memref<100000xf32, #tpu.memory_space<vmem_shared>> -> memref<100000xf32, #tpu.memory_space<vmem_shared>>
        tpu.enqueue_indirect_dma source(%dma_start3A_632 : memref<100000xf32, #tpu.memory_space<vmem_shared>>) target(%dma_start3A_628 : memref<128xf32, #tpu.memory_space<vmem>>) offsets(%dma_start3A_630 : memref<128xi32, #tpu.memory_space<vmem>>) semaphore(%arg29 : memref<!tpu.dma_semaphore, #tpu.memory_space<semaphore_mem>>)
        %dma_start3A_633 = arith.constant 256 : i32
        %dma_start3A_634 = tpu.memref_slice %arg12[%dma_start3A_633] : memref<1280xf32, #tpu.memory_space<vmem>> -> memref<128xf32, #tpu.memory_space<vmem>>
        %dma_start3A_635 = arith.constant 256 : i32
        %dma_start3A_636 = tpu.memref_slice %arg8[%dma_start3A_635] : memref<1280xi32, #tpu.memory_space<vmem>> -> memref<128xi32, #tpu.memory_space<vmem>>
        %dma_start3A_637 = arith.constant 0 : i32
        %dma_start3A_638 = tpu.memref_slice %arg26[%dma_start3A_637] : memref<100000xf32, #tpu.memory_space<vmem_shared>> -> memref<100000xf32, #tpu.memory_space<vmem_shared>>
        tpu.enqueue_indirect_dma source(%dma_start3A_638 : memref<100000xf32, #tpu.memory_space<vmem_shared>>) target(%dma_start3A_634 : memref<128xf32, #tpu.memory_space<vmem>>) offsets(%dma_start3A_636 : memref<128xi32, #tpu.memory_space<vmem>>) semaphore(%arg29 : memref<!tpu.dma_semaphore, #tpu.memory_space<semaphore_mem>>)
        %dma_start3A_639 = arith.constant 256 : i32
        %dma_start3A_640 = tpu.memref_slice %arg14[%dma_start3A_639] : memref<1280xf32, #tpu.memory_space<vmem>> -> memref<128xf32, #tpu.memory_space<vmem>>
        %dma_start3A_641 = arith.constant 256 : i32
        %dma_start3A_642 = tpu.memref_slice %arg8[%dma_start3A_641] : memref<1280xi32, #tpu.memory_space<vmem>> -> memref<128xi32, #tpu.memory_space<vmem>>
        %dma_start3A_643 = arith.constant 0 : i32
        %dma_start3A_644 = tpu.memref_slice %arg27[%dma_start3A_643] : memref<100000xf32, #tpu.memory_space<vmem_shared>> -> memref<100000xf32, #tpu.memory_space<vmem_shared>>
        tpu.enqueue_indirect_dma source(%dma_start3A_644 : memref<100000xf32, #tpu.memory_space<vmem_shared>>) target(%dma_start3A_640 : memref<128xf32, #tpu.memory_space<vmem>>) offsets(%dma_start3A_642 : memref<128xi32, #tpu.memory_space<vmem>>) semaphore(%arg29 : memref<!tpu.dma_semaphore, #tpu.memory_space<semaphore_mem>>)
        %dma_start3A_645 = arith.constant 256 : i32
        %dma_start3A_646 = tpu.memref_slice %arg16[%dma_start3A_645] : memref<1280xf32, #tpu.memory_space<vmem>> -> memref<128xf32, #tpu.memory_space<vmem>>
        %dma_start3A_647 = arith.constant 256 : i32
        %dma_start3A_648 = tpu.memref_slice %arg8[%dma_start3A_647] : memref<1280xi32, #tpu.memory_space<vmem>> -> memref<128xi32, #tpu.memory_space<vmem>>
        %dma_start3A_649 = arith.constant 0 : i32
        %dma_start3A_650 = tpu.memref_slice %arg28[%dma_start3A_649] : memref<100000xf32, #tpu.memory_space<vmem_shared>> -> memref<100000xf32, #tpu.memory_space<vmem_shared>>
        tpu.enqueue_indirect_dma source(%dma_start3A_650 : memref<100000xf32, #tpu.memory_space<vmem_shared>>) target(%dma_start3A_646 : memref<128xf32, #tpu.memory_space<vmem>>) offsets(%dma_start3A_648 : memref<128xi32, #tpu.memory_space<vmem>>) semaphore(%arg29 : memref<!tpu.dma_semaphore, #tpu.memory_space<semaphore_mem>>)
        %dma_start3A_651 = arith.constant 256 : i32
        %dma_start3A_652 = tpu.memref_slice %arg18[%dma_start3A_651] : memref<1280xf32, #tpu.memory_space<vmem>> -> memref<128xf32, #tpu.memory_space<vmem>>
        %dma_start3A_653 = arith.constant 256 : i32
        %dma_start3A_654 = tpu.memref_slice %arg10[%dma_start3A_653] : memref<1280xi32, #tpu.memory_space<vmem>> -> memref<128xi32, #tpu.memory_space<vmem>>
        %dma_start3A_655 = arith.constant 0 : i32
        %dma_start3A_656 = tpu.memref_slice %arg26[%dma_start3A_655] : memref<100000xf32, #tpu.memory_space<vmem_shared>> -> memref<100000xf32, #tpu.memory_space<vmem_shared>>
        tpu.enqueue_indirect_dma source(%dma_start3A_656 : memref<100000xf32, #tpu.memory_space<vmem_shared>>) target(%dma_start3A_652 : memref<128xf32, #tpu.memory_space<vmem>>) offsets(%dma_start3A_654 : memref<128xi32, #tpu.memory_space<vmem>>) semaphore(%arg29 : memref<!tpu.dma_semaphore, #tpu.memory_space<semaphore_mem>>)
        %dma_start3A_657 = arith.constant 256 : i32
        %dma_start3A_658 = tpu.memref_slice %arg20[%dma_start3A_657] : memref<1280xf32, #tpu.memory_space<vmem>> -> memref<128xf32, #tpu.memory_space<vmem>>
        %dma_start3A_659 = arith.constant 256 : i32
        %dma_start3A_660 = tpu.memref_slice %arg10[%dma_start3A_659] : memref<1280xi32, #tpu.memory_space<vmem>> -> memref<128xi32, #tpu.memory_space<vmem>>
        %dma_start3A_661 = arith.constant 0 : i32
        %dma_start3A_662 = tpu.memref_slice %arg27[%dma_start3A_661] : memref<100000xf32, #tpu.memory_space<vmem_shared>> -> memref<100000xf32, #tpu.memory_space<vmem_shared>>
        tpu.enqueue_indirect_dma source(%dma_start3A_662 : memref<100000xf32, #tpu.memory_space<vmem_shared>>) target(%dma_start3A_658 : memref<128xf32, #tpu.memory_space<vmem>>) offsets(%dma_start3A_660 : memref<128xi32, #tpu.memory_space<vmem>>) semaphore(%arg29 : memref<!tpu.dma_semaphore, #tpu.memory_space<semaphore_mem>>)
        %dma_start3A_663 = arith.constant 256 : i32
        %dma_start3A_664 = tpu.memref_slice %arg22[%dma_start3A_663] : memref<1280xf32, #tpu.memory_space<vmem>> -> memref<128xf32, #tpu.memory_space<vmem>>
        %dma_start3A_665 = arith.constant 256 : i32
        %dma_start3A_666 = tpu.memref_slice %arg10[%dma_start3A_665] : memref<1280xi32, #tpu.memory_space<vmem>> -> memref<128xi32, #tpu.memory_space<vmem>>
        %dma_start3A_667 = arith.constant 0 : i32
        %dma_start3A_668 = tpu.memref_slice %arg28[%dma_start3A_667] : memref<100000xf32, #tpu.memory_space<vmem_shared>> -> memref<100000xf32, #tpu.memory_space<vmem_shared>>
        tpu.enqueue_indirect_dma source(%dma_start3A_668 : memref<100000xf32, #tpu.memory_space<vmem_shared>>) target(%dma_start3A_664 : memref<128xf32, #tpu.memory_space<vmem>>) offsets(%dma_start3A_666 : memref<128xi32, #tpu.memory_space<vmem>>) semaphore(%arg29 : memref<!tpu.dma_semaphore, #tpu.memory_space<semaphore_mem>>)
        %dma_start3A_669 = arith.constant 384 : i32
        %dma_start3A_670 = tpu.memref_slice %arg12[%dma_start3A_669] : memref<1280xf32, #tpu.memory_space<vmem>> -> memref<128xf32, #tpu.memory_space<vmem>>
        %dma_start3A_671 = arith.constant 384 : i32
        %dma_start3A_672 = tpu.memref_slice %arg8[%dma_start3A_671] : memref<1280xi32, #tpu.memory_space<vmem>> -> memref<128xi32, #tpu.memory_space<vmem>>
        %dma_start3A_673 = arith.constant 0 : i32
        %dma_start3A_674 = tpu.memref_slice %arg26[%dma_start3A_673] : memref<100000xf32, #tpu.memory_space<vmem_shared>> -> memref<100000xf32, #tpu.memory_space<vmem_shared>>
        tpu.enqueue_indirect_dma source(%dma_start3A_674 : memref<100000xf32, #tpu.memory_space<vmem_shared>>) target(%dma_start3A_670 : memref<128xf32, #tpu.memory_space<vmem>>) offsets(%dma_start3A_672 : memref<128xi32, #tpu.memory_space<vmem>>) semaphore(%arg29 : memref<!tpu.dma_semaphore, #tpu.memory_space<semaphore_mem>>)
        %dma_start3A_675 = arith.constant 384 : i32
        %dma_start3A_676 = tpu.memref_slice %arg14[%dma_start3A_675] : memref<1280xf32, #tpu.memory_space<vmem>> -> memref<128xf32, #tpu.memory_space<vmem>>
        %dma_start3A_677 = arith.constant 384 : i32
        %dma_start3A_678 = tpu.memref_slice %arg8[%dma_start3A_677] : memref<1280xi32, #tpu.memory_space<vmem>> -> memref<128xi32, #tpu.memory_space<vmem>>
        %dma_start3A_679 = arith.constant 0 : i32
        %dma_start3A_680 = tpu.memref_slice %arg27[%dma_start3A_679] : memref<100000xf32, #tpu.memory_space<vmem_shared>> -> memref<100000xf32, #tpu.memory_space<vmem_shared>>
        tpu.enqueue_indirect_dma source(%dma_start3A_680 : memref<100000xf32, #tpu.memory_space<vmem_shared>>) target(%dma_start3A_676 : memref<128xf32, #tpu.memory_space<vmem>>) offsets(%dma_start3A_678 : memref<128xi32, #tpu.memory_space<vmem>>) semaphore(%arg29 : memref<!tpu.dma_semaphore, #tpu.memory_space<semaphore_mem>>)
        %dma_start3A_681 = arith.constant 384 : i32
        %dma_start3A_682 = tpu.memref_slice %arg16[%dma_start3A_681] : memref<1280xf32, #tpu.memory_space<vmem>> -> memref<128xf32, #tpu.memory_space<vmem>>
        %dma_start3A_683 = arith.constant 384 : i32
        %dma_start3A_684 = tpu.memref_slice %arg8[%dma_start3A_683] : memref<1280xi32, #tpu.memory_space<vmem>> -> memref<128xi32, #tpu.memory_space<vmem>>
        %dma_start3A_685 = arith.constant 0 : i32
        %dma_start3A_686 = tpu.memref_slice %arg28[%dma_start3A_685] : memref<100000xf32, #tpu.memory_space<vmem_shared>> -> memref<100000xf32, #tpu.memory_space<vmem_shared>>
        tpu.enqueue_indirect_dma source(%dma_start3A_686 : memref<100000xf32, #tpu.memory_space<vmem_shared>>) target(%dma_start3A_682 : memref<128xf32, #tpu.memory_space<vmem>>) offsets(%dma_start3A_684 : memref<128xi32, #tpu.memory_space<vmem>>) semaphore(%arg29 : memref<!tpu.dma_semaphore, #tpu.memory_space<semaphore_mem>>)
        %dma_start3A_687 = arith.constant 384 : i32
        %dma_start3A_688 = tpu.memref_slice %arg18[%dma_start3A_687] : memref<1280xf32, #tpu.memory_space<vmem>> -> memref<128xf32, #tpu.memory_space<vmem>>
        %dma_start3A_689 = arith.constant 384 : i32
        %dma_start3A_690 = tpu.memref_slice %arg10[%dma_start3A_689] : memref<1280xi32, #tpu.memory_space<vmem>> -> memref<128xi32, #tpu.memory_space<vmem>>
        %dma_start3A_691 = arith.constant 0 : i32
        %dma_start3A_692 = tpu.memref_slice %arg26[%dma_start3A_691] : memref<100000xf32, #tpu.memory_space<vmem_shared>> -> memref<100000xf32, #tpu.memory_space<vmem_shared>>
        tpu.enqueue_indirect_dma source(%dma_start3A_692 : memref<100000xf32, #tpu.memory_space<vmem_shared>>) target(%dma_start3A_688 : memref<128xf32, #tpu.memory_space<vmem>>) offsets(%dma_start3A_690 : memref<128xi32, #tpu.memory_space<vmem>>) semaphore(%arg29 : memref<!tpu.dma_semaphore, #tpu.memory_space<semaphore_mem>>)
        %dma_start3A_693 = arith.constant 384 : i32
        %dma_start3A_694 = tpu.memref_slice %arg20[%dma_start3A_693] : memref<1280xf32, #tpu.memory_space<vmem>> -> memref<128xf32, #tpu.memory_space<vmem>>
        %dma_start3A_695 = arith.constant 384 : i32
        %dma_start3A_696 = tpu.memref_slice %arg10[%dma_start3A_695] : memref<1280xi32, #tpu.memory_space<vmem>> -> memref<128xi32, #tpu.memory_space<vmem>>
        %dma_start3A_697 = arith.constant 0 : i32
        %dma_start3A_698 = tpu.memref_slice %arg27[%dma_start3A_697] : memref<100000xf32, #tpu.memory_space<vmem_shared>> -> memref<100000xf32, #tpu.memory_space<vmem_shared>>
        tpu.enqueue_indirect_dma source(%dma_start3A_698 : memref<100000xf32, #tpu.memory_space<vmem_shared>>) target(%dma_start3A_694 : memref<128xf32, #tpu.memory_space<vmem>>) offsets(%dma_start3A_696 : memref<128xi32, #tpu.memory_space<vmem>>) semaphore(%arg29 : memref<!tpu.dma_semaphore, #tpu.memory_space<semaphore_mem>>)
        %dma_start3A_699 = arith.constant 384 : i32
        %dma_start3A_700 = tpu.memref_slice %arg22[%dma_start3A_699] : memref<1280xf32, #tpu.memory_space<vmem>> -> memref<128xf32, #tpu.memory_space<vmem>>
        %dma_start3A_701 = arith.constant 384 : i32
        %dma_start3A_702 = tpu.memref_slice %arg10[%dma_start3A_701] : memref<1280xi32, #tpu.memory_space<vmem>> -> memref<128xi32, #tpu.memory_space<vmem>>
        %dma_start3A_703 = arith.constant 0 : i32
        %dma_start3A_704 = tpu.memref_slice %arg28[%dma_start3A_703] : memref<100000xf32, #tpu.memory_space<vmem_shared>> -> memref<100000xf32, #tpu.memory_space<vmem_shared>>
        tpu.enqueue_indirect_dma source(%dma_start3A_704 : memref<100000xf32, #tpu.memory_space<vmem_shared>>) target(%dma_start3A_700 : memref<128xf32, #tpu.memory_space<vmem>>) offsets(%dma_start3A_702 : memref<128xi32, #tpu.memory_space<vmem>>) semaphore(%arg29 : memref<!tpu.dma_semaphore, #tpu.memory_space<semaphore_mem>>)
        %dma_start3A_705 = arith.constant 512 : i32
        %dma_start3A_706 = tpu.memref_slice %arg12[%dma_start3A_705] : memref<1280xf32, #tpu.memory_space<vmem>> -> memref<128xf32, #tpu.memory_space<vmem>>
        %dma_start3A_707 = arith.constant 512 : i32
        %dma_start3A_708 = tpu.memref_slice %arg8[%dma_start3A_707] : memref<1280xi32, #tpu.memory_space<vmem>> -> memref<128xi32, #tpu.memory_space<vmem>>
        %dma_start3A_709 = arith.constant 0 : i32
        %dma_start3A_710 = tpu.memref_slice %arg26[%dma_start3A_709] : memref<100000xf32, #tpu.memory_space<vmem_shared>> -> memref<100000xf32, #tpu.memory_space<vmem_shared>>
        tpu.enqueue_indirect_dma source(%dma_start3A_710 : memref<100000xf32, #tpu.memory_space<vmem_shared>>) target(%dma_start3A_706 : memref<128xf32, #tpu.memory_space<vmem>>) offsets(%dma_start3A_708 : memref<128xi32, #tpu.memory_space<vmem>>) semaphore(%arg29 : memref<!tpu.dma_semaphore, #tpu.memory_space<semaphore_mem>>)
        %dma_start3A_711 = arith.constant 512 : i32
        %dma_start3A_712 = tpu.memref_slice %arg14[%dma_start3A_711] : memref<1280xf32, #tpu.memory_space<vmem>> -> memref<128xf32, #tpu.memory_space<vmem>>
        %dma_start3A_713 = arith.constant 512 : i32
        %dma_start3A_714 = tpu.memref_slice %arg8[%dma_start3A_713] : memref<1280xi32, #tpu.memory_space<vmem>> -> memref<128xi32, #tpu.memory_space<vmem>>
        %dma_start3A_715 = arith.constant 0 : i32
        %dma_start3A_716 = tpu.memref_slice %arg27[%dma_start3A_715] : memref<100000xf32, #tpu.memory_space<vmem_shared>> -> memref<100000xf32, #tpu.memory_space<vmem_shared>>
        tpu.enqueue_indirect_dma source(%dma_start3A_716 : memref<100000xf32, #tpu.memory_space<vmem_shared>>) target(%dma_start3A_712 : memref<128xf32, #tpu.memory_space<vmem>>) offsets(%dma_start3A_714 : memref<128xi32, #tpu.memory_space<vmem>>) semaphore(%arg29 : memref<!tpu.dma_semaphore, #tpu.memory_space<semaphore_mem>>)
        %dma_start3A_717 = arith.constant 512 : i32
        %dma_start3A_718 = tpu.memref_slice %arg16[%dma_start3A_717] : memref<1280xf32, #tpu.memory_space<vmem>> -> memref<128xf32, #tpu.memory_space<vmem>>
        %dma_start3A_719 = arith.constant 512 : i32
        %dma_start3A_720 = tpu.memref_slice %arg8[%dma_start3A_719] : memref<1280xi32, #tpu.memory_space<vmem>> -> memref<128xi32, #tpu.memory_space<vmem>>
        %dma_start3A_721 = arith.constant 0 : i32
        %dma_start3A_722 = tpu.memref_slice %arg28[%dma_start3A_721] : memref<100000xf32, #tpu.memory_space<vmem_shared>> -> memref<100000xf32, #tpu.memory_space<vmem_shared>>
        tpu.enqueue_indirect_dma source(%dma_start3A_722 : memref<100000xf32, #tpu.memory_space<vmem_shared>>) target(%dma_start3A_718 : memref<128xf32, #tpu.memory_space<vmem>>) offsets(%dma_start3A_720 : memref<128xi32, #tpu.memory_space<vmem>>) semaphore(%arg29 : memref<!tpu.dma_semaphore, #tpu.memory_space<semaphore_mem>>)
        %dma_start3A_723 = arith.constant 512 : i32
        %dma_start3A_724 = tpu.memref_slice %arg18[%dma_start3A_723] : memref<1280xf32, #tpu.memory_space<vmem>> -> memref<128xf32, #tpu.memory_space<vmem>>
        %dma_start3A_725 = arith.constant 512 : i32
        %dma_start3A_726 = tpu.memref_slice %arg10[%dma_start3A_725] : memref<1280xi32, #tpu.memory_space<vmem>> -> memref<128xi32, #tpu.memory_space<vmem>>
        %dma_start3A_727 = arith.constant 0 : i32
        %dma_start3A_728 = tpu.memref_slice %arg26[%dma_start3A_727] : memref<100000xf32, #tpu.memory_space<vmem_shared>> -> memref<100000xf32, #tpu.memory_space<vmem_shared>>
        tpu.enqueue_indirect_dma source(%dma_start3A_728 : memref<100000xf32, #tpu.memory_space<vmem_shared>>) target(%dma_start3A_724 : memref<128xf32, #tpu.memory_space<vmem>>) offsets(%dma_start3A_726 : memref<128xi32, #tpu.memory_space<vmem>>) semaphore(%arg29 : memref<!tpu.dma_semaphore, #tpu.memory_space<semaphore_mem>>)
        %dma_start3A_729 = arith.constant 512 : i32
        %dma_start3A_730 = tpu.memref_slice %arg20[%dma_start3A_729] : memref<1280xf32, #tpu.memory_space<vmem>> -> memref<128xf32, #tpu.memory_space<vmem>>
        %dma_start3A_731 = arith.constant 512 : i32
        %dma_start3A_732 = tpu.memref_slice %arg10[%dma_start3A_731] : memref<1280xi32, #tpu.memory_space<vmem>> -> memref<128xi32, #tpu.memory_space<vmem>>
        %dma_start3A_733 = arith.constant 0 : i32
        %dma_start3A_734 = tpu.memref_slice %arg27[%dma_start3A_733] : memref<100000xf32, #tpu.memory_space<vmem_shared>> -> memref<100000xf32, #tpu.memory_space<vmem_shared>>
        tpu.enqueue_indirect_dma source(%dma_start3A_734 : memref<100000xf32, #tpu.memory_space<vmem_shared>>) target(%dma_start3A_730 : memref<128xf32, #tpu.memory_space<vmem>>) offsets(%dma_start3A_732 : memref<128xi32, #tpu.memory_space<vmem>>) semaphore(%arg29 : memref<!tpu.dma_semaphore, #tpu.memory_space<semaphore_mem>>)
        %dma_start3A_735 = arith.constant 512 : i32
        %dma_start3A_736 = tpu.memref_slice %arg22[%dma_start3A_735] : memref<1280xf32, #tpu.memory_space<vmem>> -> memref<128xf32, #tpu.memory_space<vmem>>
        %dma_start3A_737 = arith.constant 512 : i32
        %dma_start3A_738 = tpu.memref_slice %arg10[%dma_start3A_737] : memref<1280xi32, #tpu.memory_space<vmem>> -> memref<128xi32, #tpu.memory_space<vmem>>
        %dma_start3A_739 = arith.constant 0 : i32
        %dma_start3A_740 = tpu.memref_slice %arg28[%dma_start3A_739] : memref<100000xf32, #tpu.memory_space<vmem_shared>> -> memref<100000xf32, #tpu.memory_space<vmem_shared>>
        tpu.enqueue_indirect_dma source(%dma_start3A_740 : memref<100000xf32, #tpu.memory_space<vmem_shared>>) target(%dma_start3A_736 : memref<128xf32, #tpu.memory_space<vmem>>) offsets(%dma_start3A_738 : memref<128xi32, #tpu.memory_space<vmem>>) semaphore(%arg29 : memref<!tpu.dma_semaphore, #tpu.memory_space<semaphore_mem>>)
        %dma_start3A_741 = arith.constant 640 : i32
        %dma_start3A_742 = tpu.memref_slice %arg12[%dma_start3A_741] : memref<1280xf32, #tpu.memory_space<vmem>> -> memref<128xf32, #tpu.memory_space<vmem>>
        %dma_start3A_743 = arith.constant 640 : i32
        %dma_start3A_744 = tpu.memref_slice %arg8[%dma_start3A_743] : memref<1280xi32, #tpu.memory_space<vmem>> -> memref<128xi32, #tpu.memory_space<vmem>>
        %dma_start3A_745 = arith.constant 0 : i32
        %dma_start3A_746 = tpu.memref_slice %arg26[%dma_start3A_745] : memref<100000xf32, #tpu.memory_space<vmem_shared>> -> memref<100000xf32, #tpu.memory_space<vmem_shared>>
        tpu.enqueue_indirect_dma source(%dma_start3A_746 : memref<100000xf32, #tpu.memory_space<vmem_shared>>) target(%dma_start3A_742 : memref<128xf32, #tpu.memory_space<vmem>>) offsets(%dma_start3A_744 : memref<128xi32, #tpu.memory_space<vmem>>) semaphore(%arg29 : memref<!tpu.dma_semaphore, #tpu.memory_space<semaphore_mem>>)
        %dma_start3A_747 = arith.constant 640 : i32
        %dma_start3A_748 = tpu.memref_slice %arg14[%dma_start3A_747] : memref<1280xf32, #tpu.memory_space<vmem>> -> memref<128xf32, #tpu.memory_space<vmem>>
        %dma_start3A_749 = arith.constant 640 : i32
        %dma_start3A_750 = tpu.memref_slice %arg8[%dma_start3A_749] : memref<1280xi32, #tpu.memory_space<vmem>> -> memref<128xi32, #tpu.memory_space<vmem>>
        %dma_start3A_751 = arith.constant 0 : i32
        %dma_start3A_752 = tpu.memref_slice %arg27[%dma_start3A_751] : memref<100000xf32, #tpu.memory_space<vmem_shared>> -> memref<100000xf32, #tpu.memory_space<vmem_shared>>
        tpu.enqueue_indirect_dma source(%dma_start3A_752 : memref<100000xf32, #tpu.memory_space<vmem_shared>>) target(%dma_start3A_748 : memref<128xf32, #tpu.memory_space<vmem>>) offsets(%dma_start3A_750 : memref<128xi32, #tpu.memory_space<vmem>>) semaphore(%arg29 : memref<!tpu.dma_semaphore, #tpu.memory_space<semaphore_mem>>)
        %dma_start3A_753 = arith.constant 640 : i32
        %dma_start3A_754 = tpu.memref_slice %arg16[%dma_start3A_753] : memref<1280xf32, #tpu.memory_space<vmem>> -> memref<128xf32, #tpu.memory_space<vmem>>
        %dma_start3A_755 = arith.constant 640 : i32
        %dma_start3A_756 = tpu.memref_slice %arg8[%dma_start3A_755] : memref<1280xi32, #tpu.memory_space<vmem>> -> memref<128xi32, #tpu.memory_space<vmem>>
        %dma_start3A_757 = arith.constant 0 : i32
        %dma_start3A_758 = tpu.memref_slice %arg28[%dma_start3A_757] : memref<100000xf32, #tpu.memory_space<vmem_shared>> -> memref<100000xf32, #tpu.memory_space<vmem_shared>>
        tpu.enqueue_indirect_dma source(%dma_start3A_758 : memref<100000xf32, #tpu.memory_space<vmem_shared>>) target(%dma_start3A_754 : memref<128xf32, #tpu.memory_space<vmem>>) offsets(%dma_start3A_756 : memref<128xi32, #tpu.memory_space<vmem>>) semaphore(%arg29 : memref<!tpu.dma_semaphore, #tpu.memory_space<semaphore_mem>>)
        %dma_start3A_759 = arith.constant 640 : i32
        %dma_start3A_760 = tpu.memref_slice %arg18[%dma_start3A_759] : memref<1280xf32, #tpu.memory_space<vmem>> -> memref<128xf32, #tpu.memory_space<vmem>>
        %dma_start3A_761 = arith.constant 640 : i32
        %dma_start3A_762 = tpu.memref_slice %arg10[%dma_start3A_761] : memref<1280xi32, #tpu.memory_space<vmem>> -> memref<128xi32, #tpu.memory_space<vmem>>
        %dma_start3A_763 = arith.constant 0 : i32
        %dma_start3A_764 = tpu.memref_slice %arg26[%dma_start3A_763] : memref<100000xf32, #tpu.memory_space<vmem_shared>> -> memref<100000xf32, #tpu.memory_space<vmem_shared>>
        tpu.enqueue_indirect_dma source(%dma_start3A_764 : memref<100000xf32, #tpu.memory_space<vmem_shared>>) target(%dma_start3A_760 : memref<128xf32, #tpu.memory_space<vmem>>) offsets(%dma_start3A_762 : memref<128xi32, #tpu.memory_space<vmem>>) semaphore(%arg29 : memref<!tpu.dma_semaphore, #tpu.memory_space<semaphore_mem>>)
        %dma_start3A_765 = arith.constant 640 : i32
        %dma_start3A_766 = tpu.memref_slice %arg20[%dma_start3A_765] : memref<1280xf32, #tpu.memory_space<vmem>> -> memref<128xf32, #tpu.memory_space<vmem>>
        %dma_start3A_767 = arith.constant 640 : i32
        %dma_start3A_768 = tpu.memref_slice %arg10[%dma_start3A_767] : memref<1280xi32, #tpu.memory_space<vmem>> -> memref<128xi32, #tpu.memory_space<vmem>>
        %dma_start3A_769 = arith.constant 0 : i32
        %dma_start3A_770 = tpu.memref_slice %arg27[%dma_start3A_769] : memref<100000xf32, #tpu.memory_space<vmem_shared>> -> memref<100000xf32, #tpu.memory_space<vmem_shared>>
        tpu.enqueue_indirect_dma source(%dma_start3A_770 : memref<100000xf32, #tpu.memory_space<vmem_shared>>) target(%dma_start3A_766 : memref<128xf32, #tpu.memory_space<vmem>>) offsets(%dma_start3A_768 : memref<128xi32, #tpu.memory_space<vmem>>) semaphore(%arg29 : memref<!tpu.dma_semaphore, #tpu.memory_space<semaphore_mem>>)
        %dma_start3A_771 = arith.constant 640 : i32
        %dma_start3A_772 = tpu.memref_slice %arg22[%dma_start3A_771] : memref<1280xf32, #tpu.memory_space<vmem>> -> memref<128xf32, #tpu.memory_space<vmem>>
        %dma_start3A_773 = arith.constant 640 : i32
        %dma_start3A_774 = tpu.memref_slice %arg10[%dma_start3A_773] : memref<1280xi32, #tpu.memory_space<vmem>> -> memref<128xi32, #tpu.memory_space<vmem>>
        %dma_start3A_775 = arith.constant 0 : i32
        %dma_start3A_776 = tpu.memref_slice %arg28[%dma_start3A_775] : memref<100000xf32, #tpu.memory_space<vmem_shared>> -> memref<100000xf32, #tpu.memory_space<vmem_shared>>
        tpu.enqueue_indirect_dma source(%dma_start3A_776 : memref<100000xf32, #tpu.memory_space<vmem_shared>>) target(%dma_start3A_772 : memref<128xf32, #tpu.memory_space<vmem>>) offsets(%dma_start3A_774 : memref<128xi32, #tpu.memory_space<vmem>>) semaphore(%arg29 : memref<!tpu.dma_semaphore, #tpu.memory_space<semaphore_mem>>)
        %dma_start3A_777 = arith.constant 768 : i32
        %dma_start3A_778 = tpu.memref_slice %arg12[%dma_start3A_777] : memref<1280xf32, #tpu.memory_space<vmem>> -> memref<128xf32, #tpu.memory_space<vmem>>
        %dma_start3A_779 = arith.constant 768 : i32
        %dma_start3A_780 = tpu.memref_slice %arg8[%dma_start3A_779] : memref<1280xi32, #tpu.memory_space<vmem>> -> memref<128xi32, #tpu.memory_space<vmem>>
        %dma_start3A_781 = arith.constant 0 : i32
        %dma_start3A_782 = tpu.memref_slice %arg26[%dma_start3A_781] : memref<100000xf32, #tpu.memory_space<vmem_shared>> -> memref<100000xf32, #tpu.memory_space<vmem_shared>>
        tpu.enqueue_indirect_dma source(%dma_start3A_782 : memref<100000xf32, #tpu.memory_space<vmem_shared>>) target(%dma_start3A_778 : memref<128xf32, #tpu.memory_space<vmem>>) offsets(%dma_start3A_780 : memref<128xi32, #tpu.memory_space<vmem>>) semaphore(%arg29 : memref<!tpu.dma_semaphore, #tpu.memory_space<semaphore_mem>>)
        %dma_start3A_783 = arith.constant 768 : i32
        %dma_start3A_784 = tpu.memref_slice %arg14[%dma_start3A_783] : memref<1280xf32, #tpu.memory_space<vmem>> -> memref<128xf32, #tpu.memory_space<vmem>>
        %dma_start3A_785 = arith.constant 768 : i32
        %dma_start3A_786 = tpu.memref_slice %arg8[%dma_start3A_785] : memref<1280xi32, #tpu.memory_space<vmem>> -> memref<128xi32, #tpu.memory_space<vmem>>
        %dma_start3A_787 = arith.constant 0 : i32
        %dma_start3A_788 = tpu.memref_slice %arg27[%dma_start3A_787] : memref<100000xf32, #tpu.memory_space<vmem_shared>> -> memref<100000xf32, #tpu.memory_space<vmem_shared>>
        tpu.enqueue_indirect_dma source(%dma_start3A_788 : memref<100000xf32, #tpu.memory_space<vmem_shared>>) target(%dma_start3A_784 : memref<128xf32, #tpu.memory_space<vmem>>) offsets(%dma_start3A_786 : memref<128xi32, #tpu.memory_space<vmem>>) semaphore(%arg29 : memref<!tpu.dma_semaphore, #tpu.memory_space<semaphore_mem>>)
        %dma_start3A_789 = arith.constant 768 : i32
        %dma_start3A_790 = tpu.memref_slice %arg16[%dma_start3A_789] : memref<1280xf32, #tpu.memory_space<vmem>> -> memref<128xf32, #tpu.memory_space<vmem>>
        %dma_start3A_791 = arith.constant 768 : i32
        %dma_start3A_792 = tpu.memref_slice %arg8[%dma_start3A_791] : memref<1280xi32, #tpu.memory_space<vmem>> -> memref<128xi32, #tpu.memory_space<vmem>>
        %dma_start3A_793 = arith.constant 0 : i32
        %dma_start3A_794 = tpu.memref_slice %arg28[%dma_start3A_793] : memref<100000xf32, #tpu.memory_space<vmem_shared>> -> memref<100000xf32, #tpu.memory_space<vmem_shared>>
        tpu.enqueue_indirect_dma source(%dma_start3A_794 : memref<100000xf32, #tpu.memory_space<vmem_shared>>) target(%dma_start3A_790 : memref<128xf32, #tpu.memory_space<vmem>>) offsets(%dma_start3A_792 : memref<128xi32, #tpu.memory_space<vmem>>) semaphore(%arg29 : memref<!tpu.dma_semaphore, #tpu.memory_space<semaphore_mem>>)
        %dma_start3A_795 = arith.constant 768 : i32
        %dma_start3A_796 = tpu.memref_slice %arg18[%dma_start3A_795] : memref<1280xf32, #tpu.memory_space<vmem>> -> memref<128xf32, #tpu.memory_space<vmem>>
        %dma_start3A_797 = arith.constant 768 : i32
        %dma_start3A_798 = tpu.memref_slice %arg10[%dma_start3A_797] : memref<1280xi32, #tpu.memory_space<vmem>> -> memref<128xi32, #tpu.memory_space<vmem>>
        %dma_start3A_799 = arith.constant 0 : i32
        %dma_start3A_800 = tpu.memref_slice %arg26[%dma_start3A_799] : memref<100000xf32, #tpu.memory_space<vmem_shared>> -> memref<100000xf32, #tpu.memory_space<vmem_shared>>
        tpu.enqueue_indirect_dma source(%dma_start3A_800 : memref<100000xf32, #tpu.memory_space<vmem_shared>>) target(%dma_start3A_796 : memref<128xf32, #tpu.memory_space<vmem>>) offsets(%dma_start3A_798 : memref<128xi32, #tpu.memory_space<vmem>>) semaphore(%arg29 : memref<!tpu.dma_semaphore, #tpu.memory_space<semaphore_mem>>)
        %dma_start3A_801 = arith.constant 768 : i32
        %dma_start3A_802 = tpu.memref_slice %arg20[%dma_start3A_801] : memref<1280xf32, #tpu.memory_space<vmem>> -> memref<128xf32, #tpu.memory_space<vmem>>
        %dma_start3A_803 = arith.constant 768 : i32
        %dma_start3A_804 = tpu.memref_slice %arg10[%dma_start3A_803] : memref<1280xi32, #tpu.memory_space<vmem>> -> memref<128xi32, #tpu.memory_space<vmem>>
        %dma_start3A_805 = arith.constant 0 : i32
        %dma_start3A_806 = tpu.memref_slice %arg27[%dma_start3A_805] : memref<100000xf32, #tpu.memory_space<vmem_shared>> -> memref<100000xf32, #tpu.memory_space<vmem_shared>>
        tpu.enqueue_indirect_dma source(%dma_start3A_806 : memref<100000xf32, #tpu.memory_space<vmem_shared>>) target(%dma_start3A_802 : memref<128xf32, #tpu.memory_space<vmem>>) offsets(%dma_start3A_804 : memref<128xi32, #tpu.memory_space<vmem>>) semaphore(%arg29 : memref<!tpu.dma_semaphore, #tpu.memory_space<semaphore_mem>>)
        %dma_start3A_807 = arith.constant 768 : i32
        %dma_start3A_808 = tpu.memref_slice %arg22[%dma_start3A_807] : memref<1280xf32, #tpu.memory_space<vmem>> -> memref<128xf32, #tpu.memory_space<vmem>>
        %dma_start3A_809 = arith.constant 768 : i32
        %dma_start3A_810 = tpu.memref_slice %arg10[%dma_start3A_809] : memref<1280xi32, #tpu.memory_space<vmem>> -> memref<128xi32, #tpu.memory_space<vmem>>
        %dma_start3A_811 = arith.constant 0 : i32
        %dma_start3A_812 = tpu.memref_slice %arg28[%dma_start3A_811] : memref<100000xf32, #tpu.memory_space<vmem_shared>> -> memref<100000xf32, #tpu.memory_space<vmem_shared>>
        tpu.enqueue_indirect_dma source(%dma_start3A_812 : memref<100000xf32, #tpu.memory_space<vmem_shared>>) target(%dma_start3A_808 : memref<128xf32, #tpu.memory_space<vmem>>) offsets(%dma_start3A_810 : memref<128xi32, #tpu.memory_space<vmem>>) semaphore(%arg29 : memref<!tpu.dma_semaphore, #tpu.memory_space<semaphore_mem>>)
        %dma_start3A_813 = arith.constant 896 : i32
        %dma_start3A_814 = tpu.memref_slice %arg12[%dma_start3A_813] : memref<1280xf32, #tpu.memory_space<vmem>> -> memref<128xf32, #tpu.memory_space<vmem>>
        %dma_start3A_815 = arith.constant 896 : i32
        %dma_start3A_816 = tpu.memref_slice %arg8[%dma_start3A_815] : memref<1280xi32, #tpu.memory_space<vmem>> -> memref<128xi32, #tpu.memory_space<vmem>>
        %dma_start3A_817 = arith.constant 0 : i32
        %dma_start3A_818 = tpu.memref_slice %arg26[%dma_start3A_817] : memref<100000xf32, #tpu.memory_space<vmem_shared>> -> memref<100000xf32, #tpu.memory_space<vmem_shared>>
        tpu.enqueue_indirect_dma source(%dma_start3A_818 : memref<100000xf32, #tpu.memory_space<vmem_shared>>) target(%dma_start3A_814 : memref<128xf32, #tpu.memory_space<vmem>>) offsets(%dma_start3A_816 : memref<128xi32, #tpu.memory_space<vmem>>) semaphore(%arg29 : memref<!tpu.dma_semaphore, #tpu.memory_space<semaphore_mem>>)
        %dma_start3A_819 = arith.constant 896 : i32
        %dma_start3A_820 = tpu.memref_slice %arg14[%dma_start3A_819] : memref<1280xf32, #tpu.memory_space<vmem>> -> memref<128xf32, #tpu.memory_space<vmem>>
        %dma_start3A_821 = arith.constant 896 : i32
        %dma_start3A_822 = tpu.memref_slice %arg8[%dma_start3A_821] : memref<1280xi32, #tpu.memory_space<vmem>> -> memref<128xi32, #tpu.memory_space<vmem>>
        %dma_start3A_823 = arith.constant 0 : i32
        %dma_start3A_824 = tpu.memref_slice %arg27[%dma_start3A_823] : memref<100000xf32, #tpu.memory_space<vmem_shared>> -> memref<100000xf32, #tpu.memory_space<vmem_shared>>
        tpu.enqueue_indirect_dma source(%dma_start3A_824 : memref<100000xf32, #tpu.memory_space<vmem_shared>>) target(%dma_start3A_820 : memref<128xf32, #tpu.memory_space<vmem>>) offsets(%dma_start3A_822 : memref<128xi32, #tpu.memory_space<vmem>>) semaphore(%arg29 : memref<!tpu.dma_semaphore, #tpu.memory_space<semaphore_mem>>)
        %dma_start3A_825 = arith.constant 896 : i32
        %dma_start3A_826 = tpu.memref_slice %arg16[%dma_start3A_825] : memref<1280xf32, #tpu.memory_space<vmem>> -> memref<128xf32, #tpu.memory_space<vmem>>
        %dma_start3A_827 = arith.constant 896 : i32
        %dma_start3A_828 = tpu.memref_slice %arg8[%dma_start3A_827] : memref<1280xi32, #tpu.memory_space<vmem>> -> memref<128xi32, #tpu.memory_space<vmem>>
        %dma_start3A_829 = arith.constant 0 : i32
        %dma_start3A_830 = tpu.memref_slice %arg28[%dma_start3A_829] : memref<100000xf32, #tpu.memory_space<vmem_shared>> -> memref<100000xf32, #tpu.memory_space<vmem_shared>>
        tpu.enqueue_indirect_dma source(%dma_start3A_830 : memref<100000xf32, #tpu.memory_space<vmem_shared>>) target(%dma_start3A_826 : memref<128xf32, #tpu.memory_space<vmem>>) offsets(%dma_start3A_828 : memref<128xi32, #tpu.memory_space<vmem>>) semaphore(%arg29 : memref<!tpu.dma_semaphore, #tpu.memory_space<semaphore_mem>>)
        %dma_start3A_831 = arith.constant 896 : i32
        %dma_start3A_832 = tpu.memref_slice %arg18[%dma_start3A_831] : memref<1280xf32, #tpu.memory_space<vmem>> -> memref<128xf32, #tpu.memory_space<vmem>>
        %dma_start3A_833 = arith.constant 896 : i32
        %dma_start3A_834 = tpu.memref_slice %arg10[%dma_start3A_833] : memref<1280xi32, #tpu.memory_space<vmem>> -> memref<128xi32, #tpu.memory_space<vmem>>
        %dma_start3A_835 = arith.constant 0 : i32
        %dma_start3A_836 = tpu.memref_slice %arg26[%dma_start3A_835] : memref<100000xf32, #tpu.memory_space<vmem_shared>> -> memref<100000xf32, #tpu.memory_space<vmem_shared>>
        tpu.enqueue_indirect_dma source(%dma_start3A_836 : memref<100000xf32, #tpu.memory_space<vmem_shared>>) target(%dma_start3A_832 : memref<128xf32, #tpu.memory_space<vmem>>) offsets(%dma_start3A_834 : memref<128xi32, #tpu.memory_space<vmem>>) semaphore(%arg29 : memref<!tpu.dma_semaphore, #tpu.memory_space<semaphore_mem>>)
        %dma_start3A_837 = arith.constant 896 : i32
        %dma_start3A_838 = tpu.memref_slice %arg20[%dma_start3A_837] : memref<1280xf32, #tpu.memory_space<vmem>> -> memref<128xf32, #tpu.memory_space<vmem>>
        %dma_start3A_839 = arith.constant 896 : i32
        %dma_start3A_840 = tpu.memref_slice %arg10[%dma_start3A_839] : memref<1280xi32, #tpu.memory_space<vmem>> -> memref<128xi32, #tpu.memory_space<vmem>>
        %dma_start3A_841 = arith.constant 0 : i32
        %dma_start3A_842 = tpu.memref_slice %arg27[%dma_start3A_841] : memref<100000xf32, #tpu.memory_space<vmem_shared>> -> memref<100000xf32, #tpu.memory_space<vmem_shared>>
        tpu.enqueue_indirect_dma source(%dma_start3A_842 : memref<100000xf32, #tpu.memory_space<vmem_shared>>) target(%dma_start3A_838 : memref<128xf32, #tpu.memory_space<vmem>>) offsets(%dma_start3A_840 : memref<128xi32, #tpu.memory_space<vmem>>) semaphore(%arg29 : memref<!tpu.dma_semaphore, #tpu.memory_space<semaphore_mem>>)
        %dma_start3A_843 = arith.constant 896 : i32
        %dma_start3A_844 = tpu.memref_slice %arg22[%dma_start3A_843] : memref<1280xf32, #tpu.memory_space<vmem>> -> memref<128xf32, #tpu.memory_space<vmem>>
        %dma_start3A_845 = arith.constant 896 : i32
        %dma_start3A_846 = tpu.memref_slice %arg10[%dma_start3A_845] : memref<1280xi32, #tpu.memory_space<vmem>> -> memref<128xi32, #tpu.memory_space<vmem>>
        %dma_start3A_847 = arith.constant 0 : i32
        %dma_start3A_848 = tpu.memref_slice %arg28[%dma_start3A_847] : memref<100000xf32, #tpu.memory_space<vmem_shared>> -> memref<100000xf32, #tpu.memory_space<vmem_shared>>
        tpu.enqueue_indirect_dma source(%dma_start3A_848 : memref<100000xf32, #tpu.memory_space<vmem_shared>>) target(%dma_start3A_844 : memref<128xf32, #tpu.memory_space<vmem>>) offsets(%dma_start3A_846 : memref<128xi32, #tpu.memory_space<vmem>>) semaphore(%arg29 : memref<!tpu.dma_semaphore, #tpu.memory_space<semaphore_mem>>)
        %dma_start3A_849 = arith.constant 1024 : i32
        %dma_start3A_850 = tpu.memref_slice %arg12[%dma_start3A_849] : memref<1280xf32, #tpu.memory_space<vmem>> -> memref<128xf32, #tpu.memory_space<vmem>>
        %dma_start3A_851 = arith.constant 1024 : i32
        %dma_start3A_852 = tpu.memref_slice %arg8[%dma_start3A_851] : memref<1280xi32, #tpu.memory_space<vmem>> -> memref<128xi32, #tpu.memory_space<vmem>>
        %dma_start3A_853 = arith.constant 0 : i32
        %dma_start3A_854 = tpu.memref_slice %arg26[%dma_start3A_853] : memref<100000xf32, #tpu.memory_space<vmem_shared>> -> memref<100000xf32, #tpu.memory_space<vmem_shared>>
        tpu.enqueue_indirect_dma source(%dma_start3A_854 : memref<100000xf32, #tpu.memory_space<vmem_shared>>) target(%dma_start3A_850 : memref<128xf32, #tpu.memory_space<vmem>>) offsets(%dma_start3A_852 : memref<128xi32, #tpu.memory_space<vmem>>) semaphore(%arg29 : memref<!tpu.dma_semaphore, #tpu.memory_space<semaphore_mem>>)
        %dma_start3A_855 = arith.constant 1024 : i32
        %dma_start3A_856 = tpu.memref_slice %arg14[%dma_start3A_855] : memref<1280xf32, #tpu.memory_space<vmem>> -> memref<128xf32, #tpu.memory_space<vmem>>
        %dma_start3A_857 = arith.constant 1024 : i32
        %dma_start3A_858 = tpu.memref_slice %arg8[%dma_start3A_857] : memref<1280xi32, #tpu.memory_space<vmem>> -> memref<128xi32, #tpu.memory_space<vmem>>
        %dma_start3A_859 = arith.constant 0 : i32
        %dma_start3A_860 = tpu.memref_slice %arg27[%dma_start3A_859] : memref<100000xf32, #tpu.memory_space<vmem_shared>> -> memref<100000xf32, #tpu.memory_space<vmem_shared>>
        tpu.enqueue_indirect_dma source(%dma_start3A_860 : memref<100000xf32, #tpu.memory_space<vmem_shared>>) target(%dma_start3A_856 : memref<128xf32, #tpu.memory_space<vmem>>) offsets(%dma_start3A_858 : memref<128xi32, #tpu.memory_space<vmem>>) semaphore(%arg29 : memref<!tpu.dma_semaphore, #tpu.memory_space<semaphore_mem>>)
        %dma_start3A_861 = arith.constant 1024 : i32
        %dma_start3A_862 = tpu.memref_slice %arg16[%dma_start3A_861] : memref<1280xf32, #tpu.memory_space<vmem>> -> memref<128xf32, #tpu.memory_space<vmem>>
        %dma_start3A_863 = arith.constant 1024 : i32
        %dma_start3A_864 = tpu.memref_slice %arg8[%dma_start3A_863] : memref<1280xi32, #tpu.memory_space<vmem>> -> memref<128xi32, #tpu.memory_space<vmem>>
        %dma_start3A_865 = arith.constant 0 : i32
        %dma_start3A_866 = tpu.memref_slice %arg28[%dma_start3A_865] : memref<100000xf32, #tpu.memory_space<vmem_shared>> -> memref<100000xf32, #tpu.memory_space<vmem_shared>>
        tpu.enqueue_indirect_dma source(%dma_start3A_866 : memref<100000xf32, #tpu.memory_space<vmem_shared>>) target(%dma_start3A_862 : memref<128xf32, #tpu.memory_space<vmem>>) offsets(%dma_start3A_864 : memref<128xi32, #tpu.memory_space<vmem>>) semaphore(%arg29 : memref<!tpu.dma_semaphore, #tpu.memory_space<semaphore_mem>>)
        %dma_start3A_867 = arith.constant 1024 : i32
        %dma_start3A_868 = tpu.memref_slice %arg18[%dma_start3A_867] : memref<1280xf32, #tpu.memory_space<vmem>> -> memref<128xf32, #tpu.memory_space<vmem>>
        %dma_start3A_869 = arith.constant 1024 : i32
        %dma_start3A_870 = tpu.memref_slice %arg10[%dma_start3A_869] : memref<1280xi32, #tpu.memory_space<vmem>> -> memref<128xi32, #tpu.memory_space<vmem>>
        %dma_start3A_871 = arith.constant 0 : i32
        %dma_start3A_872 = tpu.memref_slice %arg26[%dma_start3A_871] : memref<100000xf32, #tpu.memory_space<vmem_shared>> -> memref<100000xf32, #tpu.memory_space<vmem_shared>>
        tpu.enqueue_indirect_dma source(%dma_start3A_872 : memref<100000xf32, #tpu.memory_space<vmem_shared>>) target(%dma_start3A_868 : memref<128xf32, #tpu.memory_space<vmem>>) offsets(%dma_start3A_870 : memref<128xi32, #tpu.memory_space<vmem>>) semaphore(%arg29 : memref<!tpu.dma_semaphore, #tpu.memory_space<semaphore_mem>>)
        %dma_start3A_873 = arith.constant 1024 : i32
        %dma_start3A_874 = tpu.memref_slice %arg20[%dma_start3A_873] : memref<1280xf32, #tpu.memory_space<vmem>> -> memref<128xf32, #tpu.memory_space<vmem>>
        %dma_start3A_875 = arith.constant 1024 : i32
        %dma_start3A_876 = tpu.memref_slice %arg10[%dma_start3A_875] : memref<1280xi32, #tpu.memory_space<vmem>> -> memref<128xi32, #tpu.memory_space<vmem>>
        %dma_start3A_877 = arith.constant 0 : i32
        %dma_start3A_878 = tpu.memref_slice %arg27[%dma_start3A_877] : memref<100000xf32, #tpu.memory_space<vmem_shared>> -> memref<100000xf32, #tpu.memory_space<vmem_shared>>
        tpu.enqueue_indirect_dma source(%dma_start3A_878 : memref<100000xf32, #tpu.memory_space<vmem_shared>>) target(%dma_start3A_874 : memref<128xf32, #tpu.memory_space<vmem>>) offsets(%dma_start3A_876 : memref<128xi32, #tpu.memory_space<vmem>>) semaphore(%arg29 : memref<!tpu.dma_semaphore, #tpu.memory_space<semaphore_mem>>)
        %dma_start3A_879 = arith.constant 1024 : i32
        %dma_start3A_880 = tpu.memref_slice %arg22[%dma_start3A_879] : memref<1280xf32, #tpu.memory_space<vmem>> -> memref<128xf32, #tpu.memory_space<vmem>>
        %dma_start3A_881 = arith.constant 1024 : i32
        %dma_start3A_882 = tpu.memref_slice %arg10[%dma_start3A_881] : memref<1280xi32, #tpu.memory_space<vmem>> -> memref<128xi32, #tpu.memory_space<vmem>>
        %dma_start3A_883 = arith.constant 0 : i32
        %dma_start3A_884 = tpu.memref_slice %arg28[%dma_start3A_883] : memref<100000xf32, #tpu.memory_space<vmem_shared>> -> memref<100000xf32, #tpu.memory_space<vmem_shared>>
        tpu.enqueue_indirect_dma source(%dma_start3A_884 : memref<100000xf32, #tpu.memory_space<vmem_shared>>) target(%dma_start3A_880 : memref<128xf32, #tpu.memory_space<vmem>>) offsets(%dma_start3A_882 : memref<128xi32, #tpu.memory_space<vmem>>) semaphore(%arg29 : memref<!tpu.dma_semaphore, #tpu.memory_space<semaphore_mem>>)
        %dma_start3A_885 = arith.constant 1152 : i32
        %dma_start3A_886 = tpu.memref_slice %arg12[%dma_start3A_885] : memref<1280xf32, #tpu.memory_space<vmem>> -> memref<128xf32, #tpu.memory_space<vmem>>
        %dma_start3A_887 = arith.constant 1152 : i32
        %dma_start3A_888 = tpu.memref_slice %arg8[%dma_start3A_887] : memref<1280xi32, #tpu.memory_space<vmem>> -> memref<128xi32, #tpu.memory_space<vmem>>
        %dma_start3A_889 = arith.constant 0 : i32
        %dma_start3A_890 = tpu.memref_slice %arg26[%dma_start3A_889] : memref<100000xf32, #tpu.memory_space<vmem_shared>> -> memref<100000xf32, #tpu.memory_space<vmem_shared>>
        tpu.enqueue_indirect_dma source(%dma_start3A_890 : memref<100000xf32, #tpu.memory_space<vmem_shared>>) target(%dma_start3A_886 : memref<128xf32, #tpu.memory_space<vmem>>) offsets(%dma_start3A_888 : memref<128xi32, #tpu.memory_space<vmem>>) semaphore(%arg29 : memref<!tpu.dma_semaphore, #tpu.memory_space<semaphore_mem>>)
        %dma_start3A_891 = arith.constant 1152 : i32
        %dma_start3A_892 = tpu.memref_slice %arg14[%dma_start3A_891] : memref<1280xf32, #tpu.memory_space<vmem>> -> memref<128xf32, #tpu.memory_space<vmem>>
        %dma_start3A_893 = arith.constant 1152 : i32
        %dma_start3A_894 = tpu.memref_slice %arg8[%dma_start3A_893] : memref<1280xi32, #tpu.memory_space<vmem>> -> memref<128xi32, #tpu.memory_space<vmem>>
        %dma_start3A_895 = arith.constant 0 : i32
        %dma_start3A_896 = tpu.memref_slice %arg27[%dma_start3A_895] : memref<100000xf32, #tpu.memory_space<vmem_shared>> -> memref<100000xf32, #tpu.memory_space<vmem_shared>>
        tpu.enqueue_indirect_dma source(%dma_start3A_896 : memref<100000xf32, #tpu.memory_space<vmem_shared>>) target(%dma_start3A_892 : memref<128xf32, #tpu.memory_space<vmem>>) offsets(%dma_start3A_894 : memref<128xi32, #tpu.memory_space<vmem>>) semaphore(%arg29 : memref<!tpu.dma_semaphore, #tpu.memory_space<semaphore_mem>>)
        %dma_start3A_897 = arith.constant 1152 : i32
        %dma_start3A_898 = tpu.memref_slice %arg16[%dma_start3A_897] : memref<1280xf32, #tpu.memory_space<vmem>> -> memref<128xf32, #tpu.memory_space<vmem>>
        %dma_start3A_899 = arith.constant 1152 : i32
        %dma_start3A_900 = tpu.memref_slice %arg8[%dma_start3A_899] : memref<1280xi32, #tpu.memory_space<vmem>> -> memref<128xi32, #tpu.memory_space<vmem>>
        %dma_start3A_901 = arith.constant 0 : i32
        %dma_start3A_902 = tpu.memref_slice %arg28[%dma_start3A_901] : memref<100000xf32, #tpu.memory_space<vmem_shared>> -> memref<100000xf32, #tpu.memory_space<vmem_shared>>
        tpu.enqueue_indirect_dma source(%dma_start3A_902 : memref<100000xf32, #tpu.memory_space<vmem_shared>>) target(%dma_start3A_898 : memref<128xf32, #tpu.memory_space<vmem>>) offsets(%dma_start3A_900 : memref<128xi32, #tpu.memory_space<vmem>>) semaphore(%arg29 : memref<!tpu.dma_semaphore, #tpu.memory_space<semaphore_mem>>)
        %dma_start3A_903 = arith.constant 1152 : i32
        %dma_start3A_904 = tpu.memref_slice %arg18[%dma_start3A_903] : memref<1280xf32, #tpu.memory_space<vmem>> -> memref<128xf32, #tpu.memory_space<vmem>>
        %dma_start3A_905 = arith.constant 1152 : i32
        %dma_start3A_906 = tpu.memref_slice %arg10[%dma_start3A_905] : memref<1280xi32, #tpu.memory_space<vmem>> -> memref<128xi32, #tpu.memory_space<vmem>>
        %dma_start3A_907 = arith.constant 0 : i32
        %dma_start3A_908 = tpu.memref_slice %arg26[%dma_start3A_907] : memref<100000xf32, #tpu.memory_space<vmem_shared>> -> memref<100000xf32, #tpu.memory_space<vmem_shared>>
        tpu.enqueue_indirect_dma source(%dma_start3A_908 : memref<100000xf32, #tpu.memory_space<vmem_shared>>) target(%dma_start3A_904 : memref<128xf32, #tpu.memory_space<vmem>>) offsets(%dma_start3A_906 : memref<128xi32, #tpu.memory_space<vmem>>) semaphore(%arg29 : memref<!tpu.dma_semaphore, #tpu.memory_space<semaphore_mem>>)
        %dma_start3A_909 = arith.constant 1152 : i32
        %dma_start3A_910 = tpu.memref_slice %arg20[%dma_start3A_909] : memref<1280xf32, #tpu.memory_space<vmem>> -> memref<128xf32, #tpu.memory_space<vmem>>
        %dma_start3A_911 = arith.constant 1152 : i32
        %dma_start3A_912 = tpu.memref_slice %arg10[%dma_start3A_911] : memref<1280xi32, #tpu.memory_space<vmem>> -> memref<128xi32, #tpu.memory_space<vmem>>
        %dma_start3A_913 = arith.constant 0 : i32
        %dma_start3A_914 = tpu.memref_slice %arg27[%dma_start3A_913] : memref<100000xf32, #tpu.memory_space<vmem_shared>> -> memref<100000xf32, #tpu.memory_space<vmem_shared>>
        tpu.enqueue_indirect_dma source(%dma_start3A_914 : memref<100000xf32, #tpu.memory_space<vmem_shared>>) target(%dma_start3A_910 : memref<128xf32, #tpu.memory_space<vmem>>) offsets(%dma_start3A_912 : memref<128xi32, #tpu.memory_space<vmem>>) semaphore(%arg29 : memref<!tpu.dma_semaphore, #tpu.memory_space<semaphore_mem>>)
        %dma_start3A_915 = arith.constant 1152 : i32
        %dma_start3A_916 = tpu.memref_slice %arg22[%dma_start3A_915] : memref<1280xf32, #tpu.memory_space<vmem>> -> memref<128xf32, #tpu.memory_space<vmem>>
        %dma_start3A_917 = arith.constant 1152 : i32
        %dma_start3A_918 = tpu.memref_slice %arg10[%dma_start3A_917] : memref<1280xi32, #tpu.memory_space<vmem>> -> memref<128xi32, #tpu.memory_space<vmem>>
        %dma_start3A_919 = arith.constant 0 : i32
        %dma_start3A_920 = tpu.memref_slice %arg28[%dma_start3A_919] : memref<100000xf32, #tpu.memory_space<vmem_shared>> -> memref<100000xf32, #tpu.memory_space<vmem_shared>>
        tpu.enqueue_indirect_dma source(%dma_start3A_920 : memref<100000xf32, #tpu.memory_space<vmem_shared>>) target(%dma_start3A_916 : memref<128xf32, #tpu.memory_space<vmem>>) offsets(%dma_start3A_918 : memref<128xi32, #tpu.memory_space<vmem>>) semaphore(%arg29 : memref<!tpu.dma_semaphore, #tpu.memory_space<semaphore_mem>>)
      } else {
      }
      %dma_wait3A_488 = arith.constant 0 : i32
      %dma_wait3A_489 = tpu.memref_slice %arg13[%dma_wait3A_488] : memref<1280xf32, #tpu.memory_space<vmem>> -> memref<1280xf32, #tpu.memory_space<vmem>>
      %dma_wait3A_490 = arith.constant 0 : i32
      %dma_wait3A_491 = tpu.memref_slice %arg2[%dma_wait3A_490] : memref<100000xf32, #tpu.memory_space<hbm>> -> memref<1280xf32, #tpu.memory_space<hbm>>
      %dma_wait3A_492 = arith.constant 0 : i32
      %dma_wait3A_493 = tpu.memref_slice %arg13[%dma_wait3A_492] : memref<1280xf32, #tpu.memory_space<vmem>> -> memref<1280xf32, #tpu.memory_space<vmem>>
      %dma_wait3A_494 = arith.constant 0 : i32
      %dma_wait3A_495 = tpu.memref_slice %arg2[%dma_wait3A_494] : memref<100000xf32, #tpu.memory_space<hbm>> -> memref<1280xf32, #tpu.memory_space<hbm>>
      tpu.wait_dma2 semaphore(%arg30 : memref<!tpu.dma_semaphore, #tpu.memory_space<semaphore_mem>>) src(%dma_wait3A_495 : memref<1280xf32, #tpu.memory_space<hbm>>) dst(%dma_wait3A_493 : memref<1280xf32, #tpu.memory_space<vmem>>)
      %dma_wait3A_496 = arith.constant 0 : i32
      %dma_wait3A_497 = tpu.memref_slice %arg15[%dma_wait3A_496] : memref<1280xf32, #tpu.memory_space<vmem>> -> memref<1280xf32, #tpu.memory_space<vmem>>
      %dma_wait3A_498 = arith.constant 0 : i32
      %dma_wait3A_499 = tpu.memref_slice %arg2[%dma_wait3A_498] : memref<100000xf32, #tpu.memory_space<hbm>> -> memref<1280xf32, #tpu.memory_space<hbm>>
      %dma_wait3A_500 = arith.constant 0 : i32
      %dma_wait3A_501 = tpu.memref_slice %arg15[%dma_wait3A_500] : memref<1280xf32, #tpu.memory_space<vmem>> -> memref<1280xf32, #tpu.memory_space<vmem>>
      %dma_wait3A_502 = arith.constant 0 : i32
      %dma_wait3A_503 = tpu.memref_slice %arg2[%dma_wait3A_502] : memref<100000xf32, #tpu.memory_space<hbm>> -> memref<1280xf32, #tpu.memory_space<hbm>>
      tpu.wait_dma2 semaphore(%arg30 : memref<!tpu.dma_semaphore, #tpu.memory_space<semaphore_mem>>) src(%dma_wait3A_503 : memref<1280xf32, #tpu.memory_space<hbm>>) dst(%dma_wait3A_501 : memref<1280xf32, #tpu.memory_space<vmem>>)
      %dma_wait3A_504 = arith.constant 0 : i32
      %dma_wait3A_505 = tpu.memref_slice %arg17[%dma_wait3A_504] : memref<1280xf32, #tpu.memory_space<vmem>> -> memref<1280xf32, #tpu.memory_space<vmem>>
      %dma_wait3A_506 = arith.constant 0 : i32
      %dma_wait3A_507 = tpu.memref_slice %arg2[%dma_wait3A_506] : memref<100000xf32, #tpu.memory_space<hbm>> -> memref<1280xf32, #tpu.memory_space<hbm>>
      %dma_wait3A_508 = arith.constant 0 : i32
      %dma_wait3A_509 = tpu.memref_slice %arg17[%dma_wait3A_508] : memref<1280xf32, #tpu.memory_space<vmem>> -> memref<1280xf32, #tpu.memory_space<vmem>>
      %dma_wait3A_510 = arith.constant 0 : i32
      %dma_wait3A_511 = tpu.memref_slice %arg2[%dma_wait3A_510] : memref<100000xf32, #tpu.memory_space<hbm>> -> memref<1280xf32, #tpu.memory_space<hbm>>
      tpu.wait_dma2 semaphore(%arg30 : memref<!tpu.dma_semaphore, #tpu.memory_space<semaphore_mem>>) src(%dma_wait3A_511 : memref<1280xf32, #tpu.memory_space<hbm>>) dst(%dma_wait3A_509 : memref<1280xf32, #tpu.memory_space<vmem>>)
      %dma_wait3A_512 = arith.constant 0 : i32
      %dma_wait3A_513 = tpu.memref_slice %arg19[%dma_wait3A_512] : memref<1280xf32, #tpu.memory_space<vmem>> -> memref<1280xf32, #tpu.memory_space<vmem>>
      %dma_wait3A_514 = arith.constant 0 : i32
      %dma_wait3A_515 = tpu.memref_slice %arg2[%dma_wait3A_514] : memref<100000xf32, #tpu.memory_space<hbm>> -> memref<1280xf32, #tpu.memory_space<hbm>>
      %dma_wait3A_516 = arith.constant 0 : i32
      %dma_wait3A_517 = tpu.memref_slice %arg19[%dma_wait3A_516] : memref<1280xf32, #tpu.memory_space<vmem>> -> memref<1280xf32, #tpu.memory_space<vmem>>
      %dma_wait3A_518 = arith.constant 0 : i32
      %dma_wait3A_519 = tpu.memref_slice %arg2[%dma_wait3A_518] : memref<100000xf32, #tpu.memory_space<hbm>> -> memref<1280xf32, #tpu.memory_space<hbm>>
      tpu.wait_dma2 semaphore(%arg30 : memref<!tpu.dma_semaphore, #tpu.memory_space<semaphore_mem>>) src(%dma_wait3A_519 : memref<1280xf32, #tpu.memory_space<hbm>>) dst(%dma_wait3A_517 : memref<1280xf32, #tpu.memory_space<vmem>>)
      %dma_wait3A_520 = arith.constant 0 : i32
      %dma_wait3A_521 = tpu.memref_slice %arg21[%dma_wait3A_520] : memref<1280xf32, #tpu.memory_space<vmem>> -> memref<1280xf32, #tpu.memory_space<vmem>>
      %dma_wait3A_522 = arith.constant 0 : i32
      %dma_wait3A_523 = tpu.memref_slice %arg2[%dma_wait3A_522] : memref<100000xf32, #tpu.memory_space<hbm>> -> memref<1280xf32, #tpu.memory_space<hbm>>
      %dma_wait3A_524 = arith.constant 0 : i32
      %dma_wait3A_525 = tpu.memref_slice %arg21[%dma_wait3A_524] : memref<1280xf32, #tpu.memory_space<vmem>> -> memref<1280xf32, #tpu.memory_space<vmem>>
      %dma_wait3A_526 = arith.constant 0 : i32
      %dma_wait3A_527 = tpu.memref_slice %arg2[%dma_wait3A_526] : memref<100000xf32, #tpu.memory_space<hbm>> -> memref<1280xf32, #tpu.memory_space<hbm>>
      tpu.wait_dma2 semaphore(%arg30 : memref<!tpu.dma_semaphore, #tpu.memory_space<semaphore_mem>>) src(%dma_wait3A_527 : memref<1280xf32, #tpu.memory_space<hbm>>) dst(%dma_wait3A_525 : memref<1280xf32, #tpu.memory_space<vmem>>)
      %dma_wait3A_528 = arith.constant 0 : i32
      %dma_wait3A_529 = tpu.memref_slice %arg23[%dma_wait3A_528] : memref<1280xf32, #tpu.memory_space<vmem>> -> memref<1280xf32, #tpu.memory_space<vmem>>
      %dma_wait3A_530 = arith.constant 0 : i32
      %dma_wait3A_531 = tpu.memref_slice %arg2[%dma_wait3A_530] : memref<100000xf32, #tpu.memory_space<hbm>> -> memref<1280xf32, #tpu.memory_space<hbm>>
      %dma_wait3A_532 = arith.constant 0 : i32
      %dma_wait3A_533 = tpu.memref_slice %arg23[%dma_wait3A_532] : memref<1280xf32, #tpu.memory_space<vmem>> -> memref<1280xf32, #tpu.memory_space<vmem>>
      %dma_wait3A_534 = arith.constant 0 : i32
      %dma_wait3A_535 = tpu.memref_slice %arg2[%dma_wait3A_534] : memref<100000xf32, #tpu.memory_space<hbm>> -> memref<1280xf32, #tpu.memory_space<hbm>>
      tpu.wait_dma2 semaphore(%arg30 : memref<!tpu.dma_semaphore, #tpu.memory_space<semaphore_mem>>) src(%dma_wait3A_535 : memref<1280xf32, #tpu.memory_space<hbm>>) dst(%dma_wait3A_533 : memref<1280xf32, #tpu.memory_space<vmem>>)
      %ge3A_536 = arith.constant 2 : i32
      %ge3A_537 = arith.cmpi sge, %add3A_482, %ge3A_536 : i32
      %convert_element_type3A_538 = arith.extui %ge3A_537 : i1 to i32
      %cond3A_539 = arith.constant 0 : i32
      %cond3A_540 = arith.cmpi ne, %convert_element_type3A_538, %cond3A_539 : i32
      scf.if %cond3A_540 {
        %dma_wait3A_556 = arith.constant 0 : i32
        %dma_wait3A_557 = arith.constant 0 : i32
        %dma_wait3A_558 = tpu.memref_slice %arg7[%dma_wait3A_556, %dma_wait3A_557] : memref<16x3200000xf32, #tpu.memory_space<hbm>> -> memref<16x1280xf32, #tpu.memory_space<hbm>>
        %dma_wait3A_559 = arith.constant 0 : i32
        %dma_wait3A_560 = arith.constant 0 : i32
        %dma_wait3A_561 = tpu.memref_slice %arg7[%dma_wait3A_559, %dma_wait3A_560] : memref<16x3200000xf32, #tpu.memory_space<hbm>> -> memref<16x1280xf32, #tpu.memory_space<hbm>>
        tpu.wait_dma2 semaphore(%arg32 : memref<!tpu.dma_semaphore, #tpu.memory_space<semaphore_mem>>) src(%dma_wait3A_561 : memref<16x1280xf32, #tpu.memory_space<hbm>>) dst(%arg25 : memref<16x1280xf32, #tpu.memory_space<vmem>>)
      } else {
      }
      %scan3A_541 = arith.constant 0 : i32
      %scan3A_542 = arith.constant 0 : i32
      %scan3A_543 = arith.constant 80 : i32
      %scan3A_544 = arith.addi %scan3A_542, %scan3A_543 : i32
      %scan3A_545 = arith.constant 1 : i32
      %scan3A_546 = scf.for %scan3A_556 = %scan3A_542 to %scan3A_544 step %scan3A_545 iter_args(%scan3A_557 = %scan3A_541) -> (i32)  : i32 {
        %mul3A_558 = arith.constant 16 : i32
        %mul3A_559 = arith.muli %scan3A_556, %mul3A_558 : i32
        %get3A = arith.index_cast %mul3A_559 : i32 to index
        %get3A_560 = tpu.vector_load %arg13[%get3A] {strides = array<i32>} : memref<1280xf32, #tpu.memory_space<vmem>>, vector<16xf32>,
        %get3A_561 = arith.index_cast %mul3A_559 : i32 to index
        %get3A_562 = tpu.vector_load %arg19[%get3A_561] {strides = array<i32>} : memref<1280xf32, #tpu.memory_space<vmem>>, vector<16xf32>,
        %sub3A = arith.subf %get3A_560, %get3A_562 : vector<16xf32>
        %get3A_563 = arith.index_cast %mul3A_559 : i32 to index
        %get3A_564 = tpu.vector_load %arg15[%get3A_563] {strides = array<i32>} : memref<1280xf32, #tpu.memory_space<vmem>>, vector<16xf32>,
        %get3A_565 = arith.index_cast %mul3A_559 : i32 to index
        %get3A_566 = tpu.vector_load %arg21[%get3A_565] {strides = array<i32>} : memref<1280xf32, #tpu.memory_space<vmem>>, vector<16xf32>,
        %sub3A_567 = arith.subf %get3A_564, %get3A_566 : vector<16xf32>
        %get3A_568 = arith.index_cast %mul3A_559 : i32 to index
        %get3A_569 = tpu.vector_load %arg17[%get3A_568] {strides = array<i32>} : memref<1280xf32, #tpu.memory_space<vmem>>, vector<16xf32>,
        %get3A_570 = arith.index_cast %mul3A_559 : i32 to index
        %get3A_571 = tpu.vector_load %arg23[%get3A_570] {strides = array<i32>} : memref<1280xf32, #tpu.memory_space<vmem>>, vector<16xf32>,
        %sub3A_572 = arith.subf %get3A_569, %get3A_571 : vector<16xf32>
        %mul3A_573 = arith.mulf %sub3A, %sub3A : vector<16xf32>
        %mul3A_574 = arith.mulf %sub3A_567, %sub3A_567 : vector<16xf32>
        %add3A_575 = arith.addf %mul3A_573, %mul3A_574 : vector<16xf32>
        %mul3A_576 = arith.mulf %sub3A_572, %sub3A_572 : vector<16xf32>
        %add3A_577 = arith.addf %add3A_575, %mul3A_576 : vector<16xf32>
        %max3A = arith.constant 1.000000e-30 : f32
        %max3A_578 = vector.broadcast %max3A : f32 to vector<16xf32>
        %max3A_579 = arith.maximumf %add3A_577, %max3A_578 : vector<16xf32>
        %bitcast3A = vector.bitcast %max3A_579 : vector<16xf32> to vector<16xi32>
        %shift_right_logical3A = arith.constant 1 : i32
        %shift_right_logical3A_580 = vector.broadcast %shift_right_logical3A : i32 to vector<16xi32>
        %shift_right_logical3A_581 = arith.shrui %bitcast3A, %shift_right_logical3A_580 : vector<16xi32>
        %sub3A_582 = arith.constant 1597463007 : i32
        %sub3A_583 = vector.broadcast %sub3A_582 : i32 to vector<16xi32>
        %sub3A_584 = arith.subi %sub3A_583, %shift_right_logical3A_581 : vector<16xi32>
        %bitcast3A_585 = vector.bitcast %sub3A_584 : vector<16xi32> to vector<16xf32>
        %mul3A_586 = arith.constant -5.000000e-01 : f32
        %mul3A_587 = vector.broadcast %mul3A_586 : f32 to vector<16xf32>
        %mul3A_588 = arith.mulf %max3A_579, %mul3A_587 : vector<16xf32>
        %mul3A_589 = arith.mulf %mul3A_588, %bitcast3A_585 : vector<16xf32>
        %mul3A_590 = arith.mulf %mul3A_589, %bitcast3A_585 : vector<16xf32>
        %add3A_591 = arith.constant 1.500000e+00 : f32
        %add3A_592 = vector.broadcast %add3A_591 : f32 to vector<16xf32>
        %add3A_593 = arith.addf %add3A_592, %mul3A_590 : vector<16xf32>
        %mul3A_594 = arith.mulf %bitcast3A_585, %add3A_593 : vector<16xf32>
        %mul3A_595 = arith.mulf %mul3A_588, %mul3A_594 : vector<16xf32>
        %mul3A_596 = arith.mulf %mul3A_595, %mul3A_594 : vector<16xf32>
        %add3A_597 = arith.constant 1.500000e+00 : f32
        %add3A_598 = vector.broadcast %add3A_597 : f32 to vector<16xf32>
        %add3A_599 = arith.addf %add3A_598, %mul3A_596 : vector<16xf32>
        %mul3A_600 = arith.mulf %mul3A_594, %add3A_599 : vector<16xf32>
        %mul3A_601 = arith.mulf %mul3A_588, %mul3A_600 : vector<16xf32>
        %mul3A_602 = arith.mulf %mul3A_601, %mul3A_600 : vector<16xf32>
        %add3A_603 = arith.constant 1.500000e+00 : f32
        %add3A_604 = vector.broadcast %add3A_603 : f32 to vector<16xf32>
        %add3A_605 = arith.addf %add3A_604, %mul3A_602 : vector<16xf32>
        %mul3A_606 = arith.mulf %mul3A_600, %add3A_605 : vector<16xf32>
        %mul3A_607 = arith.mulf %add3A_577, %mul3A_606 : vector<16xf32>
        %sub3A_608 = arith.constant 0.000000e+00 : f32
        %sub3A_609 = vector.broadcast %sub3A_608 : f32 to vector<16xf32>
        %sub3A_610 = arith.subf %mul3A_607, %sub3A_609 : vector<16xf32>
        %mul3A_611 = arith.constant -4.500000e+00 : f32
        %mul3A_612 = vector.broadcast %mul3A_611 : f32 to vector<16xf32>
        %mul3A_613 = arith.mulf %sub3A_610, %mul3A_612 : vector<16xf32>
        %mul3A_614 = arith.mulf %sub3A_610, %mul3A_613 : vector<16xf32>
        %exp3A = math.exp %mul3A_614 : vector<16xf32>
        %swap3A = arith.constant 0 : i32
        %swap3A_615 = arith.index_cast %swap3A : i32 to index
        %swap3A_616 = arith.index_cast %mul3A_559 : i32 to index
        %swap3A_617 = tpu.vector_load %arg25[%swap3A_615, %swap3A_616] {strides = array<i32>} : memref<16x1280xf32, #tpu.memory_space<vmem>>, vector<16xf32>,
        tpu.vector_store %arg25[%swap3A_615, %swap3A_616], %exp3A {strides = array<i32>} : memref<16x1280xf32, #tpu.memory_space<vmem>>, vector<16xf32>,
        %sub3A_618 = arith.constant 0.333333343 : f32
        %sub3A_619 = vector.broadcast %sub3A_618 : f32 to vector<16xf32>
        %sub3A_620 = arith.subf %mul3A_607, %sub3A_619 : vector<16xf32>
        %mul3A_621 = arith.constant -4.500000e+00 : f32
        %mul3A_622 = vector.broadcast %mul3A_621 : f32 to vector<16xf32>
        %mul3A_623 = arith.mulf %sub3A_620, %mul3A_622 : vector<16xf32>
        %mul3A_624 = arith.mulf %sub3A_620, %mul3A_623 : vector<16xf32>
        %exp3A_625 = math.exp %mul3A_624 : vector<16xf32>
        %swap3A_626 = arith.constant 1 : i32
        %swap3A_627 = arith.index_cast %swap3A_626 : i32 to index
        %swap3A_628 = arith.index_cast %mul3A_559 : i32 to index
        %swap3A_629 = tpu.vector_load %arg25[%swap3A_627, %swap3A_628] {strides = array<i32>} : memref<16x1280xf32, #tpu.memory_space<vmem>>, vector<16xf32>,
        tpu.vector_store %arg25[%swap3A_627, %swap3A_628], %exp3A_625 {strides = array<i32>} : memref<16x1280xf32, #tpu.memory_space<vmem>>, vector<16xf32>,
        %sub3A_630 = arith.constant 0.666666686 : f32
        %sub3A_631 = vector.broadcast %sub3A_630 : f32 to vector<16xf32>
        %sub3A_632 = arith.subf %mul3A_607, %sub3A_631 : vector<16xf32>
        %mul3A_633 = arith.constant -4.500000e+00 : f32
        %mul3A_634 = vector.broadcast %mul3A_633 : f32 to vector<16xf32>
        %mul3A_635 = arith.mulf %sub3A_632, %mul3A_634 : vector<16xf32>
        %mul3A_636 = arith.mulf %sub3A_632, %mul3A_635 : vector<16xf32>
        %exp3A_637 = math.exp %mul3A_636 : vector<16xf32>
        %swap3A_638 = arith.constant 2 : i32
        %swap3A_639 = arith.index_cast %swap3A_638 : i32 to index
        %swap3A_640 = arith.index_cast %mul3A_559 : i32 to index
        %swap3A_641 = tpu.vector_load %arg25[%swap3A_639, %swap3A_640] {strides = array<i32>} : memref<16x1280xf32, #tpu.memory_space<vmem>>, vector<16xf32>,
        tpu.vector_store %arg25[%swap3A_639, %swap3A_640], %exp3A_637 {strides = array<i32>} : memref<16x1280xf32, #tpu.memory_space<vmem>>, vector<16xf32>,
        %sub3A_642 = arith.constant 1.000000e+00 : f32
        %sub3A_643 = vector.broadcast %sub3A_642 : f32 to vector<16xf32>
        %sub3A_644 = arith.subf %mul3A_607, %sub3A_643 : vector<16xf32>
        %mul3A_645 = arith.constant -4.500000e+00 : f32
        %mul3A_646 = vector.broadcast %mul3A_645 : f32 to vector<16xf32>
        %mul3A_647 = arith.mulf %sub3A_644, %mul3A_646 : vector<16xf32>
        %mul3A_648 = arith.mulf %sub3A_644, %mul3A_647 : vector<16xf32>
        %exp3A_649 = math.exp %mul3A_648 : vector<16xf32>
        %swap3A_650 = arith.constant 3 : i32
        %swap3A_651 = arith.index_cast %swap3A_650 : i32 to index
        %swap3A_652 = arith.index_cast %mul3A_559 : i32 to index
        %swap3A_653 = tpu.vector_load %arg25[%swap3A_651, %swap3A_652] {strides = array<i32>} : memref<16x1280xf32, #tpu.memory_space<vmem>>, vector<16xf32>,
        tpu.vector_store %arg25[%swap3A_651, %swap3A_652], %exp3A_649 {strides = array<i32>} : memref<16x1280xf32, #tpu.memory_space<vmem>>, vector<16xf32>,
        %sub3A_654 = arith.constant 1.33333337 : f32
        %sub3A_655 = vector.broadcast %sub3A_654 : f32 to vector<16xf32>
        %sub3A_656 = arith.subf %mul3A_607, %sub3A_655 : vector<16xf32>
        %mul3A_657 = arith.constant -4.500000e+00 : f32
        %mul3A_658 = vector.broadcast %mul3A_657 : f32 to vector<16xf32>
        %mul3A_659 = arith.mulf %sub3A_656, %mul3A_658 : vector<16xf32>
        %mul3A_660 = arith.mulf %sub3A_656, %mul3A_659 : vector<16xf32>
        %exp3A_661 = math.exp %mul3A_660 : vector<16xf32>
        %swap3A_662 = arith.constant 4 : i32
        %swap3A_663 = arith.index_cast %swap3A_662 : i32 to index
        %swap3A_664 = arith.index_cast %mul3A_559 : i32 to index
        %swap3A_665 = tpu.vector_load %arg25[%swap3A_663, %swap3A_664] {strides = array<i32>} : memref<16x1280xf32, #tpu.memory_space<vmem>>, vector<16xf32>,
        tpu.vector_store %arg25[%swap3A_663, %swap3A_664], %exp3A_661 {strides = array<i32>} : memref<16x1280xf32, #tpu.memory_space<vmem>>, vector<16xf32>,
        %sub3A_666 = arith.constant 1.66666663 : f32
        %sub3A_667 = vector.broadcast %sub3A_666 : f32 to vector<16xf32>
        %sub3A_668 = arith.subf %mul3A_607, %sub3A_667 : vector<16xf32>
        %mul3A_669 = arith.constant -4.500000e+00 : f32
        %mul3A_670 = vector.broadcast %mul3A_669 : f32 to vector<16xf32>
        %mul3A_671 = arith.mulf %sub3A_668, %mul3A_670 : vector<16xf32>
        %mul3A_672 = arith.mulf %sub3A_668, %mul3A_671 : vector<16xf32>
        %exp3A_673 = math.exp %mul3A_672 : vector<16xf32>
        %swap3A_674 = arith.constant 5 : i32
        %swap3A_675 = arith.index_cast %swap3A_674 : i32 to index
        %swap3A_676 = arith.index_cast %mul3A_559 : i32 to index
        %swap3A_677 = tpu.vector_load %arg25[%swap3A_675, %swap3A_676] {strides = array<i32>} : memref<16x1280xf32, #tpu.memory_space<vmem>>, vector<16xf32>,
        tpu.vector_store %arg25[%swap3A_675, %swap3A_676], %exp3A_673 {strides = array<i32>} : memref<16x1280xf32, #tpu.memory_space<vmem>>, vector<16xf32>,
        %sub3A_678 = arith.constant 2.000000e+00 : f32
        %sub3A_679 = vector.broadcast %sub3A_678 : f32 to vector<16xf32>
        %sub3A_680 = arith.subf %mul3A_607, %sub3A_679 : vector<16xf32>
        %mul3A_681 = arith.constant -4.500000e+00 : f32
        %mul3A_682 = vector.broadcast %mul3A_681 : f32 to vector<16xf32>
        %mul3A_683 = arith.mulf %sub3A_680, %mul3A_682 : vector<16xf32>
        %mul3A_684 = arith.mulf %sub3A_680, %mul3A_683 : vector<16xf32>
        %exp3A_685 = math.exp %mul3A_684 : vector<16xf32>
        %swap3A_686 = arith.constant 6 : i32
        %swap3A_687 = arith.index_cast %swap3A_686 : i32 to index
        %swap3A_688 = arith.index_cast %mul3A_559 : i32 to index
        %swap3A_689 = tpu.vector_load %arg25[%swap3A_687, %swap3A_688] {strides = array<i32>} : memref<16x1280xf32, #tpu.memory_space<vmem>>, vector<16xf32>,
        tpu.vector_store %arg25[%swap3A_687, %swap3A_688], %exp3A_685 {strides = array<i32>} : memref<16x1280xf32, #tpu.memory_space<vmem>>, vector<16xf32>,
        %sub3A_690 = arith.constant 2.33333325 : f32
        %sub3A_691 = vector.broadcast %sub3A_690 : f32 to vector<16xf32>
        %sub3A_692 = arith.subf %mul3A_607, %sub3A_691 : vector<16xf32>
        %mul3A_693 = arith.constant -4.500000e+00 : f32
        %mul3A_694 = vector.broadcast %mul3A_693 : f32 to vector<16xf32>
        %mul3A_695 = arith.mulf %sub3A_692, %mul3A_694 : vector<16xf32>
        %mul3A_696 = arith.mulf %sub3A_692, %mul3A_695 : vector<16xf32>
        %exp3A_697 = math.exp %mul3A_696 : vector<16xf32>
        %swap3A_698 = arith.constant 7 : i32
        %swap3A_699 = arith.index_cast %swap3A_698 : i32 to index
        %swap3A_700 = arith.index_cast %mul3A_559 : i32 to index
        %swap3A_701 = tpu.vector_load %arg25[%swap3A_699, %swap3A_700] {strides = array<i32>} : memref<16x1280xf32, #tpu.memory_space<vmem>>, vector<16xf32>,
        tpu.vector_store %arg25[%swap3A_699, %swap3A_700], %exp3A_697 {strides = array<i32>} : memref<16x1280xf32, #tpu.memory_space<vmem>>, vector<16xf32>,
        %sub3A_702 = arith.constant 2.66666675 : f32
        %sub3A_703 = vector.broadcast %sub3A_702 : f32 to vector<16xf32>
        %sub3A_704 = arith.subf %mul3A_607, %sub3A_703 : vector<16xf32>
        %mul3A_705 = arith.constant -4.500000e+00 : f32
        %mul3A_706 = vector.broadcast %mul3A_705 : f32 to vector<16xf32>
        %mul3A_707 = arith.mulf %sub3A_704, %mul3A_706 : vector<16xf32>
        %mul3A_708 = arith.mulf %sub3A_704, %mul3A_707 : vector<16xf32>
        %exp3A_709 = math.exp %mul3A_708 : vector<16xf32>
        %swap3A_710 = arith.constant 8 : i32
        %swap3A_711 = arith.index_cast %swap3A_710 : i32 to index
        %swap3A_712 = arith.index_cast %mul3A_559 : i32 to index
        %swap3A_713 = tpu.vector_load %arg25[%swap3A_711, %swap3A_712] {strides = array<i32>} : memref<16x1280xf32, #tpu.memory_space<vmem>>, vector<16xf32>,
        tpu.vector_store %arg25[%swap3A_711, %swap3A_712], %exp3A_709 {strides = array<i32>} : memref<16x1280xf32, #tpu.memory_space<vmem>>, vector<16xf32>,
        %sub3A_714 = arith.constant 3.000000e+00 : f32
        %sub3A_715 = vector.broadcast %sub3A_714 : f32 to vector<16xf32>
        %sub3A_716 = arith.subf %mul3A_607, %sub3A_715 : vector<16xf32>
        %mul3A_717 = arith.constant -4.500000e+00 : f32
        %mul3A_718 = vector.broadcast %mul3A_717 : f32 to vector<16xf32>
        %mul3A_719 = arith.mulf %sub3A_716, %mul3A_718 : vector<16xf32>
        %mul3A_720 = arith.mulf %sub3A_716, %mul3A_719 : vector<16xf32>
        %exp3A_721 = math.exp %mul3A_720 : vector<16xf32>
        %swap3A_722 = arith.constant 9 : i32
        %swap3A_723 = arith.index_cast %swap3A_722 : i32 to index
        %swap3A_724 = arith.index_cast %mul3A_559 : i32 to index
        %swap3A_725 = tpu.vector_load %arg25[%swap3A_723, %swap3A_724] {strides = array<i32>} : memref<16x1280xf32, #tpu.memory_space<vmem>>, vector<16xf32>,
        tpu.vector_store %arg25[%swap3A_723, %swap3A_724], %exp3A_721 {strides = array<i32>} : memref<16x1280xf32, #tpu.memory_space<vmem>>, vector<16xf32>,
        %sub3A_726 = arith.constant 3.33333325 : f32
        %sub3A_727 = vector.broadcast %sub3A_726 : f32 to vector<16xf32>
        %sub3A_728 = arith.subf %mul3A_607, %sub3A_727 : vector<16xf32>
        %mul3A_729 = arith.constant -4.500000e+00 : f32
        %mul3A_730 = vector.broadcast %mul3A_729 : f32 to vector<16xf32>
        %mul3A_731 = arith.mulf %sub3A_728, %mul3A_730 : vector<16xf32>
        %mul3A_732 = arith.mulf %sub3A_728, %mul3A_731 : vector<16xf32>
        %exp3A_733 = math.exp %mul3A_732 : vector<16xf32>
        %swap3A_734 = arith.constant 10 : i32
        %swap3A_735 = arith.index_cast %swap3A_734 : i32 to index
        %swap3A_736 = arith.index_cast %mul3A_559 : i32 to index
        %swap3A_737 = tpu.vector_load %arg25[%swap3A_735, %swap3A_736] {strides = array<i32>} : memref<16x1280xf32, #tpu.memory_space<vmem>>, vector<16xf32>,
        tpu.vector_store %arg25[%swap3A_735, %swap3A_736], %exp3A_733 {strides = array<i32>} : memref<16x1280xf32, #tpu.memory_space<vmem>>, vector<16xf32>,
        %sub3A_738 = arith.constant 3.66666675 : f32
        %sub3A_739 = vector.broadcast %sub3A_738 : f32 to vector<16xf32>
        %sub3A_740 = arith.subf %mul3A_607, %sub3A_739 : vector<16xf32>
        %mul3A_741 = arith.constant -4.500000e+00 : f32
        %mul3A_742 = vector.broadcast %mul3A_741 : f32 to vector<16xf32>
        %mul3A_743 = arith.mulf %sub3A_740, %mul3A_742 : vector<16xf32>
        %mul3A_744 = arith.mulf %sub3A_740, %mul3A_743 : vector<16xf32>
        %exp3A_745 = math.exp %mul3A_744 : vector<16xf32>
        %swap3A_746 = arith.constant 11 : i32
        %swap3A_747 = arith.index_cast %swap3A_746 : i32 to index
        %swap3A_748 = arith.index_cast %mul3A_559 : i32 to index
        %swap3A_749 = tpu.vector_load %arg25[%swap3A_747, %swap3A_748] {strides = array<i32>} : memref<16x1280xf32, #tpu.memory_space<vmem>>, vector<16xf32>,
        tpu.vector_store %arg25[%swap3A_747, %swap3A_748], %exp3A_745 {strides = array<i32>} : memref<16x1280xf32, #tpu.memory_space<vmem>>, vector<16xf32>,
        %sub3A_750 = arith.constant 4.000000e+00 : f32
        %sub3A_751 = vector.broadcast %sub3A_750 : f32 to vector<16xf32>
        %sub3A_752 = arith.subf %mul3A_607, %sub3A_751 : vector<16xf32>
        %mul3A_753 = arith.constant -4.500000e+00 : f32
        %mul3A_754 = vector.broadcast %mul3A_753 : f32 to vector<16xf32>
        %mul3A_755 = arith.mulf %sub3A_752, %mul3A_754 : vector<16xf32>
        %mul3A_756 = arith.mulf %sub3A_752, %mul3A_755 : vector<16xf32>
        %exp3A_757 = math.exp %mul3A_756 : vector<16xf32>
        %swap3A_758 = arith.constant 12 : i32
        %swap3A_759 = arith.index_cast %swap3A_758 : i32 to index
        %swap3A_760 = arith.index_cast %mul3A_559 : i32 to index
        %swap3A_761 = tpu.vector_load %arg25[%swap3A_759, %swap3A_760] {strides = array<i32>} : memref<16x1280xf32, #tpu.memory_space<vmem>>, vector<16xf32>,
        tpu.vector_store %arg25[%swap3A_759, %swap3A_760], %exp3A_757 {strides = array<i32>} : memref<16x1280xf32, #tpu.memory_space<vmem>>, vector<16xf32>,
        %sub3A_762 = arith.constant 4.33333349 : f32
        %sub3A_763 = vector.broadcast %sub3A_762 : f32 to vector<16xf32>
        %sub3A_764 = arith.subf %mul3A_607, %sub3A_763 : vector<16xf32>
        %mul3A_765 = arith.constant -4.500000e+00 : f32
        %mul3A_766 = vector.broadcast %mul3A_765 : f32 to vector<16xf32>
        %mul3A_767 = arith.mulf %sub3A_764, %mul3A_766 : vector<16xf32>
        %mul3A_768 = arith.mulf %sub3A_764, %mul3A_767 : vector<16xf32>
        %exp3A_769 = math.exp %mul3A_768 : vector<16xf32>
        %swap3A_770 = arith.constant 13 : i32
        %swap3A_771 = arith.index_cast %swap3A_770 : i32 to index
        %swap3A_772 = arith.index_cast %mul3A_559 : i32 to index
        %swap3A_773 = tpu.vector_load %arg25[%swap3A_771, %swap3A_772] {strides = array<i32>} : memref<16x1280xf32, #tpu.memory_space<vmem>>, vector<16xf32>,
        tpu.vector_store %arg25[%swap3A_771, %swap3A_772], %exp3A_769 {strides = array<i32>} : memref<16x1280xf32, #tpu.memory_space<vmem>>, vector<16xf32>,
        %sub3A_774 = arith.constant 4.66666651 : f32
        %sub3A_775 = vector.broadcast %sub3A_774 : f32 to vector<16xf32>
        %sub3A_776 = arith.subf %mul3A_607, %sub3A_775 : vector<16xf32>
        %mul3A_777 = arith.constant -4.500000e+00 : f32
        %mul3A_778 = vector.broadcast %mul3A_777 : f32 to vector<16xf32>
        %mul3A_779 = arith.mulf %sub3A_776, %mul3A_778 : vector<16xf32>
        %mul3A_780 = arith.mulf %sub3A_776, %mul3A_779 : vector<16xf32>
        %exp3A_781 = math.exp %mul3A_780 : vector<16xf32>
        %swap3A_782 = arith.constant 14 : i32
        %swap3A_783 = arith.index_cast %swap3A_782 : i32 to index
        %swap3A_784 = arith.index_cast %mul3A_559 : i32 to index
        %swap3A_785 = tpu.vector_load %arg25[%swap3A_783, %swap3A_784] {strides = array<i32>} : memref<16x1280xf32, #tpu.memory_space<vmem>>, vector<16xf32>,
        tpu.vector_store %arg25[%swap3A_783, %swap3A_784], %exp3A_781 {strides = array<i32>} : memref<16x1280xf32, #tpu.memory_space<vmem>>, vector<16xf32>,
        %sub3A_786 = arith.constant 5.000000e+00 : f32
        %sub3A_787 = vector.broadcast %sub3A_786 : f32 to vector<16xf32>
        %sub3A_788 = arith.subf %mul3A_607, %sub3A_787 : vector<16xf32>
        %mul3A_789 = arith.constant -4.500000e+00 : f32
        %mul3A_790 = vector.broadcast %mul3A_789 : f32 to vector<16xf32>
        %mul3A_791 = arith.mulf %sub3A_788, %mul3A_790 : vector<16xf32>
        %mul3A_792 = arith.mulf %sub3A_788, %mul3A_791 : vector<16xf32>
        %exp3A_793 = math.exp %mul3A_792 : vector<16xf32>
        %swap3A_794 = arith.constant 15 : i32
        %swap3A_795 = arith.index_cast %swap3A_794 : i32 to index
        %swap3A_796 = arith.index_cast %mul3A_559 : i32 to index
        %swap3A_797 = tpu.vector_load %arg25[%swap3A_795, %swap3A_796] {strides = array<i32>} : memref<16x1280xf32, #tpu.memory_space<vmem>>, vector<16xf32>,
        tpu.vector_store %arg25[%swap3A_795, %swap3A_796], %exp3A_793 {strides = array<i32>} : memref<16x1280xf32, #tpu.memory_space<vmem>>, vector<16xf32>,
        %scan3A_798 = arith.constant 0 : i32
        scf.yield %scan3A_798 : i32
      }
      %scan3A_547 = arith.constant 80 : i32
      %mul3A_548 = arith.constant 1280 : i32
      %mul3A_549 = arith.muli %add3A_482, %mul3A_548 : i32
      %add3A_550 = arith.addi %mul3A_6, %mul3A_549 : i32
      %dma_start3A_551 = arith.constant 0 : i32
      %dma_start3A_552 = tpu.memref_slice %arg7[%dma_start3A_551, %add3A_550] : memref<16x3200000xf32, #tpu.memory_space<hbm>> -> memref<16x1280xf32, #tpu.memory_space<hbm>>
      %dma_start3A_553 = arith.constant 0 : i32
      %dma_start3A_554 = tpu.memref_slice %arg7[%dma_start3A_553, %add3A_550] : memref<16x3200000xf32, #tpu.memory_space<hbm>> -> memref<16x1280xf32, #tpu.memory_space<hbm>>
      tpu.enqueue_dma source(%arg25 : memref<16x1280xf32, #tpu.memory_space<vmem>>) target(%dma_start3A_554 : memref<16x1280xf32, #tpu.memory_space<hbm>>) target_semaphore(%arg32 : memref<!tpu.dma_semaphore, #tpu.memory_space<semaphore_mem>>)
      %scan3A_555 = arith.constant 0 : i32
      scf.yield %scan3A_555 : i32
    }
    %scan3A_373 = arith.constant 39 : i32
    %dma_wait3A = arith.constant 0 : i32
    %dma_wait3A_374 = arith.constant 0 : i32
    %dma_wait3A_375 = tpu.memref_slice %arg7[%dma_wait3A, %dma_wait3A_374] : memref<16x3200000xf32, #tpu.memory_space<hbm>> -> memref<16x1280xf32, #tpu.memory_space<hbm>>
    %dma_wait3A_376 = arith.constant 0 : i32
    %dma_wait3A_377 = arith.constant 0 : i32
    %dma_wait3A_378 = tpu.memref_slice %arg7[%dma_wait3A_376, %dma_wait3A_377] : memref<16x3200000xf32, #tpu.memory_space<hbm>> -> memref<16x1280xf32, #tpu.memory_space<hbm>>
    tpu.wait_dma2 semaphore(%arg31 : memref<!tpu.dma_semaphore, #tpu.memory_space<semaphore_mem>>) src(%dma_wait3A_378 : memref<16x1280xf32, #tpu.memory_space<hbm>>) dst(%arg24 : memref<16x1280xf32, #tpu.memory_space<vmem>>)
    %dma_wait3A_379 = arith.constant 0 : i32
    %dma_wait3A_380 = arith.constant 0 : i32
    %dma_wait3A_381 = tpu.memref_slice %arg7[%dma_wait3A_379, %dma_wait3A_380] : memref<16x3200000xf32, #tpu.memory_space<hbm>> -> memref<16x1280xf32, #tpu.memory_space<hbm>>
    %dma_wait3A_382 = arith.constant 0 : i32
    %dma_wait3A_383 = arith.constant 0 : i32
    %dma_wait3A_384 = tpu.memref_slice %arg7[%dma_wait3A_382, %dma_wait3A_383] : memref<16x3200000xf32, #tpu.memory_space<hbm>> -> memref<16x1280xf32, #tpu.memory_space<hbm>>
    tpu.wait_dma2 semaphore(%arg32 : memref<!tpu.dma_semaphore, #tpu.memory_space<semaphore_mem>>) src(%dma_wait3A_384 : memref<16x1280xf32, #tpu.memory_space<hbm>>) dst(%arg25 : memref<16x1280xf32, #tpu.memory_space<vmem>>)
    %lt3A = arith.constant 8 : i32
    %lt3A_385 = arith.cmpi slt, %add3A, %lt3A : i32
    %jit3A = arith.constant 1 : i32
    %jit3A_386 = arith.constant 0 : i32
    %select_n3A = arith.select %lt3A_385, %jit3A, %jit3A_386 : i32
    %add3A_387 = arith.constant 1 : i32
    %add3A_388 = arith.addi %add3A_387, %select_n3A : i32
    %add3A_389 = arith.constant 99840 : i32
    %add3A_390 = arith.addi %mul3A_6, %add3A_389 : i32
    %while3A = arith.constant 0 : i32
    %while3A_391 = arith.constant 0 : i32
    %while3A_392 = arith.subi %add3A_388, %while3A : i32
    %while3A_393 = arith.addi %while3A, %while3A_392 : i32
    %while3A_394 = arith.constant 1 : i32
    %while3A_395 = arith.divsi %while3A_392, %while3A_394 : i32
    %while3A_396 = arith.muli %while3A_395, %while3A_394 : i32
    %while3A_397 = arith.addi %while3A, %while3A_396 : i32
    %while3A_398 = arith.constant 1 : i32
    %while3A_399 = scf.for %while3A_402 = %while3A to %while3A_397 step %while3A_398 iter_args(%while3A_403 = %while3A_391) -> (i32)  : i32 {
      %mul3A_404 = arith.constant 128 : i32
      %mul3A_405 = arith.muli %while3A_402, %mul3A_404 : i32
      %add3A_406 = arith.addi %add3A_390, %mul3A_405 : i32
      "tpu.region"() ({
        %run_scoped3A = tpu.sem_alloc : memref<!tpu.dma_semaphore, #tpu.memory_space<semaphore_mem>>
        %dma_start3A_499 = arith.constant 0 : i32
        %dma_start3A_500 = tpu.memref_slice %arg8[%dma_start3A_499] : memref<1280xi32, #tpu.memory_space<vmem>> -> memref<128xi32, #tpu.memory_space<vmem>>
        %dma_start3A_501 = tpu.memref_slice %arg5[%add3A_406] : memref<3200000xi32, #tpu.memory_space<hbm>> -> memref<128xi32, #tpu.memory_space<hbm>>
        %dma_start3A_502 = arith.constant 0 : i32
        %dma_start3A_503 = tpu.memref_slice %arg8[%dma_start3A_502] : memref<1280xi32, #tpu.memory_space<vmem>> -> memref<128xi32, #tpu.memory_space<vmem>>
        %dma_start3A_504 = tpu.memref_slice %arg5[%add3A_406] : memref<3200000xi32, #tpu.memory_space<hbm>> -> memref<128xi32, #tpu.memory_space<hbm>>
        tpu.enqueue_dma source(%dma_start3A_504 : memref<128xi32, #tpu.memory_space<hbm>>) target(%dma_start3A_503 : memref<128xi32, #tpu.memory_space<vmem>>) target_semaphore(%run_scoped3A : memref<!tpu.dma_semaphore, #tpu.memory_space<semaphore_mem>>)
        %dma_wait3A_505 = arith.constant 0 : i32
        %dma_wait3A_506 = tpu.memref_slice %arg8[%dma_wait3A_505] : memref<1280xi32, #tpu.memory_space<vmem>> -> memref<128xi32, #tpu.memory_space<vmem>>
        %dma_wait3A_507 = tpu.memref_slice %arg5[%add3A_406] : memref<3200000xi32, #tpu.memory_space<hbm>> -> memref<128xi32, #tpu.memory_space<hbm>>
        %dma_wait3A_508 = arith.constant 0 : i32
        %dma_wait3A_509 = tpu.memref_slice %arg8[%dma_wait3A_508] : memref<1280xi32, #tpu.memory_space<vmem>> -> memref<128xi32, #tpu.memory_space<vmem>>
        %dma_wait3A_510 = tpu.memref_slice %arg5[%add3A_406] : memref<3200000xi32, #tpu.memory_space<hbm>> -> memref<128xi32, #tpu.memory_space<hbm>>
        tpu.wait_dma2 semaphore(%run_scoped3A : memref<!tpu.dma_semaphore, #tpu.memory_space<semaphore_mem>>) src(%dma_wait3A_510 : memref<128xi32, #tpu.memory_space<hbm>>) dst(%dma_wait3A_509 : memref<128xi32, #tpu.memory_space<vmem>>)
        tpu.yield
      }) : () -> ()
      "tpu.region"() ({
        %run_scoped3A = tpu.sem_alloc : memref<!tpu.dma_semaphore, #tpu.memory_space<semaphore_mem>>
        %dma_start3A_499 = arith.constant 0 : i32
        %dma_start3A_500 = tpu.memref_slice %arg10[%dma_start3A_499] : memref<1280xi32, #tpu.memory_space<vmem>> -> memref<128xi32, #tpu.memory_space<vmem>>
        %dma_start3A_501 = tpu.memref_slice %arg6[%add3A_406] : memref<3200000xi32, #tpu.memory_space<hbm>> -> memref<128xi32, #tpu.memory_space<hbm>>
        %dma_start3A_502 = arith.constant 0 : i32
        %dma_start3A_503 = tpu.memref_slice %arg10[%dma_start3A_502] : memref<1280xi32, #tpu.memory_space<vmem>> -> memref<128xi32, #tpu.memory_space<vmem>>
        %dma_start3A_504 = tpu.memref_slice %arg6[%add3A_406] : memref<3200000xi32, #tpu.memory_space<hbm>> -> memref<128xi32, #tpu.memory_space<hbm>>
        tpu.enqueue_dma source(%dma_start3A_504 : memref<128xi32, #tpu.memory_space<hbm>>) target(%dma_start3A_503 : memref<128xi32, #tpu.memory_space<vmem>>) target_semaphore(%run_scoped3A : memref<!tpu.dma_semaphore, #tpu.memory_space<semaphore_mem>>)
        %dma_wait3A_505 = arith.constant 0 : i32
        %dma_wait3A_506 = tpu.memref_slice %arg10[%dma_wait3A_505] : memref<1280xi32, #tpu.memory_space<vmem>> -> memref<128xi32, #tpu.memory_space<vmem>>
        %dma_wait3A_507 = tpu.memref_slice %arg6[%add3A_406] : memref<3200000xi32, #tpu.memory_space<hbm>> -> memref<128xi32, #tpu.memory_space<hbm>>
        %dma_wait3A_508 = arith.constant 0 : i32
        %dma_wait3A_509 = tpu.memref_slice %arg10[%dma_wait3A_508] : memref<1280xi32, #tpu.memory_space<vmem>> -> memref<128xi32, #tpu.memory_space<vmem>>
        %dma_wait3A_510 = tpu.memref_slice %arg6[%add3A_406] : memref<3200000xi32, #tpu.memory_space<hbm>> -> memref<128xi32, #tpu.memory_space<hbm>>
        tpu.wait_dma2 semaphore(%run_scoped3A : memref<!tpu.dma_semaphore, #tpu.memory_space<semaphore_mem>>) src(%dma_wait3A_510 : memref<128xi32, #tpu.memory_space<hbm>>) dst(%dma_wait3A_509 : memref<128xi32, #tpu.memory_space<vmem>>)
        tpu.yield
      }) : () -> ()
      %dma_start3A_407 = arith.constant 0 : i32
      %dma_start3A_408 = tpu.memref_slice %arg12[%dma_start3A_407] : memref<1280xf32, #tpu.memory_space<vmem>> -> memref<128xf32, #tpu.memory_space<vmem>>
      %dma_start3A_409 = arith.constant 0 : i32
      %dma_start3A_410 = tpu.memref_slice %arg8[%dma_start3A_409] : memref<1280xi32, #tpu.memory_space<vmem>> -> memref<128xi32, #tpu.memory_space<vmem>>
      %dma_start3A_411 = arith.constant 0 : i32
      %dma_start3A_412 = tpu.memref_slice %arg26[%dma_start3A_411] : memref<100000xf32, #tpu.memory_space<vmem_shared>> -> memref<100000xf32, #tpu.memory_space<vmem_shared>>
      tpu.enqueue_indirect_dma source(%dma_start3A_412 : memref<100000xf32, #tpu.memory_space<vmem_shared>>) target(%dma_start3A_408 : memref<128xf32, #tpu.memory_space<vmem>>) offsets(%dma_start3A_410 : memref<128xi32, #tpu.memory_space<vmem>>) semaphore(%arg29 : memref<!tpu.dma_semaphore, #tpu.memory_space<semaphore_mem>>)
      %dma_start3A_413 = arith.constant 0 : i32
      %dma_start3A_414 = tpu.memref_slice %arg14[%dma_start3A_413] : memref<1280xf32, #tpu.memory_space<vmem>> -> memref<128xf32, #tpu.memory_space<vmem>>
      %dma_start3A_415 = arith.constant 0 : i32
      %dma_start3A_416 = tpu.memref_slice %arg8[%dma_start3A_415] : memref<1280xi32, #tpu.memory_space<vmem>> -> memref<128xi32, #tpu.memory_space<vmem>>
      %dma_start3A_417 = arith.constant 0 : i32
      %dma_start3A_418 = tpu.memref_slice %arg27[%dma_start3A_417] : memref<100000xf32, #tpu.memory_space<vmem_shared>> -> memref<100000xf32, #tpu.memory_space<vmem_shared>>
      tpu.enqueue_indirect_dma source(%dma_start3A_418 : memref<100000xf32, #tpu.memory_space<vmem_shared>>) target(%dma_start3A_414 : memref<128xf32, #tpu.memory_space<vmem>>) offsets(%dma_start3A_416 : memref<128xi32, #tpu.memory_space<vmem>>) semaphore(%arg29 : memref<!tpu.dma_semaphore, #tpu.memory_space<semaphore_mem>>)
      %dma_start3A_419 = arith.constant 0 : i32
      %dma_start3A_420 = tpu.memref_slice %arg16[%dma_start3A_419] : memref<1280xf32, #tpu.memory_space<vmem>> -> memref<128xf32, #tpu.memory_space<vmem>>
      %dma_start3A_421 = arith.constant 0 : i32
      %dma_start3A_422 = tpu.memref_slice %arg8[%dma_start3A_421] : memref<1280xi32, #tpu.memory_space<vmem>> -> memref<128xi32, #tpu.memory_space<vmem>>
      %dma_start3A_423 = arith.constant 0 : i32
      %dma_start3A_424 = tpu.memref_slice %arg28[%dma_start3A_423] : memref<100000xf32, #tpu.memory_space<vmem_shared>> -> memref<100000xf32, #tpu.memory_space<vmem_shared>>
      tpu.enqueue_indirect_dma source(%dma_start3A_424 : memref<100000xf32, #tpu.memory_space<vmem_shared>>) target(%dma_start3A_420 : memref<128xf32, #tpu.memory_space<vmem>>) offsets(%dma_start3A_422 : memref<128xi32, #tpu.memory_space<vmem>>) semaphore(%arg29 : memref<!tpu.dma_semaphore, #tpu.memory_space<semaphore_mem>>)
      %dma_start3A_425 = arith.constant 0 : i32
      %dma_start3A_426 = tpu.memref_slice %arg18[%dma_start3A_425] : memref<1280xf32, #tpu.memory_space<vmem>> -> memref<128xf32, #tpu.memory_space<vmem>>
      %dma_start3A_427 = arith.constant 0 : i32
      %dma_start3A_428 = tpu.memref_slice %arg10[%dma_start3A_427] : memref<1280xi32, #tpu.memory_space<vmem>> -> memref<128xi32, #tpu.memory_space<vmem>>
      %dma_start3A_429 = arith.constant 0 : i32
      %dma_start3A_430 = tpu.memref_slice %arg26[%dma_start3A_429] : memref<100000xf32, #tpu.memory_space<vmem_shared>> -> memref<100000xf32, #tpu.memory_space<vmem_shared>>
      tpu.enqueue_indirect_dma source(%dma_start3A_430 : memref<100000xf32, #tpu.memory_space<vmem_shared>>) target(%dma_start3A_426 : memref<128xf32, #tpu.memory_space<vmem>>) offsets(%dma_start3A_428 : memref<128xi32, #tpu.memory_space<vmem>>) semaphore(%arg29 : memref<!tpu.dma_semaphore, #tpu.memory_space<semaphore_mem>>)
      %dma_start3A_431 = arith.constant 0 : i32
      %dma_start3A_432 = tpu.memref_slice %arg20[%dma_start3A_431] : memref<1280xf32, #tpu.memory_space<vmem>> -> memref<128xf32, #tpu.memory_space<vmem>>
      %dma_start3A_433 = arith.constant 0 : i32
      %dma_start3A_434 = tpu.memref_slice %arg10[%dma_start3A_433] : memref<1280xi32, #tpu.memory_space<vmem>> -> memref<128xi32, #tpu.memory_space<vmem>>
      %dma_start3A_435 = arith.constant 0 : i32
      %dma_start3A_436 = tpu.memref_slice %arg27[%dma_start3A_435] : memref<100000xf32, #tpu.memory_space<vmem_shared>> -> memref<100000xf32, #tpu.memory_space<vmem_shared>>
      tpu.enqueue_indirect_dma source(%dma_start3A_436 : memref<100000xf32, #tpu.memory_space<vmem_shared>>) target(%dma_start3A_432 : memref<128xf32, #tpu.memory_space<vmem>>) offsets(%dma_start3A_434 : memref<128xi32, #tpu.memory_space<vmem>>) semaphore(%arg29 : memref<!tpu.dma_semaphore, #tpu.memory_space<semaphore_mem>>)
      %dma_start3A_437 = arith.constant 0 : i32
      %dma_start3A_438 = tpu.memref_slice %arg22[%dma_start3A_437] : memref<1280xf32, #tpu.memory_space<vmem>> -> memref<128xf32, #tpu.memory_space<vmem>>
      %dma_start3A_439 = arith.constant 0 : i32
      %dma_start3A_440 = tpu.memref_slice %arg10[%dma_start3A_439] : memref<1280xi32, #tpu.memory_space<vmem>> -> memref<128xi32, #tpu.memory_space<vmem>>
      %dma_start3A_441 = arith.constant 0 : i32
      %dma_start3A_442 = tpu.memref_slice %arg28[%dma_start3A_441] : memref<100000xf32, #tpu.memory_space<vmem_shared>> -> memref<100000xf32, #tpu.memory_space<vmem_shared>>
      tpu.enqueue_indirect_dma source(%dma_start3A_442 : memref<100000xf32, #tpu.memory_space<vmem_shared>>) target(%dma_start3A_438 : memref<128xf32, #tpu.memory_space<vmem>>) offsets(%dma_start3A_440 : memref<128xi32, #tpu.memory_space<vmem>>) semaphore(%arg29 : memref<!tpu.dma_semaphore, #tpu.memory_space<semaphore_mem>>)
      %dma_wait3A_443 = arith.constant 0 : i32
      %dma_wait3A_444 = tpu.memref_slice %arg12[%dma_wait3A_443] : memref<1280xf32, #tpu.memory_space<vmem>> -> memref<128xf32, #tpu.memory_space<vmem>>
      %dma_wait3A_445 = arith.constant 0 : i32
      %dma_wait3A_446 = tpu.memref_slice %arg2[%dma_wait3A_445] : memref<100000xf32, #tpu.memory_space<hbm>> -> memref<128xf32, #tpu.memory_space<hbm>>
      %dma_wait3A_447 = arith.constant 0 : i32
      %dma_wait3A_448 = tpu.memref_slice %arg12[%dma_wait3A_447] : memref<1280xf32, #tpu.memory_space<vmem>> -> memref<128xf32, #tpu.memory_space<vmem>>
      %dma_wait3A_449 = arith.constant 0 : i32
      %dma_wait3A_450 = tpu.memref_slice %arg2[%dma_wait3A_449] : memref<100000xf32, #tpu.memory_space<hbm>> -> memref<128xf32, #tpu.memory_space<hbm>>
      tpu.wait_dma2 semaphore(%arg29 : memref<!tpu.dma_semaphore, #tpu.memory_space<semaphore_mem>>) src(%dma_wait3A_450 : memref<128xf32, #tpu.memory_space<hbm>>) dst(%dma_wait3A_448 : memref<128xf32, #tpu.memory_space<vmem>>)
      %dma_wait3A_451 = arith.constant 0 : i32
      %dma_wait3A_452 = tpu.memref_slice %arg14[%dma_wait3A_451] : memref<1280xf32, #tpu.memory_space<vmem>> -> memref<128xf32, #tpu.memory_space<vmem>>
      %dma_wait3A_453 = arith.constant 0 : i32
      %dma_wait3A_454 = tpu.memref_slice %arg2[%dma_wait3A_453] : memref<100000xf32, #tpu.memory_space<hbm>> -> memref<128xf32, #tpu.memory_space<hbm>>
      %dma_wait3A_455 = arith.constant 0 : i32
      %dma_wait3A_456 = tpu.memref_slice %arg14[%dma_wait3A_455] : memref<1280xf32, #tpu.memory_space<vmem>> -> memref<128xf32, #tpu.memory_space<vmem>>
      %dma_wait3A_457 = arith.constant 0 : i32
      %dma_wait3A_458 = tpu.memref_slice %arg2[%dma_wait3A_457] : memref<100000xf32, #tpu.memory_space<hbm>> -> memref<128xf32, #tpu.memory_space<hbm>>
      tpu.wait_dma2 semaphore(%arg29 : memref<!tpu.dma_semaphore, #tpu.memory_space<semaphore_mem>>) src(%dma_wait3A_458 : memref<128xf32, #tpu.memory_space<hbm>>) dst(%dma_wait3A_456 : memref<128xf32, #tpu.memory_space<vmem>>)
      %dma_wait3A_459 = arith.constant 0 : i32
      %dma_wait3A_460 = tpu.memref_slice %arg16[%dma_wait3A_459] : memref<1280xf32, #tpu.memory_space<vmem>> -> memref<128xf32, #tpu.memory_space<vmem>>
      %dma_wait3A_461 = arith.constant 0 : i32
      %dma_wait3A_462 = tpu.memref_slice %arg2[%dma_wait3A_461] : memref<100000xf32, #tpu.memory_space<hbm>> -> memref<128xf32, #tpu.memory_space<hbm>>
      %dma_wait3A_463 = arith.constant 0 : i32
      %dma_wait3A_464 = tpu.memref_slice %arg16[%dma_wait3A_463] : memref<1280xf32, #tpu.memory_space<vmem>> -> memref<128xf32, #tpu.memory_space<vmem>>
      %dma_wait3A_465 = arith.constant 0 : i32
      %dma_wait3A_466 = tpu.memref_slice %arg2[%dma_wait3A_465] : memref<100000xf32, #tpu.memory_space<hbm>> -> memref<128xf32, #tpu.memory_space<hbm>>
      tpu.wait_dma2 semaphore(%arg29 : memref<!tpu.dma_semaphore, #tpu.memory_space<semaphore_mem>>) src(%dma_wait3A_466 : memref<128xf32, #tpu.memory_space<hbm>>) dst(%dma_wait3A_464 : memref<128xf32, #tpu.memory_space<vmem>>)
      %dma_wait3A_467 = arith.constant 0 : i32
      %dma_wait3A_468 = tpu.memref_slice %arg18[%dma_wait3A_467] : memref<1280xf32, #tpu.memory_space<vmem>> -> memref<128xf32, #tpu.memory_space<vmem>>
      %dma_wait3A_469 = arith.constant 0 : i32
      %dma_wait3A_470 = tpu.memref_slice %arg2[%dma_wait3A_469] : memref<100000xf32, #tpu.memory_space<hbm>> -> memref<128xf32, #tpu.memory_space<hbm>>
      %dma_wait3A_471 = arith.constant 0 : i32
      %dma_wait3A_472 = tpu.memref_slice %arg18[%dma_wait3A_471] : memref<1280xf32, #tpu.memory_space<vmem>> -> memref<128xf32, #tpu.memory_space<vmem>>
      %dma_wait3A_473 = arith.constant 0 : i32
      %dma_wait3A_474 = tpu.memref_slice %arg2[%dma_wait3A_473] : memref<100000xf32, #tpu.memory_space<hbm>> -> memref<128xf32, #tpu.memory_space<hbm>>
      tpu.wait_dma2 semaphore(%arg29 : memref<!tpu.dma_semaphore, #tpu.memory_space<semaphore_mem>>) src(%dma_wait3A_474 : memref<128xf32, #tpu.memory_space<hbm>>) dst(%dma_wait3A_472 : memref<128xf32, #tpu.memory_space<vmem>>)
      %dma_wait3A_475 = arith.constant 0 : i32
      %dma_wait3A_476 = tpu.memref_slice %arg20[%dma_wait3A_475] : memref<1280xf32, #tpu.memory_space<vmem>> -> memref<128xf32, #tpu.memory_space<vmem>>
      %dma_wait3A_477 = arith.constant 0 : i32
      %dma_wait3A_478 = tpu.memref_slice %arg2[%dma_wait3A_477] : memref<100000xf32, #tpu.memory_space<hbm>> -> memref<128xf32, #tpu.memory_space<hbm>>
      %dma_wait3A_479 = arith.constant 0 : i32
      %dma_wait3A_480 = tpu.memref_slice %arg20[%dma_wait3A_479] : memref<1280xf32, #tpu.memory_space<vmem>> -> memref<128xf32, #tpu.memory_space<vmem>>
      %dma_wait3A_481 = arith.constant 0 : i32
      %dma_wait3A_482 = tpu.memref_slice %arg2[%dma_wait3A_481] : memref<100000xf32, #tpu.memory_space<hbm>> -> memref<128xf32, #tpu.memory_space<hbm>>
      tpu.wait_dma2 semaphore(%arg29 : memref<!tpu.dma_semaphore, #tpu.memory_space<semaphore_mem>>) src(%dma_wait3A_482 : memref<128xf32, #tpu.memory_space<hbm>>) dst(%dma_wait3A_480 : memref<128xf32, #tpu.memory_space<vmem>>)
      %dma_wait3A_483 = arith.constant 0 : i32
      %dma_wait3A_484 = tpu.memref_slice %arg22[%dma_wait3A_483] : memref<1280xf32, #tpu.memory_space<vmem>> -> memref<128xf32, #tpu.memory_space<vmem>>
      %dma_wait3A_485 = arith.constant 0 : i32
      %dma_wait3A_486 = tpu.memref_slice %arg2[%dma_wait3A_485] : memref<100000xf32, #tpu.memory_space<hbm>> -> memref<128xf32, #tpu.memory_space<hbm>>
      %dma_wait3A_487 = arith.constant 0 : i32
      %dma_wait3A_488 = tpu.memref_slice %arg22[%dma_wait3A_487] : memref<1280xf32, #tpu.memory_space<vmem>> -> memref<128xf32, #tpu.memory_space<vmem>>
      %dma_wait3A_489 = arith.constant 0 : i32
      %dma_wait3A_490 = tpu.memref_slice %arg2[%dma_wait3A_489] : memref<100000xf32, #tpu.memory_space<hbm>> -> memref<128xf32, #tpu.memory_space<hbm>>
      tpu.wait_dma2 semaphore(%arg29 : memref<!tpu.dma_semaphore, #tpu.memory_space<semaphore_mem>>) src(%dma_wait3A_490 : memref<128xf32, #tpu.memory_space<hbm>>) dst(%dma_wait3A_488 : memref<128xf32, #tpu.memory_space<vmem>>)
      %scan3A_491 = arith.constant 0 : i32
      %scan3A_492 = arith.constant 0 : i32
      %scan3A_493 = arith.constant 8 : i32
      %scan3A_494 = arith.addi %scan3A_492, %scan3A_493 : i32
      %scan3A_495 = arith.constant 1 : i32
      %scan3A_496 = scf.for %scan3A_499 = %scan3A_492 to %scan3A_494 step %scan3A_495 iter_args(%scan3A_500 = %scan3A_491) -> (i32)  : i32 {
        %mul3A_501 = arith.constant 16 : i32
        %mul3A_502 = arith.muli %scan3A_499, %mul3A_501 : i32
        %get3A = arith.index_cast %mul3A_502 : i32 to index
        %get3A_503 = tpu.vector_load %arg12[%get3A] {strides = array<i32>} : memref<1280xf32, #tpu.memory_space<vmem>>, vector<16xf32>,
        %get3A_504 = arith.index_cast %mul3A_502 : i32 to index
        %get3A_505 = tpu.vector_load %arg18[%get3A_504] {strides = array<i32>} : memref<1280xf32, #tpu.memory_space<vmem>>, vector<16xf32>,
        %sub3A = arith.subf %get3A_503, %get3A_505 : vector<16xf32>
        %get3A_506 = arith.index_cast %mul3A_502 : i32 to index
        %get3A_507 = tpu.vector_load %arg14[%get3A_506] {strides = array<i32>} : memref<1280xf32, #tpu.memory_space<vmem>>, vector<16xf32>,
        %get3A_508 = arith.index_cast %mul3A_502 : i32 to index
        %get3A_509 = tpu.vector_load %arg20[%get3A_508] {strides = array<i32>} : memref<1280xf32, #tpu.memory_space<vmem>>, vector<16xf32>,
        %sub3A_510 = arith.subf %get3A_507, %get3A_509 : vector<16xf32>
        %get3A_511 = arith.index_cast %mul3A_502 : i32 to index
        %get3A_512 = tpu.vector_load %arg16[%get3A_511] {strides = array<i32>} : memref<1280xf32, #tpu.memory_space<vmem>>, vector<16xf32>,
        %get3A_513 = arith.index_cast %mul3A_502 : i32 to index
        %get3A_514 = tpu.vector_load %arg22[%get3A_513] {strides = array<i32>} : memref<1280xf32, #tpu.memory_space<vmem>>, vector<16xf32>,
        %sub3A_515 = arith.subf %get3A_512, %get3A_514 : vector<16xf32>
        %mul3A_516 = arith.mulf %sub3A, %sub3A : vector<16xf32>
        %mul3A_517 = arith.mulf %sub3A_510, %sub3A_510 : vector<16xf32>
        %add3A_518 = arith.addf %mul3A_516, %mul3A_517 : vector<16xf32>
        %mul3A_519 = arith.mulf %sub3A_515, %sub3A_515 : vector<16xf32>
        %add3A_520 = arith.addf %add3A_518, %mul3A_519 : vector<16xf32>
        %max3A = arith.constant 1.000000e-30 : f32
        %max3A_521 = vector.broadcast %max3A : f32 to vector<16xf32>
        %max3A_522 = arith.maximumf %add3A_520, %max3A_521 : vector<16xf32>
        %bitcast3A = vector.bitcast %max3A_522 : vector<16xf32> to vector<16xi32>
        %shift_right_logical3A = arith.constant 1 : i32
        %shift_right_logical3A_523 = vector.broadcast %shift_right_logical3A : i32 to vector<16xi32>
        %shift_right_logical3A_524 = arith.shrui %bitcast3A, %shift_right_logical3A_523 : vector<16xi32>
        %sub3A_525 = arith.constant 1597463007 : i32
        %sub3A_526 = vector.broadcast %sub3A_525 : i32 to vector<16xi32>
        %sub3A_527 = arith.subi %sub3A_526, %shift_right_logical3A_524 : vector<16xi32>
        %bitcast3A_528 = vector.bitcast %sub3A_527 : vector<16xi32> to vector<16xf32>
        %mul3A_529 = arith.constant -5.000000e-01 : f32
        %mul3A_530 = vector.broadcast %mul3A_529 : f32 to vector<16xf32>
        %mul3A_531 = arith.mulf %max3A_522, %mul3A_530 : vector<16xf32>
        %mul3A_532 = arith.mulf %mul3A_531, %bitcast3A_528 : vector<16xf32>
        %mul3A_533 = arith.mulf %mul3A_532, %bitcast3A_528 : vector<16xf32>
        %add3A_534 = arith.constant 1.500000e+00 : f32
        %add3A_535 = vector.broadcast %add3A_534 : f32 to vector<16xf32>
        %add3A_536 = arith.addf %add3A_535, %mul3A_533 : vector<16xf32>
        %mul3A_537 = arith.mulf %bitcast3A_528, %add3A_536 : vector<16xf32>
        %mul3A_538 = arith.mulf %mul3A_531, %mul3A_537 : vector<16xf32>
        %mul3A_539 = arith.mulf %mul3A_538, %mul3A_537 : vector<16xf32>
        %add3A_540 = arith.constant 1.500000e+00 : f32
        %add3A_541 = vector.broadcast %add3A_540 : f32 to vector<16xf32>
        %add3A_542 = arith.addf %add3A_541, %mul3A_539 : vector<16xf32>
        %mul3A_543 = arith.mulf %mul3A_537, %add3A_542 : vector<16xf32>
        %mul3A_544 = arith.mulf %mul3A_531, %mul3A_543 : vector<16xf32>
        %mul3A_545 = arith.mulf %mul3A_544, %mul3A_543 : vector<16xf32>
        %add3A_546 = arith.constant 1.500000e+00 : f32
        %add3A_547 = vector.broadcast %add3A_546 : f32 to vector<16xf32>
        %add3A_548 = arith.addf %add3A_547, %mul3A_545 : vector<16xf32>
        %mul3A_549 = arith.mulf %mul3A_543, %add3A_548 : vector<16xf32>
        %mul3A_550 = arith.mulf %add3A_520, %mul3A_549 : vector<16xf32>
        %sub3A_551 = arith.constant 0.000000e+00 : f32
        %sub3A_552 = vector.broadcast %sub3A_551 : f32 to vector<16xf32>
        %sub3A_553 = arith.subf %mul3A_550, %sub3A_552 : vector<16xf32>
        %mul3A_554 = arith.constant -4.500000e+00 : f32
        %mul3A_555 = vector.broadcast %mul3A_554 : f32 to vector<16xf32>
        %mul3A_556 = arith.mulf %sub3A_553, %mul3A_555 : vector<16xf32>
        %mul3A_557 = arith.mulf %sub3A_553, %mul3A_556 : vector<16xf32>
        %exp3A = math.exp %mul3A_557 : vector<16xf32>
        %swap3A = arith.constant 0 : i32
        %swap3A_558 = arith.index_cast %swap3A : i32 to index
        %swap3A_559 = arith.index_cast %mul3A_502 : i32 to index
        %swap3A_560 = tpu.vector_load %arg24[%swap3A_558, %swap3A_559] {strides = array<i32>} : memref<16x1280xf32, #tpu.memory_space<vmem>>, vector<16xf32>,
        tpu.vector_store %arg24[%swap3A_558, %swap3A_559], %exp3A {strides = array<i32>} : memref<16x1280xf32, #tpu.memory_space<vmem>>, vector<16xf32>,
        %sub3A_561 = arith.constant 0.333333343 : f32
        %sub3A_562 = vector.broadcast %sub3A_561 : f32 to vector<16xf32>
        %sub3A_563 = arith.subf %mul3A_550, %sub3A_562 : vector<16xf32>
        %mul3A_564 = arith.constant -4.500000e+00 : f32
        %mul3A_565 = vector.broadcast %mul3A_564 : f32 to vector<16xf32>
        %mul3A_566 = arith.mulf %sub3A_563, %mul3A_565 : vector<16xf32>
        %mul3A_567 = arith.mulf %sub3A_563, %mul3A_566 : vector<16xf32>
        %exp3A_568 = math.exp %mul3A_567 : vector<16xf32>
        %swap3A_569 = arith.constant 1 : i32
        %swap3A_570 = arith.index_cast %swap3A_569 : i32 to index
        %swap3A_571 = arith.index_cast %mul3A_502 : i32 to index
        %swap3A_572 = tpu.vector_load %arg24[%swap3A_570, %swap3A_571] {strides = array<i32>} : memref<16x1280xf32, #tpu.memory_space<vmem>>, vector<16xf32>,
        tpu.vector_store %arg24[%swap3A_570, %swap3A_571], %exp3A_568 {strides = array<i32>} : memref<16x1280xf32, #tpu.memory_space<vmem>>, vector<16xf32>,
        %sub3A_573 = arith.constant 0.666666686 : f32
        %sub3A_574 = vector.broadcast %sub3A_573 : f32 to vector<16xf32>
        %sub3A_575 = arith.subf %mul3A_550, %sub3A_574 : vector<16xf32>
        %mul3A_576 = arith.constant -4.500000e+00 : f32
        %mul3A_577 = vector.broadcast %mul3A_576 : f32 to vector<16xf32>
        %mul3A_578 = arith.mulf %sub3A_575, %mul3A_577 : vector<16xf32>
        %mul3A_579 = arith.mulf %sub3A_575, %mul3A_578 : vector<16xf32>
        %exp3A_580 = math.exp %mul3A_579 : vector<16xf32>
        %swap3A_581 = arith.constant 2 : i32
        %swap3A_582 = arith.index_cast %swap3A_581 : i32 to index
        %swap3A_583 = arith.index_cast %mul3A_502 : i32 to index
        %swap3A_584 = tpu.vector_load %arg24[%swap3A_582, %swap3A_583] {strides = array<i32>} : memref<16x1280xf32, #tpu.memory_space<vmem>>, vector<16xf32>,
        tpu.vector_store %arg24[%swap3A_582, %swap3A_583], %exp3A_580 {strides = array<i32>} : memref<16x1280xf32, #tpu.memory_space<vmem>>, vector<16xf32>,
        %sub3A_585 = arith.constant 1.000000e+00 : f32
        %sub3A_586 = vector.broadcast %sub3A_585 : f32 to vector<16xf32>
        %sub3A_587 = arith.subf %mul3A_550, %sub3A_586 : vector<16xf32>
        %mul3A_588 = arith.constant -4.500000e+00 : f32
        %mul3A_589 = vector.broadcast %mul3A_588 : f32 to vector<16xf32>
        %mul3A_590 = arith.mulf %sub3A_587, %mul3A_589 : vector<16xf32>
        %mul3A_591 = arith.mulf %sub3A_587, %mul3A_590 : vector<16xf32>
        %exp3A_592 = math.exp %mul3A_591 : vector<16xf32>
        %swap3A_593 = arith.constant 3 : i32
        %swap3A_594 = arith.index_cast %swap3A_593 : i32 to index
        %swap3A_595 = arith.index_cast %mul3A_502 : i32 to index
        %swap3A_596 = tpu.vector_load %arg24[%swap3A_594, %swap3A_595] {strides = array<i32>} : memref<16x1280xf32, #tpu.memory_space<vmem>>, vector<16xf32>,
        tpu.vector_store %arg24[%swap3A_594, %swap3A_595], %exp3A_592 {strides = array<i32>} : memref<16x1280xf32, #tpu.memory_space<vmem>>, vector<16xf32>,
        %sub3A_597 = arith.constant 1.33333337 : f32
        %sub3A_598 = vector.broadcast %sub3A_597 : f32 to vector<16xf32>
        %sub3A_599 = arith.subf %mul3A_550, %sub3A_598 : vector<16xf32>
        %mul3A_600 = arith.constant -4.500000e+00 : f32
        %mul3A_601 = vector.broadcast %mul3A_600 : f32 to vector<16xf32>
        %mul3A_602 = arith.mulf %sub3A_599, %mul3A_601 : vector<16xf32>
        %mul3A_603 = arith.mulf %sub3A_599, %mul3A_602 : vector<16xf32>
        %exp3A_604 = math.exp %mul3A_603 : vector<16xf32>
        %swap3A_605 = arith.constant 4 : i32
        %swap3A_606 = arith.index_cast %swap3A_605 : i32 to index
        %swap3A_607 = arith.index_cast %mul3A_502 : i32 to index
        %swap3A_608 = tpu.vector_load %arg24[%swap3A_606, %swap3A_607] {strides = array<i32>} : memref<16x1280xf32, #tpu.memory_space<vmem>>, vector<16xf32>,
        tpu.vector_store %arg24[%swap3A_606, %swap3A_607], %exp3A_604 {strides = array<i32>} : memref<16x1280xf32, #tpu.memory_space<vmem>>, vector<16xf32>,
        %sub3A_609 = arith.constant 1.66666663 : f32
        %sub3A_610 = vector.broadcast %sub3A_609 : f32 to vector<16xf32>
        %sub3A_611 = arith.subf %mul3A_550, %sub3A_610 : vector<16xf32>
        %mul3A_612 = arith.constant -4.500000e+00 : f32
        %mul3A_613 = vector.broadcast %mul3A_612 : f32 to vector<16xf32>
        %mul3A_614 = arith.mulf %sub3A_611, %mul3A_613 : vector<16xf32>
        %mul3A_615 = arith.mulf %sub3A_611, %mul3A_614 : vector<16xf32>
        %exp3A_616 = math.exp %mul3A_615 : vector<16xf32>
        %swap3A_617 = arith.constant 5 : i32
        %swap3A_618 = arith.index_cast %swap3A_617 : i32 to index
        %swap3A_619 = arith.index_cast %mul3A_502 : i32 to index
        %swap3A_620 = tpu.vector_load %arg24[%swap3A_618, %swap3A_619] {strides = array<i32>} : memref<16x1280xf32, #tpu.memory_space<vmem>>, vector<16xf32>,
        tpu.vector_store %arg24[%swap3A_618, %swap3A_619], %exp3A_616 {strides = array<i32>} : memref<16x1280xf32, #tpu.memory_space<vmem>>, vector<16xf32>,
        %sub3A_621 = arith.constant 2.000000e+00 : f32
        %sub3A_622 = vector.broadcast %sub3A_621 : f32 to vector<16xf32>
        %sub3A_623 = arith.subf %mul3A_550, %sub3A_622 : vector<16xf32>
        %mul3A_624 = arith.constant -4.500000e+00 : f32
        %mul3A_625 = vector.broadcast %mul3A_624 : f32 to vector<16xf32>
        %mul3A_626 = arith.mulf %sub3A_623, %mul3A_625 : vector<16xf32>
        %mul3A_627 = arith.mulf %sub3A_623, %mul3A_626 : vector<16xf32>
        %exp3A_628 = math.exp %mul3A_627 : vector<16xf32>
        %swap3A_629 = arith.constant 6 : i32
        %swap3A_630 = arith.index_cast %swap3A_629 : i32 to index
        %swap3A_631 = arith.index_cast %mul3A_502 : i32 to index
        %swap3A_632 = tpu.vector_load %arg24[%swap3A_630, %swap3A_631] {strides = array<i32>} : memref<16x1280xf32, #tpu.memory_space<vmem>>, vector<16xf32>,
        tpu.vector_store %arg24[%swap3A_630, %swap3A_631], %exp3A_628 {strides = array<i32>} : memref<16x1280xf32, #tpu.memory_space<vmem>>, vector<16xf32>,
        %sub3A_633 = arith.constant 2.33333325 : f32
        %sub3A_634 = vector.broadcast %sub3A_633 : f32 to vector<16xf32>
        %sub3A_635 = arith.subf %mul3A_550, %sub3A_634 : vector<16xf32>
        %mul3A_636 = arith.constant -4.500000e+00 : f32
        %mul3A_637 = vector.broadcast %mul3A_636 : f32 to vector<16xf32>
        %mul3A_638 = arith.mulf %sub3A_635, %mul3A_637 : vector<16xf32>
        %mul3A_639 = arith.mulf %sub3A_635, %mul3A_638 : vector<16xf32>
        %exp3A_640 = math.exp %mul3A_639 : vector<16xf32>
        %swap3A_641 = arith.constant 7 : i32
        %swap3A_642 = arith.index_cast %swap3A_641 : i32 to index
        %swap3A_643 = arith.index_cast %mul3A_502 : i32 to index
        %swap3A_644 = tpu.vector_load %arg24[%swap3A_642, %swap3A_643] {strides = array<i32>} : memref<16x1280xf32, #tpu.memory_space<vmem>>, vector<16xf32>,
        tpu.vector_store %arg24[%swap3A_642, %swap3A_643], %exp3A_640 {strides = array<i32>} : memref<16x1280xf32, #tpu.memory_space<vmem>>, vector<16xf32>,
        %sub3A_645 = arith.constant 2.66666675 : f32
        %sub3A_646 = vector.broadcast %sub3A_645 : f32 to vector<16xf32>
        %sub3A_647 = arith.subf %mul3A_550, %sub3A_646 : vector<16xf32>
        %mul3A_648 = arith.constant -4.500000e+00 : f32
        %mul3A_649 = vector.broadcast %mul3A_648 : f32 to vector<16xf32>
        %mul3A_650 = arith.mulf %sub3A_647, %mul3A_649 : vector<16xf32>
        %mul3A_651 = arith.mulf %sub3A_647, %mul3A_650 : vector<16xf32>
        %exp3A_652 = math.exp %mul3A_651 : vector<16xf32>
        %swap3A_653 = arith.constant 8 : i32
        %swap3A_654 = arith.index_cast %swap3A_653 : i32 to index
        %swap3A_655 = arith.index_cast %mul3A_502 : i32 to index
        %swap3A_656 = tpu.vector_load %arg24[%swap3A_654, %swap3A_655] {strides = array<i32>} : memref<16x1280xf32, #tpu.memory_space<vmem>>, vector<16xf32>,
        tpu.vector_store %arg24[%swap3A_654, %swap3A_655], %exp3A_652 {strides = array<i32>} : memref<16x1280xf32, #tpu.memory_space<vmem>>, vector<16xf32>,
        %sub3A_657 = arith.constant 3.000000e+00 : f32
        %sub3A_658 = vector.broadcast %sub3A_657 : f32 to vector<16xf32>
        %sub3A_659 = arith.subf %mul3A_550, %sub3A_658 : vector<16xf32>
        %mul3A_660 = arith.constant -4.500000e+00 : f32
        %mul3A_661 = vector.broadcast %mul3A_660 : f32 to vector<16xf32>
        %mul3A_662 = arith.mulf %sub3A_659, %mul3A_661 : vector<16xf32>
        %mul3A_663 = arith.mulf %sub3A_659, %mul3A_662 : vector<16xf32>
        %exp3A_664 = math.exp %mul3A_663 : vector<16xf32>
        %swap3A_665 = arith.constant 9 : i32
        %swap3A_666 = arith.index_cast %swap3A_665 : i32 to index
        %swap3A_667 = arith.index_cast %mul3A_502 : i32 to index
        %swap3A_668 = tpu.vector_load %arg24[%swap3A_666, %swap3A_667] {strides = array<i32>} : memref<16x1280xf32, #tpu.memory_space<vmem>>, vector<16xf32>,
        tpu.vector_store %arg24[%swap3A_666, %swap3A_667], %exp3A_664 {strides = array<i32>} : memref<16x1280xf32, #tpu.memory_space<vmem>>, vector<16xf32>,
        %sub3A_669 = arith.constant 3.33333325 : f32
        %sub3A_670 = vector.broadcast %sub3A_669 : f32 to vector<16xf32>
        %sub3A_671 = arith.subf %mul3A_550, %sub3A_670 : vector<16xf32>
        %mul3A_672 = arith.constant -4.500000e+00 : f32
        %mul3A_673 = vector.broadcast %mul3A_672 : f32 to vector<16xf32>
        %mul3A_674 = arith.mulf %sub3A_671, %mul3A_673 : vector<16xf32>
        %mul3A_675 = arith.mulf %sub3A_671, %mul3A_674 : vector<16xf32>
        %exp3A_676 = math.exp %mul3A_675 : vector<16xf32>
        %swap3A_677 = arith.constant 10 : i32
        %swap3A_678 = arith.index_cast %swap3A_677 : i32 to index
        %swap3A_679 = arith.index_cast %mul3A_502 : i32 to index
        %swap3A_680 = tpu.vector_load %arg24[%swap3A_678, %swap3A_679] {strides = array<i32>} : memref<16x1280xf32, #tpu.memory_space<vmem>>, vector<16xf32>,
        tpu.vector_store %arg24[%swap3A_678, %swap3A_679], %exp3A_676 {strides = array<i32>} : memref<16x1280xf32, #tpu.memory_space<vmem>>, vector<16xf32>,
        %sub3A_681 = arith.constant 3.66666675 : f32
        %sub3A_682 = vector.broadcast %sub3A_681 : f32 to vector<16xf32>
        %sub3A_683 = arith.subf %mul3A_550, %sub3A_682 : vector<16xf32>
        %mul3A_684 = arith.constant -4.500000e+00 : f32
        %mul3A_685 = vector.broadcast %mul3A_684 : f32 to vector<16xf32>
        %mul3A_686 = arith.mulf %sub3A_683, %mul3A_685 : vector<16xf32>
        %mul3A_687 = arith.mulf %sub3A_683, %mul3A_686 : vector<16xf32>
        %exp3A_688 = math.exp %mul3A_687 : vector<16xf32>
        %swap3A_689 = arith.constant 11 : i32
        %swap3A_690 = arith.index_cast %swap3A_689 : i32 to index
        %swap3A_691 = arith.index_cast %mul3A_502 : i32 to index
        %swap3A_692 = tpu.vector_load %arg24[%swap3A_690, %swap3A_691] {strides = array<i32>} : memref<16x1280xf32, #tpu.memory_space<vmem>>, vector<16xf32>,
        tpu.vector_store %arg24[%swap3A_690, %swap3A_691], %exp3A_688 {strides = array<i32>} : memref<16x1280xf32, #tpu.memory_space<vmem>>, vector<16xf32>,
        %sub3A_693 = arith.constant 4.000000e+00 : f32
        %sub3A_694 = vector.broadcast %sub3A_693 : f32 to vector<16xf32>
        %sub3A_695 = arith.subf %mul3A_550, %sub3A_694 : vector<16xf32>
        %mul3A_696 = arith.constant -4.500000e+00 : f32
        %mul3A_697 = vector.broadcast %mul3A_696 : f32 to vector<16xf32>
        %mul3A_698 = arith.mulf %sub3A_695, %mul3A_697 : vector<16xf32>
        %mul3A_699 = arith.mulf %sub3A_695, %mul3A_698 : vector<16xf32>
        %exp3A_700 = math.exp %mul3A_699 : vector<16xf32>
        %swap3A_701 = arith.constant 12 : i32
        %swap3A_702 = arith.index_cast %swap3A_701 : i32 to index
        %swap3A_703 = arith.index_cast %mul3A_502 : i32 to index
        %swap3A_704 = tpu.vector_load %arg24[%swap3A_702, %swap3A_703] {strides = array<i32>} : memref<16x1280xf32, #tpu.memory_space<vmem>>, vector<16xf32>,
        tpu.vector_store %arg24[%swap3A_702, %swap3A_703], %exp3A_700 {strides = array<i32>} : memref<16x1280xf32, #tpu.memory_space<vmem>>, vector<16xf32>,
        %sub3A_705 = arith.constant 4.33333349 : f32
        %sub3A_706 = vector.broadcast %sub3A_705 : f32 to vector<16xf32>
        %sub3A_707 = arith.subf %mul3A_550, %sub3A_706 : vector<16xf32>
        %mul3A_708 = arith.constant -4.500000e+00 : f32
        %mul3A_709 = vector.broadcast %mul3A_708 : f32 to vector<16xf32>
        %mul3A_710 = arith.mulf %sub3A_707, %mul3A_709 : vector<16xf32>
        %mul3A_711 = arith.mulf %sub3A_707, %mul3A_710 : vector<16xf32>
        %exp3A_712 = math.exp %mul3A_711 : vector<16xf32>
        %swap3A_713 = arith.constant 13 : i32
        %swap3A_714 = arith.index_cast %swap3A_713 : i32 to index
        %swap3A_715 = arith.index_cast %mul3A_502 : i32 to index
        %swap3A_716 = tpu.vector_load %arg24[%swap3A_714, %swap3A_715] {strides = array<i32>} : memref<16x1280xf32, #tpu.memory_space<vmem>>, vector<16xf32>,
        tpu.vector_store %arg24[%swap3A_714, %swap3A_715], %exp3A_712 {strides = array<i32>} : memref<16x1280xf32, #tpu.memory_space<vmem>>, vector<16xf32>,
        %sub3A_717 = arith.constant 4.66666651 : f32
        %sub3A_718 = vector.broadcast %sub3A_717 : f32 to vector<16xf32>
        %sub3A_719 = arith.subf %mul3A_550, %sub3A_718 : vector<16xf32>
        %mul3A_720 = arith.constant -4.500000e+00 : f32
        %mul3A_721 = vector.broadcast %mul3A_720 : f32 to vector<16xf32>
        %mul3A_722 = arith.mulf %sub3A_719, %mul3A_721 : vector<16xf32>
        %mul3A_723 = arith.mulf %sub3A_719, %mul3A_722 : vector<16xf32>
        %exp3A_724 = math.exp %mul3A_723 : vector<16xf32>
        %swap3A_725 = arith.constant 14 : i32
        %swap3A_726 = arith.index_cast %swap3A_725 : i32 to index
        %swap3A_727 = arith.index_cast %mul3A_502 : i32 to index
        %swap3A_728 = tpu.vector_load %arg24[%swap3A_726, %swap3A_727] {strides = array<i32>} : memref<16x1280xf32, #tpu.memory_space<vmem>>, vector<16xf32>,
        tpu.vector_store %arg24[%swap3A_726, %swap3A_727], %exp3A_724 {strides = array<i32>} : memref<16x1280xf32, #tpu.memory_space<vmem>>, vector<16xf32>,
        %sub3A_729 = arith.constant 5.000000e+00 : f32
        %sub3A_730 = vector.broadcast %sub3A_729 : f32 to vector<16xf32>
        %sub3A_731 = arith.subf %mul3A_550, %sub3A_730 : vector<16xf32>
        %mul3A_732 = arith.constant -4.500000e+00 : f32
        %mul3A_733 = vector.broadcast %mul3A_732 : f32 to vector<16xf32>
        %mul3A_734 = arith.mulf %sub3A_731, %mul3A_733 : vector<16xf32>
        %mul3A_735 = arith.mulf %sub3A_731, %mul3A_734 : vector<16xf32>
        %exp3A_736 = math.exp %mul3A_735 : vector<16xf32>
        %swap3A_737 = arith.constant 15 : i32
        %swap3A_738 = arith.index_cast %swap3A_737 : i32 to index
        %swap3A_739 = arith.index_cast %mul3A_502 : i32 to index
        %swap3A_740 = tpu.vector_load %arg24[%swap3A_738, %swap3A_739] {strides = array<i32>} : memref<16x1280xf32, #tpu.memory_space<vmem>>, vector<16xf32>,
        tpu.vector_store %arg24[%swap3A_738, %swap3A_739], %exp3A_736 {strides = array<i32>} : memref<16x1280xf32, #tpu.memory_space<vmem>>, vector<16xf32>,
        %scan3A_741 = arith.constant 0 : i32
        scf.yield %scan3A_741 : i32
      }
      %scan3A_497 = arith.constant 8 : i32
      "tpu.region"() ({
        %run_scoped3A = tpu.sem_alloc : memref<!tpu.dma_semaphore, #tpu.memory_space<semaphore_mem>>
        %dma_start3A_499 = arith.constant 0 : i32
        %dma_start3A_500 = arith.constant 0 : i32
        %dma_start3A_501 = tpu.memref_slice %arg24[%dma_start3A_499, %dma_start3A_500] : memref<16x1280xf32, #tpu.memory_space<vmem>> -> memref<16x128xf32, #tpu.memory_space<vmem>>
        %dma_start3A_502 = arith.constant 0 : i32
        %dma_start3A_503 = tpu.memref_slice %arg7[%dma_start3A_502, %add3A_406] : memref<16x3200000xf32, #tpu.memory_space<hbm>> -> memref<16x128xf32, #tpu.memory_space<hbm>>
        %dma_start3A_504 = arith.constant 0 : i32
        %dma_start3A_505 = tpu.memref_slice %arg7[%dma_start3A_504, %add3A_406] : memref<16x3200000xf32, #tpu.memory_space<hbm>> -> memref<16x128xf32, #tpu.memory_space<hbm>>
        %dma_start3A_506 = arith.constant 0 : i32
        %dma_start3A_507 = arith.constant 0 : i32
        %dma_start3A_508 = tpu.memref_slice %arg24[%dma_start3A_506, %dma_start3A_507] : memref<16x1280xf32, #tpu.memory_space<vmem>> -> memref<16x128xf32, #tpu.memory_space<vmem>>
        tpu.enqueue_dma source(%dma_start3A_508 : memref<16x128xf32, #tpu.memory_space<vmem>>) target(%dma_start3A_505 : memref<16x128xf32, #tpu.memory_space<hbm>>) target_semaphore(%run_scoped3A : memref<!tpu.dma_semaphore, #tpu.memory_space<semaphore_mem>>)
        %dma_wait3A_509 = arith.constant 0 : i32
        %dma_wait3A_510 = arith.constant 0 : i32
        %dma_wait3A_511 = tpu.memref_slice %arg24[%dma_wait3A_509, %dma_wait3A_510] : memref<16x1280xf32, #tpu.memory_space<vmem>> -> memref<16x128xf32, #tpu.memory_space<vmem>>
        %dma_wait3A_512 = arith.constant 0 : i32
        %dma_wait3A_513 = tpu.memref_slice %arg7[%dma_wait3A_512, %add3A_406] : memref<16x3200000xf32, #tpu.memory_space<hbm>> -> memref<16x128xf32, #tpu.memory_space<hbm>>
        %dma_wait3A_514 = arith.constant 0 : i32
        %dma_wait3A_515 = tpu.memref_slice %arg7[%dma_wait3A_514, %add3A_406] : memref<16x3200000xf32, #tpu.memory_space<hbm>> -> memref<16x128xf32, #tpu.memory_space<hbm>>
        %dma_wait3A_516 = arith.constant 0 : i32
        %dma_wait3A_517 = arith.constant 0 : i32
        %dma_wait3A_518 = tpu.memref_slice %arg24[%dma_wait3A_516, %dma_wait3A_517] : memref<16x1280xf32, #tpu.memory_space<vmem>> -> memref<16x128xf32, #tpu.memory_space<vmem>>
        tpu.wait_dma2 semaphore(%run_scoped3A : memref<!tpu.dma_semaphore, #tpu.memory_space<semaphore_mem>>) src(%dma_wait3A_518 : memref<16x128xf32, #tpu.memory_space<vmem>>) dst(%dma_wait3A_515 : memref<16x128xf32, #tpu.memory_space<hbm>>)
        tpu.yield
      }) : () -> ()
      %while3A_498 = arith.constant 0 : i32
      scf.yield %while3A_498 : i32
    }
    %while3A_400 = arith.constant 1 : i32
    %while3A_401 = scf.for %while3A_402 = %while3A_397 to %while3A_393 step %while3A_400 iter_args(%while3A_403 = %while3A_399) -> (i32)  : i32 {
      %mul3A_404 = arith.constant 128 : i32
      %mul3A_405 = arith.muli %while3A_402, %mul3A_404 : i32
      %add3A_406 = arith.addi %add3A_390, %mul3A_405 : i32
      "tpu.region"() ({
        %run_scoped3A = tpu.sem_alloc : memref<!tpu.dma_semaphore, #tpu.memory_space<semaphore_mem>>
        %dma_start3A_499 = arith.constant 0 : i32
        %dma_start3A_500 = tpu.memref_slice %arg8[%dma_start3A_499] : memref<1280xi32, #tpu.memory_space<vmem>> -> memref<128xi32, #tpu.memory_space<vmem>>
        %dma_start3A_501 = tpu.memref_slice %arg5[%add3A_406] : memref<3200000xi32, #tpu.memory_space<hbm>> -> memref<128xi32, #tpu.memory_space<hbm>>
        %dma_start3A_502 = arith.constant 0 : i32
        %dma_start3A_503 = tpu.memref_slice %arg8[%dma_start3A_502] : memref<1280xi32, #tpu.memory_space<vmem>> -> memref<128xi32, #tpu.memory_space<vmem>>
        %dma_start3A_504 = tpu.memref_slice %arg5[%add3A_406] : memref<3200000xi32, #tpu.memory_space<hbm>> -> memref<128xi32, #tpu.memory_space<hbm>>
        tpu.enqueue_dma source(%dma_start3A_504 : memref<128xi32, #tpu.memory_space<hbm>>) target(%dma_start3A_503 : memref<128xi32, #tpu.memory_space<vmem>>) target_semaphore(%run_scoped3A : memref<!tpu.dma_semaphore, #tpu.memory_space<semaphore_mem>>)
        %dma_wait3A_505 = arith.constant 0 : i32
        %dma_wait3A_506 = tpu.memref_slice %arg8[%dma_wait3A_505] : memref<1280xi32, #tpu.memory_space<vmem>> -> memref<128xi32, #tpu.memory_space<vmem>>
        %dma_wait3A_507 = tpu.memref_slice %arg5[%add3A_406] : memref<3200000xi32, #tpu.memory_space<hbm>> -> memref<128xi32, #tpu.memory_space<hbm>>
        %dma_wait3A_508 = arith.constant 0 : i32
        %dma_wait3A_509 = tpu.memref_slice %arg8[%dma_wait3A_508] : memref<1280xi32, #tpu.memory_space<vmem>> -> memref<128xi32, #tpu.memory_space<vmem>>
        %dma_wait3A_510 = tpu.memref_slice %arg5[%add3A_406] : memref<3200000xi32, #tpu.memory_space<hbm>> -> memref<128xi32, #tpu.memory_space<hbm>>
        tpu.wait_dma2 semaphore(%run_scoped3A : memref<!tpu.dma_semaphore, #tpu.memory_space<semaphore_mem>>) src(%dma_wait3A_510 : memref<128xi32, #tpu.memory_space<hbm>>) dst(%dma_wait3A_509 : memref<128xi32, #tpu.memory_space<vmem>>)
        tpu.yield
      }) : () -> ()
      "tpu.region"() ({
        %run_scoped3A = tpu.sem_alloc : memref<!tpu.dma_semaphore, #tpu.memory_space<semaphore_mem>>
        %dma_start3A_499 = arith.constant 0 : i32
        %dma_start3A_500 = tpu.memref_slice %arg10[%dma_start3A_499] : memref<1280xi32, #tpu.memory_space<vmem>> -> memref<128xi32, #tpu.memory_space<vmem>>
        %dma_start3A_501 = tpu.memref_slice %arg6[%add3A_406] : memref<3200000xi32, #tpu.memory_space<hbm>> -> memref<128xi32, #tpu.memory_space<hbm>>
        %dma_start3A_502 = arith.constant 0 : i32
        %dma_start3A_503 = tpu.memref_slice %arg10[%dma_start3A_502] : memref<1280xi32, #tpu.memory_space<vmem>> -> memref<128xi32, #tpu.memory_space<vmem>>
        %dma_start3A_504 = tpu.memref_slice %arg6[%add3A_406] : memref<3200000xi32, #tpu.memory_space<hbm>> -> memref<128xi32, #tpu.memory_space<hbm>>
        tpu.enqueue_dma source(%dma_start3A_504 : memref<128xi32, #tpu.memory_space<hbm>>) target(%dma_start3A_503 : memref<128xi32, #tpu.memory_space<vmem>>) target_semaphore(%run_scoped3A : memref<!tpu.dma_semaphore, #tpu.memory_space<semaphore_mem>>)
        %dma_wait3A_505 = arith.constant 0 : i32
        %dma_wait3A_506 = tpu.memref_slice %arg10[%dma_wait3A_505] : memref<1280xi32, #tpu.memory_space<vmem>> -> memref<128xi32, #tpu.memory_space<vmem>>
        %dma_wait3A_507 = tpu.memref_slice %arg6[%add3A_406] : memref<3200000xi32, #tpu.memory_space<hbm>> -> memref<128xi32, #tpu.memory_space<hbm>>
        %dma_wait3A_508 = arith.constant 0 : i32
        %dma_wait3A_509 = tpu.memref_slice %arg10[%dma_wait3A_508] : memref<1280xi32, #tpu.memory_space<vmem>> -> memref<128xi32, #tpu.memory_space<vmem>>
        %dma_wait3A_510 = tpu.memref_slice %arg6[%add3A_406] : memref<3200000xi32, #tpu.memory_space<hbm>> -> memref<128xi32, #tpu.memory_space<hbm>>
        tpu.wait_dma2 semaphore(%run_scoped3A : memref<!tpu.dma_semaphore, #tpu.memory_space<semaphore_mem>>) src(%dma_wait3A_510 : memref<128xi32, #tpu.memory_space<hbm>>) dst(%dma_wait3A_509 : memref<128xi32, #tpu.memory_space<vmem>>)
        tpu.yield
      }) : () -> ()
      %dma_start3A_407 = arith.constant 0 : i32
      %dma_start3A_408 = tpu.memref_slice %arg12[%dma_start3A_407] : memref<1280xf32, #tpu.memory_space<vmem>> -> memref<128xf32, #tpu.memory_space<vmem>>
      %dma_start3A_409 = arith.constant 0 : i32
      %dma_start3A_410 = tpu.memref_slice %arg8[%dma_start3A_409] : memref<1280xi32, #tpu.memory_space<vmem>> -> memref<128xi32, #tpu.memory_space<vmem>>
      %dma_start3A_411 = arith.constant 0 : i32
      %dma_start3A_412 = tpu.memref_slice %arg26[%dma_start3A_411] : memref<100000xf32, #tpu.memory_space<vmem_shared>> -> memref<100000xf32, #tpu.memory_space<vmem_shared>>
      tpu.enqueue_indirect_dma source(%dma_start3A_412 : memref<100000xf32, #tpu.memory_space<vmem_shared>>) target(%dma_start3A_408 : memref<128xf32, #tpu.memory_space<vmem>>) offsets(%dma_start3A_410 : memref<128xi32, #tpu.memory_space<vmem>>) semaphore(%arg29 : memref<!tpu.dma_semaphore, #tpu.memory_space<semaphore_mem>>)
      %dma_start3A_413 = arith.constant 0 : i32
      %dma_start3A_414 = tpu.memref_slice %arg14[%dma_start3A_413] : memref<1280xf32, #tpu.memory_space<vmem>> -> memref<128xf32, #tpu.memory_space<vmem>>
      %dma_start3A_415 = arith.constant 0 : i32
      %dma_start3A_416 = tpu.memref_slice %arg8[%dma_start3A_415] : memref<1280xi32, #tpu.memory_space<vmem>> -> memref<128xi32, #tpu.memory_space<vmem>>
      %dma_start3A_417 = arith.constant 0 : i32
      %dma_start3A_418 = tpu.memref_slice %arg27[%dma_start3A_417] : memref<100000xf32, #tpu.memory_space<vmem_shared>> -> memref<100000xf32, #tpu.memory_space<vmem_shared>>
      tpu.enqueue_indirect_dma source(%dma_start3A_418 : memref<100000xf32, #tpu.memory_space<vmem_shared>>) target(%dma_start3A_414 : memref<128xf32, #tpu.memory_space<vmem>>) offsets(%dma_start3A_416 : memref<128xi32, #tpu.memory_space<vmem>>) semaphore(%arg29 : memref<!tpu.dma_semaphore, #tpu.memory_space<semaphore_mem>>)
      %dma_start3A_419 = arith.constant 0 : i32
      %dma_start3A_420 = tpu.memref_slice %arg16[%dma_start3A_419] : memref<1280xf32, #tpu.memory_space<vmem>> -> memref<128xf32, #tpu.memory_space<vmem>>
      %dma_start3A_421 = arith.constant 0 : i32
      %dma_start3A_422 = tpu.memref_slice %arg8[%dma_start3A_421] : memref<1280xi32, #tpu.memory_space<vmem>> -> memref<128xi32, #tpu.memory_space<vmem>>
      %dma_start3A_423 = arith.constant 0 : i32
      %dma_start3A_424 = tpu.memref_slice %arg28[%dma_start3A_423] : memref<100000xf32, #tpu.memory_space<vmem_shared>> -> memref<100000xf32, #tpu.memory_space<vmem_shared>>
      tpu.enqueue_indirect_dma source(%dma_start3A_424 : memref<100000xf32, #tpu.memory_space<vmem_shared>>) target(%dma_start3A_420 : memref<128xf32, #tpu.memory_space<vmem>>) offsets(%dma_start3A_422 : memref<128xi32, #tpu.memory_space<vmem>>) semaphore(%arg29 : memref<!tpu.dma_semaphore, #tpu.memory_space<semaphore_mem>>)
      %dma_start3A_425 = arith.constant 0 : i32
      %dma_start3A_426 = tpu.memref_slice %arg18[%dma_start3A_425] : memref<1280xf32, #tpu.memory_space<vmem>> -> memref<128xf32, #tpu.memory_space<vmem>>
      %dma_start3A_427 = arith.constant 0 : i32
      %dma_start3A_428 = tpu.memref_slice %arg10[%dma_start3A_427] : memref<1280xi32, #tpu.memory_space<vmem>> -> memref<128xi32, #tpu.memory_space<vmem>>
      %dma_start3A_429 = arith.constant 0 : i32
      %dma_start3A_430 = tpu.memref_slice %arg26[%dma_start3A_429] : memref<100000xf32, #tpu.memory_space<vmem_shared>> -> memref<100000xf32, #tpu.memory_space<vmem_shared>>
      tpu.enqueue_indirect_dma source(%dma_start3A_430 : memref<100000xf32, #tpu.memory_space<vmem_shared>>) target(%dma_start3A_426 : memref<128xf32, #tpu.memory_space<vmem>>) offsets(%dma_start3A_428 : memref<128xi32, #tpu.memory_space<vmem>>) semaphore(%arg29 : memref<!tpu.dma_semaphore, #tpu.memory_space<semaphore_mem>>)
      %dma_start3A_431 = arith.constant 0 : i32
      %dma_start3A_432 = tpu.memref_slice %arg20[%dma_start3A_431] : memref<1280xf32, #tpu.memory_space<vmem>> -> memref<128xf32, #tpu.memory_space<vmem>>
      %dma_start3A_433 = arith.constant 0 : i32
      %dma_start3A_434 = tpu.memref_slice %arg10[%dma_start3A_433] : memref<1280xi32, #tpu.memory_space<vmem>> -> memref<128xi32, #tpu.memory_space<vmem>>
      %dma_start3A_435 = arith.constant 0 : i32
      %dma_start3A_436 = tpu.memref_slice %arg27[%dma_start3A_435] : memref<100000xf32, #tpu.memory_space<vmem_shared>> -> memref<100000xf32, #tpu.memory_space<vmem_shared>>
      tpu.enqueue_indirect_dma source(%dma_start3A_436 : memref<100000xf32, #tpu.memory_space<vmem_shared>>) target(%dma_start3A_432 : memref<128xf32, #tpu.memory_space<vmem>>) offsets(%dma_start3A_434 : memref<128xi32, #tpu.memory_space<vmem>>) semaphore(%arg29 : memref<!tpu.dma_semaphore, #tpu.memory_space<semaphore_mem>>)
      %dma_start3A_437 = arith.constant 0 : i32
      %dma_start3A_438 = tpu.memref_slice %arg22[%dma_start3A_437] : memref<1280xf32, #tpu.memory_space<vmem>> -> memref<128xf32, #tpu.memory_space<vmem>>
      %dma_start3A_439 = arith.constant 0 : i32
      %dma_start3A_440 = tpu.memref_slice %arg10[%dma_start3A_439] : memref<1280xi32, #tpu.memory_space<vmem>> -> memref<128xi32, #tpu.memory_space<vmem>>
      %dma_start3A_441 = arith.constant 0 : i32
      %dma_start3A_442 = tpu.memref_slice %arg28[%dma_start3A_441] : memref<100000xf32, #tpu.memory_space<vmem_shared>> -> memref<100000xf32, #tpu.memory_space<vmem_shared>>
      tpu.enqueue_indirect_dma source(%dma_start3A_442 : memref<100000xf32, #tpu.memory_space<vmem_shared>>) target(%dma_start3A_438 : memref<128xf32, #tpu.memory_space<vmem>>) offsets(%dma_start3A_440 : memref<128xi32, #tpu.memory_space<vmem>>) semaphore(%arg29 : memref<!tpu.dma_semaphore, #tpu.memory_space<semaphore_mem>>)
      %dma_wait3A_443 = arith.constant 0 : i32
      %dma_wait3A_444 = tpu.memref_slice %arg12[%dma_wait3A_443] : memref<1280xf32, #tpu.memory_space<vmem>> -> memref<128xf32, #tpu.memory_space<vmem>>
      %dma_wait3A_445 = arith.constant 0 : i32
      %dma_wait3A_446 = tpu.memref_slice %arg2[%dma_wait3A_445] : memref<100000xf32, #tpu.memory_space<hbm>> -> memref<128xf32, #tpu.memory_space<hbm>>
      %dma_wait3A_447 = arith.constant 0 : i32
      %dma_wait3A_448 = tpu.memref_slice %arg12[%dma_wait3A_447] : memref<1280xf32, #tpu.memory_space<vmem>> -> memref<128xf32, #tpu.memory_space<vmem>>
      %dma_wait3A_449 = arith.constant 0 : i32
      %dma_wait3A_450 = tpu.memref_slice %arg2[%dma_wait3A_449] : memref<100000xf32, #tpu.memory_space<hbm>> -> memref<128xf32, #tpu.memory_space<hbm>>
      tpu.wait_dma2 semaphore(%arg29 : memref<!tpu.dma_semaphore, #tpu.memory_space<semaphore_mem>>) src(%dma_wait3A_450 : memref<128xf32, #tpu.memory_space<hbm>>) dst(%dma_wait3A_448 : memref<128xf32, #tpu.memory_space<vmem>>)
      %dma_wait3A_451 = arith.constant 0 : i32
      %dma_wait3A_452 = tpu.memref_slice %arg14[%dma_wait3A_451] : memref<1280xf32, #tpu.memory_space<vmem>> -> memref<128xf32, #tpu.memory_space<vmem>>
      %dma_wait3A_453 = arith.constant 0 : i32
      %dma_wait3A_454 = tpu.memref_slice %arg2[%dma_wait3A_453] : memref<100000xf32, #tpu.memory_space<hbm>> -> memref<128xf32, #tpu.memory_space<hbm>>
      %dma_wait3A_455 = arith.constant 0 : i32
      %dma_wait3A_456 = tpu.memref_slice %arg14[%dma_wait3A_455] : memref<1280xf32, #tpu.memory_space<vmem>> -> memref<128xf32, #tpu.memory_space<vmem>>
      %dma_wait3A_457 = arith.constant 0 : i32
      %dma_wait3A_458 = tpu.memref_slice %arg2[%dma_wait3A_457] : memref<100000xf32, #tpu.memory_space<hbm>> -> memref<128xf32, #tpu.memory_space<hbm>>
      tpu.wait_dma2 semaphore(%arg29 : memref<!tpu.dma_semaphore, #tpu.memory_space<semaphore_mem>>) src(%dma_wait3A_458 : memref<128xf32, #tpu.memory_space<hbm>>) dst(%dma_wait3A_456 : memref<128xf32, #tpu.memory_space<vmem>>)
      %dma_wait3A_459 = arith.constant 0 : i32
      %dma_wait3A_460 = tpu.memref_slice %arg16[%dma_wait3A_459] : memref<1280xf32, #tpu.memory_space<vmem>> -> memref<128xf32, #tpu.memory_space<vmem>>
      %dma_wait3A_461 = arith.constant 0 : i32
      %dma_wait3A_462 = tpu.memref_slice %arg2[%dma_wait3A_461] : memref<100000xf32, #tpu.memory_space<hbm>> -> memref<128xf32, #tpu.memory_space<hbm>>
      %dma_wait3A_463 = arith.constant 0 : i32
      %dma_wait3A_464 = tpu.memref_slice %arg16[%dma_wait3A_463] : memref<1280xf32, #tpu.memory_space<vmem>> -> memref<128xf32, #tpu.memory_space<vmem>>
      %dma_wait3A_465 = arith.constant 0 : i32
      %dma_wait3A_466 = tpu.memref_slice %arg2[%dma_wait3A_465] : memref<100000xf32, #tpu.memory_space<hbm>> -> memref<128xf32, #tpu.memory_space<hbm>>
      tpu.wait_dma2 semaphore(%arg29 : memref<!tpu.dma_semaphore, #tpu.memory_space<semaphore_mem>>) src(%dma_wait3A_466 : memref<128xf32, #tpu.memory_space<hbm>>) dst(%dma_wait3A_464 : memref<128xf32, #tpu.memory_space<vmem>>)
      %dma_wait3A_467 = arith.constant 0 : i32
      %dma_wait3A_468 = tpu.memref_slice %arg18[%dma_wait3A_467] : memref<1280xf32, #tpu.memory_space<vmem>> -> memref<128xf32, #tpu.memory_space<vmem>>
      %dma_wait3A_469 = arith.constant 0 : i32
      %dma_wait3A_470 = tpu.memref_slice %arg2[%dma_wait3A_469] : memref<100000xf32, #tpu.memory_space<hbm>> -> memref<128xf32, #tpu.memory_space<hbm>>
      %dma_wait3A_471 = arith.constant 0 : i32
      %dma_wait3A_472 = tpu.memref_slice %arg18[%dma_wait3A_471] : memref<1280xf32, #tpu.memory_space<vmem>> -> memref<128xf32, #tpu.memory_space<vmem>>
      %dma_wait3A_473 = arith.constant 0 : i32
      %dma_wait3A_474 = tpu.memref_slice %arg2[%dma_wait3A_473] : memref<100000xf32, #tpu.memory_space<hbm>> -> memref<128xf32, #tpu.memory_space<hbm>>
      tpu.wait_dma2 semaphore(%arg29 : memref<!tpu.dma_semaphore, #tpu.memory_space<semaphore_mem>>) src(%dma_wait3A_474 : memref<128xf32, #tpu.memory_space<hbm>>) dst(%dma_wait3A_472 : memref<128xf32, #tpu.memory_space<vmem>>)
      %dma_wait3A_475 = arith.constant 0 : i32
      %dma_wait3A_476 = tpu.memref_slice %arg20[%dma_wait3A_475] : memref<1280xf32, #tpu.memory_space<vmem>> -> memref<128xf32, #tpu.memory_space<vmem>>
      %dma_wait3A_477 = arith.constant 0 : i32
      %dma_wait3A_478 = tpu.memref_slice %arg2[%dma_wait3A_477] : memref<100000xf32, #tpu.memory_space<hbm>> -> memref<128xf32, #tpu.memory_space<hbm>>
      %dma_wait3A_479 = arith.constant 0 : i32
      %dma_wait3A_480 = tpu.memref_slice %arg20[%dma_wait3A_479] : memref<1280xf32, #tpu.memory_space<vmem>> -> memref<128xf32, #tpu.memory_space<vmem>>
      %dma_wait3A_481 = arith.constant 0 : i32
      %dma_wait3A_482 = tpu.memref_slice %arg2[%dma_wait3A_481] : memref<100000xf32, #tpu.memory_space<hbm>> -> memref<128xf32, #tpu.memory_space<hbm>>
      tpu.wait_dma2 semaphore(%arg29 : memref<!tpu.dma_semaphore, #tpu.memory_space<semaphore_mem>>) src(%dma_wait3A_482 : memref<128xf32, #tpu.memory_space<hbm>>) dst(%dma_wait3A_480 : memref<128xf32, #tpu.memory_space<vmem>>)
      %dma_wait3A_483 = arith.constant 0 : i32
      %dma_wait3A_484 = tpu.memref_slice %arg22[%dma_wait3A_483] : memref<1280xf32, #tpu.memory_space<vmem>> -> memref<128xf32, #tpu.memory_space<vmem>>
      %dma_wait3A_485 = arith.constant 0 : i32
      %dma_wait3A_486 = tpu.memref_slice %arg2[%dma_wait3A_485] : memref<100000xf32, #tpu.memory_space<hbm>> -> memref<128xf32, #tpu.memory_space<hbm>>
      %dma_wait3A_487 = arith.constant 0 : i32
      %dma_wait3A_488 = tpu.memref_slice %arg22[%dma_wait3A_487] : memref<1280xf32, #tpu.memory_space<vmem>> -> memref<128xf32, #tpu.memory_space<vmem>>
      %dma_wait3A_489 = arith.constant 0 : i32
      %dma_wait3A_490 = tpu.memref_slice %arg2[%dma_wait3A_489] : memref<100000xf32, #tpu.memory_space<hbm>> -> memref<128xf32, #tpu.memory_space<hbm>>
      tpu.wait_dma2 semaphore(%arg29 : memref<!tpu.dma_semaphore, #tpu.memory_space<semaphore_mem>>) src(%dma_wait3A_490 : memref<128xf32, #tpu.memory_space<hbm>>) dst(%dma_wait3A_488 : memref<128xf32, #tpu.memory_space<vmem>>)
      %scan3A_491 = arith.constant 0 : i32
      %scan3A_492 = arith.constant 0 : i32
      %scan3A_493 = arith.constant 8 : i32
      %scan3A_494 = arith.addi %scan3A_492, %scan3A_493 : i32
      %scan3A_495 = arith.constant 1 : i32
      %scan3A_496 = scf.for %scan3A_499 = %scan3A_492 to %scan3A_494 step %scan3A_495 iter_args(%scan3A_500 = %scan3A_491) -> (i32)  : i32 {
        %mul3A_501 = arith.constant 16 : i32
        %mul3A_502 = arith.muli %scan3A_499, %mul3A_501 : i32
        %get3A = arith.index_cast %mul3A_502 : i32 to index
        %get3A_503 = tpu.vector_load %arg12[%get3A] {strides = array<i32>} : memref<1280xf32, #tpu.memory_space<vmem>>, vector<16xf32>,
        %get3A_504 = arith.index_cast %mul3A_502 : i32 to index
        %get3A_505 = tpu.vector_load %arg18[%get3A_504] {strides = array<i32>} : memref<1280xf32, #tpu.memory_space<vmem>>, vector<16xf32>,
        %sub3A = arith.subf %get3A_503, %get3A_505 : vector<16xf32>
        %get3A_506 = arith.index_cast %mul3A_502 : i32 to index
        %get3A_507 = tpu.vector_load %arg14[%get3A_506] {strides = array<i32>} : memref<1280xf32, #tpu.memory_space<vmem>>, vector<16xf32>,
        %get3A_508 = arith.index_cast %mul3A_502 : i32 to index
        %get3A_509 = tpu.vector_load %arg20[%get3A_508] {strides = array<i32>} : memref<1280xf32, #tpu.memory_space<vmem>>, vector<16xf32>,
        %sub3A_510 = arith.subf %get3A_507, %get3A_509 : vector<16xf32>
        %get3A_511 = arith.index_cast %mul3A_502 : i32 to index
        %get3A_512 = tpu.vector_load %arg16[%get3A_511] {strides = array<i32>} : memref<1280xf32, #tpu.memory_space<vmem>>, vector<16xf32>,
        %get3A_513 = arith.index_cast %mul3A_502 : i32 to index
        %get3A_514 = tpu.vector_load %arg22[%get3A_513] {strides = array<i32>} : memref<1280xf32, #tpu.memory_space<vmem>>, vector<16xf32>,
        %sub3A_515 = arith.subf %get3A_512, %get3A_514 : vector<16xf32>
        %mul3A_516 = arith.mulf %sub3A, %sub3A : vector<16xf32>
        %mul3A_517 = arith.mulf %sub3A_510, %sub3A_510 : vector<16xf32>
        %add3A_518 = arith.addf %mul3A_516, %mul3A_517 : vector<16xf32>
        %mul3A_519 = arith.mulf %sub3A_515, %sub3A_515 : vector<16xf32>
        %add3A_520 = arith.addf %add3A_518, %mul3A_519 : vector<16xf32>
        %max3A = arith.constant 1.000000e-30 : f32
        %max3A_521 = vector.broadcast %max3A : f32 to vector<16xf32>
        %max3A_522 = arith.maximumf %add3A_520, %max3A_521 : vector<16xf32>
        %bitcast3A = vector.bitcast %max3A_522 : vector<16xf32> to vector<16xi32>
        %shift_right_logical3A = arith.constant 1 : i32
        %shift_right_logical3A_523 = vector.broadcast %shift_right_logical3A : i32 to vector<16xi32>
        %shift_right_logical3A_524 = arith.shrui %bitcast3A, %shift_right_logical3A_523 : vector<16xi32>
        %sub3A_525 = arith.constant 1597463007 : i32
        %sub3A_526 = vector.broadcast %sub3A_525 : i32 to vector<16xi32>
        %sub3A_527 = arith.subi %sub3A_526, %shift_right_logical3A_524 : vector<16xi32>
        %bitcast3A_528 = vector.bitcast %sub3A_527 : vector<16xi32> to vector<16xf32>
        %mul3A_529 = arith.constant -5.000000e-01 : f32
        %mul3A_530 = vector.broadcast %mul3A_529 : f32 to vector<16xf32>
        %mul3A_531 = arith.mulf %max3A_522, %mul3A_530 : vector<16xf32>
        %mul3A_532 = arith.mulf %mul3A_531, %bitcast3A_528 : vector<16xf32>
        %mul3A_533 = arith.mulf %mul3A_532, %bitcast3A_528 : vector<16xf32>
        %add3A_534 = arith.constant 1.500000e+00 : f32
        %add3A_535 = vector.broadcast %add3A_534 : f32 to vector<16xf32>
        %add3A_536 = arith.addf %add3A_535, %mul3A_533 : vector<16xf32>
        %mul3A_537 = arith.mulf %bitcast3A_528, %add3A_536 : vector<16xf32>
        %mul3A_538 = arith.mulf %mul3A_531, %mul3A_537 : vector<16xf32>
        %mul3A_539 = arith.mulf %mul3A_538, %mul3A_537 : vector<16xf32>
        %add3A_540 = arith.constant 1.500000e+00 : f32
        %add3A_541 = vector.broadcast %add3A_540 : f32 to vector<16xf32>
        %add3A_542 = arith.addf %add3A_541, %mul3A_539 : vector<16xf32>
        %mul3A_543 = arith.mulf %mul3A_537, %add3A_542 : vector<16xf32>
        %mul3A_544 = arith.mulf %mul3A_531, %mul3A_543 : vector<16xf32>
        %mul3A_545 = arith.mulf %mul3A_544, %mul3A_543 : vector<16xf32>
        %add3A_546 = arith.constant 1.500000e+00 : f32
        %add3A_547 = vector.broadcast %add3A_546 : f32 to vector<16xf32>
        %add3A_548 = arith.addf %add3A_547, %mul3A_545 : vector<16xf32>
        %mul3A_549 = arith.mulf %mul3A_543, %add3A_548 : vector<16xf32>
        %mul3A_550 = arith.mulf %add3A_520, %mul3A_549 : vector<16xf32>
        %sub3A_551 = arith.constant 0.000000e+00 : f32
        %sub3A_552 = vector.broadcast %sub3A_551 : f32 to vector<16xf32>
        %sub3A_553 = arith.subf %mul3A_550, %sub3A_552 : vector<16xf32>
        %mul3A_554 = arith.constant -4.500000e+00 : f32
        %mul3A_555 = vector.broadcast %mul3A_554 : f32 to vector<16xf32>
        %mul3A_556 = arith.mulf %sub3A_553, %mul3A_555 : vector<16xf32>
        %mul3A_557 = arith.mulf %sub3A_553, %mul3A_556 : vector<16xf32>
        %exp3A = math.exp %mul3A_557 : vector<16xf32>
        %swap3A = arith.constant 0 : i32
        %swap3A_558 = arith.index_cast %swap3A : i32 to index
        %swap3A_559 = arith.index_cast %mul3A_502 : i32 to index
        %swap3A_560 = tpu.vector_load %arg24[%swap3A_558, %swap3A_559] {strides = array<i32>} : memref<16x1280xf32, #tpu.memory_space<vmem>>, vector<16xf32>,
        tpu.vector_store %arg24[%swap3A_558, %swap3A_559], %exp3A {strides = array<i32>} : memref<16x1280xf32, #tpu.memory_space<vmem>>, vector<16xf32>,
        %sub3A_561 = arith.constant 0.333333343 : f32
        %sub3A_562 = vector.broadcast %sub3A_561 : f32 to vector<16xf32>
        %sub3A_563 = arith.subf %mul3A_550, %sub3A_562 : vector<16xf32>
        %mul3A_564 = arith.constant -4.500000e+00 : f32
        %mul3A_565 = vector.broadcast %mul3A_564 : f32 to vector<16xf32>
        %mul3A_566 = arith.mulf %sub3A_563, %mul3A_565 : vector<16xf32>
        %mul3A_567 = arith.mulf %sub3A_563, %mul3A_566 : vector<16xf32>
        %exp3A_568 = math.exp %mul3A_567 : vector<16xf32>
        %swap3A_569 = arith.constant 1 : i32
        %swap3A_570 = arith.index_cast %swap3A_569 : i32 to index
        %swap3A_571 = arith.index_cast %mul3A_502 : i32 to index
        %swap3A_572 = tpu.vector_load %arg24[%swap3A_570, %swap3A_571] {strides = array<i32>} : memref<16x1280xf32, #tpu.memory_space<vmem>>, vector<16xf32>,
        tpu.vector_store %arg24[%swap3A_570, %swap3A_571], %exp3A_568 {strides = array<i32>} : memref<16x1280xf32, #tpu.memory_space<vmem>>, vector<16xf32>,
        %sub3A_573 = arith.constant 0.666666686 : f32
        %sub3A_574 = vector.broadcast %sub3A_573 : f32 to vector<16xf32>
        %sub3A_575 = arith.subf %mul3A_550, %sub3A_574 : vector<16xf32>
        %mul3A_576 = arith.constant -4.500000e+00 : f32
        %mul3A_577 = vector.broadcast %mul3A_576 : f32 to vector<16xf32>
        %mul3A_578 = arith.mulf %sub3A_575, %mul3A_577 : vector<16xf32>
        %mul3A_579 = arith.mulf %sub3A_575, %mul3A_578 : vector<16xf32>
        %exp3A_580 = math.exp %mul3A_579 : vector<16xf32>
        %swap3A_581 = arith.constant 2 : i32
        %swap3A_582 = arith.index_cast %swap3A_581 : i32 to index
        %swap3A_583 = arith.index_cast %mul3A_502 : i32 to index
        %swap3A_584 = tpu.vector_load %arg24[%swap3A_582, %swap3A_583] {strides = array<i32>} : memref<16x1280xf32, #tpu.memory_space<vmem>>, vector<16xf32>,
        tpu.vector_store %arg24[%swap3A_582, %swap3A_583], %exp3A_580 {strides = array<i32>} : memref<16x1280xf32, #tpu.memory_space<vmem>>, vector<16xf32>,
        %sub3A_585 = arith.constant 1.000000e+00 : f32
        %sub3A_586 = vector.broadcast %sub3A_585 : f32 to vector<16xf32>
        %sub3A_587 = arith.subf %mul3A_550, %sub3A_586 : vector<16xf32>
        %mul3A_588 = arith.constant -4.500000e+00 : f32
        %mul3A_589 = vector.broadcast %mul3A_588 : f32 to vector<16xf32>
        %mul3A_590 = arith.mulf %sub3A_587, %mul3A_589 : vector<16xf32>
        %mul3A_591 = arith.mulf %sub3A_587, %mul3A_590 : vector<16xf32>
        %exp3A_592 = math.exp %mul3A_591 : vector<16xf32>
        %swap3A_593 = arith.constant 3 : i32
        %swap3A_594 = arith.index_cast %swap3A_593 : i32 to index
        %swap3A_595 = arith.index_cast %mul3A_502 : i32 to index
        %swap3A_596 = tpu.vector_load %arg24[%swap3A_594, %swap3A_595] {strides = array<i32>} : memref<16x1280xf32, #tpu.memory_space<vmem>>, vector<16xf32>,
        tpu.vector_store %arg24[%swap3A_594, %swap3A_595], %exp3A_592 {strides = array<i32>} : memref<16x1280xf32, #tpu.memory_space<vmem>>, vector<16xf32>,
        %sub3A_597 = arith.constant 1.33333337 : f32
        %sub3A_598 = vector.broadcast %sub3A_597 : f32 to vector<16xf32>
        %sub3A_599 = arith.subf %mul3A_550, %sub3A_598 : vector<16xf32>
        %mul3A_600 = arith.constant -4.500000e+00 : f32
        %mul3A_601 = vector.broadcast %mul3A_600 : f32 to vector<16xf32>
        %mul3A_602 = arith.mulf %sub3A_599, %mul3A_601 : vector<16xf32>
        %mul3A_603 = arith.mulf %sub3A_599, %mul3A_602 : vector<16xf32>
        %exp3A_604 = math.exp %mul3A_603 : vector<16xf32>
        %swap3A_605 = arith.constant 4 : i32
        %swap3A_606 = arith.index_cast %swap3A_605 : i32 to index
        %swap3A_607 = arith.index_cast %mul3A_502 : i32 to index
        %swap3A_608 = tpu.vector_load %arg24[%swap3A_606, %swap3A_607] {strides = array<i32>} : memref<16x1280xf32, #tpu.memory_space<vmem>>, vector<16xf32>,
        tpu.vector_store %arg24[%swap3A_606, %swap3A_607], %exp3A_604 {strides = array<i32>} : memref<16x1280xf32, #tpu.memory_space<vmem>>, vector<16xf32>,
        %sub3A_609 = arith.constant 1.66666663 : f32
        %sub3A_610 = vector.broadcast %sub3A_609 : f32 to vector<16xf32>
        %sub3A_611 = arith.subf %mul3A_550, %sub3A_610 : vector<16xf32>
        %mul3A_612 = arith.constant -4.500000e+00 : f32
        %mul3A_613 = vector.broadcast %mul3A_612 : f32 to vector<16xf32>
        %mul3A_614 = arith.mulf %sub3A_611, %mul3A_613 : vector<16xf32>
        %mul3A_615 = arith.mulf %sub3A_611, %mul3A_614 : vector<16xf32>
        %exp3A_616 = math.exp %mul3A_615 : vector<16xf32>
        %swap3A_617 = arith.constant 5 : i32
        %swap3A_618 = arith.index_cast %swap3A_617 : i32 to index
        %swap3A_619 = arith.index_cast %mul3A_502 : i32 to index
        %swap3A_620 = tpu.vector_load %arg24[%swap3A_618, %swap3A_619] {strides = array<i32>} : memref<16x1280xf32, #tpu.memory_space<vmem>>, vector<16xf32>,
        tpu.vector_store %arg24[%swap3A_618, %swap3A_619], %exp3A_616 {strides = array<i32>} : memref<16x1280xf32, #tpu.memory_space<vmem>>, vector<16xf32>,
        %sub3A_621 = arith.constant 2.000000e+00 : f32
        %sub3A_622 = vector.broadcast %sub3A_621 : f32 to vector<16xf32>
        %sub3A_623 = arith.subf %mul3A_550, %sub3A_622 : vector<16xf32>
        %mul3A_624 = arith.constant -4.500000e+00 : f32
        %mul3A_625 = vector.broadcast %mul3A_624 : f32 to vector<16xf32>
        %mul3A_626 = arith.mulf %sub3A_623, %mul3A_625 : vector<16xf32>
        %mul3A_627 = arith.mulf %sub3A_623, %mul3A_626 : vector<16xf32>
        %exp3A_628 = math.exp %mul3A_627 : vector<16xf32>
        %swap3A_629 = arith.constant 6 : i32
        %swap3A_630 = arith.index_cast %swap3A_629 : i32 to index
        %swap3A_631 = arith.index_cast %mul3A_502 : i32 to index
        %swap3A_632 = tpu.vector_load %arg24[%swap3A_630, %swap3A_631] {strides = array<i32>} : memref<16x1280xf32, #tpu.memory_space<vmem>>, vector<16xf32>,
        tpu.vector_store %arg24[%swap3A_630, %swap3A_631], %exp3A_628 {strides = array<i32>} : memref<16x1280xf32, #tpu.memory_space<vmem>>, vector<16xf32>,
        %sub3A_633 = arith.constant 2.33333325 : f32
        %sub3A_634 = vector.broadcast %sub3A_633 : f32 to vector<16xf32>
        %sub3A_635 = arith.subf %mul3A_550, %sub3A_634 : vector<16xf32>
        %mul3A_636 = arith.constant -4.500000e+00 : f32
        %mul3A_637 = vector.broadcast %mul3A_636 : f32 to vector<16xf32>
        %mul3A_638 = arith.mulf %sub3A_635, %mul3A_637 : vector<16xf32>
        %mul3A_639 = arith.mulf %sub3A_635, %mul3A_638 : vector<16xf32>
        %exp3A_640 = math.exp %mul3A_639 : vector<16xf32>
        %swap3A_641 = arith.constant 7 : i32
        %swap3A_642 = arith.index_cast %swap3A_641 : i32 to index
        %swap3A_643 = arith.index_cast %mul3A_502 : i32 to index
        %swap3A_644 = tpu.vector_load %arg24[%swap3A_642, %swap3A_643] {strides = array<i32>} : memref<16x1280xf32, #tpu.memory_space<vmem>>, vector<16xf32>,
        tpu.vector_store %arg24[%swap3A_642, %swap3A_643], %exp3A_640 {strides = array<i32>} : memref<16x1280xf32, #tpu.memory_space<vmem>>, vector<16xf32>,
        %sub3A_645 = arith.constant 2.66666675 : f32
        %sub3A_646 = vector.broadcast %sub3A_645 : f32 to vector<16xf32>
        %sub3A_647 = arith.subf %mul3A_550, %sub3A_646 : vector<16xf32>
        %mul3A_648 = arith.constant -4.500000e+00 : f32
        %mul3A_649 = vector.broadcast %mul3A_648 : f32 to vector<16xf32>
        %mul3A_650 = arith.mulf %sub3A_647, %mul3A_649 : vector<16xf32>
        %mul3A_651 = arith.mulf %sub3A_647, %mul3A_650 : vector<16xf32>
        %exp3A_652 = math.exp %mul3A_651 : vector<16xf32>
        %swap3A_653 = arith.constant 8 : i32
        %swap3A_654 = arith.index_cast %swap3A_653 : i32 to index
        %swap3A_655 = arith.index_cast %mul3A_502 : i32 to index
        %swap3A_656 = tpu.vector_load %arg24[%swap3A_654, %swap3A_655] {strides = array<i32>} : memref<16x1280xf32, #tpu.memory_space<vmem>>, vector<16xf32>,
        tpu.vector_store %arg24[%swap3A_654, %swap3A_655], %exp3A_652 {strides = array<i32>} : memref<16x1280xf32, #tpu.memory_space<vmem>>, vector<16xf32>,
        %sub3A_657 = arith.constant 3.000000e+00 : f32
        %sub3A_658 = vector.broadcast %sub3A_657 : f32 to vector<16xf32>
        %sub3A_659 = arith.subf %mul3A_550, %sub3A_658 : vector<16xf32>
        %mul3A_660 = arith.constant -4.500000e+00 : f32
        %mul3A_661 = vector.broadcast %mul3A_660 : f32 to vector<16xf32>
        %mul3A_662 = arith.mulf %sub3A_659, %mul3A_661 : vector<16xf32>
        %mul3A_663 = arith.mulf %sub3A_659, %mul3A_662 : vector<16xf32>
        %exp3A_664 = math.exp %mul3A_663 : vector<16xf32>
        %swap3A_665 = arith.constant 9 : i32
        %swap3A_666 = arith.index_cast %swap3A_665 : i32 to index
        %swap3A_667 = arith.index_cast %mul3A_502 : i32 to index
        %swap3A_668 = tpu.vector_load %arg24[%swap3A_666, %swap3A_667] {strides = array<i32>} : memref<16x1280xf32, #tpu.memory_space<vmem>>, vector<16xf32>,
        tpu.vector_store %arg24[%swap3A_666, %swap3A_667], %exp3A_664 {strides = array<i32>} : memref<16x1280xf32, #tpu.memory_space<vmem>>, vector<16xf32>,
        %sub3A_669 = arith.constant 3.33333325 : f32
        %sub3A_670 = vector.broadcast %sub3A_669 : f32 to vector<16xf32>
        %sub3A_671 = arith.subf %mul3A_550, %sub3A_670 : vector<16xf32>
        %mul3A_672 = arith.constant -4.500000e+00 : f32
        %mul3A_673 = vector.broadcast %mul3A_672 : f32 to vector<16xf32>
        %mul3A_674 = arith.mulf %sub3A_671, %mul3A_673 : vector<16xf32>
        %mul3A_675 = arith.mulf %sub3A_671, %mul3A_674 : vector<16xf32>
        %exp3A_676 = math.exp %mul3A_675 : vector<16xf32>
        %swap3A_677 = arith.constant 10 : i32
        %swap3A_678 = arith.index_cast %swap3A_677 : i32 to index
        %swap3A_679 = arith.index_cast %mul3A_502 : i32 to index
        %swap3A_680 = tpu.vector_load %arg24[%swap3A_678, %swap3A_679] {strides = array<i32>} : memref<16x1280xf32, #tpu.memory_space<vmem>>, vector<16xf32>,
        tpu.vector_store %arg24[%swap3A_678, %swap3A_679], %exp3A_676 {strides = array<i32>} : memref<16x1280xf32, #tpu.memory_space<vmem>>, vector<16xf32>,
        %sub3A_681 = arith.constant 3.66666675 : f32
        %sub3A_682 = vector.broadcast %sub3A_681 : f32 to vector<16xf32>
        %sub3A_683 = arith.subf %mul3A_550, %sub3A_682 : vector<16xf32>
        %mul3A_684 = arith.constant -4.500000e+00 : f32
        %mul3A_685 = vector.broadcast %mul3A_684 : f32 to vector<16xf32>
        %mul3A_686 = arith.mulf %sub3A_683, %mul3A_685 : vector<16xf32>
        %mul3A_687 = arith.mulf %sub3A_683, %mul3A_686 : vector<16xf32>
        %exp3A_688 = math.exp %mul3A_687 : vector<16xf32>
        %swap3A_689 = arith.constant 11 : i32
        %swap3A_690 = arith.index_cast %swap3A_689 : i32 to index
        %swap3A_691 = arith.index_cast %mul3A_502 : i32 to index
        %swap3A_692 = tpu.vector_load %arg24[%swap3A_690, %swap3A_691] {strides = array<i32>} : memref<16x1280xf32, #tpu.memory_space<vmem>>, vector<16xf32>,
        tpu.vector_store %arg24[%swap3A_690, %swap3A_691], %exp3A_688 {strides = array<i32>} : memref<16x1280xf32, #tpu.memory_space<vmem>>, vector<16xf32>,
        %sub3A_693 = arith.constant 4.000000e+00 : f32
        %sub3A_694 = vector.broadcast %sub3A_693 : f32 to vector<16xf32>
        %sub3A_695 = arith.subf %mul3A_550, %sub3A_694 : vector<16xf32>
        %mul3A_696 = arith.constant -4.500000e+00 : f32
        %mul3A_697 = vector.broadcast %mul3A_696 : f32 to vector<16xf32>
        %mul3A_698 = arith.mulf %sub3A_695, %mul3A_697 : vector<16xf32>
        %mul3A_699 = arith.mulf %sub3A_695, %mul3A_698 : vector<16xf32>
        %exp3A_700 = math.exp %mul3A_699 : vector<16xf32>
        %swap3A_701 = arith.constant 12 : i32
        %swap3A_702 = arith.index_cast %swap3A_701 : i32 to index
        %swap3A_703 = arith.index_cast %mul3A_502 : i32 to index
        %swap3A_704 = tpu.vector_load %arg24[%swap3A_702, %swap3A_703] {strides = array<i32>} : memref<16x1280xf32, #tpu.memory_space<vmem>>, vector<16xf32>,
        tpu.vector_store %arg24[%swap3A_702, %swap3A_703], %exp3A_700 {strides = array<i32>} : memref<16x1280xf32, #tpu.memory_space<vmem>>, vector<16xf32>,
        %sub3A_705 = arith.constant 4.33333349 : f32
        %sub3A_706 = vector.broadcast %sub3A_705 : f32 to vector<16xf32>
        %sub3A_707 = arith.subf %mul3A_550, %sub3A_706 : vector<16xf32>
        %mul3A_708 = arith.constant -4.500000e+00 : f32
        %mul3A_709 = vector.broadcast %mul3A_708 : f32 to vector<16xf32>
        %mul3A_710 = arith.mulf %sub3A_707, %mul3A_709 : vector<16xf32>
        %mul3A_711 = arith.mulf %sub3A_707, %mul3A_710 : vector<16xf32>
        %exp3A_712 = math.exp %mul3A_711 : vector<16xf32>
        %swap3A_713 = arith.constant 13 : i32
        %swap3A_714 = arith.index_cast %swap3A_713 : i32 to index
        %swap3A_715 = arith.index_cast %mul3A_502 : i32 to index
        %swap3A_716 = tpu.vector_load %arg24[%swap3A_714, %swap3A_715] {strides = array<i32>} : memref<16x1280xf32, #tpu.memory_space<vmem>>, vector<16xf32>,
        tpu.vector_store %arg24[%swap3A_714, %swap3A_715], %exp3A_712 {strides = array<i32>} : memref<16x1280xf32, #tpu.memory_space<vmem>>, vector<16xf32>,
        %sub3A_717 = arith.constant 4.66666651 : f32
        %sub3A_718 = vector.broadcast %sub3A_717 : f32 to vector<16xf32>
        %sub3A_719 = arith.subf %mul3A_550, %sub3A_718 : vector<16xf32>
        %mul3A_720 = arith.constant -4.500000e+00 : f32
        %mul3A_721 = vector.broadcast %mul3A_720 : f32 to vector<16xf32>
        %mul3A_722 = arith.mulf %sub3A_719, %mul3A_721 : vector<16xf32>
        %mul3A_723 = arith.mulf %sub3A_719, %mul3A_722 : vector<16xf32>
        %exp3A_724 = math.exp %mul3A_723 : vector<16xf32>
        %swap3A_725 = arith.constant 14 : i32
        %swap3A_726 = arith.index_cast %swap3A_725 : i32 to index
        %swap3A_727 = arith.index_cast %mul3A_502 : i32 to index
        %swap3A_728 = tpu.vector_load %arg24[%swap3A_726, %swap3A_727] {strides = array<i32>} : memref<16x1280xf32, #tpu.memory_space<vmem>>, vector<16xf32>,
        tpu.vector_store %arg24[%swap3A_726, %swap3A_727], %exp3A_724 {strides = array<i32>} : memref<16x1280xf32, #tpu.memory_space<vmem>>, vector<16xf32>,
        %sub3A_729 = arith.constant 5.000000e+00 : f32
        %sub3A_730 = vector.broadcast %sub3A_729 : f32 to vector<16xf32>
        %sub3A_731 = arith.subf %mul3A_550, %sub3A_730 : vector<16xf32>
        %mul3A_732 = arith.constant -4.500000e+00 : f32
        %mul3A_733 = vector.broadcast %mul3A_732 : f32 to vector<16xf32>
        %mul3A_734 = arith.mulf %sub3A_731, %mul3A_733 : vector<16xf32>
        %mul3A_735 = arith.mulf %sub3A_731, %mul3A_734 : vector<16xf32>
        %exp3A_736 = math.exp %mul3A_735 : vector<16xf32>
        %swap3A_737 = arith.constant 15 : i32
        %swap3A_738 = arith.index_cast %swap3A_737 : i32 to index
        %swap3A_739 = arith.index_cast %mul3A_502 : i32 to index
        %swap3A_740 = tpu.vector_load %arg24[%swap3A_738, %swap3A_739] {strides = array<i32>} : memref<16x1280xf32, #tpu.memory_space<vmem>>, vector<16xf32>,
        tpu.vector_store %arg24[%swap3A_738, %swap3A_739], %exp3A_736 {strides = array<i32>} : memref<16x1280xf32, #tpu.memory_space<vmem>>, vector<16xf32>,
        %scan3A_741 = arith.constant 0 : i32
        scf.yield %scan3A_741 : i32
      }
      %scan3A_497 = arith.constant 8 : i32
      "tpu.region"() ({
        %run_scoped3A = tpu.sem_alloc : memref<!tpu.dma_semaphore, #tpu.memory_space<semaphore_mem>>
        %dma_start3A_499 = arith.constant 0 : i32
        %dma_start3A_500 = arith.constant 0 : i32
        %dma_start3A_501 = tpu.memref_slice %arg24[%dma_start3A_499, %dma_start3A_500] : memref<16x1280xf32, #tpu.memory_space<vmem>> -> memref<16x128xf32, #tpu.memory_space<vmem>>
        %dma_start3A_502 = arith.constant 0 : i32
        %dma_start3A_503 = tpu.memref_slice %arg7[%dma_start3A_502, %add3A_406] : memref<16x3200000xf32, #tpu.memory_space<hbm>> -> memref<16x128xf32, #tpu.memory_space<hbm>>
        %dma_start3A_504 = arith.constant 0 : i32
        %dma_start3A_505 = tpu.memref_slice %arg7[%dma_start3A_504, %add3A_406] : memref<16x3200000xf32, #tpu.memory_space<hbm>> -> memref<16x128xf32, #tpu.memory_space<hbm>>
        %dma_start3A_506 = arith.constant 0 : i32
        %dma_start3A_507 = arith.constant 0 : i32
        %dma_start3A_508 = tpu.memref_slice %arg24[%dma_start3A_506, %dma_start3A_507] : memref<16x1280xf32, #tpu.memory_space<vmem>> -> memref<16x128xf32, #tpu.memory_space<vmem>>
        tpu.enqueue_dma source(%dma_start3A_508 : memref<16x128xf32, #tpu.memory_space<vmem>>) target(%dma_start3A_505 : memref<16x128xf32, #tpu.memory_space<hbm>>) target_semaphore(%run_scoped3A : memref<!tpu.dma_semaphore, #tpu.memory_space<semaphore_mem>>)
        %dma_wait3A_509 = arith.constant 0 : i32
        %dma_wait3A_510 = arith.constant 0 : i32
        %dma_wait3A_511 = tpu.memref_slice %arg24[%dma_wait3A_509, %dma_wait3A_510] : memref<16x1280xf32, #tpu.memory_space<vmem>> -> memref<16x128xf32, #tpu.memory_space<vmem>>
        %dma_wait3A_512 = arith.constant 0 : i32
        %dma_wait3A_513 = tpu.memref_slice %arg7[%dma_wait3A_512, %add3A_406] : memref<16x3200000xf32, #tpu.memory_space<hbm>> -> memref<16x128xf32, #tpu.memory_space<hbm>>
        %dma_wait3A_514 = arith.constant 0 : i32
        %dma_wait3A_515 = tpu.memref_slice %arg7[%dma_wait3A_514, %add3A_406] : memref<16x3200000xf32, #tpu.memory_space<hbm>> -> memref<16x128xf32, #tpu.memory_space<hbm>>
        %dma_wait3A_516 = arith.constant 0 : i32
        %dma_wait3A_517 = arith.constant 0 : i32
        %dma_wait3A_518 = tpu.memref_slice %arg24[%dma_wait3A_516, %dma_wait3A_517] : memref<16x1280xf32, #tpu.memory_space<vmem>> -> memref<16x128xf32, #tpu.memory_space<vmem>>
        tpu.wait_dma2 semaphore(%run_scoped3A : memref<!tpu.dma_semaphore, #tpu.memory_space<semaphore_mem>>) src(%dma_wait3A_518 : memref<16x128xf32, #tpu.memory_space<vmem>>) dst(%dma_wait3A_515 : memref<16x128xf32, #tpu.memory_space<hbm>>)
        tpu.yield
      }) : () -> ()
      %while3A_498 = arith.constant 0 : i32
      scf.yield %while3A_498 : i32
    }
    return
  }
}

</mosaic_0001>

<sc_bundles>
// kernel: _sc_rbf.3.cloned.1.call-start
scs
__scs_entry_jumppad:
0x0: {  	(pc) =	sbr.rel $0x88, $3  }
0x1: {  	(tag) =	ssettag $0x0;
	lr =	simm.s32 $0x1  }
0x2: {  	[smem:$0x3F9C] =	sst lr;
	_ =	strace $0xD0000000  }
0x3: {  	_ = 	snop  }
0x4: {  	_ = 	snop  }
0x5: {  	_ = 	snop  }
0x6: {  	_ = 	snop  }
0x7: {  	_ = 	snop  }
__scs_overlays_trampoline_lowered:
0x8: {  	[smem:$0x3FAB] =	sst s0  }
0x9: {  	[smem:$0x3FAC] =	sst s1  }
0xa: {  	[smem:$0x3FAD] =	sst s2  }
0xb: {  	[smem:$0x3FAE] =	sst s3  }
0xc: {  	[smem:$0x3FAF] =	sst s4  }
0xd: {  	[smem:$0x3FB0] =	sst s5  }
0xe: {  	[smem:$0x3FB1] =	sst s6  }
0xf: {  	[smem:$0x3FB2] =	sst s7  }
0x10: {  	[smem:$0x3FB3] =	sst s8  }
0x11: {  	[smem:$0x3FB4] =	sst s9;
	s0 =	simm.s32 @!p0 $0x0  }
0x12: {  	s1 =	sld [smem:$0x3F9A];
	s0 =	simm.s32 @p0 $0x1  }
0x13: {  	[smem:$0x3FB5] =	sst s0;
	s0 =	simm.s32 @!p1 $0x0  }
0x14: {  	s2 =	sld [smem:$0x3F99];
	s0 =	simm.s32 @p1 $0x1  }
0x15: {  	[smem:$0x3FB6] =	sst s0;
	s0 =	simm.s32 @!p2 $0x0  }
0x16: {  	s3 =	sld [smem:$0x3FDB];
	s0 =	simm.s32 @p2 $0x1  }
0x17: {  	s4 =	simm.s32 $0x1BF5;
	[smem:$0x3FB8] =	sst s0  }
0x18: {  	s0 =	sld [smem:$0x3F9B];
	_ =	swait.ge [sflag:s4], $0x0  }
0x19: {  	s7 =	sld [smem:$0x3F9C]  }
0x1a: {  	s8 =	sadd.s32 $0xFFFFE003, lr  }
0x1b: {  	s9 =	sadd.s32 $0xFFFFFEF7, lr;
	s5 =	simm.s32 $0xFFFFFFFF;
	p2 =	slt.u32 s8, $0xFFFFF086  }
0x1c: {  	p1 =	slt.u32 s9, $0xF7A;
	s5 =	simm.s32 @!p2 $0x0  }
0x1d: {  	s5 =	simm.s32 @p1 $0x1;
	p0 =	seq.s32 s7, s2  }
0x1e: {  	s7 =	smul.u32 @!p0 $0xF7A, s2;
	p2 =	seq.s32 @!p0 s5, $0x0  }
0x1f: {  	s9 =	smul.u32 $0xF7A, s1;
	s8 =	simm.s32 @!p0 $0x1BF5;
	p2 =	por !p2, p0  }
0x20: {  	[sflag:s8] =	ssyncset.s32 @!p0 $0xFFFFF086;
	s6 =	sadd.s32 @!p0 s3, s7;
	s7 =	simm.s32 @!p0 $0x108  }
0x21: {  	s3 =	sadd.s32 s3, s9;
	s6 =	sadd.s32 @!p0 $0x88, s6;
	s7 =	simm.s32 @p2 $0x1082  }
0x22: {  	[simem:s7], [sflag:s8] =	dma.local @!p0 [hbm:s6], $0xF7A  }
0x23: {  	s9 =	sor.u32 $0xD0000000, s2;
	s6 =	simm.s32 $0x108;
	_ =	swait.ge @!p0 [sflag:s8], $0x0  }
0x24: {  	s3 =	sadd.s32 $0x88, s3;
	s6 =	simm.s32 @!p1 $0x1082;
	[sflag:s4] =	ssyncset.s32 $0xFFFFF086  }
0x25: {  	[simem:s6], [sflag:s4] =	dma.local [hbm:s3], $0xF7A  }
0x26: {  	[smem:$0x3F9C] =	sst s1;
	(tag) =	ssettag s2;
	_ =	strace s9  }
0x27: {  	s1 =	sld [smem:$0x3FAC]  }
0x28: {  	s2 =	sld [smem:$0x3FAD]  }
0x29: {  	s4 =	sld [smem:$0x3FAF]  }
0x2a: {  	p0 =	seq.s32 s5, $0x0;
	s5 =	sld [smem:$0x3FB0]  }
0x2b: {  	s6 =	sld [smem:$0x3FB1]  }
0x2c: {  	s7 =	sld [smem:$0x3FB2]  }
0x2d: {  	s3 =	simm.s32 $0x108;
	s8 =	sld [smem:$0x3FB3]  }
0x2e: {  	s3 =	simm.s32 @!p0 $0x1082;
	s9 =	sld [smem:$0x3FB4]  }
0x2f: {  	lr =	sadd.s32 s0, s3;
	s0 =	sld [smem:$0x3FAB]  }
0x30: {  	s3 =	sld [smem:$0x3FAE]  }
0x31: {  	[smem:$0x3FB7] =	sst s10  }
0x32: {  	s10 =	sld [smem:$0x3FB5];
	_ =	sdelay $0x3  }
0x33: {  	p0 =	seq.s32 s10, $0x1;
	s10 =	sld [smem:$0x3FB7];
	_ =	sdelay $0x3  }
0x34: {  	[smem:$0x3FB7] =	sst s10  }
0x35: {  	s10 =	sld [smem:$0x3FB6];
	_ =	sdelay $0x3  }
0x36: {  	p1 =	seq.s32 s10, $0x1;
	s10 =	sld [smem:$0x3FB7];
	_ =	sdelay $0x3  }
0x37: {  	[smem:$0x3FB7] =	sst s10  }
0x38: {  	s10 =	sld [smem:$0x3FB8]  }
0x39: {  	_ = 	snop;
	(pc) =	sbr.ind lr, $3  }
0x3a: {  	_ = 	snop  }
0x3b: {  	_ = 	snop  }
0x3c: {  	p2 =	seq.s32 s10, $0x1;
	s10 =	sld [smem:$0x3FB7]  }
0x3d: {  	_ =	shalt  }
0x3e: {  	_ =	shalt  }
0x3f: {  	_ =	shalt  }
0x40: {  	_ =	shalt  }
0x41: {  	_ =	shalt  }
0x42: {  	_ =	shalt  }
0x43: {  	_ =	shalt  }
0x44: {  	_ =	shalt  }
0x45: {  	_ =	shalt  }
0x46: {  	_ =	shalt  }
0x47: {  	_ =	shalt  }
0x48: {  	_ =	shalt  }
0x49: {  	_ =	shalt  }
0x4a: {  	_ =	shalt  }
0x4b: {  	_ =	shalt  }
0x4c: {  	_ =	shalt  }
0x4d: {  	_ =	shalt  }
0x4e: {  	_ =	shalt  }
0x4f: {  	_ =	shalt  }
0x50: {  	_ =	shalt  }
0x51: {  	_ =	shalt  }
0x52: {  	_ =	shalt  }
0x53: {  	_ =	shalt  }
0x54: {  	_ =	shalt  }
0x55: {  	_ =	shalt  }
0x56: {  	_ =	shalt  }
0x57: {  	_ =	shalt  }
0x58: {  	_ =	shalt  }
0x59: {  	_ =	shalt  }
0x5a: {  	_ =	shalt  }
0x5b: {  	_ =	shalt  }
0x5c: {  	_ =	shalt  }
0x5d: {  	_ =	shalt  }
0x5e: {  	_ =	shalt  }
0x5f: {  	_ =	shalt  }
0x60: {  	_ =	shalt  }
0x61: {  	_ =	shalt  }
0x62: {  	_ =	shalt  }
0x63: {  	_ =	shalt  }
0x64: {  	_ =	shalt  }
0x65: {  	_ =	shalt  }
0x66: {  	_ =	shalt  }
0x67: {  	_ =	shalt  }
0x68: {  	_ =	shalt  }
0x69: {  	_ =	shalt  }
0x6a: {  	_ =	shalt  }
0x6b: {  	_ =	shalt  }
0x6c: {  	_ =	shalt  }
0x6d: {  	_ =	shalt  }
0x6e: {  	_ =	shalt  }
0x6f: {  	_ =	shalt  }
0x70: {  	_ =	shalt  }
0x71: {  	_ =	shalt  }
0x72: {  	_ =	shalt  }
0x73: {  	_ =	shalt  }
0x74: {  	_ =	shalt  }
0x75: {  	_ =	shalt  }
0x76: {  	_ =	shalt  }
0x77: {  	_ =	shalt  }
0x78: {  	_ =	shalt  }
0x79: {  	_ =	shalt  }
0x7a: {  	_ =	shalt  }
0x7b: {  	_ =	shalt  }
0x7c: {  	_ =	shalt  }
0x7d: {  	_ =	shalt  }
0x7e: {  	_ =	shalt  }
0x7f: {  	_ =	shalt  }
0x80: {  	_ =	shalt  }
0x81: {  	_ =	shalt  }
0x82: {  	_ =	shalt  }
0x83: {  	_ =	shalt  }
0x84: {  	_ =	shalt  }
0x85: {  	_ =	shalt  }
0x86: {  	_ =	shalt  }
0x87: {  	_ =	shalt  }
.Lfunc_end0:
.L_simem_size_0:
called_computation_lowered:
.L_overlay_start_0:
0x88: {  	s2 =	sld [smem:$0x3FD9]  }
0x89: {  	s3 =	sld [smem:$0x3FFE];
	_ =	sdelay $0x1  }
0x8a: {  	s1 =	srdreg.scid  }
0x8b: {  	s0 =	sand.u32 $0x1, s1  }
0x8c: {  	s18 =	sshll.u32 s0, $0xA;
	s2 =	sadd.s32 s3, s2  }
0x8d: {  	s2 =	sadd.s32 s2, s18  }
0x8e: {  	[smem:$0x3FC3] =	sst s2  }
0x8f: {  	_ = 	snop  }
0x90: {  	s2 =	sld [smem:$0x3FC9]  }
0x91: {  	s19 =	sld [smem:$0x3FC8]  }
0x92: {  	s4 =	sld [smem:$0x3FC7]  }
0x93: {  	s5 =	sld [smem:$0x3FC6]  }
0x94: {  	s6 =	sld [smem:$0x3FC5]  }
0x95: {  	s7 =	sld [smem:$0x3FD0];
	(tm) =	ssettm $0x1  }
0x96: {  	s8 =	sld [smem:$0x3FFB];
	_ =	sdelay $0x3  }
0x97: {  	_ =	strace s8  }
0x98: {  	s8 =	sld [smem:$0x3FFC];
	_ =	sdelay $0x3  }
0x99: {  	_ =	strace s8  }
0x9a: {  	s8 =	sld [smem:$0x3FFD];
	_ =	sdelay $0x3  }
0x9b: {  	_ =	strace s8  }
0x9c: {  	_ =	strace $0x8FFFFFFF  }
0x9d: {  	s20 =	sld [smem:$0x3FDB];
	_ =	sdelay $0x1  }
0x9e: {  	s9 =	simm.s32 $_scs_section_size  }
0x9f: {  	s10 =	simm.s32 $_size__tile_overlayer_lowered;
	s11 =	simm.s32 $_tile_overlayer_lowered  }
0xa0: {  	s23 =	simm.s32 $0x1BFF;
	s22 =	sshll.u32 s11, $0x1;
	s8 =	sadd.s32 s9, s20  }
0xa1: {  	s12 =	simm.s32 $0x0;
	s21 =	sshll.u32 s10, $0x1;
	s10 =	sadd.s32 s22, s8  }
0xa2: {  	[timem:s12], [sflag:s23] =	dma.local [hbm:s10], s21  }
0xa3: {  	_ =	swait.ge [sflag:s23], s21  }
0xa4: {  	s9 =	ssub.s32 $0x0, s21;
	[sflag:s23] =	ssyncset.done $0x0  }
0xa5: {  	[sflag:s23] =	ssyncadd.s32 s9;
	_ =	sdelay $0x1  }
0xa6: {  	s24 =	simm.s32 $0x1B8B  }
0xa7: {  	_ =	swait.ge [sflag:s24], $0x1  }
0xa8: {  	[sflag:s24] =	ssyncset.done $0x0  }
0xa9: {  	s25 =	simm.s32 $0x1B8E;
	[sflag:s24] =	ssyncadd.s32 $0xFFFFFFFF  }
0xaa: {  	s26 =	simm.s32 $execute0_lowered;
	[smem:$0x3FD2] =	sst s25  }
0xab: {  	s9 =	sshll.u32 s26, $0x1;
	_ =	strace $0x80000046;
	[dreg:$0x1] =	wrdreg $0xFFFFFFFF  }
0xac: {  	s28 =	simm.s32 $_size_execute0_lowered;
	s8 =	sadd.s32 s8, s9;
	[dreg:$0x0] =	wrdreg $0x0  }
0xad: {  	s9 =	sshll.u32 s28, $0x1;
	[dreg:$0x2] =	wrdreg s8  }
0xae: {  	[dreg:$0x3] =	wrdreg s9  }
0xaf: {  	[dreg:$0x4] =	wrdreg $0xC0  }
0xb0: {  	_ =	task [dreg:s12], $0x5FFFF  }
0xb1: {  	[dreg:$0x1] =	wrdreg $0xFFFFFFFF  }
0xb2: {  	[dreg:$0x0] =	wrdreg $0x60  }
0xb3: {  	[dreg:$0x2] =	wrdreg s2  }
0xb4: {  	[dreg:$0x3] =	wrdreg s19  }
0xb5: {  	[dreg:$0x4] =	wrdreg s4  }
0xb6: {  	[dreg:$0x5] =	wrdreg s5  }
0xb7: {  	[dreg:$0x6] =	wrdreg s6  }
0xb8: {  	[dreg:$0x7] =	wrdreg s7  }
0xb9: {  	[dreg:$0x8] =	wrdreg $0xF0000  }
0xba: {  	[dreg:$0x9] =	wrdreg $0x108700  }
0xbb: {  	[dreg:$0xa] =	wrdreg $0x120E00  }
0xbc: {  	[dreg:$0xb] =	wrdreg $0x9  }
0xbd: {  	_ =	task.clear_ibuf [dreg:s12], $0xCFFFF;
	_ =	strace $0x90000046  }
0xbe: {  	s29 =	simm.s32 $0x9;
	_ =	strace $0x80000048  }
0xbf: {  	_ =	swait.ge [sflag:s29], $0x1  }
0xc0: {  	[sflag:s29] =	ssyncadd.s32 $0xFFFFFFFF  }
0xc1: {  	_ =	strace $0x90000048  }
0xc2: {  	_ =	sfence  }
0xc3: {  	s30 =	sld [smem:$0x0];
	_ =	sdelay $0x2  }
0xc4: {  	s31 =	sshll.u32 s1, $0xD;
	s1 =	sshrl.u32 s1, $0x2  }
0xc5: {  	s3 =	sand.u32 $0x4000, s31;
	s1 =	sadd.s32 s1, s30  }
0xc6: {  	s0 =	sor.u32 s3, s0;
	s1 =	sshll.u32 s1, $0x11  }
0xc7: {  	s0 =	sor.u32 s1, s0  }
0xc8: {  	s0 =	sadd.s32 $0x8F2B, s0  }
0xc9: {  	[sflag:s0] =	ssyncadd.remote.s32 $0x1  }
0xca: {  	_ =	sfence.sel $0xFFFF  }
0xcb: {  	[dreg:$0x0] =	wrdreg $0xFFFFFFFF;
	(pc) =	sbr.abs _section_cstart, $3  }
0xcc: {  	[dreg:$0x1] =	wrdreg $0xFFFFFFFF  }
0xcd: {  	_ =	task.clear_ibuf [dreg:s12], $0x2FFFF;
	_ =	strace $0x9FFFFFFF  }
0xce: {  	(tm) =	ssettm $0x7FFFFFFF  }
0xcf: {  	_ =	shalt  }
tec
execute0_lowered:
.L_overlay_start_1:
0x0: {  	(tag) =	ssettag $0x1  }
0x1: {  	s5 =	rddreg [dreg:$0x3]  }
0x2: {  	s7 =	rddreg [dreg:$0x4]  }
0x3: {  	s11 =	rddreg [dreg:$0x5]  }
0x4: {  	s6 =	rddreg [dreg:$0x6]  }
0x5: {  	s0 =	srdreg.scid;
	s8 =	rddreg [dreg:$0x7]  }
0x6: {  	s1 =	stileid.u32;
	s9 =	rddreg [dreg:$0x8]  }
0x7: {  	s10 =	simm.s32 $0x0;
	s21 =	simm.s32 $0x5;
	s22 =	simm.s32 $0xA00  }
0x8: {  	s23 =	simm.s32 $0x80;
	s12 =	simm.s32 $0x1400;
	s13 =	simm.s32 $0x1E00  }
0x9: {  	s15 =	simm.s32 $0x3200;
	s0 =	sand.u32 $0x1, s0;
	s2 =	sshll.u32 s1, $0x1  }
0xa: {  	s16 =	simm.s32 $0x3C00;
	s2 =	sor.u32 s0, s2;
	s0 =	ssub.s32 $0x2, s0  }
0xb: {  	s18 =	simm.s32 $0x4600;
	[smem:$0x7FF] =	sst s10;
	s26 =	sshrl.u32 s0, $0x1  }
0xc: {  	p0 =	sne.s32 s1, $0x0;
	s3 =	smul.u32 $0x30D, s2;
	s0 =	ssub.s32 s0, s26  }
0xd: {  	_ =	strace $0x80000047;
	s2 =	smin.u32 s2, $0x8;
	s0 =	smax.u32 s0, $0x1  }
0xe: {  	s2 =	sadd.s32 s2, s3;
	[dreg:$0xf] =	wrdreg s0;
	s0 =	sshrl.u32 @!p0 s6, $0x3  }
0xf: {  	s4 =	sshll.u32 s2, $0x4;
	s31 =	sadd.s32 $0x30C, s2;
	[dreg:$0x10] =	wrdreg s0  }
0x10: {  	s30 =	simm.s32 $0x500;
	s5 =	sadd.s32 s5, s4;
	[dreg:$0xe] =	wrdreg s31  }
0x11: {  	s28 =	sshll.u32 s2, $0x7;
	s4 =	sadd.s32 s7, s4;
	[dreg:$0xa] =	wrdreg s5  }
0x12: {  	p1 =	slt.u32 s1, $0x4;
	s29 =	sadd.s32 $0x500, s28;
	[dreg:$0xb] =	wrdreg s4  }
0x13: {  	s1 =	simm.s32 $0xF00;
	s3 =	sadd.s32 $0xA00, s28;
	[dreg:$0xc] =	wrdreg s29  }
0x14: {  	s2 =	simm.s32 $0x0;
	s0 =	sshrl.u32 @!p0 s8, $0x3;
	[dreg:$0xd] =	wrdreg s3  }
0x15: {  	s14 =	sadd.s32 s11, s28;
	[dreg:$0x11] =	wrdreg s0;
	s0 =	sshrl.u32 @!p0 s9, $0x3  }
0x16: {  	s3 =	simm.s32 $0x1;
	s4 =	simm.s32 $0x2;
	[dreg:$0x12] =	wrdreg s0  }
.LBB2_1:
0x17: {  	[dreg:$0x13] =	wrdreg s2  }
0x18: {  	s2 =	rddreg [dreg:$0x0]  }
0x19: {  	s0 =	simm.s32 @!p0 $0x1C05;
	s5 =	rddreg [dreg:$0x10]  }
0x1a: {  	[spmem:s5], [sflag:s0] =	dma.local @!p0 [hbm:s2], $0x30E0  }
0x1b: {  	s2 =	simm.s32 @!p0 $0x5  }
0x1c: {  	_ =	swait.ge @!p0 [sflag:s2], $0x30E0  }
0x1d: {  	[sflag:s2] =	ssyncset.done @!p0 $0x0  }
0x1e: {  	s7 =	rddreg [dreg:$0x11];
	[sflag:s2] =	ssyncadd.s32 @!p0 $0xFFFFCF20  }
0x1f: {  	s5 =	rddreg [dreg:$0x1]  }
0x20: {  	[spmem:s7], [sflag:s0] =	dma.local @!p0 [hbm:s5], $0x30E0  }
0x21: {  	_ =	swait.ge @!p0 [sflag:s2], $0x30E0  }
0x22: {  	[sflag:s2] =	ssyncset.done @!p0 $0x0  }
0x23: {  	s7 =	rddreg [dreg:$0x12];
	[sflag:s2] =	ssyncadd.s32 @!p0 $0xFFFFCF20  }
0x24: {  	s5 =	rddreg [dreg:$0x2]  }
0x25: {  	[spmem:s7], [sflag:s0] =	dma.local @!p0 [hbm:s5], $0x30E0  }
0x26: {  	_ =	swait.ge @!p0 [sflag:s2], $0x30E0  }
0x27: {  	[sflag:s2] =	ssyncset.done @!p0 $0x0  }
0x28: {  	[sflag:s2] =	ssyncadd.s32 @!p0 $0xFFFFCF20  }
0x29: {  	[bflag:$0x0] =	sbarrier.arrive $0xFFFF  }
0x2a: {  	s25 =	rddreg [dreg:$0xa]  }
0x2b: {  	[tilespmem:s10], [sflag:$0x5] =	stream.linear.gather [hbm4b:s25+s10], $0x500, $0x38;
	[tilespmem:$0x13950] =	vst v63  }
0x2c: {  	_ =	swait.ge [sflag:s21], $0x500  }
0x2d: {  	[sflag:s21] =	ssyncset.done $0x0  }
0x2e: {  	s26 =	rddreg [dreg:$0xb];
	[sflag:s21] =	ssyncadd.s32 $0xFFFFFB00  }
0x2f: {  	[tilespmem:s22], [sflag:$0x5] =	stream.linear.gather [hbm4b:s26+s10], $0x500, $0x38;
	[tilespmem:$0x13950] =	vst v63  }
0x30: {  	_ =	swait.ge [sflag:s21], $0x500  }
0x31: {  	[sflag:s21] =	ssyncset.done $0x0  }
0x32: {  	[sflag:s21] =	ssyncadd.s32 $0xFFFFFB00  }
0x33: {  	[tilespmem:s12], [sflag:$0x1] =	stream.indirect.gather [spmem:s6], $0x1, s10, s23, $0xb8;
	[tilespmem:$0x13950] =	vst v63  }
0x34: {  	_ = 	snop  }
0x35: {  	[tilespmem:s13], [sflag:$0x1] =	stream.indirect.gather [spmem:s8], $0x1, s10, s23, $0xb8;
	[tilespmem:$0x13950] =	vst v63  }
0x36: {  	s28 =	simm.s32 $0x2800  }
0x37: {  	[tilespmem:s28], [sflag:$0x1] =	stream.indirect.gather [spmem:s9], $0x1, s10, s23, $0xb8;
	[tilespmem:$0x13950] =	vst v63  }
0x38: {  	_ = 	snop  }
0x39: {  	[tilespmem:s15], [sflag:$0x1] =	stream.indirect.gather [spmem:s6], $0x1, s22, s23, $0xb8;
	[tilespmem:$0x13950] =	vst v63  }
0x3a: {  	_ = 	snop  }
0x3b: {  	[tilespmem:s16], [sflag:$0x1] =	stream.indirect.gather [spmem:s8], $0x1, s22, s23, $0xb8;
	[tilespmem:$0x13950] =	vst v63  }
0x3c: {  	_ = 	snop  }
0x3d: {  	[tilespmem:s18], [sflag:$0x1] =	stream.indirect.gather [spmem:s9], $0x1, s22, s23, $0xb8;
	[tilespmem:$0x13950] =	vst v63  }
0x3e: {  	s29 =	simm.s32 $0x1480  }
0x3f: {  	[tilespmem:s29], [sflag:$0x1] =	stream.indirect.gather [spmem:s6], $0x1, s23, s23, $0xb8;
	[tilespmem:$0x13950] =	vst v63  }
0x40: {  	s31 =	simm.s32 $0x1E80  }
0x41: {  	[tilespmem:s31], [sflag:$0x1] =	stream.indirect.gather [spmem:s8], $0x1, s23, s23, $0xb8;
	[tilespmem:$0x13950] =	vst v63  }
0x42: {  	s2 =	simm.s32 $0x2880  }
0x43: {  	[tilespmem:s2], [sflag:$0x1] =	stream.indirect.gather [spmem:s9], $0x1, s23, s23, $0xb8;
	[tilespmem:$0x13950] =	vst v63  }
0x44: {  	s5 =	simm.s32 $0xA80;
	s7 =	simm.s32 $0x3280  }
0x45: {  	[tilespmem:s7], [sflag:$0x1] =	stream.indirect.gather [spmem:s6], $0x1, s5, s23, $0xb8;
	[tilespmem:$0x13950] =	vst v63  }
0x46: {  	s11 =	simm.s32 $0x3C80  }
0x47: {  	[tilespmem:s11], [sflag:$0x1] =	stream.indirect.gather [spmem:s8], $0x1, s5, s23, $0xb8;
	[tilespmem:$0x13950] =	vst v63  }
0x48: {  	s12 =	simm.s32 $0x4680  }
0x49: {  	[tilespmem:s12], [sflag:$0x1] =	stream.indirect.gather [spmem:s9], $0x1, s5, s23, $0xb8;
	[tilespmem:$0x13950] =	vst v63  }
0x4a: {  	s13 =	simm.s32 $0x100;
	s15 =	simm.s32 $0x1500  }
0x4b: {  	[tilespmem:s15], [sflag:$0x1] =	stream.indirect.gather [spmem:s6], $0x1, s13, s23, $0xb8;
	[tilespmem:$0x13950] =	vst v63  }
0x4c: {  	s16 =	simm.s32 $0x1F00  }
0x4d: {  	[tilespmem:s16], [sflag:$0x1] =	stream.indirect.gather [spmem:s8], $0x1, s13, s23, $0xb8;
	[tilespmem:$0x13950] =	vst v63  }
0x4e: {  	s17 =	simm.s32 $0x2900  }
0x4f: {  	[tilespmem:s17], [sflag:$0x1] =	stream.indirect.gather [spmem:s9], $0x1, s13, s23, $0xb8;
	[tilespmem:$0x13950] =	vst v63  }
0x50: {  	s19 =	simm.s32 $0x3300;
	s18 =	simm.s32 $0xB00  }
0x51: {  	[tilespmem:s19], [sflag:$0x1] =	stream.indirect.gather [spmem:s6], $0x1, s18, s23, $0xb8;
	[tilespmem:$0x13950] =	vst v63  }
0x52: {  	s20 =	simm.s32 $0x3D00  }
0x53: {  	[tilespmem:s20], [sflag:$0x1] =	stream.indirect.gather [spmem:s8], $0x1, s18, s23, $0xb8;
	[tilespmem:$0x13950] =	vst v63  }
0x54: {  	s24 =	simm.s32 $0x4700  }
0x55: {  	[tilespmem:s24], [sflag:$0x1] =	stream.indirect.gather [spmem:s9], $0x1, s18, s23, $0xb8;
	[tilespmem:$0x13950] =	vst v63  }
0x56: {  	s25 =	simm.s32 $0x180;
	s26 =	simm.s32 $0x1580  }
0x57: {  	[tilespmem:s26], [sflag:$0x1] =	stream.indirect.gather [spmem:s6], $0x1, s25, s23, $0xb8;
	[tilespmem:$0x13950] =	vst v63  }
0x58: {  	s28 =	simm.s32 $0x1F80  }
0x59: {  	[tilespmem:s28], [sflag:$0x1] =	stream.indirect.gather [spmem:s8], $0x1, s25, s23, $0xb8;
	[tilespmem:$0x13950] =	vst v63  }
0x5a: {  	s29 =	simm.s32 $0x2980  }
0x5b: {  	[tilespmem:s29], [sflag:$0x1] =	stream.indirect.gather [spmem:s9], $0x1, s25, s23, $0xb8;
	[tilespmem:$0x13950] =	vst v63  }
0x5c: {  	s31 =	simm.s32 $0xB80;
	s5 =	simm.s32 $0x3380  }
0x5d: {  	[tilespmem:s5], [sflag:$0x1] =	stream.indirect.gather [spmem:s6], $0x1, s31, s23, $0xb8;
	[tilespmem:$0x13950] =	vst v63  }
0x5e: {  	s7 =	simm.s32 $0x3D80  }
0x5f: {  	[tilespmem:s7], [sflag:$0x1] =	stream.indirect.gather [spmem:s8], $0x1, s31, s23, $0xb8;
	[tilespmem:$0x13950] =	vst v63  }
0x60: {  	s11 =	simm.s32 $0x4780  }
0x61: {  	[tilespmem:s11], [sflag:$0x1] =	stream.indirect.gather [spmem:s9], $0x1, s31, s23, $0xb8;
	[tilespmem:$0x13950] =	vst v63  }
0x62: {  	s12 =	simm.s32 $0x200;
	s13 =	simm.s32 $0x1600  }
0x63: {  	[tilespmem:s13], [sflag:$0x1] =	stream.indirect.gather [spmem:s6], $0x1, s12, s23, $0xb8;
	[tilespmem:$0x13950] =	vst v63  }
0x64: {  	s15 =	simm.s32 $0x2000  }
0x65: {  	[tilespmem:s15], [sflag:$0x1] =	stream.indirect.gather [spmem:s8], $0x1, s12, s23, $0xb8;
	[tilespmem:$0x13950] =	vst v63  }
0x66: {  	s16 =	simm.s32 $0x2A00  }
0x67: {  	[tilespmem:s16], [sflag:$0x1] =	stream.indirect.gather [spmem:s9], $0x1, s12, s23, $0xb8;
	[tilespmem:$0x13950] =	vst v63  }
0x68: {  	s17 =	simm.s32 $0xC00;
	s18 =	simm.s32 $0x3400  }
0x69: {  	[tilespmem:s18], [sflag:$0x1] =	stream.indirect.gather [spmem:s6], $0x1, s17, s23, $0xb8;
	[tilespmem:$0x13950] =	vst v63  }
0x6a: {  	s19 =	simm.s32 $0x3E00  }
0x6b: {  	[tilespmem:s19], [sflag:$0x1] =	stream.indirect.gather [spmem:s8], $0x1, s17, s23, $0xb8;
	[tilespmem:$0x13950] =	vst v63  }
0x6c: {  	s20 =	simm.s32 $0x4800  }
0x6d: {  	[tilespmem:s20], [sflag:$0x1] =	stream.indirect.gather [spmem:s9], $0x1, s17, s23, $0xb8;
	[tilespmem:$0x13950] =	vst v63  }
0x6e: {  	s24 =	simm.s32 $0x280;
	s25 =	simm.s32 $0x1680  }
0x6f: {  	[tilespmem:s25], [sflag:$0x1] =	stream.indirect.gather [spmem:s6], $0x1, s24, s23, $0xb8;
	[tilespmem:$0x13950] =	vst v63  }
0x70: {  	s26 =	simm.s32 $0x2080  }
0x71: {  	[tilespmem:s26], [sflag:$0x1] =	stream.indirect.gather [spmem:s8], $0x1, s24, s23, $0xb8;
	[tilespmem:$0x13950] =	vst v63  }
0x72: {  	s28 =	simm.s32 $0x2A80  }
0x73: {  	[tilespmem:s28], [sflag:$0x1] =	stream.indirect.gather [spmem:s9], $0x1, s24, s23, $0xb8;
	[tilespmem:$0x13950] =	vst v63  }
0x74: {  	s29 =	simm.s32 $0xC80;
	s31 =	simm.s32 $0x3480  }
0x75: {  	[tilespmem:s31], [sflag:$0x1] =	stream.indirect.gather [spmem:s6], $0x1, s29, s23, $0xb8;
	[tilespmem:$0x13950] =	vst v63  }
0x76: {  	s5 =	simm.s32 $0x3E80  }
0x77: {  	[tilespmem:s5], [sflag:$0x1] =	stream.indirect.gather [spmem:s8], $0x1, s29, s23, $0xb8;
	[tilespmem:$0x13950] =	vst v63  }
0x78: {  	s7 =	simm.s32 $0x4880  }
0x79: {  	[tilespmem:s7], [sflag:$0x1] =	stream.indirect.gather [spmem:s9], $0x1, s29, s23, $0xb8;
	[tilespmem:$0x13950] =	vst v63  }
0x7a: {  	s11 =	simm.s32 $0x300;
	s12 =	simm.s32 $0x1700  }
0x7b: {  	[tilespmem:s12], [sflag:$0x1] =	stream.indirect.gather [spmem:s6], $0x1, s11, s23, $0xb8;
	[tilespmem:$0x13950] =	vst v63  }
0x7c: {  	s13 =	simm.s32 $0x2100  }
0x7d: {  	[tilespmem:s13], [sflag:$0x1] =	stream.indirect.gather [spmem:s8], $0x1, s11, s23, $0xb8;
	[tilespmem:$0x13950] =	vst v63  }
0x7e: {  	s15 =	simm.s32 $0x2B00  }
0x7f: {  	[tilespmem:s15], [sflag:$0x1] =	stream.indirect.gather [spmem:s9], $0x1, s11, s23, $0xb8;
	[tilespmem:$0x13950] =	vst v63  }
0x80: {  	s16 =	simm.s32 $0xD00;
	s17 =	simm.s32 $0x3500  }
0x81: {  	[tilespmem:s17], [sflag:$0x1] =	stream.indirect.gather [spmem:s6], $0x1, s16, s23, $0xb8;
	[tilespmem:$0x13950] =	vst v63  }
0x82: {  	s18 =	simm.s32 $0x3F00  }
0x83: {  	[tilespmem:s18], [sflag:$0x1] =	stream.indirect.gather [spmem:s8], $0x1, s16, s23, $0xb8;
	[tilespmem:$0x13950] =	vst v63  }
0x84: {  	s19 =	simm.s32 $0x4900  }
0x85: {  	[tilespmem:s19], [sflag:$0x1] =	stream.indirect.gather [spmem:s9], $0x1, s16, s23, $0xb8;
	[tilespmem:$0x13950] =	vst v63  }
0x86: {  	s20 =	simm.s32 $0x380;
	s24 =	simm.s32 $0x1780  }
0x87: {  	[tilespmem:s24], [sflag:$0x1] =	stream.indirect.gather [spmem:s6], $0x1, s20, s23, $0xb8;
	[tilespmem:$0x13950] =	vst v63  }
0x88: {  	s25 =	simm.s32 $0x2180  }
0x89: {  	[tilespmem:s25], [sflag:$0x1] =	stream.indirect.gather [spmem:s8], $0x1, s20, s23, $0xb8;
	[tilespmem:$0x13950] =	vst v63  }
0x8a: {  	s26 =	simm.s32 $0x2B80  }
0x8b: {  	[tilespmem:s26], [sflag:$0x1] =	stream.indirect.gather [spmem:s9], $0x1, s20, s23, $0xb8;
	[tilespmem:$0x13950] =	vst v63  }
0x8c: {  	s28 =	simm.s32 $0xD80;
	s29 =	simm.s32 $0x3580  }
0x8d: {  	[tilespmem:s29], [sflag:$0x1] =	stream.indirect.gather [spmem:s6], $0x1, s28, s23, $0xb8;
	[tilespmem:$0x13950] =	vst v63  }
0x8e: {  	s31 =	simm.s32 $0x3F80  }
0x8f: {  	[tilespmem:s31], [sflag:$0x1] =	stream.indirect.gather [spmem:s8], $0x1, s28, s23, $0xb8;
	[tilespmem:$0x13950] =	vst v63  }
0x90: {  	s5 =	simm.s32 $0x4980  }
0x91: {  	[tilespmem:s5], [sflag:$0x1] =	stream.indirect.gather [spmem:s9], $0x1, s28, s23, $0xb8;
	[tilespmem:$0x13950] =	vst v63  }
0x92: {  	s7 =	simm.s32 $0x400;
	s11 =	simm.s32 $0x1800  }
0x93: {  	[tilespmem:s11], [sflag:$0x1] =	stream.indirect.gather [spmem:s6], $0x1, s7, s23, $0xb8;
	[tilespmem:$0x13950] =	vst v63  }
0x94: {  	s12 =	simm.s32 $0x2200  }
0x95: {  	[tilespmem:s12], [sflag:$0x1] =	stream.indirect.gather [spmem:s8], $0x1, s7, s23, $0xb8;
	[tilespmem:$0x13950] =	vst v63  }
0x96: {  	s13 =	simm.s32 $0x2C00  }
0x97: {  	[tilespmem:s13], [sflag:$0x1] =	stream.indirect.gather [spmem:s9], $0x1, s7, s23, $0xb8;
	[tilespmem:$0x13950] =	vst v63  }
0x98: {  	s15 =	simm.s32 $0xE00;
	s16 =	simm.s32 $0x3600  }
0x99: {  	[tilespmem:s16], [sflag:$0x1] =	stream.indirect.gather [spmem:s6], $0x1, s15, s23, $0xb8;
	[tilespmem:$0x13950] =	vst v63  }
0x9a: {  	s17 =	simm.s32 $0x4000  }
0x9b: {  	[tilespmem:s17], [sflag:$0x1] =	stream.indirect.gather [spmem:s8], $0x1, s15, s23, $0xb8;
	[tilespmem:$0x13950] =	vst v63  }
0x9c: {  	s18 =	simm.s32 $0x4A00  }
0x9d: {  	[tilespmem:s18], [sflag:$0x1] =	stream.indirect.gather [spmem:s9], $0x1, s15, s23, $0xb8;
	[tilespmem:$0x13950] =	vst v63  }
0x9e: {  	s19 =	simm.s32 $0x480;
	s20 =	simm.s32 $0x1880  }
0x9f: {  	[tilespmem:s20], [sflag:$0x1] =	stream.indirect.gather [spmem:s6], $0x1, s19, s23, $0xb8;
	[tilespmem:$0x13950] =	vst v63  }
0xa0: {  	s24 =	simm.s32 $0x2280  }
0xa1: {  	[tilespmem:s24], [sflag:$0x1] =	stream.indirect.gather [spmem:s8], $0x1, s19, s23, $0xb8;
	[tilespmem:$0x13950] =	vst v63  }
0xa2: {  	s25 =	simm.s32 $0x2C80  }
0xa3: {  	[tilespmem:s25], [sflag:$0x1] =	stream.indirect.gather [spmem:s9], $0x1, s19, s23, $0xb8;
	[tilespmem:$0x13950] =	vst v63  }
0xa4: {  	s26 =	simm.s32 $0xE80;
	s28 =	simm.s32 $0x3680  }
0xa5: {  	[tilespmem:s28], [sflag:$0x1] =	stream.indirect.gather [spmem:s6], $0x1, s26, s23, $0xb8;
	[tilespmem:$0x13950] =	vst v63  }
0xa6: {  	s29 =	simm.s32 $0x4080  }
0xa7: {  	[tilespmem:s29], [sflag:$0x1] =	stream.indirect.gather [spmem:s8], $0x1, s26, s23, $0xb8;
	[tilespmem:$0x13950] =	vst v63  }
0xa8: {  	s31 =	simm.s32 $0x4A80;
	s17 =	simm.s32 $0x0  }
0xa9: {  	[tilespmem:s31], [sflag:$0x1] =	stream.indirect.gather [spmem:s9], $0x1, s26, s23, $0xb8;
	[tilespmem:$0x13950] =	vst v63  }
.LBB2_2:
0xaa: {  	s31 =	smul.u32 $0xA00, s17  }
0xab: {  	s0 =	rddreg [dreg:$0xc]  }
0xac: {  	s0 =	sadd.s32 s31, s0  }
0xad: {  	s2 =	rddreg [dreg:$0x3];
	s0 =	sshrl.u32 s0, $0x3  }
0xae: {  	s2 =	sadd.s32 s2, s0  }
0xaf: {  	[tilespmem:s30], [sflag:$0x5] =	stream.linear.gather [hbm4b:s2+s10], $0x500, $0x38;
	[tilespmem:$0x13950] =	vst v63  }
0xb0: {  	_ =	swait.ge [sflag:s21], $0x500  }
0xb1: {  	[sflag:s21] =	ssyncset.done $0x0  }
0xb2: {  	[sflag:s21] =	ssyncadd.s32 $0xFFFFFB00  }
0xb3: {  	s29 =	rddreg [dreg:$0x4]  }
0xb4: {  	s0 =	sadd.s32 s29, s0  }
0xb5: {  	[tilespmem:s1], [sflag:$0x5] =	stream.linear.gather [hbm4b:s0+s10], $0x500, $0x38;
	[tilespmem:$0x13950] =	vst v63  }
0xb6: {  	_ =	swait.ge [sflag:s21], $0x500  }
0xb7: {  	[sflag:s21] =	ssyncset.done $0x0  }
0xb8: {  	s5 =	simm.s32 $0x1900;
	[sflag:s21] =	ssyncadd.s32 $0xFFFFFB00  }
0xb9: {  	[tilespmem:s5], [sflag:$0x2] =	stream.indirect.gather [spmem:s6], $0x1, s30, s23, $0xb8;
	[tilespmem:$0x13950] =	vst v63  }
0xba: {  	s7 =	simm.s32 $0x2300  }
0xbb: {  	[tilespmem:s7], [sflag:$0x2] =	stream.indirect.gather [spmem:s8], $0x1, s30, s23, $0xb8;
	[tilespmem:$0x13950] =	vst v63  }
0xbc: {  	s11 =	simm.s32 $0x2D00  }
0xbd: {  	[tilespmem:s11], [sflag:$0x2] =	stream.indirect.gather [spmem:s9], $0x1, s30, s23, $0xb8;
	[tilespmem:$0x13950] =	vst v63  }
0xbe: {  	s12 =	simm.s32 $0x3700  }
0xbf: {  	[tilespmem:s12], [sflag:$0x2] =	stream.indirect.gather [spmem:s6], $0x1, s1, s23, $0xb8;
	[tilespmem:$0x13950] =	vst v63  }
0xc0: {  	s13 =	simm.s32 $0x4100  }
0xc1: {  	[tilespmem:s13], [sflag:$0x2] =	stream.indirect.gather [spmem:s8], $0x1, s1, s23, $0xb8;
	[tilespmem:$0x13950] =	vst v63  }
0xc2: {  	s15 =	simm.s32 $0x4B00  }
0xc3: {  	[tilespmem:s15], [sflag:$0x2] =	stream.indirect.gather [spmem:s9], $0x1, s1, s23, $0xb8;
	[tilespmem:$0x13950] =	vst v63  }
0xc4: {  	s16 =	simm.s32 $0x580;
	s18 =	simm.s32 $0x1980  }
0xc5: {  	[tilespmem:s18], [sflag:$0x2] =	stream.indirect.gather [spmem:s6], $0x1, s16, s23, $0xb8;
	[tilespmem:$0x13950] =	vst v63  }
0xc6: {  	s19 =	simm.s32 $0x2380  }
0xc7: {  	[tilespmem:s19], [sflag:$0x2] =	stream.indirect.gather [spmem:s8], $0x1, s16, s23, $0xb8;
	[tilespmem:$0x13950] =	vst v63  }
0xc8: {  	s20 =	simm.s32 $0x2D80  }
0xc9: {  	[tilespmem:s20], [sflag:$0x2] =	stream.indirect.gather [spmem:s9], $0x1, s16, s23, $0xb8;
	[tilespmem:$0x13950] =	vst v63  }
0xca: {  	s24 =	simm.s32 $0xF80;
	s25 =	simm.s32 $0x3780  }
0xcb: {  	[tilespmem:s25], [sflag:$0x2] =	stream.indirect.gather [spmem:s6], $0x1, s24, s23, $0xb8;
	[tilespmem:$0x13950] =	vst v63  }
0xcc: {  	s26 =	simm.s32 $0x4180  }
0xcd: {  	[tilespmem:s26], [sflag:$0x2] =	stream.indirect.gather [spmem:s8], $0x1, s24, s23, $0xb8;
	[tilespmem:$0x13950] =	vst v63  }
0xce: {  	s29 =	simm.s32 $0x4B80  }
0xcf: {  	[tilespmem:s29], [sflag:$0x2] =	stream.indirect.gather [spmem:s9], $0x1, s24, s23, $0xb8;
	[tilespmem:$0x13950] =	vst v63  }
0xd0: {  	s5 =	simm.s32 $0x600;
	s7 =	simm.s32 $0x1A00  }
0xd1: {  	[tilespmem:s7], [sflag:$0x2] =	stream.indirect.gather [spmem:s6], $0x1, s5, s23, $0xb8;
	[tilespmem:$0x13950] =	vst v63  }
0xd2: {  	s11 =	simm.s32 $0x2400  }
0xd3: {  	[tilespmem:s11], [sflag:$0x2] =	stream.indirect.gather [spmem:s8], $0x1, s5, s23, $0xb8;
	[tilespmem:$0x13950] =	vst v63  }
0xd4: {  	s12 =	simm.s32 $0x2E00  }
0xd5: {  	[tilespmem:s12], [sflag:$0x2] =	stream.indirect.gather [spmem:s9], $0x1, s5, s23, $0xb8;
	[tilespmem:$0x13950] =	vst v63  }
0xd6: {  	s13 =	simm.s32 $0x1000;
	s15 =	simm.s32 $0x3800  }
0xd7: {  	[tilespmem:s15], [sflag:$0x2] =	stream.indirect.gather [spmem:s6], $0x1, s13, s23, $0xb8;
	[tilespmem:$0x13950] =	vst v63  }
0xd8: {  	s16 =	simm.s32 $0x4200  }
0xd9: {  	[tilespmem:s16], [sflag:$0x2] =	stream.indirect.gather [spmem:s8], $0x1, s13, s23, $0xb8;
	[tilespmem:$0x13950] =	vst v63  }
0xda: {  	s18 =	simm.s32 $0x4C00  }
0xdb: {  	[tilespmem:s18], [sflag:$0x2] =	stream.indirect.gather [spmem:s9], $0x1, s13, s23, $0xb8;
	[tilespmem:$0x13950] =	vst v63  }
0xdc: {  	s19 =	simm.s32 $0x680;
	s20 =	simm.s32 $0x1A80  }
0xdd: {  	[tilespmem:s20], [sflag:$0x2] =	stream.indirect.gather [spmem:s6], $0x1, s19, s23, $0xb8;
	[tilespmem:$0x13950] =	vst v63  }
0xde: {  	s24 =	simm.s32 $0x2480  }
0xdf: {  	[tilespmem:s24], [sflag:$0x2] =	stream.indirect.gather [spmem:s8], $0x1, s19, s23, $0xb8;
	[tilespmem:$0x13950] =	vst v63  }
0xe0: {  	s25 =	simm.s32 $0x2E80  }
0xe1: {  	[tilespmem:s25], [sflag:$0x2] =	stream.indirect.gather [spmem:s9], $0x1, s19, s23, $0xb8;
	[tilespmem:$0x13950] =	vst v63  }
0xe2: {  	s26 =	simm.s32 $0x1080;
	s29 =	simm.s32 $0x3880  }
0xe3: {  	[tilespmem:s29], [sflag:$0x2] =	stream.indirect.gather [spmem:s6], $0x1, s26, s23, $0xb8;
	[tilespmem:$0x13950] =	vst v63  }
0xe4: {  	s5 =	simm.s32 $0x4280  }
0xe5: {  	[tilespmem:s5], [sflag:$0x2] =	stream.indirect.gather [spmem:s8], $0x1, s26, s23, $0xb8;
	[tilespmem:$0x13950] =	vst v63  }
0xe6: {  	s7 =	simm.s32 $0x4C80  }
0xe7: {  	[tilespmem:s7], [sflag:$0x2] =	stream.indirect.gather [spmem:s9], $0x1, s26, s23, $0xb8;
	[tilespmem:$0x13950] =	vst v63  }
0xe8: {  	s11 =	simm.s32 $0x700;
	s12 =	simm.s32 $0x1B00  }
0xe9: {  	[tilespmem:s12], [sflag:$0x2] =	stream.indirect.gather [spmem:s6], $0x1, s11, s23, $0xb8;
	[tilespmem:$0x13950] =	vst v63  }
0xea: {  	s13 =	simm.s32 $0x2500  }
0xeb: {  	[tilespmem:s13], [sflag:$0x2] =	stream.indirect.gather [spmem:s8], $0x1, s11, s23, $0xb8;
	[tilespmem:$0x13950] =	vst v63  }
0xec: {  	s15 =	simm.s32 $0x2F00  }
0xed: {  	[tilespmem:s15], [sflag:$0x2] =	stream.indirect.gather [spmem:s9], $0x1, s11, s23, $0xb8;
	[tilespmem:$0x13950] =	vst v63  }
0xee: {  	s16 =	simm.s32 $0x1100;
	s18 =	simm.s32 $0x3900  }
0xef: {  	[tilespmem:s18], [sflag:$0x2] =	stream.indirect.gather [spmem:s6], $0x1, s16, s23, $0xb8;
	[tilespmem:$0x13950] =	vst v63  }
0xf0: {  	s19 =	simm.s32 $0x4300  }
0xf1: {  	[tilespmem:s19], [sflag:$0x2] =	stream.indirect.gather [spmem:s8], $0x1, s16, s23, $0xb8;
	[tilespmem:$0x13950] =	vst v63  }
0xf2: {  	s20 =	simm.s32 $0x4D00  }
0xf3: {  	[tilespmem:s20], [sflag:$0x2] =	stream.indirect.gather [spmem:s9], $0x1, s16, s23, $0xb8;
	[tilespmem:$0x13950] =	vst v63  }
0xf4: {  	s24 =	simm.s32 $0x780;
	s25 =	simm.s32 $0x1B80  }
0xf5: {  	[tilespmem:s25], [sflag:$0x2] =	stream.indirect.gather [spmem:s6], $0x1, s24, s23, $0xb8;
	[tilespmem:$0x13950] =	vst v63  }
0xf6: {  	s26 =	simm.s32 $0x2580  }
0xf7: {  	[tilespmem:s26], [sflag:$0x2] =	stream.indirect.gather [spmem:s8], $0x1, s24, s23, $0xb8;
	[tilespmem:$0x13950] =	vst v63  }
0xf8: {  	s29 =	simm.s32 $0x2F80  }
0xf9: {  	[tilespmem:s29], [sflag:$0x2] =	stream.indirect.gather [spmem:s9], $0x1, s24, s23, $0xb8;
	[tilespmem:$0x13950] =	vst v63  }
0xfa: {  	s5 =	simm.s32 $0x1180;
	s7 =	simm.s32 $0x3980  }
0xfb: {  	[tilespmem:s7], [sflag:$0x2] =	stream.indirect.gather [spmem:s6], $0x1, s5, s23, $0xb8;
	[tilespmem:$0x13950] =	vst v63  }
0xfc: {  	s11 =	simm.s32 $0x4380  }
0xfd: {  	[tilespmem:s11], [sflag:$0x2] =	stream.indirect.gather [spmem:s8], $0x1, s5, s23, $0xb8;
	[tilespmem:$0x13950] =	vst v63  }
0xfe: {  	s12 =	simm.s32 $0x4D80  }
0xff: {  	[tilespmem:s12], [sflag:$0x2] =	stream.indirect.gather [spmem:s9], $0x1, s5, s23, $0xb8;
	[tilespmem:$0x13950] =	vst v63  }
0x100: {  	s13 =	simm.s32 $0x800;
	s15 =	simm.s32 $0x1C00  }
0x101: {  	[tilespmem:s15], [sflag:$0x2] =	stream.indirect.gather [spmem:s6], $0x1, s13, s23, $0xb8;
	[tilespmem:$0x13950] =	vst v63  }
0x102: {  	s16 =	simm.s32 $0x2600  }
0x103: {  	[tilespmem:s16], [sflag:$0x2] =	stream.indirect.gather [spmem:s8], $0x1, s13, s23, $0xb8;
	[tilespmem:$0x13950] =	vst v63  }
0x104: {  	s18 =	simm.s32 $0x3000  }
0x105: {  	[tilespmem:s18], [sflag:$0x2] =	stream.indirect.gather [spmem:s9], $0x1, s13, s23, $0xb8;
	[tilespmem:$0x13950] =	vst v63  }
0x106: {  	s19 =	simm.s32 $0x1200;
	s20 =	simm.s32 $0x3A00  }
0x107: {  	[tilespmem:s20], [sflag:$0x2] =	stream.indirect.gather [spmem:s6], $0x1, s19, s23, $0xb8;
	[tilespmem:$0x13950] =	vst v63  }
0x108: {  	s24 =	simm.s32 $0x4400  }
0x109: {  	[tilespmem:s24], [sflag:$0x2] =	stream.indirect.gather [spmem:s8], $0x1, s19, s23, $0xb8;
	[tilespmem:$0x13950] =	vst v63  }
0x10a: {  	s25 =	simm.s32 $0x4E00  }
0x10b: {  	[tilespmem:s25], [sflag:$0x2] =	stream.indirect.gather [spmem:s9], $0x1, s19, s23, $0xb8;
	[tilespmem:$0x13950] =	vst v63  }
0x10c: {  	s26 =	simm.s32 $0x880;
	s29 =	simm.s32 $0x1C80  }
0x10d: {  	[tilespmem:s29], [sflag:$0x2] =	stream.indirect.gather [spmem:s6], $0x1, s26, s23, $0xb8;
	[tilespmem:$0x13950] =	vst v63  }
0x10e: {  	s5 =	simm.s32 $0x2680  }
0x10f: {  	[tilespmem:s5], [sflag:$0x2] =	stream.indirect.gather [spmem:s8], $0x1, s26, s23, $0xb8;
	[tilespmem:$0x13950] =	vst v63  }
0x110: {  	s7 =	simm.s32 $0x3080  }
0x111: {  	[tilespmem:s7], [sflag:$0x2] =	stream.indirect.gather [spmem:s9], $0x1, s26, s23, $0xb8;
	[tilespmem:$0x13950] =	vst v63  }
0x112: {  	s11 =	simm.s32 $0x1280;
	s12 =	simm.s32 $0x3A80  }
0x113: {  	[tilespmem:s12], [sflag:$0x2] =	stream.indirect.gather [spmem:s6], $0x1, s11, s23, $0xb8;
	[tilespmem:$0x13950] =	vst v63  }
0x114: {  	s13 =	simm.s32 $0x4480  }
0x115: {  	[tilespmem:s13], [sflag:$0x2] =	stream.indirect.gather [spmem:s8], $0x1, s11, s23, $0xb8;
	[tilespmem:$0x13950] =	vst v63  }
0x116: {  	s15 =	simm.s32 $0x4E80  }
0x117: {  	[tilespmem:s15], [sflag:$0x2] =	stream.indirect.gather [spmem:s9], $0x1, s11, s23, $0xb8;
	[tilespmem:$0x13950] =	vst v63  }
0x118: {  	s16 =	simm.s32 $0x900;
	s18 =	simm.s32 $0x1D00  }
0x119: {  	[tilespmem:s18], [sflag:$0x2] =	stream.indirect.gather [spmem:s6], $0x1, s16, s23, $0xb8;
	[tilespmem:$0x13950] =	vst v63  }
0x11a: {  	s19 =	simm.s32 $0x2700  }
0x11b: {  	[tilespmem:s19], [sflag:$0x2] =	stream.indirect.gather [spmem:s8], $0x1, s16, s23, $0xb8;
	[tilespmem:$0x13950] =	vst v63  }
0x11c: {  	s20 =	simm.s32 $0x3100  }
0x11d: {  	[tilespmem:s20], [sflag:$0x2] =	stream.indirect.gather [spmem:s9], $0x1, s16, s23, $0xb8;
	[tilespmem:$0x13950] =	vst v63  }
0x11e: {  	s24 =	simm.s32 $0x1300;
	s25 =	simm.s32 $0x3B00  }
0x11f: {  	[tilespmem:s25], [sflag:$0x2] =	stream.indirect.gather [spmem:s6], $0x1, s24, s23, $0xb8;
	[tilespmem:$0x13950] =	vst v63  }
0x120: {  	s26 =	simm.s32 $0x4500  }
0x121: {  	[tilespmem:s26], [sflag:$0x2] =	stream.indirect.gather [spmem:s8], $0x1, s24, s23, $0xb8;
	[tilespmem:$0x13950] =	vst v63  }
0x122: {  	s29 =	simm.s32 $0x4F00  }
0x123: {  	[tilespmem:s29], [sflag:$0x2] =	stream.indirect.gather [spmem:s9], $0x1, s24, s23, $0xb8;
	[tilespmem:$0x13950] =	vst v63  }
0x124: {  	s5 =	simm.s32 $0x980;
	s7 =	simm.s32 $0x1D80  }
0x125: {  	[tilespmem:s7], [sflag:$0x2] =	stream.indirect.gather [spmem:s6], $0x1, s5, s23, $0xb8;
	[tilespmem:$0x13950] =	vst v63  }
0x126: {  	s11 =	simm.s32 $0x2780  }
0x127: {  	[tilespmem:s11], [sflag:$0x2] =	stream.indirect.gather [spmem:s8], $0x1, s5, s23, $0xb8;
	[tilespmem:$0x13950] =	vst v63  }
0x128: {  	s12 =	simm.s32 $0x3180  }
0x129: {  	[tilespmem:s12], [sflag:$0x2] =	stream.indirect.gather [spmem:s9], $0x1, s5, s23, $0xb8;
	[tilespmem:$0x13950] =	vst v63  }
0x12a: {  	s13 =	simm.s32 $0x1380;
	s15 =	simm.s32 $0x3B80  }
0x12b: {  	[tilespmem:s15], [sflag:$0x2] =	stream.indirect.gather [spmem:s6], $0x1, s13, s23, $0xb8;
	[tilespmem:$0x13950] =	vst v63  }
0x12c: {  	s16 =	simm.s32 $0x4580  }
0x12d: {  	[tilespmem:s16], [sflag:$0x2] =	stream.indirect.gather [spmem:s8], $0x1, s13, s23, $0xb8;
	[tilespmem:$0x13950] =	vst v63  }
0x12e: {  	s18 =	simm.s32 $0x4F80  }
0x12f: {  	[tilespmem:s18], [sflag:$0x2] =	stream.indirect.gather [spmem:s9], $0x1, s13, s23, $0xb8;
	[tilespmem:$0x13950] =	vst v63  }
0x130: {  	_ =	swait.ge [sflag:s3], $0x500  }
0x131: {  	[sflag:s3] =	ssyncset.done $0x0  }
0x132: {  	[sflag:s3] =	ssyncadd.s32 $0xFFFFFB00  }
0x133: {  	_ =	swait.ge [sflag:s3], $0x500  }
0x134: {  	[sflag:s3] =	ssyncset.done $0x0  }
0x135: {  	[sflag:s3] =	ssyncadd.s32 $0xFFFFFB00  }
0x136: {  	_ =	swait.ge [sflag:s3], $0x500  }
0x137: {  	[sflag:s3] =	ssyncset.done $0x0  }
0x138: {  	[sflag:s3] =	ssyncadd.s32 $0xFFFFFB00  }
0x139: {  	_ =	swait.ge [sflag:s3], $0x500  }
0x13a: {  	[sflag:s3] =	ssyncset.done $0x0  }
0x13b: {  	[sflag:s3] =	ssyncadd.s32 $0xFFFFFB00  }
0x13c: {  	_ =	swait.ge [sflag:s3], $0x500  }
0x13d: {  	[sflag:s3] =	ssyncset.done $0x0  }
0x13e: {  	[sflag:s3] =	ssyncadd.s32 $0xFFFFFB00  }
0x13f: {  	_ =	swait.ge [sflag:s3], $0x500  }
0x140: {  	p2 =	seq.s32 s17, $0x0;
	[sflag:s3] =	ssyncset.done $0x0  }
0x141: {  	s0 =	simm.s32 @!p2 $0x3;
	[sflag:s3] =	ssyncadd.s32 $0xFFFFFB00  }
0x142: {  	_ =	swait.ge @!p2 [sflag:s0], $0x5000  }
0x143: {  	[sflag:s0] =	ssyncset.done @!p2 $0x0  }
0x144: {  	s19 =	simm.s32 $0x3200;
	[sflag:s0] =	ssyncadd.s32 @!p2 $0xFFFFB000  }
0x145: {  	s20 =	simm.s32 $0x1E00;
	v0 =	vld [tilespmem:s19+$0x0]  }
0x146: {  	s24 =	simm.s32 $0x3C00;
	v1 =	vld [tilespmem:s20+$0x0]  }
0x147: {  	s20 =	simm.s32 $0x1400;
	v2 =	vld [tilespmem:s24+$0x0]  }
0x148: {  	s25 =	simm.s32 $0x4600;
	v3 =	vld [tilespmem:s20+$0x0]  }
0x149: {  	s26 =	simm.s32 $0x2800;
	v4 =	vld [tilespmem:s25+$0x0]  }
0x14a: {  	v5 =	vld [tilespmem:s26+$0x0];
	_ =	sdelay $0x2  }
0x14b: {  	v1 =	vsub.f32 v1, v2;
	v0 =	vsub.f32 v3, v0;
	_ =	sdelay $0x1  }
0x14c: {  	v2 =	vsub.f32 v5, v4;
	v1 =	vmul.f32 v1, v1;
	v0 =	vmul.f32 v0, v0;
	_ =	sdelay $0x1  }
0x14d: {  	v0 =	vadd.f32 v1, v0;
	v1 =	vmul.f32 v2, v2;
	_ =	sdelay $0x1  }
0x14e: {  	v0 =	vadd.f32 v1, v0;
	_ =	sdelay $0x1  }
0x14f: {  	v1 =	vmax.f32 v0, $1.000000000e-30  }
0x150: {  	v2 =	vshrl.u32 v1, $0x1;
	v1 =	vmul.f32 $-5.000000000e-01, v1  }
0x151: {  	v2 =	vsub.s32 $0x5F3759DF, v2  }
0x152: {  	v3 =	vmul.f32 v2, v1;
	_ =	sdelay $0x1  }
0x153: {  	v3 =	vmul.f32 v2, v3;
	_ =	sdelay $0x1  }
0x154: {  	v3 =	vadd.f32 $1.500000000e+00, v3;
	_ =	sdelay $0x1  }
0x155: {  	v2 =	vmul.f32 v2, v3;
	_ =	sdelay $0x1  }
0x156: {  	v3 =	vmul.f32 v2, v1;
	_ =	sdelay $0x1  }
0x157: {  	v3 =	vmul.f32 v3, v2;
	_ =	sdelay $0x1  }
0x158: {  	v3 =	vadd.f32 $1.500000000e+00, v3;
	_ =	sdelay $0x1  }
0x159: {  	v2 =	vmul.f32 v3, v2;
	_ =	sdelay $0x1  }
0x15a: {  	v1 =	vmul.f32 v2, v1;
	_ =	sdelay $0x1  }
0x15b: {  	v1 =	vmul.f32 v1, v2;
	_ =	sdelay $0x1  }
0x15c: {  	v1 =	vadd.f32 $1.500000000e+00, v1;
	_ =	sdelay $0x1  }
0x15d: {  	v1 =	vmul.f32 v1, v2;
	_ =	sdelay $0x1  }
0x15e: {  	v4 =	vmul.f32 v1, v0;
	_ =	sdelay $0x1  }
0x15f: {  	v0 =	vadd.f32 $-3.333333430e-01, v4;
	v2 =	vadd.f32 $-1.000000000e+00, v4  }
0x160: {  	v7 =	vmul.f32 $-4.500000000e+00, v4;
	v3 =	vadd.f32 $-1.333333370e+00, v4;
	v6 =	vadd.f32 $-1.666666630e+00, v4  }
0x161: {  	v8 =	vadd.f32 $-2.000000000e+00, v4;
	v10 =	vmul.f32 $-4.500000000e+00, v0;
	v5 =	vmul.f32 $-4.500000000e+00, v2  }
0x162: {  	v1 =	vadd.f32 $-6.666666860e-01, v4;
	v9 =	vmul.f32 $-4.500000000e+00, v3;
	v13 =	vmul.f32 $-4.500000000e+00, v6  }
0x163: {  	v11 =	vadd.f32 $-2.333333250e+00, v4;
	v14 =	vmul.f32 $-4.500000000e+00, v8;
	v2 =	vmul.f32 v5, v2  }
0x164: {  	v12 =	vadd.f32 $-2.666666750e+00, v4;
	v3 =	vmul.f32 v9, v3;
	v9 =	vmul.f32 v13, v6  }
0x165: {  	s7 =	simm.s32 $0x0;
	v5 =	vadd.f32 $-3.000000000e+00, v4;
	v13 =	vmul.f32 v14, v8;
	v10 =	vmul.f32 v10, v0  }
0x166: {  	s29 =	sand.u32 $0x7, s7;
	v6 =	vadd.f32 $-3.333333250e+00, v4;
	v14 =	vmul.f32 $1.442695020e+00, v2;
	v3 =	vmul.f32 $1.442695020e+00, v3  }
0x167: {  	s28 =	simm.s32 $0x0;
	s11 =	sshll.u32 s17, $0x1;
	s2 =	sshll.u32 s29, $0x4;
	v8 =	vadd.f32 $-3.666666750e+00, v4;
	v15 =	vmul.f32 $1.442695020e+00, v9;
	v16 =	vmul.f32 $1.442695020e+00, v13  }
0x168: {  	s12 =	sadd.s32 $0x0, s2;
	s5 =	simm.s32 $0x4610;
	s2 =	simm.s32 $0x0;
	v0 =	vadd.f32 $-4.666666510e+00, v4;
	v13 =	vmul.f32 $-4.500000000e+00, v1;
	(erf) = vpow2.f32 v14  }
0x169: {  	s15 =	simm.s32 $0x3210;
	s18 =	simm.s32 $0x2810;
	s0 =	sand.u32 $0x3C00, s7;
	v9 =	vadd.f32 $-4.000000000e+00, v4;
	v2 =	vadd.f32 $-4.333333490e+00, v4;
	(erf) = vpow2.f32 v15  }
0x16a: {  	s19 =	simm.s32 $0x10;
	s24 =	simm.s32 $0x1E10;
	s25 =	simm.s32 $0x3C10;
	v13 =	vmul.f32 v13, v1;
	v1 =	vadd.f32 $-5.000000000e+00, v4;
	(erf) = vpow2.f32 v16  }
.LBB2_3:
0x16b: {  	s7 =	sadd.s32 $0x80, s7  }
0x16c: {  	v14 =	vmul.f32 $-4.500000000e+00, v11;
	v15 =	vmul.f32 $-4.500000000e+00, v12;
	s28 =	sadd.s32 $0x1, s28;
	s20 =	sadd.s32 $0x10, s20;
	s29 =	smov.u32 s19  }
0x16d: {  	p3 =	sne.s32 s19, $0x4F0;
	s19 =	sadd.s32 $0x10, s19;
	v4 =	vmul.f32 v7, v4;
	s16 =	sand.u32 $0x3C00, s7;
	v7 =	vmul.f32 $1.442695020e+00, v13  }
0x16e: {  	s13 =	sand.u32 $0x7, s28;
	v11 =	vmul.f32 v14, v11;
	v12 =	vmul.f32 v15, v12  }
0x16f: {  	s13 =	sshll.u32 s13, $0x4;
	v4 =	vmul.f32 $1.442695020e+00, v4;
	(erf) = vpow2.f32 v7  }
0x170: {  	s13 =	sadd.s32 s13, s7;
	v7 =	vmul.f32 $1.442695020e+00, v11;
	v11 =	vmul.f32 $1.442695020e+00, v12  }
0x171: {  	s26 =	sand.u32 $0x70, s2;
	s2 =	smov.u32 s29;
	v12 =	vmul.f32 $-4.500000000e+00, v5;
	(erf) = vpow2.f32 v4  }
0x172: {  	s29 =	sor.u32 s26, s0;
	v13 =	vmul.f32 $-4.500000000e+00, v8;
	s0 =	smov.u32 s16;
	v4 =	vmul.f32 $-4.500000000e+00, v6;
	v14 =	vpop (erf)  }
0x173: {  	v5 =	vmul.f32 v12, v5;
	v12 =	vmul.f32 $-4.500000000e+00, v9;
	[tilespmem:s29+$0x5180] =	vst v14;
	v14 =	vpop (erf)  }
0x174: {  	v4 =	vmul.f32 v4, v6;
	v6 =	vmul.f32 v13, v8;
	[tilespmem:s29+$0x5280] =	vst v14;
	v8 =	vpop (erf)  }
0x175: {  	v5 =	vmul.f32 $1.442695020e+00, v5;
	[tilespmem:s29+$0x5300] =	vst v8;
	v8 =	vmul.f32 v12, v9  }
0x176: {  	v4 =	vmul.f32 $1.442695020e+00, v4;
	(erf) = vpow2.f32 v3  }
0x177: {  	v12 =	vmul.f32 $1.442695020e+00, v10;
	v6 =	vmul.f32 $1.442695020e+00, v6  }
0x178: {  	v9 =	vmul.f32 $-4.500000000e+00, v2;
	v8 =	vmul.f32 $1.442695020e+00, v8;
	v10 =	vpop (erf)  }
0x179: {  	[tilespmem:s29+$0x5100] =	vst v10;
	v10 =	vmul.f32 $-4.500000000e+00, v1;
	(erf) = vpow2.f32 v12  }
0x17a: {  	v2 =	vmul.f32 v9, v2;
	v3 =	vpop (erf);
	(erf) = vpow2.f32 v7  }
0x17b: {  	[tilespmem:s29+$0x5000] =	vst v3;
	v3 =	vmul.f32 $-4.500000000e+00, v0;
	(erf) = vpow2.f32 v11  }
0x17c: {  	v2 =	vmul.f32 $1.442695020e+00, v2;
	(erf) = vpow2.f32 v5  }
0x17d: {  	v0 =	vmul.f32 v3, v0;
	(erf) = vpow2.f32 v4  }
0x17e: {  	v1 =	vmul.f32 v10, v1;
	(erf) = vpow2.f32 v6  }
0x17f: {  	v4 =	vmul.f32 $1.442695020e+00, v0;
	v3 =	vpop (erf);
	(erf) = vpow2.f32 v8  }
0x180: {  	v1 =	vmul.f32 $1.442695020e+00, v1;
	[tilespmem:s29+$0x5200] =	vst v3;
	(erf) = vpow2.f32 v2  }
0x181: {  	(erf) = vpow2.f32 v4  }
0x182: {  	v0 =	vpop (erf);
	(erf) = vpow2.f32 v1  }
0x183: {  	s16 =	sor.u32 $0x380, s12;
	s12 =	smov.u32 s13;
	[tilespmem:s29+$0x5080] =	vst v0;
	v0 =	vpop (erf)  }
0x184: {  	[tilespmem:s16+$0x5000] =	vst v0;
	v0 =	vpop (erf)  }
0x185: {  	[tilespmem:s29+$0x7800] =	vst v0;
	v0 =	vpop (erf)  }
0x186: {  	[tilespmem:s29+$0x7880] =	vst v0;
	v0 =	vpop (erf)  }
0x187: {  	[tilespmem:s29+$0x7900] =	vst v0;
	v0 =	vpop (erf)  }
0x188: {  	[tilespmem:s29+$0x7980] =	vst v0;
	v0 =	vpop (erf)  }
0x189: {  	[tilespmem:s29+$0x7A00] =	vst v0;
	v0 =	vpop (erf)  }
0x18a: {  	[tilespmem:s29+$0x7A80] =	vst v0;
	v0 =	vpop (erf)  }
0x18b: {  	[tilespmem:s29+$0x7B00] =	vst v0;
	v0 =	vpop (erf)  }
0x18c: {  	[tilespmem:s29+$0x7B80] =	vst v0;
	_ =	sdelay $0x1  }
0x18d: {  	v0 =	vld [tilespmem:s15+$0x0]  }
0x18e: {  	v1 =	vld [tilespmem:s24+$0x0]  }
0x18f: {  	v2 =	vld [tilespmem:s25+$0x0]  }
0x190: {  	v3 =	vld [tilespmem:s20+$0x0]  }
0x191: {  	v4 =	vld [tilespmem:s5+$0x0]  }
0x192: {  	v5 =	vld [tilespmem:s18+$0x0];
	_ =	sdelay $0x1  }
0x193: {  	v1 =	vsub.f32 v1, v2  }
0x194: {  	v0 =	vsub.f32 v3, v0  }
0x195: {  	v1 =	vmul.f32 v1, v1  }
0x196: {  	v2 =	vsub.f32 v5, v4;
	v0 =	vmul.f32 v0, v0;
	_ =	sdelay $0x1  }
0x197: {  	v0 =	vadd.f32 v1, v0;
	v1 =	vmul.f32 v2, v2;
	_ =	sdelay $0x1  }
0x198: {  	v0 =	vadd.f32 v1, v0;
	_ =	sdelay $0x1  }
0x199: {  	v1 =	vmax.f32 v0, $1.000000000e-30  }
0x19a: {  	v2 =	vshrl.u32 v1, $0x1;
	v1 =	vmul.f32 $-5.000000000e-01, v1  }
0x19b: {  	v2 =	vsub.s32 $0x5F3759DF, v2  }
0x19c: {  	v3 =	vmul.f32 v2, v1;
	_ =	sdelay $0x1  }
0x19d: {  	v3 =	vmul.f32 v2, v3;
	_ =	sdelay $0x1  }
0x19e: {  	v3 =	vadd.f32 $1.500000000e+00, v3;
	_ =	sdelay $0x1  }
0x19f: {  	v2 =	vmul.f32 v2, v3;
	_ =	sdelay $0x1  }
0x1a0: {  	v3 =	vmul.f32 v2, v1;
	_ =	sdelay $0x1  }
0x1a1: {  	v3 =	vmul.f32 v3, v2;
	_ =	sdelay $0x1  }
0x1a2: {  	v3 =	vadd.f32 $1.500000000e+00, v3;
	_ =	sdelay $0x1  }
0x1a3: {  	v2 =	vmul.f32 v3, v2;
	_ =	sdelay $0x1  }
0x1a4: {  	v1 =	vmul.f32 v2, v1;
	_ =	sdelay $0x1  }
0x1a5: {  	v1 =	vmul.f32 v1, v2;
	_ =	sdelay $0x1  }
0x1a6: {  	v1 =	vadd.f32 $1.500000000e+00, v1;
	_ =	sdelay $0x1  }
0x1a7: {  	v1 =	vmul.f32 v1, v2;
	_ =	sdelay $0x1  }
0x1a8: {  	v4 =	vmul.f32 v1, v0;
	_ =	sdelay $0x1  }
0x1a9: {  	v7 =	vmul.f32 $-4.500000000e+00, v4;
	v0 =	vadd.f32 $-3.333333430e-01, v4;
	v1 =	vadd.f32 $-6.666666860e-01, v4  }
0x1aa: {  	v2 =	vadd.f32 $-1.000000000e+00, v4;
	v3 =	vadd.f32 $-1.333333370e+00, v4  }
0x1ab: {  	v6 =	vadd.f32 $-1.666666630e+00, v4;
	v8 =	vadd.f32 $-2.000000000e+00, v4;
	v10 =	vmul.f32 $-4.500000000e+00, v0  }
0x1ac: {  	v11 =	vadd.f32 $-2.333333250e+00, v4;
	v5 =	vmul.f32 $-4.500000000e+00, v2;
	v9 =	vmul.f32 $-4.500000000e+00, v3  }
0x1ad: {  	v12 =	vadd.f32 $-2.666666750e+00, v4;
	v13 =	vmul.f32 $-4.500000000e+00, v6;
	v14 =	vmul.f32 $-4.500000000e+00, v8  }
0x1ae: {  	v2 =	vmul.f32 v5, v2;
	v3 =	vmul.f32 v9, v3;
	v5 =	vadd.f32 $-3.000000000e+00, v4  }
0x1af: {  	v9 =	vmul.f32 v13, v6;
	v13 =	vmul.f32 v14, v8;
	v6 =	vadd.f32 $-3.333333250e+00, v4  }
.Ltmp0:
0x1b0: {  	v8 =	vadd.f32 $-3.666666750e+00, v4;
	v14 =	vmul.f32 $1.442695020e+00, v2;
	v3 =	vmul.f32 $1.442695020e+00, v3;
	(pc) =	sbr.rel @p3 .LBB2_3-.Ltmp0, $4  }
0x1b1: {  	v15 =	vmul.f32 $1.442695020e+00, v9;
	v16 =	vmul.f32 $1.442695020e+00, v13;
	v9 =	vadd.f32 $-4.000000000e+00, v4  }
0x1b2: {  	v13 =	vmul.f32 $-4.500000000e+00, v1;
	v2 =	vadd.f32 $-4.333333490e+00, v4;
	(erf) = vpow2.f32 v14  }
0x1b3: {  	s5 =	sadd.s32 $0x10, s5;
	s18 =	sadd.s32 $0x10, s18;
	v10 =	vmul.f32 v10, v0;
	v0 =	vadd.f32 $-4.666666510e+00, v4;
	(erf) = vpow2.f32 v15  }
0x1b4: {  	s15 =	sadd.s32 $0x10, s15;
	s24 =	sadd.s32 $0x10, s24;
	s25 =	sadd.s32 $0x10, s25;
	v13 =	vmul.f32 v13, v1;
	v1 =	vadd.f32 $-5.000000000e+00, v4;
	(erf) = vpow2.f32 v16  }
0x1b5: {  	v14 =	vmul.f32 $-4.500000000e+00, v11;
	v15 =	vmul.f32 $-4.500000000e+00, v12  }
0x1b6: {  	v4 =	vmul.f32 v7, v4;
	v38 =	vmul.f32 $-4.500000000e+00, v5  }
0x1b7: {  	v39 =	vmul.f32 $-4.500000000e+00, v6;
	v40 =	vmul.f32 $-4.500000000e+00, v8  }
0x1b8: {  	v41 =	vmul.f32 $-4.500000000e+00, v9;
	v44 =	vmul.f32 $1.442695020e+00, v10  }
0x1b9: {  	v45 =	vmul.f32 $-4.500000000e+00, v2;
	v47 =	vmul.f32 $-4.500000000e+00, v0  }
0x1ba: {  	v35 =	vmul.f32 $1.442695020e+00, v13;
	v46 =	vmul.f32 $-4.500000000e+00, v1  }
0x1bb: {  	v11 =	vmul.f32 v14, v11;
	v12 =	vmul.f32 v15, v12  }
0x1bc: {  	v4 =	vmul.f32 $1.442695020e+00, v4;
	v5 =	vmul.f32 v38, v5  }
0x1bd: {  	v42 =	vmul.f32 v40, v8;
	v43 =	vmul.f32 v41, v9  }
0x1be: {  	v2 =	vmul.f32 v45, v2;
	v0 =	vmul.f32 v47, v0  }
0x1bf: {  	(erf) = vpow2.f32 v35;
	v1 =	vmul.f32 v46, v1  }
0x1c0: {  	v36 =	vmul.f32 $1.442695020e+00, v11;
	(erf) = vpow2.f32 v4  }
0x1c1: {  	v37 =	vmul.f32 $1.442695020e+00, v12;
	(erf) = vpow2.f32 v3  }
0x1c2: {  	v4 =	vmul.f32 v39, v6;
	(erf) = vpow2.f32 v44  }
0x1c3: {  	v5 =	vmul.f32 $1.442695020e+00, v5;
	(erf) = vpow2.f32 v36  }
0x1c4: {  	s2 =	sand.u32 $0x70, s2;
	v4 =	vmul.f32 $1.442695020e+00, v4;
	(erf) = vpow2.f32 v37  }
0x1c5: {  	s0 =	sor.u32 s2, s0;
	v6 =	vmul.f32 $1.442695020e+00, v42;
	v48 =	vpop (erf);
	(erf) = vpow2.f32 v5  }
0x1c6: {  	v8 =	vmul.f32 $1.442695020e+00, v43;
	[tilespmem:s0+$0x5180] =	vst v48;
	v49 =	vpop (erf);
	(erf) = vpow2.f32 v4  }
0x1c7: {  	v2 =	vmul.f32 $1.442695020e+00, v2;
	[tilespmem:s0+$0x5280] =	vst v49;
	v50 =	vpop (erf);
	(erf) = vpow2.f32 v6  }
0x1c8: {  	v0 =	vmul.f32 $1.442695020e+00, v0;
	[tilespmem:s0+$0x5300] =	vst v50;
	v51 =	vpop (erf);
	(erf) = vpow2.f32 v8  }
0x1c9: {  	v1 =	vmul.f32 $1.442695020e+00, v1;
	[tilespmem:s0+$0x5100] =	vst v51;
	v52 =	vpop (erf);
	(erf) = vpow2.f32 v2  }
0x1ca: {  	[tilespmem:s0+$0x5000] =	vst v52;
	v53 =	vpop (erf);
	(erf) = vpow2.f32 v0  }
0x1cb: {  	[tilespmem:s0+$0x5200] =	vst v53;
	v54 =	vpop (erf);
	(erf) = vpow2.f32 v1  }
0x1cc: {  	s26 =	sor.u32 $0x380, s12;
	[tilespmem:s0+$0x5080] =	vst v54;
	v55 =	vpop (erf)  }
0x1cd: {  	[tilespmem:s26+$0x5000] =	vst v55;
	v56 =	vpop (erf)  }
0x1ce: {  	[tilespmem:s0+$0x7800] =	vst v56;
	v57 =	vpop (erf)  }
0x1cf: {  	[tilespmem:s0+$0x7880] =	vst v57;
	v58 =	vpop (erf)  }
0x1d0: {  	s11 =	sor.u32 $0x1, s11;
	[tilespmem:s0+$0x7900] =	vst v58;
	v59 =	vpop (erf)  }
0x1d1: {  	p3 =	sgt.u32 s11, $0x4C;
	[tilespmem:s0+$0x7980] =	vst v59;
	v60 =	vpop (erf)  }
.Ltmp1:
0x1d2: {  	[tilespmem:s0+$0x7A00] =	vst v60;
	v61 =	vpop (erf);
	(pc) =	sbr.rel @p3 .LBB2_6-.Ltmp1, $4  }
0x1d3: {  	[tilespmem:s0+$0x7A80] =	vst v61;
	v62 =	vpop (erf)  }
0x1d4: {  	s28 =	sadd.s32 s31, s14;
	[tilespmem:s0+$0x7B00] =	vst v62;
	v63 =	vpop (erf)  }
0x1d5: {  	s29 =	simm.s32 $0x2800;
	s5 =	simm.s32 $0x186A000;
	s7 =	simm.s32 $0x5000;
	[tilespmem:s0+$0x7B80] =	vst v63  }
0x1d6: {  	[hbm4b:s28+s29] =	stream.strided.scatter [tilespmem:s7], [sflag:$0x3], $0x5000, s5, s29, $0x38;
	[tilespmem:$0x13950] =	vst v63  }
0x1d7: {  	s0 =	rddreg [dreg:$0xd]  }
0x1d8: {  	s0 =	sadd.s32 s31, s0  }
0x1d9: {  	s2 =	rddreg [dreg:$0x3];
	s0 =	sshrl.u32 s0, $0x3  }
0x1da: {  	s2 =	sadd.s32 s2, s0  }
0x1db: {  	[tilespmem:s10], [sflag:$0x5] =	stream.linear.gather [hbm4b:s2+s10], $0x500, $0x38;
	[tilespmem:$0x13950] =	vst v63  }
0x1dc: {  	_ =	swait.ge [sflag:s21], $0x500  }
0x1dd: {  	[sflag:s21] =	ssyncset.done $0x0  }
0x1de: {  	[sflag:s21] =	ssyncadd.s32 $0xFFFFFB00  }
0x1df: {  	s29 =	rddreg [dreg:$0x4]  }
0x1e0: {  	s0 =	sadd.s32 s29, s0  }
0x1e1: {  	[tilespmem:s22], [sflag:$0x5] =	stream.linear.gather [hbm4b:s0+s10], $0x500, $0x38;
	[tilespmem:$0x13950] =	vst v63  }
0x1e2: {  	_ =	swait.ge [sflag:s21], $0x500  }
0x1e3: {  	[sflag:s21] =	ssyncset.done $0x0  }
0x1e4: {  	s31 =	simm.s32 $0x1400;
	[sflag:s21] =	ssyncadd.s32 $0xFFFFFB00  }
0x1e5: {  	[tilespmem:s31], [sflag:$0x1] =	stream.indirect.gather [spmem:s6], $0x1, s10, s23, $0xb8;
	[tilespmem:$0x13950] =	vst v63  }
0x1e6: {  	s2 =	simm.s32 $0x1E00  }
0x1e7: {  	[tilespmem:s2], [sflag:$0x1] =	stream.indirect.gather [spmem:s8], $0x1, s10, s23, $0xb8;
	[tilespmem:$0x13950] =	vst v63  }
0x1e8: {  	s5 =	simm.s32 $0x2800  }
0x1e9: {  	[tilespmem:s5], [sflag:$0x1] =	stream.indirect.gather [spmem:s9], $0x1, s10, s23, $0xb8;
	[tilespmem:$0x13950] =	vst v63  }
0x1ea: {  	s7 =	simm.s32 $0x3200  }
0x1eb: {  	[tilespmem:s7], [sflag:$0x1] =	stream.indirect.gather [spmem:s6], $0x1, s22, s23, $0xb8;
	[tilespmem:$0x13950] =	vst v63  }
0x1ec: {  	s12 =	simm.s32 $0x3C00  }
0x1ed: {  	[tilespmem:s12], [sflag:$0x1] =	stream.indirect.gather [spmem:s8], $0x1, s22, s23, $0xb8;
	[tilespmem:$0x13950] =	vst v63  }
0x1ee: {  	s13 =	simm.s32 $0x4600  }
0x1ef: {  	[tilespmem:s13], [sflag:$0x1] =	stream.indirect.gather [spmem:s9], $0x1, s22, s23, $0xb8;
	[tilespmem:$0x13950] =	vst v63  }
0x1f0: {  	s15 =	simm.s32 $0x1480  }
0x1f1: {  	[tilespmem:s15], [sflag:$0x1] =	stream.indirect.gather [spmem:s6], $0x1, s23, s23, $0xb8;
	[tilespmem:$0x13950] =	vst v63  }
0x1f2: {  	s16 =	simm.s32 $0x1E80  }
0x1f3: {  	[tilespmem:s16], [sflag:$0x1] =	stream.indirect.gather [spmem:s8], $0x1, s23, s23, $0xb8;
	[tilespmem:$0x13950] =	vst v63  }
0x1f4: {  	s18 =	simm.s32 $0x2880  }
0x1f5: {  	[tilespmem:s18], [sflag:$0x1] =	stream.indirect.gather [spmem:s9], $0x1, s23, s23, $0xb8;
	[tilespmem:$0x13950] =	vst v63  }
0x1f6: {  	s19 =	simm.s32 $0xA80;
	s20 =	simm.s32 $0x3280  }
0x1f7: {  	[tilespmem:s20], [sflag:$0x1] =	stream.indirect.gather [spmem:s6], $0x1, s19, s23, $0xb8;
	[tilespmem:$0x13950] =	vst v63  }
0x1f8: {  	s24 =	simm.s32 $0x3C80  }
0x1f9: {  	[tilespmem:s24], [sflag:$0x1] =	stream.indirect.gather [spmem:s8], $0x1, s19, s23, $0xb8;
	[tilespmem:$0x13950] =	vst v63  }
0x1fa: {  	s25 =	simm.s32 $0x4680  }
0x1fb: {  	[tilespmem:s25], [sflag:$0x1] =	stream.indirect.gather [spmem:s9], $0x1, s19, s23, $0xb8;
	[tilespmem:$0x13950] =	vst v63  }
0x1fc: {  	s26 =	simm.s32 $0x100;
	s28 =	simm.s32 $0x1500  }
0x1fd: {  	[tilespmem:s28], [sflag:$0x1] =	stream.indirect.gather [spmem:s6], $0x1, s26, s23, $0xb8;
	[tilespmem:$0x13950] =	vst v63  }
0x1fe: {  	s29 =	simm.s32 $0x1F00  }
0x1ff: {  	[tilespmem:s29], [sflag:$0x1] =	stream.indirect.gather [spmem:s8], $0x1, s26, s23, $0xb8;
	[tilespmem:$0x13950] =	vst v63  }
0x200: {  	s31 =	simm.s32 $0x2900  }
0x201: {  	[tilespmem:s31], [sflag:$0x1] =	stream.indirect.gather [spmem:s9], $0x1, s26, s23, $0xb8;
	[tilespmem:$0x13950] =	vst v63  }
0x202: {  	s5 =	simm.s32 $0xB00;
	s7 =	simm.s32 $0x3300  }
0x203: {  	[tilespmem:s7], [sflag:$0x1] =	stream.indirect.gather [spmem:s6], $0x1, s5, s23, $0xb8;
	[tilespmem:$0x13950] =	vst v63  }
0x204: {  	s12 =	simm.s32 $0x3D00  }
0x205: {  	[tilespmem:s12], [sflag:$0x1] =	stream.indirect.gather [spmem:s8], $0x1, s5, s23, $0xb8;
	[tilespmem:$0x13950] =	vst v63  }
0x206: {  	s13 =	simm.s32 $0x4700  }
0x207: {  	[tilespmem:s13], [sflag:$0x1] =	stream.indirect.gather [spmem:s9], $0x1, s5, s23, $0xb8;
	[tilespmem:$0x13950] =	vst v63  }
0x208: {  	s15 =	simm.s32 $0x180;
	s16 =	simm.s32 $0x1580  }
0x209: {  	[tilespmem:s16], [sflag:$0x1] =	stream.indirect.gather [spmem:s6], $0x1, s15, s23, $0xb8;
	[tilespmem:$0x13950] =	vst v63  }
0x20a: {  	s18 =	simm.s32 $0x1F80  }
0x20b: {  	[tilespmem:s18], [sflag:$0x1] =	stream.indirect.gather [spmem:s8], $0x1, s15, s23, $0xb8;
	[tilespmem:$0x13950] =	vst v63  }
0x20c: {  	s19 =	simm.s32 $0x2980  }
0x20d: {  	[tilespmem:s19], [sflag:$0x1] =	stream.indirect.gather [spmem:s9], $0x1, s15, s23, $0xb8;
	[tilespmem:$0x13950] =	vst v63  }
0x20e: {  	s20 =	simm.s32 $0xB80;
	s24 =	simm.s32 $0x3380  }
0x20f: {  	[tilespmem:s24], [sflag:$0x1] =	stream.indirect.gather [spmem:s6], $0x1, s20, s23, $0xb8;
	[tilespmem:$0x13950] =	vst v63  }
0x210: {  	s25 =	simm.s32 $0x3D80  }
0x211: {  	[tilespmem:s25], [sflag:$0x1] =	stream.indirect.gather [spmem:s8], $0x1, s20, s23, $0xb8;
	[tilespmem:$0x13950] =	vst v63  }
0x212: {  	s26 =	simm.s32 $0x4780  }
0x213: {  	[tilespmem:s26], [sflag:$0x1] =	stream.indirect.gather [spmem:s9], $0x1, s20, s23, $0xb8;
	[tilespmem:$0x13950] =	vst v63  }
0x214: {  	s28 =	simm.s32 $0x200;
	s29 =	simm.s32 $0x1600  }
0x215: {  	[tilespmem:s29], [sflag:$0x1] =	stream.indirect.gather [spmem:s6], $0x1, s28, s23, $0xb8;
	[tilespmem:$0x13950] =	vst v63  }
0x216: {  	s31 =	simm.s32 $0x2000  }
0x217: {  	[tilespmem:s31], [sflag:$0x1] =	stream.indirect.gather [spmem:s8], $0x1, s28, s23, $0xb8;
	[tilespmem:$0x13950] =	vst v63  }
0x218: {  	s5 =	simm.s32 $0x2A00  }
0x219: {  	[tilespmem:s5], [sflag:$0x1] =	stream.indirect.gather [spmem:s9], $0x1, s28, s23, $0xb8;
	[tilespmem:$0x13950] =	vst v63  }
0x21a: {  	s7 =	simm.s32 $0xC00;
	s12 =	simm.s32 $0x3400  }
0x21b: {  	[tilespmem:s12], [sflag:$0x1] =	stream.indirect.gather [spmem:s6], $0x1, s7, s23, $0xb8;
	[tilespmem:$0x13950] =	vst v63  }
0x21c: {  	s13 =	simm.s32 $0x3E00  }
0x21d: {  	[tilespmem:s13], [sflag:$0x1] =	stream.indirect.gather [spmem:s8], $0x1, s7, s23, $0xb8;
	[tilespmem:$0x13950] =	vst v63  }
0x21e: {  	s15 =	simm.s32 $0x4800  }
0x21f: {  	[tilespmem:s15], [sflag:$0x1] =	stream.indirect.gather [spmem:s9], $0x1, s7, s23, $0xb8;
	[tilespmem:$0x13950] =	vst v63  }
0x220: {  	s16 =	simm.s32 $0x280;
	s18 =	simm.s32 $0x1680  }
0x221: {  	[tilespmem:s18], [sflag:$0x1] =	stream.indirect.gather [spmem:s6], $0x1, s16, s23, $0xb8;
	[tilespmem:$0x13950] =	vst v63  }
0x222: {  	s19 =	simm.s32 $0x2080  }
0x223: {  	[tilespmem:s19], [sflag:$0x1] =	stream.indirect.gather [spmem:s8], $0x1, s16, s23, $0xb8;
	[tilespmem:$0x13950] =	vst v63  }
0x224: {  	s20 =	simm.s32 $0x2A80  }
0x225: {  	[tilespmem:s20], [sflag:$0x1] =	stream.indirect.gather [spmem:s9], $0x1, s16, s23, $0xb8;
	[tilespmem:$0x13950] =	vst v63  }
0x226: {  	s24 =	simm.s32 $0xC80;
	s25 =	simm.s32 $0x3480  }
0x227: {  	[tilespmem:s25], [sflag:$0x1] =	stream.indirect.gather [spmem:s6], $0x1, s24, s23, $0xb8;
	[tilespmem:$0x13950] =	vst v63  }
0x228: {  	s26 =	simm.s32 $0x3E80  }
0x229: {  	[tilespmem:s26], [sflag:$0x1] =	stream.indirect.gather [spmem:s8], $0x1, s24, s23, $0xb8;
	[tilespmem:$0x13950] =	vst v63  }
0x22a: {  	s28 =	simm.s32 $0x4880  }
0x22b: {  	[tilespmem:s28], [sflag:$0x1] =	stream.indirect.gather [spmem:s9], $0x1, s24, s23, $0xb8;
	[tilespmem:$0x13950] =	vst v63  }
0x22c: {  	s29 =	simm.s32 $0x300;
	s31 =	simm.s32 $0x1700  }
0x22d: {  	[tilespmem:s31], [sflag:$0x1] =	stream.indirect.gather [spmem:s6], $0x1, s29, s23, $0xb8;
	[tilespmem:$0x13950] =	vst v63  }
0x22e: {  	s5 =	simm.s32 $0x2100  }
0x22f: {  	[tilespmem:s5], [sflag:$0x1] =	stream.indirect.gather [spmem:s8], $0x1, s29, s23, $0xb8;
	[tilespmem:$0x13950] =	vst v63  }
0x230: {  	s7 =	simm.s32 $0x2B00  }
0x231: {  	[tilespmem:s7], [sflag:$0x1] =	stream.indirect.gather [spmem:s9], $0x1, s29, s23, $0xb8;
	[tilespmem:$0x13950] =	vst v63  }
0x232: {  	s12 =	simm.s32 $0xD00;
	s13 =	simm.s32 $0x3500  }
0x233: {  	[tilespmem:s13], [sflag:$0x1] =	stream.indirect.gather [spmem:s6], $0x1, s12, s23, $0xb8;
	[tilespmem:$0x13950] =	vst v63  }
0x234: {  	s15 =	simm.s32 $0x3F00  }
0x235: {  	[tilespmem:s15], [sflag:$0x1] =	stream.indirect.gather [spmem:s8], $0x1, s12, s23, $0xb8;
	[tilespmem:$0x13950] =	vst v63  }
0x236: {  	s16 =	simm.s32 $0x4900  }
0x237: {  	[tilespmem:s16], [sflag:$0x1] =	stream.indirect.gather [spmem:s9], $0x1, s12, s23, $0xb8;
	[tilespmem:$0x13950] =	vst v63  }
0x238: {  	s18 =	simm.s32 $0x380;
	s19 =	simm.s32 $0x1780  }
0x239: {  	[tilespmem:s19], [sflag:$0x1] =	stream.indirect.gather [spmem:s6], $0x1, s18, s23, $0xb8;
	[tilespmem:$0x13950] =	vst v63  }
0x23a: {  	s20 =	simm.s32 $0x2180  }
0x23b: {  	[tilespmem:s20], [sflag:$0x1] =	stream.indirect.gather [spmem:s8], $0x1, s18, s23, $0xb8;
	[tilespmem:$0x13950] =	vst v63  }
0x23c: {  	s24 =	simm.s32 $0x2B80  }
0x23d: {  	[tilespmem:s24], [sflag:$0x1] =	stream.indirect.gather [spmem:s9], $0x1, s18, s23, $0xb8;
	[tilespmem:$0x13950] =	vst v63  }
0x23e: {  	s25 =	simm.s32 $0xD80;
	s26 =	simm.s32 $0x3580  }
0x23f: {  	[tilespmem:s26], [sflag:$0x1] =	stream.indirect.gather [spmem:s6], $0x1, s25, s23, $0xb8;
	[tilespmem:$0x13950] =	vst v63  }
0x240: {  	s28 =	simm.s32 $0x3F80  }
0x241: {  	[tilespmem:s28], [sflag:$0x1] =	stream.indirect.gather [spmem:s8], $0x1, s25, s23, $0xb8;
	[tilespmem:$0x13950] =	vst v63  }
0x242: {  	s29 =	simm.s32 $0x4980  }
0x243: {  	[tilespmem:s29], [sflag:$0x1] =	stream.indirect.gather [spmem:s9], $0x1, s25, s23, $0xb8;
	[tilespmem:$0x13950] =	vst v63  }
0x244: {  	s31 =	simm.s32 $0x400;
	s5 =	simm.s32 $0x1800  }
0x245: {  	[tilespmem:s5], [sflag:$0x1] =	stream.indirect.gather [spmem:s6], $0x1, s31, s23, $0xb8;
	[tilespmem:$0x13950] =	vst v63  }
0x246: {  	s7 =	simm.s32 $0x2200  }
0x247: {  	[tilespmem:s7], [sflag:$0x1] =	stream.indirect.gather [spmem:s8], $0x1, s31, s23, $0xb8;
	[tilespmem:$0x13950] =	vst v63  }
0x248: {  	s12 =	simm.s32 $0x2C00  }
0x249: {  	[tilespmem:s12], [sflag:$0x1] =	stream.indirect.gather [spmem:s9], $0x1, s31, s23, $0xb8;
	[tilespmem:$0x13950] =	vst v63  }
0x24a: {  	s13 =	simm.s32 $0xE00;
	s15 =	simm.s32 $0x3600  }
0x24b: {  	[tilespmem:s15], [sflag:$0x1] =	stream.indirect.gather [spmem:s6], $0x1, s13, s23, $0xb8;
	[tilespmem:$0x13950] =	vst v63  }
0x24c: {  	s16 =	simm.s32 $0x4000  }
0x24d: {  	[tilespmem:s16], [sflag:$0x1] =	stream.indirect.gather [spmem:s8], $0x1, s13, s23, $0xb8;
	[tilespmem:$0x13950] =	vst v63  }
0x24e: {  	s18 =	simm.s32 $0x4A00  }
0x24f: {  	[tilespmem:s18], [sflag:$0x1] =	stream.indirect.gather [spmem:s9], $0x1, s13, s23, $0xb8;
	[tilespmem:$0x13950] =	vst v63  }
0x250: {  	s19 =	simm.s32 $0x480;
	s20 =	simm.s32 $0x1880  }
0x251: {  	[tilespmem:s20], [sflag:$0x1] =	stream.indirect.gather [spmem:s6], $0x1, s19, s23, $0xb8;
	[tilespmem:$0x13950] =	vst v63  }
0x252: {  	s24 =	simm.s32 $0x2280  }
0x253: {  	[tilespmem:s24], [sflag:$0x1] =	stream.indirect.gather [spmem:s8], $0x1, s19, s23, $0xb8;
	[tilespmem:$0x13950] =	vst v63  }
0x254: {  	s25 =	simm.s32 $0x2C80  }
0x255: {  	[tilespmem:s25], [sflag:$0x1] =	stream.indirect.gather [spmem:s9], $0x1, s19, s23, $0xb8;
	[tilespmem:$0x13950] =	vst v63  }
0x256: {  	s26 =	simm.s32 $0xE80;
	s28 =	simm.s32 $0x3680  }
0x257: {  	[tilespmem:s28], [sflag:$0x1] =	stream.indirect.gather [spmem:s6], $0x1, s26, s23, $0xb8;
	[tilespmem:$0x13950] =	vst v63  }
0x258: {  	s29 =	simm.s32 $0x4080  }
0x259: {  	[tilespmem:s29], [sflag:$0x1] =	stream.indirect.gather [spmem:s8], $0x1, s26, s23, $0xb8;
	[tilespmem:$0x13950] =	vst v63  }
0x25a: {  	s31 =	simm.s32 $0x4A80  }
0x25b: {  	[tilespmem:s31], [sflag:$0x1] =	stream.indirect.gather [spmem:s9], $0x1, s26, s23, $0xb8;
	[tilespmem:$0x13950] =	vst v63  }
.LBB2_6:
0x25c: {  	_ =	swait.ge [sflag:s4], $0x500  }
0x25d: {  	[sflag:s4] =	ssyncset.done $0x0  }
0x25e: {  	[sflag:s4] =	ssyncadd.s32 $0xFFFFFB00  }
0x25f: {  	_ =	swait.ge [sflag:s4], $0x500  }
0x260: {  	[sflag:s4] =	ssyncset.done $0x0  }
0x261: {  	[sflag:s4] =	ssyncadd.s32 $0xFFFFFB00  }
0x262: {  	_ =	swait.ge [sflag:s4], $0x500  }
0x263: {  	[sflag:s4] =	ssyncset.done $0x0  }
0x264: {  	[sflag:s4] =	ssyncadd.s32 $0xFFFFFB00  }
0x265: {  	_ =	swait.ge [sflag:s4], $0x500  }
0x266: {  	[sflag:s4] =	ssyncset.done $0x0  }
0x267: {  	[sflag:s4] =	ssyncadd.s32 $0xFFFFFB00  }
0x268: {  	_ =	swait.ge [sflag:s4], $0x500  }
0x269: {  	[sflag:s4] =	ssyncset.done $0x0  }
0x26a: {  	[sflag:s4] =	ssyncadd.s32 $0xFFFFFB00  }
0x26b: {  	_ =	swait.ge [sflag:s4], $0x500  }
0x26c: {  	[sflag:s4] =	ssyncset.done $0x0  }
0x26d: {  	s0 =	simm.s32 @!p2 $0x4;
	[sflag:s4] =	ssyncadd.s32 $0xFFFFFB00  }
0x26e: {  	_ =	swait.ge @!p2 [sflag:s0], $0x5000  }
0x26f: {  	[sflag:s0] =	ssyncset.done @!p2 $0x0  }
0x270: {  	s24 =	simm.s32 $0x3700;
	[sflag:s0] =	ssyncadd.s32 @!p2 $0xFFFFB000  }
0x271: {  	s2 =	simm.s32 $0x2300;
	v0 =	vld [tilespmem:s24+$0x0]  }
0x272: {  	s25 =	simm.s32 $0x4100;
	v1 =	vld [tilespmem:s2+$0x0]  }
0x273: {  	s20 =	simm.s32 $0x1900;
	v2 =	vld [tilespmem:s25+$0x0]  }
0x274: {  	s26 =	simm.s32 $0x4B00;
	v3 =	vld [tilespmem:s20+$0x0]  }
0x275: {  	s29 =	simm.s32 $0x2D00;
	v4 =	vld [tilespmem:s26+$0x0]  }
0x276: {  	v5 =	vld [tilespmem:s29+$0x0];
	_ =	sdelay $0x2  }
0x277: {  	v1 =	vsub.f32 v1, v2;
	v0 =	vsub.f32 v3, v0;
	_ =	sdelay $0x1  }
0x278: {  	v2 =	vsub.f32 v5, v4;
	v1 =	vmul.f32 v1, v1;
	v0 =	vmul.f32 v0, v0;
	_ =	sdelay $0x1  }
0x279: {  	v0 =	vadd.f32 v1, v0;
	v1 =	vmul.f32 v2, v2;
	_ =	sdelay $0x1  }
0x27a: {  	v0 =	vadd.f32 v1, v0;
	_ =	sdelay $0x1  }
0x27b: {  	v1 =	vmax.f32 v0, $1.000000000e-30  }
0x27c: {  	v2 =	vshrl.u32 v1, $0x1;
	v1 =	vmul.f32 $-5.000000000e-01, v1  }
0x27d: {  	v2 =	vsub.s32 $0x5F3759DF, v2  }
0x27e: {  	v3 =	vmul.f32 v2, v1;
	_ =	sdelay $0x1  }
0x27f: {  	v3 =	vmul.f32 v2, v3;
	_ =	sdelay $0x1  }
0x280: {  	v3 =	vadd.f32 $1.500000000e+00, v3;
	_ =	sdelay $0x1  }
0x281: {  	v2 =	vmul.f32 v2, v3;
	_ =	sdelay $0x1  }
0x282: {  	v3 =	vmul.f32 v2, v1;
	_ =	sdelay $0x1  }
0x283: {  	v3 =	vmul.f32 v3, v2;
	_ =	sdelay $0x1  }
0x284: {  	v3 =	vadd.f32 $1.500000000e+00, v3;
	_ =	sdelay $0x1  }
0x285: {  	v2 =	vmul.f32 v3, v2;
	_ =	sdelay $0x1  }
0x286: {  	v1 =	vmul.f32 v2, v1;
	_ =	sdelay $0x1  }
0x287: {  	v1 =	vmul.f32 v1, v2;
	_ =	sdelay $0x1  }
0x288: {  	v1 =	vadd.f32 $1.500000000e+00, v1;
	_ =	sdelay $0x1  }
0x289: {  	v1 =	vmul.f32 v1, v2;
	_ =	sdelay $0x1  }
0x28a: {  	v4 =	vmul.f32 v1, v0;
	_ =	sdelay $0x1  }
0x28b: {  	v0 =	vadd.f32 $-3.333333430e-01, v4;
	v2 =	vadd.f32 $-1.000000000e+00, v4  }
0x28c: {  	v7 =	vmul.f32 $-4.500000000e+00, v4;
	v3 =	vadd.f32 $-1.333333370e+00, v4;
	v6 =	vadd.f32 $-1.666666630e+00, v4  }
0x28d: {  	v8 =	vadd.f32 $-2.000000000e+00, v4;
	v10 =	vmul.f32 $-4.500000000e+00, v0;
	v5 =	vmul.f32 $-4.500000000e+00, v2  }
0x28e: {  	v1 =	vadd.f32 $-6.666666860e-01, v4;
	v9 =	vmul.f32 $-4.500000000e+00, v3;
	v13 =	vmul.f32 $-4.500000000e+00, v6  }
0x28f: {  	v11 =	vadd.f32 $-2.333333250e+00, v4;
	v14 =	vmul.f32 $-4.500000000e+00, v8;
	v2 =	vmul.f32 v5, v2  }
0x290: {  	v12 =	vadd.f32 $-2.666666750e+00, v4;
	v3 =	vmul.f32 v9, v3;
	v9 =	vmul.f32 v13, v6  }
0x291: {  	v5 =	vadd.f32 $-3.000000000e+00, v4;
	v13 =	vmul.f32 v14, v8;
	v10 =	vmul.f32 v10, v0  }
0x292: {  	s7 =	simm.s32 $0x0;
	v6 =	vadd.f32 $-3.333333250e+00, v4;
	v14 =	vmul.f32 $1.442695020e+00, v2;
	v3 =	vmul.f32 $1.442695020e+00, v3  }
0x293: {  	s19 =	simm.s32 $0x10;
	s18 =	simm.s32 $0x2D10;
	s5 =	simm.s32 $0x4B10;
	v8 =	vadd.f32 $-3.666666750e+00, v4;
	v15 =	vmul.f32 $1.442695020e+00, v9;
	v16 =	vmul.f32 $1.442695020e+00, v13  }
0x294: {  	s15 =	simm.s32 $0x3710;
	s28 =	simm.s32 $0x0;
	s31 =	sand.u32 $0x7, s7;
	v0 =	vadd.f32 $-4.666666510e+00, v4;
	v13 =	vmul.f32 $-4.500000000e+00, v1;
	(erf) = vpow2.f32 v14  }
0x295: {  	s0 =	sand.u32 $0x3C00, s7;
	s2 =	sshll.u32 s31, $0x4;
	s24 =	simm.s32 $0x2310;
	v9 =	vadd.f32 $-4.000000000e+00, v4;
	v2 =	vadd.f32 $-4.333333490e+00, v4;
	(erf) = vpow2.f32 v15  }
0x296: {  	s25 =	simm.s32 $0x4110;
	s12 =	sadd.s32 $0x0, s2;
	s2 =	simm.s32 $0x0;
	v13 =	vmul.f32 v13, v1;
	v1 =	vadd.f32 $-5.000000000e+00, v4;
	(erf) = vpow2.f32 v16  }
.LBB2_7:
0x297: {  	s7 =	sadd.s32 $0x80, s7  }
0x298: {  	v14 =	vmul.f32 $-4.500000000e+00, v11;
	v15 =	vmul.f32 $-4.500000000e+00, v12;
	s28 =	sadd.s32 $0x1, s28;
	s20 =	sadd.s32 $0x10, s20;
	s16 =	smov.u32 s19  }
0x299: {  	p2 =	sne.s32 s19, $0x4F0;
	s19 =	sadd.s32 $0x10, s19;
	v4 =	vmul.f32 v7, v4;
	s26 =	sand.u32 $0x3C00, s7;
	v7 =	vmul.f32 $1.442695020e+00, v13  }
0x29a: {  	s13 =	sand.u32 $0x7, s28;
	v11 =	vmul.f32 v14, v11;
	v12 =	vmul.f32 v15, v12  }
0x29b: {  	s13 =	sshll.u32 s13, $0x4;
	v4 =	vmul.f32 $1.442695020e+00, v4;
	(erf) = vpow2.f32 v7  }
0x29c: {  	s13 =	sadd.s32 s13, s7;
	v7 =	vmul.f32 $1.442695020e+00, v11;
	v11 =	vmul.f32 $1.442695020e+00, v12  }
0x29d: {  	s29 =	sand.u32 $0x70, s2;
	s2 =	smov.u32 s16;
	v12 =	vmul.f32 $-4.500000000e+00, v5;
	(erf) = vpow2.f32 v4  }
0x29e: {  	s29 =	sor.u32 s29, s0;
	v13 =	vmul.f32 $-4.500000000e+00, v8;
	s0 =	smov.u32 s26;
	v4 =	vmul.f32 $-4.500000000e+00, v6;
	v14 =	vpop (erf)  }
0x29f: {  	v5 =	vmul.f32 v12, v5;
	v12 =	vmul.f32 $-4.500000000e+00, v9;
	[tilespmem:s29+$0xA180] =	vst v14;
	v14 =	vpop (erf)  }
0x2a0: {  	v4 =	vmul.f32 v4, v6;
	v6 =	vmul.f32 v13, v8;
	[tilespmem:s29+$0xA280] =	vst v14;
	v8 =	vpop (erf)  }
0x2a1: {  	v5 =	vmul.f32 $1.442695020e+00, v5;
	[tilespmem:s29+$0xA300] =	vst v8;
	v8 =	vmul.f32 v12, v9  }
0x2a2: {  	v4 =	vmul.f32 $1.442695020e+00, v4;
	(erf) = vpow2.f32 v3  }
0x2a3: {  	v12 =	vmul.f32 $1.442695020e+00, v10;
	v6 =	vmul.f32 $1.442695020e+00, v6  }
0x2a4: {  	v9 =	vmul.f32 $-4.500000000e+00, v2;
	v8 =	vmul.f32 $1.442695020e+00, v8;
	v10 =	vpop (erf)  }
0x2a5: {  	[tilespmem:s29+$0xA100] =	vst v10;
	v10 =	vmul.f32 $-4.500000000e+00, v1;
	(erf) = vpow2.f32 v12  }
0x2a6: {  	v2 =	vmul.f32 v9, v2;
	v3 =	vpop (erf);
	(erf) = vpow2.f32 v7  }
0x2a7: {  	[tilespmem:s29+$0xA000] =	vst v3;
	v3 =	vmul.f32 $-4.500000000e+00, v0;
	(erf) = vpow2.f32 v11  }
0x2a8: {  	v2 =	vmul.f32 $1.442695020e+00, v2;
	(erf) = vpow2.f32 v5  }
0x2a9: {  	v0 =	vmul.f32 v3, v0;
	(erf) = vpow2.f32 v4  }
0x2aa: {  	v1 =	vmul.f32 v10, v1;
	(erf) = vpow2.f32 v6  }
0x2ab: {  	v4 =	vmul.f32 $1.442695020e+00, v0;
	v3 =	vpop (erf);
	(erf) = vpow2.f32 v8  }
0x2ac: {  	v1 =	vmul.f32 $1.442695020e+00, v1;
	[tilespmem:s29+$0xA200] =	vst v3;
	(erf) = vpow2.f32 v2  }
0x2ad: {  	(erf) = vpow2.f32 v4  }
0x2ae: {  	v0 =	vpop (erf);
	(erf) = vpow2.f32 v1  }
0x2af: {  	s16 =	sor.u32 $0x380, s12;
	s12 =	smov.u32 s13;
	[tilespmem:s29+$0xA080] =	vst v0;
	v0 =	vpop (erf)  }
0x2b0: {  	[tilespmem:s16+$0xA000] =	vst v0;
	v0 =	vpop (erf)  }
0x2b1: {  	[tilespmem:s29+$0xC800] =	vst v0;
	v0 =	vpop (erf)  }
0x2b2: {  	[tilespmem:s29+$0xC880] =	vst v0;
	v0 =	vpop (erf)  }
0x2b3: {  	[tilespmem:s29+$0xC900] =	vst v0;
	v0 =	vpop (erf)  }
0x2b4: {  	[tilespmem:s29+$0xC980] =	vst v0;
	v0 =	vpop (erf)  }
0x2b5: {  	[tilespmem:s29+$0xCA00] =	vst v0;
	v0 =	vpop (erf)  }
0x2b6: {  	[tilespmem:s29+$0xCA80] =	vst v0;
	v0 =	vpop (erf)  }
0x2b7: {  	[tilespmem:s29+$0xCB00] =	vst v0;
	v0 =	vpop (erf)  }
0x2b8: {  	[tilespmem:s29+$0xCB80] =	vst v0;
	_ =	sdelay $0x1  }
0x2b9: {  	v0 =	vld [tilespmem:s15+$0x0]  }
0x2ba: {  	v1 =	vld [tilespmem:s24+$0x0]  }
0x2bb: {  	v2 =	vld [tilespmem:s25+$0x0]  }
0x2bc: {  	v3 =	vld [tilespmem:s20+$0x0]  }
0x2bd: {  	v4 =	vld [tilespmem:s5+$0x0]  }
0x2be: {  	v5 =	vld [tilespmem:s18+$0x0];
	_ =	sdelay $0x1  }
0x2bf: {  	v1 =	vsub.f32 v1, v2  }
0x2c0: {  	v0 =	vsub.f32 v3, v0  }
0x2c1: {  	v1 =	vmul.f32 v1, v1  }
0x2c2: {  	v2 =	vsub.f32 v5, v4;
	v0 =	vmul.f32 v0, v0;
	_ =	sdelay $0x1  }
0x2c3: {  	v0 =	vadd.f32 v1, v0;
	v1 =	vmul.f32 v2, v2;
	_ =	sdelay $0x1  }
0x2c4: {  	v0 =	vadd.f32 v1, v0;
	_ =	sdelay $0x1  }
0x2c5: {  	v1 =	vmax.f32 v0, $1.000000000e-30  }
0x2c6: {  	v2 =	vshrl.u32 v1, $0x1;
	v1 =	vmul.f32 $-5.000000000e-01, v1  }
0x2c7: {  	v2 =	vsub.s32 $0x5F3759DF, v2  }
0x2c8: {  	v3 =	vmul.f32 v2, v1;
	_ =	sdelay $0x1  }
0x2c9: {  	v3 =	vmul.f32 v2, v3;
	_ =	sdelay $0x1  }
0x2ca: {  	v3 =	vadd.f32 $1.500000000e+00, v3;
	_ =	sdelay $0x1  }
0x2cb: {  	v2 =	vmul.f32 v2, v3;
	_ =	sdelay $0x1  }
0x2cc: {  	v3 =	vmul.f32 v2, v1;
	_ =	sdelay $0x1  }
0x2cd: {  	v3 =	vmul.f32 v3, v2;
	_ =	sdelay $0x1  }
0x2ce: {  	v3 =	vadd.f32 $1.500000000e+00, v3;
	_ =	sdelay $0x1  }
0x2cf: {  	v2 =	vmul.f32 v3, v2;
	_ =	sdelay $0x1  }
0x2d0: {  	v1 =	vmul.f32 v2, v1;
	_ =	sdelay $0x1  }
0x2d1: {  	v1 =	vmul.f32 v1, v2;
	_ =	sdelay $0x1  }
0x2d2: {  	v1 =	vadd.f32 $1.500000000e+00, v1;
	_ =	sdelay $0x1  }
0x2d3: {  	v1 =	vmul.f32 v1, v2;
	_ =	sdelay $0x1  }
0x2d4: {  	v4 =	vmul.f32 v1, v0;
	_ =	sdelay $0x1  }
0x2d5: {  	v7 =	vmul.f32 $-4.500000000e+00, v4;
	v0 =	vadd.f32 $-3.333333430e-01, v4;
	v1 =	vadd.f32 $-6.666666860e-01, v4  }
0x2d6: {  	v2 =	vadd.f32 $-1.000000000e+00, v4;
	v3 =	vadd.f32 $-1.333333370e+00, v4  }
0x2d7: {  	v6 =	vadd.f32 $-1.666666630e+00, v4;
	v8 =	vadd.f32 $-2.000000000e+00, v4;
	v10 =	vmul.f32 $-4.500000000e+00, v0  }
0x2d8: {  	v11 =	vadd.f32 $-2.333333250e+00, v4;
	v5 =	vmul.f32 $-4.500000000e+00, v2;
	v9 =	vmul.f32 $-4.500000000e+00, v3  }
0x2d9: {  	v12 =	vadd.f32 $-2.666666750e+00, v4;
	v13 =	vmul.f32 $-4.500000000e+00, v6;
	v14 =	vmul.f32 $-4.500000000e+00, v8  }
0x2da: {  	v2 =	vmul.f32 v5, v2;
	v3 =	vmul.f32 v9, v3;
	v5 =	vadd.f32 $-3.000000000e+00, v4  }
0x2db: {  	v9 =	vmul.f32 v13, v6;
	v13 =	vmul.f32 v14, v8;
	v6 =	vadd.f32 $-3.333333250e+00, v4  }
.Ltmp2:
0x2dc: {  	v8 =	vadd.f32 $-3.666666750e+00, v4;
	v14 =	vmul.f32 $1.442695020e+00, v2;
	v3 =	vmul.f32 $1.442695020e+00, v3;
	(pc) =	sbr.rel @p2 .LBB2_7-.Ltmp2, $4  }
0x2dd: {  	v15 =	vmul.f32 $1.442695020e+00, v9;
	v16 =	vmul.f32 $1.442695020e+00, v13;
	v9 =	vadd.f32 $-4.000000000e+00, v4  }
0x2de: {  	v13 =	vmul.f32 $-4.500000000e+00, v1;
	v2 =	vadd.f32 $-4.333333490e+00, v4;
	(erf) = vpow2.f32 v14  }
0x2df: {  	s5 =	sadd.s32 $0x10, s5;
	s18 =	sadd.s32 $0x10, s18;
	v10 =	vmul.f32 v10, v0;
	v0 =	vadd.f32 $-4.666666510e+00, v4;
	(erf) = vpow2.f32 v15  }
0x2e0: {  	s15 =	sadd.s32 $0x10, s15;
	s24 =	sadd.s32 $0x10, s24;
	s25 =	sadd.s32 $0x10, s25;
	v13 =	vmul.f32 v13, v1;
	v1 =	vadd.f32 $-5.000000000e+00, v4;
	(erf) = vpow2.f32 v16  }
0x2e1: {  	v14 =	vmul.f32 $-4.500000000e+00, v11;
	v15 =	vmul.f32 $-4.500000000e+00, v12  }
0x2e2: {  	v4 =	vmul.f32 v7, v4;
	v38 =	vmul.f32 $-4.500000000e+00, v5  }
0x2e3: {  	v39 =	vmul.f32 $-4.500000000e+00, v6;
	v40 =	vmul.f32 $-4.500000000e+00, v8  }
0x2e4: {  	v41 =	vmul.f32 $-4.500000000e+00, v9;
	v44 =	vmul.f32 $1.442695020e+00, v10  }
0x2e5: {  	v45 =	vmul.f32 $-4.500000000e+00, v2;
	v47 =	vmul.f32 $-4.500000000e+00, v0  }
0x2e6: {  	v35 =	vmul.f32 $1.442695020e+00, v13;
	v46 =	vmul.f32 $-4.500000000e+00, v1  }
0x2e7: {  	v11 =	vmul.f32 v14, v11;
	v12 =	vmul.f32 v15, v12  }
0x2e8: {  	v4 =	vmul.f32 $1.442695020e+00, v4;
	v5 =	vmul.f32 v38, v5  }
0x2e9: {  	v42 =	vmul.f32 v40, v8;
	v43 =	vmul.f32 v41, v9  }
0x2ea: {  	v2 =	vmul.f32 v45, v2;
	v0 =	vmul.f32 v47, v0  }
0x2eb: {  	(erf) = vpow2.f32 v35;
	v1 =	vmul.f32 v46, v1  }
0x2ec: {  	v36 =	vmul.f32 $1.442695020e+00, v11;
	(erf) = vpow2.f32 v4  }
0x2ed: {  	v37 =	vmul.f32 $1.442695020e+00, v12;
	(erf) = vpow2.f32 v3  }
0x2ee: {  	v4 =	vmul.f32 v39, v6;
	(erf) = vpow2.f32 v44  }
0x2ef: {  	v5 =	vmul.f32 $1.442695020e+00, v5;
	(erf) = vpow2.f32 v36  }
0x2f0: {  	s2 =	sand.u32 $0x70, s2;
	v4 =	vmul.f32 $1.442695020e+00, v4;
	(erf) = vpow2.f32 v37  }
0x2f1: {  	s0 =	sor.u32 s2, s0;
	v6 =	vmul.f32 $1.442695020e+00, v42;
	v48 =	vpop (erf);
	(erf) = vpow2.f32 v5  }
0x2f2: {  	v8 =	vmul.f32 $1.442695020e+00, v43;
	[tilespmem:s0+$0xA180] =	vst v48;
	v49 =	vpop (erf);
	(erf) = vpow2.f32 v4  }
0x2f3: {  	v2 =	vmul.f32 $1.442695020e+00, v2;
	[tilespmem:s0+$0xA280] =	vst v49;
	v50 =	vpop (erf);
	(erf) = vpow2.f32 v6  }
0x2f4: {  	v0 =	vmul.f32 $1.442695020e+00, v0;
	[tilespmem:s0+$0xA300] =	vst v50;
	v51 =	vpop (erf);
	(erf) = vpow2.f32 v8  }
0x2f5: {  	v1 =	vmul.f32 $1.442695020e+00, v1;
	[tilespmem:s0+$0xA100] =	vst v51;
	v52 =	vpop (erf);
	(erf) = vpow2.f32 v2  }
0x2f6: {  	[tilespmem:s0+$0xA000] =	vst v52;
	v53 =	vpop (erf);
	(erf) = vpow2.f32 v0  }
0x2f7: {  	[tilespmem:s0+$0xA200] =	vst v53;
	v54 =	vpop (erf);
	(erf) = vpow2.f32 v1  }
0x2f8: {  	s26 =	sor.u32 $0x380, s12;
	[tilespmem:s0+$0xA080] =	vst v54;
	v55 =	vpop (erf)  }
0x2f9: {  	[tilespmem:s26+$0xA000] =	vst v55;
	v56 =	vpop (erf)  }
0x2fa: {  	[tilespmem:s0+$0xC800] =	vst v56;
	v57 =	vpop (erf)  }
0x2fb: {  	[tilespmem:s0+$0xC880] =	vst v57;
	v58 =	vpop (erf)  }
0x2fc: {  	s17 =	sadd.s32 $0x1, s17;
	[tilespmem:s0+$0xC900] =	vst v58;
	v59 =	vpop (erf)  }
0x2fd: {  	p2 =	sne.s32 s17, $0x27;
	[tilespmem:s0+$0xC980] =	vst v59;
	v60 =	vpop (erf)  }
.Ltmp3:
0x2fe: {  	[tilespmem:s0+$0xCA00] =	vst v60;
	v61 =	vpop (erf);
	(pc) =	sbr.rel @p2 .LBB2_2-.Ltmp3, $4  }
0x2ff: {  	s28 =	smul.u32 $0x500, s11;
	[tilespmem:s0+$0xCA80] =	vst v61;
	v62 =	vpop (erf)  }
0x300: {  	s31 =	simm.s32 $0x2800;
	[tilespmem:s0+$0xCB00] =	vst v62;
	v63 =	vpop (erf)  }
0x301: {  	s5 =	simm.s32 $0x186A000;
	s7 =	simm.s32 $0xA000;
	s29 =	sadd.s32 s28, s14;
	[tilespmem:s0+$0xCB80] =	vst v63  }
0x302: {  	[hbm4b:s29+s31] =	stream.strided.scatter [tilespmem:s7], [sflag:$0x4], $0x5000, s5, s31, $0x38;
	[tilespmem:$0x13950] =	vst v63  }
0x303: {  	s0 =	simm.s32 $0x3  }
0x304: {  	_ =	swait.ge [sflag:s0], $0x5000  }
0x305: {  	s31 =	simm.s32 $0x4;
	[sflag:s0] =	ssyncset.done $0x0  }
0x306: {  	s17 =	simm.s32 $0x0;
	p3 =	por p1, p1;
	[sflag:s0] =	ssyncadd.s32 $0xFFFFB000  }
0x307: {  	s12 =	simm.s32 $0x1400;
	s13 =	simm.s32 $0x1E00;
	_ =	swait.ge [sflag:s31], $0x5000  }
0x308: {  	s15 =	simm.s32 $0x3200;
	s16 =	simm.s32 $0x3C00;
	[sflag:s31] =	ssyncset.done $0x0  }
0x309: {  	s18 =	simm.s32 $0x4600;
	s7 =	rddreg [dreg:$0xe];
	[sflag:s31] =	ssyncadd.s32 $0xFFFFB000  }
0x30a: {  	s19 =	simm.s32 $0x7800;
	s0 =	simm.s32 $0x0;
	s5 =	rddreg [dreg:$0x5]  }
.LBB2_10:
0x30b: {  	s11 =	sadd.s32 s0, s7  }
0x30c: {  	s0 =	sshll.u32 s11, $0x4  }
0x30d: {  	s2 =	rddreg [dreg:$0x3];
	s0 =	sand.u32 $0x1FFFFFF0, s0  }
0x30e: {  	s2 =	sadd.s32 s2, s0  }
0x30f: {  	[tilespmem:s17], [sflag:$0x5] =	stream.linear.gather [hbm4b:s2+s17], $0x80, $0x38;
	[tilespmem:$0x13950] =	vst v63  }
0x310: {  	_ =	swait.ge [sflag:s21], $0x80  }
0x311: {  	[sflag:s21] =	ssyncset.done $0x0  }
0x312: {  	[sflag:s21] =	ssyncadd.s32 $0xFFFFFF80  }
0x313: {  	s28 =	rddreg [dreg:$0x4]  }
0x314: {  	s0 =	sadd.s32 s28, s0  }
0x315: {  	[tilespmem:s22], [sflag:$0x5] =	stream.linear.gather [hbm4b:s0+s17], $0x80, $0x38;
	[tilespmem:$0x13950] =	vst v63  }
0x316: {  	_ =	swait.ge [sflag:s21], $0x80  }
0x317: {  	[sflag:s21] =	ssyncset.done $0x0  }
0x318: {  	[sflag:s21] =	ssyncadd.s32 $0xFFFFFF80  }
0x319: {  	[tilespmem:s12], [sflag:$0x1] =	stream.indirect.gather [spmem:s6], $0x1, s17, s23, $0xb8;
	[tilespmem:$0x13950] =	vst v63  }
0x31a: {  	_ = 	snop  }
0x31b: {  	[tilespmem:s13], [sflag:$0x1] =	stream.indirect.gather [spmem:s8], $0x1, s17, s23, $0xb8;
	[tilespmem:$0x13950] =	vst v63  }
0x31c: {  	s29 =	simm.s32 $0x2800  }
0x31d: {  	[tilespmem:s29], [sflag:$0x1] =	stream.indirect.gather [spmem:s9], $0x1, s17, s23, $0xb8;
	[tilespmem:$0x13950] =	vst v63  }
0x31e: {  	_ = 	snop  }
0x31f: {  	[tilespmem:s15], [sflag:$0x1] =	stream.indirect.gather [spmem:s6], $0x1, s22, s23, $0xb8;
	[tilespmem:$0x13950] =	vst v63  }
0x320: {  	_ = 	snop  }
0x321: {  	[tilespmem:s16], [sflag:$0x1] =	stream.indirect.gather [spmem:s8], $0x1, s22, s23, $0xb8;
	[tilespmem:$0x13950] =	vst v63  }
0x322: {  	_ = 	snop  }
0x323: {  	[tilespmem:s18], [sflag:$0x1] =	stream.indirect.gather [spmem:s9], $0x1, s22, s23, $0xb8;
	[tilespmem:$0x13950] =	vst v63  }
0x324: {  	_ =	swait.ge [sflag:s3], $0x80  }
0x325: {  	[sflag:s3] =	ssyncset.done $0x0  }
0x326: {  	[sflag:s3] =	ssyncadd.s32 $0xFFFFFF80  }
0x327: {  	_ =	swait.ge [sflag:s3], $0x80  }
0x328: {  	[sflag:s3] =	ssyncset.done $0x0  }
0x329: {  	[sflag:s3] =	ssyncadd.s32 $0xFFFFFF80  }
0x32a: {  	_ =	swait.ge [sflag:s3], $0x80  }
0x32b: {  	[sflag:s3] =	ssyncset.done $0x0  }
0x32c: {  	[sflag:s3] =	ssyncadd.s32 $0xFFFFFF80  }
0x32d: {  	_ =	swait.ge [sflag:s3], $0x80  }
0x32e: {  	[sflag:s3] =	ssyncset.done $0x0  }
0x32f: {  	[sflag:s3] =	ssyncadd.s32 $0xFFFFFF80  }
0x330: {  	_ =	swait.ge [sflag:s3], $0x80  }
0x331: {  	[sflag:s3] =	ssyncset.done $0x0  }
0x332: {  	[sflag:s3] =	ssyncadd.s32 $0xFFFFFF80  }
0x333: {  	_ =	swait.ge [sflag:s3], $0x80  }
0x334: {  	[sflag:s3] =	ssyncset.done $0x0  }
0x335: {  	s20 =	simm.s32 $0x0;
	[sflag:s3] =	ssyncadd.s32 $0xFFFFFF80  }
0x336: {  	v0 =	vld [tilespmem:s20+$0x3200]  }
0x337: {  	v1 =	vld [tilespmem:s20+$0x3C00]  }
0x338: {  	v2 =	vld [tilespmem:s20+$0x1E00]  }
0x339: {  	v3 =	vld [tilespmem:s20+$0x1400]  }
0x33a: {  	v4 =	vld [tilespmem:s20+$0x2800]  }
0x33b: {  	v5 =	vld [tilespmem:s20+$0x4600];
	_ =	sdelay $0x2  }
0x33c: {  	v1 =	vsub.f32 v2, v1;
	v0 =	vsub.f32 v3, v0;
	_ =	sdelay $0x1  }
0x33d: {  	v2 =	vsub.f32 v4, v5;
	v1 =	vmul.f32 v1, v1;
	v0 =	vmul.f32 v0, v0;
	_ =	sdelay $0x1  }
0x33e: {  	v2 =	vmul.f32 v2, v2;
	v0 =	vadd.f32 v1, v0;
	_ =	sdelay $0x1  }
0x33f: {  	v0 =	vadd.f32 v2, v0;
	_ =	sdelay $0x1  }
0x340: {  	v1 =	vmax.f32 v0, $1.000000000e-30  }
0x341: {  	v2 =	vshrl.u32 v1, $0x1;
	v1 =	vmul.f32 $-5.000000000e-01, v1  }
0x342: {  	v2 =	vsub.s32 $0x5F3759DF, v2  }
0x343: {  	v3 =	vmul.f32 v2, v1;
	_ =	sdelay $0x1  }
0x344: {  	v3 =	vmul.f32 v2, v3;
	_ =	sdelay $0x1  }
0x345: {  	v3 =	vadd.f32 $1.500000000e+00, v3;
	_ =	sdelay $0x1  }
0x346: {  	v2 =	vmul.f32 v2, v3;
	_ =	sdelay $0x1  }
0x347: {  	v3 =	vmul.f32 v2, v1;
	_ =	sdelay $0x1  }
0x348: {  	v3 =	vmul.f32 v3, v2;
	_ =	sdelay $0x1  }
0x349: {  	v3 =	vadd.f32 $1.500000000e+00, v3;
	_ =	sdelay $0x1  }
0x34a: {  	v2 =	vmul.f32 v3, v2;
	_ =	sdelay $0x1  }
0x34b: {  	v1 =	vmul.f32 v2, v1  }
0x34c: {  	s31 =	simm.s32 $0x10  }
0x34d: {  	v5 =	vld [tilespmem:s31+$0x4600];
	v1 =	vmul.f32 v1, v2  }
0x34e: {  	v3 =	vld [tilespmem:s31+$0x2800]  }
0x34f: {  	v1 =	vadd.f32 $1.500000000e+00, v1;
	_ =	sdelay $0x1  }
0x350: {  	v6 =	vld [tilespmem:s31+$0x1E00];
	v1 =	vmul.f32 v1, v2  }
0x351: {  	v2 =	vld [tilespmem:s31+$0x3C00]  }
0x352: {  	v4 =	vld [tilespmem:s31+$0x3200];
	v3 =	vsub.f32 v3, v5;
	v7 =	vmul.f32 v1, v0  }
0x353: {  	v0 =	vld [tilespmem:s31+$0x1400]  }
0x354: {  	v3 =	vmul.f32 v3, v3;
	v1 =	vadd.f32 $-2.333333250e+00, v7  }
0x355: {  	v5 =	vadd.f32 $-3.333333430e-01, v7;
	v9 =	vmul.f32 $-4.500000000e+00, v7;
	v56 =	vadd.f32 $-5.000000000e+00, v7  }
0x356: {  	v15 =	vadd.f32 $-4.000000000e+00, v7;
	v2 =	vsub.f32 v6, v2;
	v8 =	vmul.f32 $-4.500000000e+00, v1  }
0x357: {  	v6 =	vmul.f32 v9, v7;
	v9 =	vadd.f32 $-1.000000000e+00, v7;
	v14 =	vmul.f32 $-4.500000000e+00, v56  }
0x358: {  	v17 =	vmul.f32 $-4.500000000e+00, v15;
	v0 =	vsub.f32 v0, v4;
	v4 =	vmul.f32 $-4.500000000e+00, v5  }
0x359: {  	v2 =	vmul.f32 v2, v2;
	v1 =	vmul.f32 v8, v1  }
0x35a: {  	v8 =	vadd.f32 $-6.666666860e-01, v7;
	v10 =	vmul.f32 $-4.500000000e+00, v9;
	v0 =	vmul.f32 v0, v0  }
0x35b: {  	v57 =	vmul.f32 v17, v15;
	v4 =	vmul.f32 v4, v5  }
0x35c: {  	v5 =	vmul.f32 $1.442695020e+00, v6;
	v6 =	vmul.f32 $-4.500000000e+00, v8;
	v0 =	vadd.f32 v2, v0  }
0x35d: {  	v11 =	vmul.f32 $1.442695020e+00, v1;
	v2 =	vadd.f32 $-1.666666630e+00, v7;
	v4 =	vmul.f32 $1.442695020e+00, v4  }
0x35e: {  	v1 =	vmul.f32 v6, v8;
	v6 =	vadd.f32 $-2.666666750e+00, v7;
	v0 =	vadd.f32 v3, v0  }
0x35f: {  	(erf) = vpow2.f32 v11;
	v8 =	vadd.f32 $-3.333333250e+00, v7;
	v3 =	vmul.f32 $-4.500000000e+00, v2  }
0x360: {  	(erf) = vpow2.f32 v4;
	v11 =	vmul.f32 $-4.500000000e+00, v6;
	v4 =	vmax.f32 v0, $1.000000000e-30  }
0x361: {  	v12 =	vshrl.u32 v4, $0x1;
	v13 =	vmul.f32 $-5.000000000e-01, v4;
	v4 =	vmul.f32 $-4.500000000e+00, v8  }
0x362: {  	(erf) = vpow2.f32 v5;
	v6 =	vmul.f32 v11, v6;
	v5 =	vsub.s32 $0x5F3759DF, v12  }
0x363: {  	v11 =	vmul.f32 v5, v13;
	v4 =	vmul.f32 v4, v8  }
0x364: {  	v2 =	vmul.f32 v3, v2;
	v3 =	vmul.f32 $1.442695020e+00, v6  }
0x365: {  	v11 =	vmul.f32 v5, v11;
	v4 =	vmul.f32 $1.442695020e+00, v4  }
0x366: {  	v2 =	vmul.f32 $1.442695020e+00, v2;
	(erf) = vpow2.f32 v3  }
0x367: {  	v3 =	vadd.f32 $1.500000000e+00, v11;
	(erf) = vpow2.f32 v4;
	v4 =	vadd.f32 $-3.666666750e+00, v7  }
0x368: {  	v9 =	vmul.f32 v10, v9;
	(erf) = vpow2.f32 v2  }
0x369: {  	v5 =	vmul.f32 v5, v3;
	v2 =	vmul.f32 $-4.500000000e+00, v4  }
0x36a: {  	v12 =	vmul.f32 v14, v56;
	v8 =	vadd.f32 $-1.333333370e+00, v7;
	v6 =	vadd.f32 $-4.666666510e+00, v7  }
0x36b: {  	v16 =	vmul.f32 v5, v13;
	v4 =	vmul.f32 v2, v4  }
0x36c: {  	v11 =	vmul.f32 $-4.500000000e+00, v8;
	v3 =	vmul.f32 $-4.500000000e+00, v6  }
0x36d: {  	v19 =	vadd.f32 $-3.000000000e+00, v7;
	v10 =	vmul.f32 $1.442695020e+00, v12;
	v16 =	vmul.f32 v16, v5  }
0x36e: {  	v8 =	vmul.f32 v11, v8;
	v11 =	vadd.f32 $-2.000000000e+00, v7;
	v2 =	vmul.f32 v3, v6  }
0x36f: {  	v6 =	vadd.f32 $-4.333333490e+00, v7;
	v3 =	vmul.f32 $1.442695020e+00, v4;
	v4 =	vpop (erf);
	v7 =	vadd.f32 $1.500000000e+00, v16  }
0x370: {  	v18 =	vmul.f32 $-4.500000000e+00, v11;
	v8 =	vmul.f32 $1.442695020e+00, v8;
	v58 =	vpop (erf);
	[tilespmem:s20+$0x5380] =	vst v4  }
0x371: {  	v60 =	vmul.f32 $-4.500000000e+00, v6;
	[tilespmem:s20+$0x5080] =	vst v58;
	v59 =	vpop (erf);
	v5 =	vmul.f32 v7, v5  }
0x372: {  	(erf) = vpow2.f32 v8;
	v4 =	vmul.f32 v18, v11;
	[tilespmem:s20+$0x5000] =	vst v59;
	v61 =	vpop (erf)  }
0x373: {  	v11 =	vmul.f32 $-4.500000000e+00, v19;
	[tilespmem:s20+$0x7800] =	vst v61;
	v62 =	vpop (erf);
	v13 =	vmul.f32 v5, v13  }
0x374: {  	v8 =	vmul.f32 v60, v6;
	v7 =	vmul.f32 $1.442695020e+00, v57;
	[tilespmem:s20+$0x7900] =	vst v62;
	v63 =	vpop (erf)  }
0x375: {  	p2 =	por p3, p3;
	s0 =	simm.s32 $0x80;
	v6 =	vmul.f32 v11, v19;
	[tilespmem:s20+$0x5280] =	vst v63;
	v11 =	vmul.f32 v13, v5  }
.LBB2_11:
0x376: {  	s2 =	sshra.s32 s0, $0x2;
	p3 =	sne.s32 s0, $0x1C0;
	s0 =	sadd.s32 $0x40, s0;
	v9 =	vmul.f32 $1.442695020e+00, v9;
	(erf) = vpow2.f32 v3  }
0x377: {  	v1 =	vmul.f32 $1.442695020e+00, v1;
	v3 =	vld [tilespmem:s2+$0x2800];
	v11 =	vadd.f32 $1.500000000e+00, v11;
	(erf) = vpow2.f32 v10  }
0x378: {  	v4 =	vmul.f32 $1.442695020e+00, v4;
	v8 =	vmul.f32 $1.442695020e+00, v8;
	v10 =	vld [tilespmem:s2+$0x3200]  }
0x379: {  	v12 =	vld [tilespmem:s2+$0x4600];
	v5 =	vmul.f32 v11, v5;
	(erf) = vpow2.f32 v7  }
0x37a: {  	v2 =	vmul.f32 $1.442695020e+00, v2;
	v7 =	vld [tilespmem:s2+$0x3C00];
	(erf) = vpow2.f32 v4  }
0x37b: {  	v4 =	vld [tilespmem:s2+$0x1E00];
	v5 =	vmul.f32 v5, v0;
	(erf) = vpow2.f32 v1;
	v0 =	vpop (erf)  }
0x37c: {  	v1 =	vld [tilespmem:s2+$0x1400];
	[tilespmem:s20+$0x5200] =	vst v0;
	v0 =	vmul.f32 $1.442695020e+00, v6;
	(erf) = vpow2.f32 v2  }
0x37d: {  	v2 =	vadd.f32 $-1.333333370e+00, v5;
	v6 =	vadd.f32 $-2.333333250e+00, v5;
	(erf) = vpow2.f32 v8  }
0x37e: {  	v8 =	vadd.f32 $-3.333333430e-01, v5;
	v3 =	vsub.f32 v3, v12;
	(erf) = vpow2.f32 v9  }
0x37f: {  	v9 =	vmul.f32 $-4.500000000e+00, v5;
	v12 =	vadd.f32 $-4.666666510e+00, v5;
	v11 =	vmul.f32 $-4.500000000e+00, v6;
	v13 =	vpop (erf)  }
0x380: {  	v4 =	vsub.f32 v4, v7;
	v3 =	vmul.f32 v3, v3;
	[tilespmem:s20+$0x7980] =	vst v13;
	(erf) = vpow2.f32 v0;
	v0 =	vpop (erf)  }
0x381: {  	v7 =	vmul.f32 $-4.500000000e+00, v8;
	v1 =	vsub.f32 v1, v10;
	v6 =	vmul.f32 v11, v6;
	[tilespmem:s20+$0x7B80] =	vst v0  }
0x382: {  	v0 =	vmul.f32 v4, v4;
	v4 =	vmul.f32 v9, v5;
	v9 =	vadd.f32 $-6.666666860e-01, v5;
	v10 =	vpop (erf)  }
0x383: {  	v11 =	vadd.f32 $-1.000000000e+00, v5;
	v7 =	vmul.f32 v7, v8;
	v1 =	vmul.f32 v1, v1;
	[tilespmem:s20+$0x7A00] =	vst v10;
	v8 =	vpop (erf)  }
0x384: {  	v13 =	vadd.f32 $-1.666666630e+00, v5;
	v4 =	vmul.f32 $1.442695020e+00, v4;
	v10 =	vmul.f32 $-4.500000000e+00, v9;
	[tilespmem:s20+$0x5300] =	vst v8;
	v8 =	vpop (erf)  }
0x385: {  	v14 =	vmul.f32 $-4.500000000e+00, v11;
	v6 =	vmul.f32 $1.442695020e+00, v6;
	v0 =	vadd.f32 v0, v1;
	[tilespmem:s20+$0x5100] =	vst v8;
	v8 =	vpop (erf)  }
0x386: {  	v7 =	vmul.f32 $1.442695020e+00, v7;
	v1 =	vmul.f32 v10, v9;
	v9 =	vadd.f32 $-2.666666750e+00, v5;
	[tilespmem:s20+$0x7B00] =	vst v8;
	v8 =	vpop (erf)  }
0x387: {  	v0 =	vadd.f32 v3, v0;
	(erf) = vpow2.f32 v6;
	[tilespmem:s20+$0x7A80] =	vst v8;
	v3 =	vpop (erf)  }
0x388: {  	v6 =	vmul.f32 $-4.500000000e+00, v13;
	v8 =	vadd.f32 $-3.333333250e+00, v5;
	(erf) = vpow2.f32 v7;
	[tilespmem:s20+$0x5180] =	vst v3  }
0x389: {  	v7 =	vmul.f32 $-4.500000000e+00, v9;
	v3 =	vmax.f32 v0, $1.000000000e-30;
	(erf) = vpow2.f32 v4;
	v4 =	vpop (erf)  }
0x38a: {  	v10 =	vshrl.u32 v3, $0x1;
	v15 =	vmul.f32 $-5.000000000e-01, v3;
	v3 =	vmul.f32 $-4.500000000e+00, v8;
	[tilespmem:s20+$0x7880] =	vst v4;
	s20 =	smov.u32 s31;
	s31 =	smov.u32 s2  }
0x38b: {  	v7 =	vmul.f32 v7, v9;
	v9 =	vadd.f32 $-3.666666750e+00, v5;
	v4 =	vsub.s32 $0x5F3759DF, v10  }
0x38c: {  	v10 =	vmul.f32 v4, v15;
	v3 =	vmul.f32 v3, v8;
	v8 =	vadd.f32 $-4.000000000e+00, v5  }
0x38d: {  	v6 =	vmul.f32 v6, v13;
	v13 =	vadd.f32 $-4.333333490e+00, v5;
	v7 =	vmul.f32 $1.442695020e+00, v7  }
0x38e: {  	v16 =	vadd.f32 $-5.000000000e+00, v5;
	v10 =	vmul.f32 v4, v10;
	v19 =	vmul.f32 $1.442695020e+00, v3  }
0x38f: {  	v17 =	vadd.f32 $-2.000000000e+00, v5;
	v6 =	vmul.f32 $1.442695020e+00, v6;
	(erf) = vpow2.f32 v7  }
0x390: {  	v7 =	vadd.f32 $1.500000000e+00, v10;
	v10 =	vmul.f32 $-4.500000000e+00, v2;
	v18 =	vpop (erf);
	(erf) = vpow2.f32 v19  }
0x391: {  	[tilespmem:s20+$0x5380] =	vst v18;
	v18 =	vmul.f32 $-4.500000000e+00, v16;
	v3 =	vpop (erf);
	(erf) = vpow2.f32 v6  }
0x392: {  	v6 =	vmul.f32 v4, v7;
	[tilespmem:s20+$0x5080] =	vst v3;
	v4 =	vmul.f32 v10, v2;
	v2 =	vpop (erf)  }
0x393: {  	v3 =	vmul.f32 $-4.500000000e+00, v12;
	[tilespmem:s20+$0x5000] =	vst v2;
	v2 =	vmul.f32 $-4.500000000e+00, v9  }
0x394: {  	v10 =	vmul.f32 $-4.500000000e+00, v8;
	v7 =	vmul.f32 v6, v15  }
0x395: {  	v19 =	vadd.f32 $-3.000000000e+00, v5;
	v5 =	vmul.f32 v2, v9;
	v2 =	vmul.f32 v3, v12  }
0x396: {  	v9 =	vmul.f32 $-4.500000000e+00, v17;
	v7 =	vmul.f32 v7, v6  }
0x397: {  	v12 =	vmul.f32 v18, v16;
	v3 =	vmul.f32 $1.442695020e+00, v5  }
0x398: {  	v16 =	vmul.f32 $1.442695020e+00, v4;
	v5 =	vadd.f32 $1.500000000e+00, v7;
	v7 =	vmul.f32 v10, v8;
	v8 =	vpop (erf)  }
0x399: {  	v4 =	vmul.f32 v9, v17;
	v10 =	vmul.f32 $-4.500000000e+00, v19;
	[tilespmem:s20+$0x7800] =	vst v8;
	v8 =	vpop (erf)  }
.Ltmp4:
0x39a: {  	v5 =	vmul.f32 v5, v6;
	[tilespmem:s20+$0x7900] =	vst v8;
	v6 =	vmul.f32 $-4.500000000e+00, v13;
	v8 =	vpop (erf);
	(pc) =	sbr.rel @p3 .LBB2_11-.Ltmp4, $4  }
0x39b: {  	v7 =	vmul.f32 $1.442695020e+00, v7;
	[tilespmem:s20+$0x5280] =	vst v8;
	(erf) = vpow2.f32 v16  }
0x39c: {  	v15 =	vmul.f32 v5, v15;
	v8 =	vmul.f32 v6, v13  }
0x39d: {  	v9 =	vmul.f32 v14, v11;
	v6 =	vmul.f32 v10, v19  }
0x39e: {  	v10 =	vmul.f32 $1.442695020e+00, v12;
	v11 =	vmul.f32 v15, v5  }
0x39f: {  	v9 =	vmul.f32 $1.442695020e+00, v9;
	(erf) = vpow2.f32 v3  }
0x3a0: {  	v1 =	vmul.f32 $1.442695020e+00, v1;
	v4 =	vmul.f32 $1.442695020e+00, v4;
	v54 =	vadd.f32 $1.500000000e+00, v11  }
0x3a1: {  	v8 =	vmul.f32 $1.442695020e+00, v8;
	(erf) = vpow2.f32 v10  }
0x3a2: {  	(erf) = vpow2.f32 v7;
	v3 =	vmul.f32 v54, v5  }
0x3a3: {  	v2 =	vmul.f32 $1.442695020e+00, v2;
	(erf) = vpow2.f32 v4  }
0x3a4: {  	(erf) = vpow2.f32 v1;
	v0 =	vmul.f32 v3, v0  }
0x3a5: {  	v55 =	vmul.f32 $1.442695020e+00, v6;
	(erf) = vpow2.f32 v2  }
0x3a6: {  	(erf) = vpow2.f32 v8;
	v56 =	vadd.f32 $-2.333333250e+00, v0;
	v3 =	vadd.f32 $-3.333333430e-01, v0  }
0x3a7: {  	(erf) = vpow2.f32 v9;
	v61 =	vadd.f32 $-6.666666860e-01, v0;
	v63 =	vadd.f32 $-2.666666750e+00, v0  }
0x3a8: {  	v57 =	vmul.f32 $-4.500000000e+00, v0;
	v12 =	vadd.f32 $-3.333333250e+00, v0;
	v13 =	vadd.f32 $-1.666666630e+00, v0  }
0x3a9: {  	v19 =	vadd.f32 $-1.333333370e+00, v0;
	(erf) = vpow2.f32 v55;
	v58 =	vmul.f32 $-4.500000000e+00, v56  }
0x3aa: {  	v23 =	vadd.f32 $-3.666666750e+00, v0;
	v59 =	vmul.f32 $-4.500000000e+00, v3;
	v60 =	vmul.f32 v57, v0  }
0x3ab: {  	v24 =	vadd.f32 $-4.666666510e+00, v0;
	v62 =	vmul.f32 $-4.500000000e+00, v61;
	v14 =	vmul.f32 $-4.500000000e+00, v63  }
0x3ac: {  	v31 =	vadd.f32 $-2.000000000e+00, v0;
	v15 =	vmul.f32 $-4.500000000e+00, v12;
	v16 =	vmul.f32 $-4.500000000e+00, v13  }
0x3ad: {  	v33 =	vadd.f32 $-4.333333490e+00, v0;
	v26 =	vmul.f32 $-4.500000000e+00, v19;
	v28 =	vmul.f32 $-4.500000000e+00, v23  }
0x3ae: {  	v29 =	vmul.f32 $-4.500000000e+00, v24;
	v34 =	vmul.f32 $-4.500000000e+00, v31  }
0x3af: {  	v38 =	vmul.f32 $-4.500000000e+00, v33;
	v2 =	vmul.f32 v58, v56  }
0x3b0: {  	v3 =	vmul.f32 v59, v3;
	v1 =	vmul.f32 $1.442695020e+00, v60  }
0x3b1: {  	v27 =	vadd.f32 $-5.000000000e+00, v0;
	v4 =	vmul.f32 v62, v61;
	v5 =	vmul.f32 v14, v63  }
0x3b2: {  	v18 =	vmul.f32 v16, v13;
	v7 =	vmul.f32 v26, v19  }
0x3b3: {  	v14 =	vmul.f32 $-4.500000000e+00, v27;
	v37 =	vmul.f32 v34, v31  }
0x3b4: {  	v13 =	vadd.f32 $-4.000000000e+00, v0;
	v42 =	vmul.f32 v38, v33;
	v2 =	vmul.f32 $1.442695020e+00, v2  }
0x3b5: {  	v3 =	vmul.f32 $1.442695020e+00, v3;
	v5 =	vmul.f32 $1.442695020e+00, v5  }
0x3b6: {  	v6 =	vmul.f32 $1.442695020e+00, v18;
	v32 =	vmul.f32 $-4.500000000e+00, v13  }
0x3b7: {  	v35 =	vmul.f32 $1.442695020e+00, v7;
	v46 =	vmul.f32 $1.442695020e+00, v37  }
0x3b8: {  	(erf) = vpow2.f32 v2;
	v2 =	vmul.f32 v15, v12  }
0x3b9: {  	v17 =	vpop (erf);
	v4 =	vmul.f32 $1.442695020e+00, v4;
	(erf) = vpow2.f32 v3  }
0x3ba: {  	[tilespmem:s20+$0x5200] =	vst v17;
	v20 =	vpop (erf);
	v12 =	vadd.f32 $-1.000000000e+00, v0;
	(erf) = vpow2.f32 v1;
	v21 =	vmul.f32 $1.442695020e+00, v2  }
0x3bb: {  	v22 =	vpop (erf);
	[tilespmem:s20+$0x7980] =	vst v20;
	v3 =	vmul.f32 v32, v13;
	(erf) = vpow2.f32 v5  }
0x3bc: {  	v25 =	vpop (erf);
	[tilespmem:s20+$0x7B80] =	vst v22;
	v0 =	vadd.f32 $-3.000000000e+00, v0;
	v30 =	vmul.f32 $-4.500000000e+00, v12;
	(erf) = vpow2.f32 v21  }
0x3bd: {  	v36 =	vpop (erf);
	[tilespmem:s20+$0x7A00] =	vst v25;
	(erf) = vpow2.f32 v6;
	v6 =	vmul.f32 v28, v23  }
0x3be: {  	v39 =	vpop (erf);
	[tilespmem:s20+$0x5300] =	vst v36;
	v1 =	vmul.f32 v14, v27;
	v40 =	vmul.f32 $-4.500000000e+00, v0  }
0x3bf: {  	[tilespmem:s20+$0x5100] =	vst v39;
	v41 =	vpop (erf);
	v2 =	vmul.f32 $1.442695020e+00, v42;
	v6 =	vmul.f32 $1.442695020e+00, v6  }
0x3c0: {  	v43 =	vpop (erf);
	[tilespmem:s20+$0x7B00] =	vst v41;
	v1 =	vmul.f32 $1.442695020e+00, v1;
	(erf) = vpow2.f32 v35  }
0x3c1: {  	[tilespmem:s20+$0x7A80] =	vst v43;
	v44 =	vpop (erf);
	v3 =	vmul.f32 $1.442695020e+00, v3;
	(erf) = vpow2.f32 v6  }
0x3c2: {  	[tilespmem:s20+$0x5180] =	vst v44;
	v45 =	vpop (erf);
	v5 =	vmul.f32 v29, v24;
	(erf) = vpow2.f32 v1  }
0x3c3: {  	[tilespmem:s20+$0x7880] =	vst v45;
	v9 =	vmul.f32 v30, v12;
	v47 =	vpop (erf);
	(erf) = vpow2.f32 v3  }
0x3c4: {  	v5 =	vmul.f32 $1.442695020e+00, v5;
	[tilespmem:s31+$0x5380] =	vst v47;
	v48 =	vpop (erf);
	(erf) = vpow2.f32 v46  }
0x3c5: {  	v0 =	vmul.f32 v40, v0;
	[tilespmem:s31+$0x5080] =	vst v48;
	v49 =	vpop (erf);
	(erf) = vpow2.f32 v4  }
0x3c6: {  	v51 =	vmul.f32 $1.442695020e+00, v9;
	[tilespmem:s31+$0x5000] =	vst v49;
	v50 =	vpop (erf);
	(erf) = vpow2.f32 v5  }
0x3c7: {  	v0 =	vmul.f32 $1.442695020e+00, v0;
	[tilespmem:s31+$0x7800] =	vst v50;
	v52 =	vpop (erf);
	(erf) = vpow2.f32 v2  }
0x3c8: {  	[tilespmem:s31+$0x7900] =	vst v52;
	v53 =	vpop (erf);
	(erf) = vpow2.f32 v51  }
0x3c9: {  	[tilespmem:s31+$0x5280] =	vst v53;
	v54 =	vpop (erf);
	(erf) = vpow2.f32 v0  }
0x3ca: {  	[tilespmem:s31+$0x5200] =	vst v54;
	v55 =	vpop (erf)  }
0x3cb: {  	[tilespmem:s31+$0x7980] =	vst v55;
	v56 =	vpop (erf)  }
0x3cc: {  	[tilespmem:s31+$0x7B80] =	vst v56;
	v57 =	vpop (erf)  }
0x3cd: {  	[tilespmem:s31+$0x7A00] =	vst v57;
	v58 =	vpop (erf)  }
0x3ce: {  	[tilespmem:s31+$0x5300] =	vst v58;
	v59 =	vpop (erf)  }
0x3cf: {  	[tilespmem:s31+$0x5100] =	vst v59;
	v60 =	vpop (erf)  }
0x3d0: {  	[tilespmem:s31+$0x7B00] =	vst v60;
	v61 =	vpop (erf)  }
0x3d1: {  	s0 =	sshll.u32 s11, $0x7;
	[tilespmem:s31+$0x7A80] =	vst v61;
	v62 =	vpop (erf)  }
0x3d2: {  	s0 =	sand.u32 $0x1FFFFF80, s0;
	[tilespmem:s31+$0x5180] =	vst v62;
	v63 =	vpop (erf)  }
0x3d3: {  	s2 =	simm.s32 $0x5000;
	s0 =	sadd.s32 s5, s0;
	[tilespmem:s31+$0x7880] =	vst v63  }
0x3d4: {  	[hbm4b:s0+s10] =	stream.linear.scatter [tilespmem:s2], [sflag:$0x5], $0x400, $0x38;
	[tilespmem:$0x13950] =	vst v63  }
.Ltmp5:
0x3d5: {  	s0 =	sadd.s32 $0x30D400, s0;
	(pc) =	sbr.rel @p2 .LBB2_10-.Ltmp5, $4  }
0x3d6: {  	[hbm4b:s0+s10] =	stream.linear.scatter [tilespmem:s19], [sflag:$0x5], $0x400, $0x38;
	[tilespmem:$0x13950] =	vst v63  }
0x3d7: {  	_ =	swait.ge [sflag:s21], $0x800  }
0x3d8: {  	[sflag:s21] =	ssyncset.done $0x0  }
0x3d9: {  	p3 =	por $0x0, $0x0;
	s0 =	simm.s32 $0x1;
	[sflag:s21] =	ssyncadd.s32 $0xFFFFF800  }
0x3da: {  	s2 =	rddreg [dreg:$0x13]  }
0x3db: {  	s0 =	rddreg [dreg:$0xf];
	s2 =	sadd.s32 $0x1, s2  }
0x3dc: {  	p2 =	sne.s32 s2, s0  }
.Ltmp6:
0x3dd: {  	_ = 	snop;
	(pc) =	sbr.rel @p2 .LBB2_1-.Ltmp6, $1  }
0x3de: {  	_ =	sdelay $0x3  }
0x3df: {  	_ =	sfence.sel $0x180000  }
0x3e0: {  	[bflag:$0x0] =	sbarrier.arrive $0xFFFF  }
0x3e1: {  	_ =	strace $0x90000047  }
0x3e2: {  	[bflag:$0x2] =	sbarrier.arrive $0xFFFF  }
0x3e3: {  	s0 =	rddreg [dreg:$0x9]  }
0x3e4: {  	s0 =	sadd.s32 @!p0 $0x100000, s0  }
0x3e5: {  	[sflag:s0] =	ssyncadd.tile.s32 @!p0 $0x1;
	_ =	shalt  }
.Lfunc_end2:
_tile_overlayer_lowered:
.L_overlay_start_2:
0x3e6: {  	(tag) =	ssettag $0x2  }
0x3e7: {  	s0 =	rddreg [dreg:$0x0];
	s2 =	stileid.u32  }
0x3e8: {  	s1 =	rddreg [dreg:$0x1];
	p0 =	sne.s32 s2, $0x0  }
0x3e9: {  	s3 =	rddreg [dreg:$0x2];
	[bflag:$0x3] =	sbarrier.arrive $0xFFFF;
	s2 =	simm.s32 @!p0 $0x1C05  }
0x3ea: {  	[timem:s3], [sflag:s2] =	dma.local @!p0 [hbm:s0], s1  }
0x3eb: {  	s0 =	simm.s32 @!p0 $0x5  }
0x3ec: {  	_ =	swait.ge @!p0 [sflag:s0], s1  }
0x3ed: {  	s1 =	ssub.s32 @!p0 $0x0, s1;
	[sflag:s0] =	ssyncset.done @!p0 $0x0  }
0x3ee: {  	[sflag:s0] =	ssyncadd.s32 @!p0 s1  }
0x3ef: {  	[bflag:$0x3] =	sbarrier.arrive $0xFFFF  }
0x3f0: {  	_ =	shalt  }

</sc_bundles>
